<compile_context>
chip_gen: v7x
topology: tpu7x:2x2x1
jax: 0.10.2.dev20260603
libtpu: 0.0.44.dev20260713+nightly
codegen_flags: <defaults>
</compile_context>

<pallas_src>
import functools
import jax
import jax.numpy as jnp
from jax import lax
from jax.experimental import pallas as pl
from jax.experimental.pallas import tpu as pltpu
from jax.experimental.pallas import tpu_sc as plsc

N = 10000
E = 320000
F = 128
C = 40
CP = 64

NC = 2
NS = 16
NW = NC * NS
K = 128
CH = 80
CPP = 2 * CH
TOTC = NW * CH
TOTCP = 2624
EPAD = TOTCP * K
NP = 10240
RPS = NP // NS
CHD = TOTCP // NW

RB = 400
G = N // RB

f32 = jnp.float32
i32 = jnp.int32



def _deg_body(dst_hbm, ew_hbm, out_hbm, dst_v, ew_v, acc_v):
    c = lax.axis_index("c")
    s = lax.axis_index("s")
    wid = s * NC + c
    pltpu.sync_copy(dst_hbm.at[pl.ds(wid * CHD, CHD)], dst_v)
    pltpu.sync_copy(ew_hbm.at[pl.ds(wid * CHD, CHD)], ew_v)

    def init(i, carry):
        acc_v[pl.ds(i * 16, 16)] = jnp.zeros((16,), f32)
        return carry
    lax.fori_loop(0, NP // 16, init, 0)

    def chunk(ci, carry):
        def grp(g, carry2):
            d16 = dst_v[ci, pl.ds(g * 16, 16)]
            w16 = ew_v[ci, pl.ds(g * 16, 16)]
            plsc.addupdate_scatter(acc_v, [d16], w16)
            return carry2
        return lax.fori_loop(0, K // 16, grp, carry)
    lax.fori_loop(0, CHD, chunk, 0)

    pltpu.sync_copy(acc_v, out_hbm.at[wid, 0])


_deg_call = pl.kernel(
    _deg_body,
    out_type=jax.ShapeDtypeStruct((NW, 1, NP), f32),
    mesh=plsc.VectorSubcoreMesh(core_axis_name="c", subcore_axis_name="s"),
    compiler_params=pltpu.CompilerParams(needs_layout_passes=False,
                                         use_tc_tiling_on_sc=False),
    scratch_types=[
        pltpu.VMEM((CHD, K), i32),
        pltpu.VMEM((CHD, K), f32),
        pltpu.VMEM((NP,), f32),
    ],
)



def _agg_body(fd, H, n0, half, *refs):
    qs = refs[:H]
    (src_hbm, dst_hbm, ew_hbm, out_hbm, src_v, dst_v, ew_v,
     rows0, rows1, msg0, msg1, zbuf, acc_sh, gs0, gs1, ss0, ss1) = refs[H:]
    rows = (rows0, rows1)
    msg = (msg0, msg1)
    gsem = (gs0, gs1)
    ssem = (ss0, ss1)
    c = lax.axis_index("c")
    s = lax.axis_index("s")
    fb_n = fd // 16
    n1 = CPP - n0
    if n0 == n1:
        base = (s * NC + c) * n0
        nch = n0
    else:
        base = jnp.where(c == 0, s * n0, NS * n0 + s * n1)
        nch = jnp.where(c == 0, n0, n1)

    pltpu.sync_copy(src_hbm.at[pl.ds(base, n0)], src_v)
    pltpu.sync_copy(dst_hbm.at[pl.ds(base, n0)], dst_v)
    pltpu.sync_copy(ew_hbm.at[pl.ds(base, n0)], ew_v)

    def zrow(r, carry):
        for fb in range(fb_n):
            zbuf[r, pl.ds(fb * 16, 16)] = jnp.zeros((16,), f32)
        return carry
    lax.fori_loop(0, K, zrow, 0)

    for h in range(H):
        for j in range(RPS // K):
            pltpu.sync_copy(zbuf, acc_sh.at[pl.ds(s * RPS + j * K, K)])
        plsc.subcore_barrier()

        for b in range(2):
            pltpu.async_copy(qs[h].at[src_v.at[b]], rows[b], gsem[b])

        def pair(p, carry):
            for b in range(2):
                ci = 2 * p + b
                pltpu.make_async_copy(qs[h].at[src_v.at[ci]],
                                      rows[b], gsem[b]).wait()
                @pl.when(ci >= 2)
                def _drain():
                    pltpu.make_async_copy(
                        msg[b], acc_sh.at[dst_v.at[ci - 2]], ssem[b]).wait()

                iota2 = 2 * lax.iota(i32, 16)

                @plsc.parallel_loop(0, K, unroll=8)
                def _scale(e):
                    splat = plsc.load_gather(
                        ew_v,
                        [jnp.full((16,), ci, i32), jnp.full((16,), e, i32)])
                    if half:
                        row = msg[b].at[e]
                        for g in range(fd // 32):
                            x = rows[b][e, pl.ds(g * 32, 32)]
                            xi = plsc.bitcast(x, i32)
                            ev = plsc.bitcast(
                                lax.shift_left(xi, jnp.int32(16)), f32)
                            od = plsc.bitcast(
                                xi & jnp.int32(-65536), f32)
                            plsc.store_scatter(row, [g * 32 + iota2],
                                               ev * splat)
                            plsc.store_scatter(row, [g * 32 + iota2 + 1],
                                               od * splat)
                    else:
                        for fb in range(fb_n):
                            sl = pl.ds(fb * 16, 16)
                            msg[b][e, sl] = splat * rows[b][e, sl]

                @pl.when(ci + 2 < nch)
                def _prefetch():
                    pltpu.async_copy(qs[h].at[src_v.at[ci + 2]],
                                     rows[b], gsem[b])

                pltpu.async_copy(msg[b], acc_sh.at[dst_v.at[ci]], ssem[b],
                                 add=True)
            return carry
        lax.fori_loop(0, nch // 2, pair, 0)
        for b in range(2):
            pltpu.make_async_copy(msg[b], acc_sh.at[dst_v.at[nch - 2 + b]],
                                  ssem[b]).wait()

        plsc.subcore_barrier()
        pltpu.sync_copy(acc_sh.at[pl.ds(s * RPS, RPS)],
                        out_hbm.at[h, c, pl.ds(s * RPS, RPS)])
        plsc.subcore_barrier()


def _make_agg(fd, H, n0, half):
    rdt = jnp.bfloat16 if half else f32
    return pl.kernel(
        functools.partial(_agg_body, fd, H, n0, half),
        out_type=jax.ShapeDtypeStruct((H, NC, NP, fd), f32),
        mesh=plsc.VectorSubcoreMesh(core_axis_name="c", subcore_axis_name="s"),
        compiler_params=pltpu.CompilerParams(needs_layout_passes=False,
                                             use_tc_tiling_on_sc=False),
        scratch_types=[
            pltpu.VMEM((n0, K), i32),
            pltpu.VMEM((n0, K), i32),
            pltpu.VMEM((n0, K), f32),
            pltpu.VMEM((K, fd), rdt),
            pltpu.VMEM((K, fd), rdt),
            pltpu.VMEM((K, fd), f32),
            pltpu.VMEM((K, fd), f32),
            pltpu.VMEM((K, fd), f32),
            pltpu.VMEM_SHARED((NP, fd), f32),
            pltpu.SemaphoreType.DMA,
            pltpu.SemaphoreType.DMA,
            pltpu.SemaphoreType.DMA,
            pltpu.SemaphoreType.DMA,
        ],
    )


FH = F // 2
_agg1_call = _make_agg(FH, 2, 96, True)
_agg2_call = _make_agg(CP, 1, 96, True)



def _ln(xb, g, b):
    mu = jnp.mean(xb, axis=1, keepdims=True)
    xc = xb - mu
    var = jnp.mean(xc * xc, axis=1, keepdims=True)
    return xc * lax.rsqrt(var + 1e-5) * g + b


def _tcd_body(degp_ref, o_ref):
    o_ref[...] = lax.rsqrt(1.0 + jnp.sum(degp_ref[...], axis=0,
                                         keepdims=True))


def _tc1_body(x_ref, g_ref, b_ref, w_ref, o_ref):
    h = _ln(x_ref[...], g_ref[...], b_ref[...])
    o_ref[...] = lax.dot_general(h, w_ref[...], (((1,), (1,)), ((), ())),
                                 preferred_element_type=f32)


def _tc2_body(dinv_ref, p_ref, o_ref, oa_ref, ob_ref):
    q = p_ref[...] * dinv_ref[...]
    o_ref[...] = q
    qh = q.astype(jnp.bfloat16)
    oa_ref[...] = qh[:, :FH]
    ob_ref[...] = qh[:, FH:]


def _tc3_body(dinv_ref, agg_ref, q_ref, b1_ref, g_ref, bl_ref, w2_ref,
              o_ref, oh_ref):
    dinv = dinv_ref[...]
    agg = jnp.concatenate(
        [agg_ref[0, 0] + agg_ref[0, 1], agg_ref[1, 0] + agg_ref[1, 1]], axis=1)
    h = jnp.maximum(dinv * (agg + q_ref[...]) + b1_ref[...], 0.0)
    h = _ln(h, g_ref[...], bl_ref[...])
    p2 = lax.dot_general(h, w2_ref[...], (((1,), (1,)), ((), ())),
                         preferred_element_type=f32)
    q2 = p2 * dinv
    o_ref[...] = q2
    oh_ref[...] = q2.astype(jnp.bfloat16)


def _tc4_body(dinv_ref, agg_ref, q_ref, b2_ref, o_ref):
    dinv = dinv_ref[...]
    o = dinv * (agg_ref[0, 0] + agg_ref[0, 1] + q_ref[...])
    o = o[:, :C] + b2_ref[...]
    m = jnp.max(o, axis=1, keepdims=True)
    sh = o - m
    o_ref[...] = sh - jnp.log(jnp.sum(jnp.exp(sh), axis=1, keepdims=True))


def _row_spec(fd):
    return pl.BlockSpec((RB, fd), lambda i: (i, 0))


_deg_spec = pl.BlockSpec((RB, 1), lambda i: (i, 0))
_vec_spec_f = pl.BlockSpec((1, F), lambda i: (0, 0))

DCB = 1280

_tcd_call = pl.pallas_call(
    _tcd_body, grid=(NP // DCB,),
    in_specs=[pl.BlockSpec((NW, DCB), lambda j: (0, j))],
    out_specs=pl.BlockSpec((1, DCB), lambda j: (0, j)),
    out_shape=jax.ShapeDtypeStruct((1, NP), f32),
)

_tc1_call = pl.pallas_call(
    _tc1_body, grid=(G,),
    in_specs=[_row_spec(F), _vec_spec_f, _vec_spec_f,
              pl.BlockSpec((F, F), lambda i: (0, 0))],
    out_specs=_row_spec(F),
    out_shape=jax.ShapeDtypeStruct((N, F), f32),
)

_tc2_call = pl.pallas_call(
    _tc2_body, grid=(G,),
    in_specs=[_deg_spec, _row_spec(F)],
    out_specs=[_row_spec(F), _row_spec(FH), _row_spec(FH)],
    out_shape=[jax.ShapeDtypeStruct((N, F), f32),
               jax.ShapeDtypeStruct((N, FH), jnp.bfloat16),
               jax.ShapeDtypeStruct((N, FH), jnp.bfloat16)],
)

_tc3_call = pl.pallas_call(
    _tc3_body, grid=(G,),
    in_specs=[_deg_spec,
              pl.BlockSpec((2, NC, RB, FH), lambda i: (0, 0, i, 0)),
              _row_spec(F), _vec_spec_f, _vec_spec_f, _vec_spec_f,
              pl.BlockSpec((CP, F), lambda i: (0, 0))],
    out_specs=[_row_spec(CP), _row_spec(CP)],
    out_shape=[jax.ShapeDtypeStruct((N, CP), f32),
               jax.ShapeDtypeStruct((N, CP), jnp.bfloat16)],
)

_tc4_call = pl.pallas_call(
    _tc4_body, grid=(G,),
    in_specs=[_deg_spec,
              pl.BlockSpec((1, NC, RB, CP), lambda i: (0, 0, i, 0)),
              _row_spec(CP),
              pl.BlockSpec((1, C), lambda i: (0, 0))],
    out_specs=_row_spec(C),
    out_shape=jax.ShapeDtypeStruct((N, C), f32),
)



def kernel(x, edge_index, edge_weight, ln0_g, ln0_b, W1, b1,
           ln1_g, ln1_b, W2, b2):
    pad = EPAD - E
    src = jnp.concatenate([edge_index[0], jnp.zeros((pad,), i32)])
    dst = jnp.concatenate([edge_index[1], jnp.zeros((pad,), i32)])
    ew = jnp.concatenate([edge_weight, jnp.zeros((pad,), f32)])
    srcp = src.reshape(TOTCP, K)
    dstp = dst.reshape(TOTCP, K)
    ewp = ew.reshape(TOTCP, K)
    W2p = jnp.concatenate([W2, jnp.zeros((CP - C, F), f32)], axis=0)

    degp = _deg_call(dstp, ewp).reshape(NW, NP)
    dinv = _tcd_call(degp).reshape(NP, 1)
    p1 = _tc1_call(x, ln0_g.reshape(1, F), ln0_b.reshape(1, F), W1)
    q1, qa, qb = _tc2_call(dinv, p1)
    agg1 = _agg1_call(qa, qb, srcp, dstp, ewp)
    q2, q2h = _tc3_call(dinv, agg1, q1, b1.reshape(1, F), ln1_g.reshape(1, F),
                        ln1_b.reshape(1, F), W2p)
    agg2 = _agg2_call(q2h, srcp, dstp, ewp)
    return _tc4_call(dinv, agg2, q2, b2.reshape(1, C))

# --- scband reference (transcript-rebuilt; emitter-appended) ---
"""Pipeline reference for scband-gcn-83769042141369 (READ-ONLY COPY).

The authoritative reference and input builder live on the scoring server;
editing this copy changes nothing except your own understanding.
"""

import jax, jax.numpy as jnp
import numpy as np

N = 10000
E = 320000
NFEAT = 128
NHID = 128
NCLASS = 40


def layer_norm(x, g, b, eps=1e-5):
    mu = jnp.mean(x, axis=-1, keepdims=True)
    var = jnp.var(x, axis=-1, keepdims=True)
    return (x - mu) / jnp.sqrt(var + eps) * g + b


def gcn_conv(x, edge_index, edge_weight, W, b):
    # PyG-style GCNConv: add self loops, symmetric normalization, linear, scatter-add aggregate, bias.
    n = x.shape[0]
    src = edge_index[0]
    dst = edge_index[1]
    loop = jnp.arange(n, dtype=src.dtype)
    src = jnp.concatenate([src, loop])
    dst = jnp.concatenate([dst, loop])
    ew = jnp.concatenate([edge_weight, jnp.ones((n,), dtype=x.dtype)])
    deg = jnp.zeros((n,), dtype=x.dtype).at[dst].add(ew)
    dinv = jnp.where(deg > 0, 1.0 / jnp.sqrt(deg), 0.0)
    norm = dinv[src] * ew * dinv[dst]
    h = x @ W.T
    msg = norm[:, None] * h[src]
    out = jnp.zeros((n, W.shape[0]), dtype=x.dtype).at[dst].add(msg)
    return out + b


def setup_inputs(seed: int = 0) -> dict:
    key = jax.random.key(seed)
    ks = jax.random.split(key, 8)
    x = jax.random.normal(ks[0], (N, NFEAT), dtype=jnp.float32)
    edge_index = jax.random.randint(ks[1], (2, E), 0, N, dtype=jnp.int32)
    edge_weight = jax.random.uniform(ks[2], (E,), dtype=jnp.float32)
    # parameters (kaiming-normal linears, zero biases, unit layernorms)
    W1 = jax.random.normal(ks[3], (NHID, NFEAT), dtype=jnp.float32) * np.sqrt(2.0 / NFEAT)
    b1 = jnp.zeros((NHID,), dtype=jnp.float32)
    W2 = jax.random.normal(ks[4], (NCLASS, NHID), dtype=jnp.float32) * np.sqrt(2.0 / NHID)
    b2 = jnp.zeros((NCLASS,), dtype=jnp.float32)
    ln0_g = jnp.ones((NFEAT,), dtype=jnp.float32)
    ln0_b = jnp.zeros((NFEAT,), dtype=jnp.float32)
    ln1_g = jnp.ones((NHID,), dtype=jnp.float32)
    ln1_b = jnp.zeros((NHID,), dtype=jnp.float32)
    return {"x": x, "edge_index": edge_index, "edge_weight": edge_weight,
            "ln0_g": ln0_g, "ln0_b": ln0_b, "W1": W1, "b1": b1,
            "ln1_g": ln1_g, "ln1_b": ln1_b, "W2": W2, "b2": b2}


def reference(x, edge_index, edge_weight, ln0_g, ln0_b, W1, b1, ln1_g, ln1_b, W2, b2):
    # layer_norm_first=True
    h = layer_norm(x, ln0_g, ln0_b)
    # single hidden GCN layer (layer=2 -> convs has 1 conv)
    h = jax.nn.relu(gcn_conv(h, edge_index, edge_weight, W1, b1))
    h = layer_norm(h, ln1_g, ln1_b)
    # dropout is identity in eval mode
    out = gcn_conv(h, edge_index, edge_weight, W2, b2)
    return jax.nn.log_softmax(out, axis=1)

if __name__ == "__main__":
    import jax
    _d = setup_inputs()
    print(jax.jit(kernel)(*tuple(_d.values())))

</pallas_src>

<mosaic_0001>
#map = affine_map<(d0, d1) -> (0, 0)>
#map1 = affine_map<(d0, d1) -> (0, 0, 0, 0)>
module attributes {stable_mosaic.version = 14 : i64} {
  func.func @_agg_body(%arg0: i32, %arg1: i32, %arg2: memref<10000x64xbf16, #tpu.memory_space<hbm>>, %arg3: memref<10000x64xbf16, #tpu.memory_space<hbm>>, %arg4: memref<2624x128xi32, #tpu.memory_space<hbm>>, %arg5: memref<2624x128xi32, #tpu.memory_space<hbm>>, %arg6: memref<2624x128xf32, #tpu.memory_space<hbm>>, %arg7: memref<2x2x10240x64xf32, #tpu.memory_space<hbm>>, %arg8: memref<96x128xi32, #tpu.memory_space<vmem>>, %arg9: memref<96x128xi32, #tpu.memory_space<vmem>>, %arg10: memref<96x128xf32, #tpu.memory_space<vmem>>, %arg11: memref<128x64xbf16, #tpu.memory_space<vmem>>, %arg12: memref<128x64xbf16, #tpu.memory_space<vmem>>, %arg13: memref<128x64xf32, #tpu.memory_space<vmem>>, %arg14: memref<128x64xf32, #tpu.memory_space<vmem>>, %arg15: memref<128x64xf32, #tpu.memory_space<vmem>>, %arg16: memref<10240x64xf32, #tpu.memory_space<vmem_shared>>, %arg17: memref<!tpu.dma_semaphore, #tpu.memory_space<semaphore_mem>>, %arg18: memref<!tpu.dma_semaphore, #tpu.memory_space<semaphore_mem>>, %arg19: memref<!tpu.dma_semaphore, #tpu.memory_space<semaphore_mem>>, %arg20: memref<!tpu.dma_semaphore, #tpu.memory_space<semaphore_mem>>) attributes {dimension_semantics = [#tpu.dimension_semantics<core_parallel>, #tpu.dimension_semantics<subcore_parallel>], iteration_bounds = array<i64: 2, 16>, scalar_prefetch = 0 : i64, scratch_operands = 13 : i64, tpu.core_type = #tpu.core_type<sc_vector_subcore>, window_params = [{transform_indices = #map}, {transform_indices = #map}, {transform_indices = #map}, {transform_indices = #map}, {transform_indices = #map}, {transform_indices = #map1}]} {
    %eq3A = arith.constant 0 : i32
    %eq3A_0 = arith.cmpi eq, %arg0, %eq3A : i32
    %mul3A = arith.constant 96 : i32
    %mul3A_1 = arith.muli %arg1, %mul3A : i32
    %mul3A_2 = arith.constant 64 : i32
    %mul3A_3 = arith.muli %arg1, %mul3A_2 : i32
    %add3A = arith.constant 1536 : i32
    %add3A_4 = arith.addi %add3A, %mul3A_3 : i32
    %select_n3A = arith.select %eq3A_0, %mul3A_1, %add3A_4 : i32
    %eq3A_5 = arith.constant 0 : i32
    %eq3A_6 = arith.cmpi eq, %arg0, %eq3A_5 : i32
    %jit3A = arith.constant 96 : i32
    %jit3A_7 = arith.constant 64 : i32
    %select_n3A_8 = arith.select %eq3A_6, %jit3A, %jit3A_7 : i32
    "tpu.region"() ({
      %run_scoped3A_195 = tpu.sem_alloc : memref<!tpu.dma_semaphore, #tpu.memory_space<semaphore_mem>>
      %dma_start3A_196 = arith.constant 0 : i32
      %dma_start3A_197 = tpu.memref_slice %arg4[%select_n3A, %dma_start3A_196] : memref<2624x128xi32, #tpu.memory_space<hbm>> -> memref<96x128xi32, #tpu.memory_space<hbm>>
      %dma_start3A_198 = arith.constant 0 : i32
      %dma_start3A_199 = tpu.memref_slice %arg4[%select_n3A, %dma_start3A_198] : memref<2624x128xi32, #tpu.memory_space<hbm>> -> memref<96x128xi32, #tpu.memory_space<hbm>>
      tpu.enqueue_dma source(%dma_start3A_199 : memref<96x128xi32, #tpu.memory_space<hbm>>) target(%arg8 : memref<96x128xi32, #tpu.memory_space<vmem>>) target_semaphore(%run_scoped3A_195 : memref<!tpu.dma_semaphore, #tpu.memory_space<semaphore_mem>>)
      %dma_wait3A_200 = arith.constant 0 : i32
      %dma_wait3A_201 = tpu.memref_slice %arg4[%select_n3A, %dma_wait3A_200] : memref<2624x128xi32, #tpu.memory_space<hbm>> -> memref<96x128xi32, #tpu.memory_space<hbm>>
      %dma_wait3A_202 = arith.constant 0 : i32
      %dma_wait3A_203 = tpu.memref_slice %arg4[%select_n3A, %dma_wait3A_202] : memref<2624x128xi32, #tpu.memory_space<hbm>> -> memref<96x128xi32, #tpu.memory_space<hbm>>
      tpu.wait_dma2 semaphore(%run_scoped3A_195 : memref<!tpu.dma_semaphore, #tpu.memory_space<semaphore_mem>>) src(%dma_wait3A_203 : memref<96x128xi32, #tpu.memory_space<hbm>>) dst(%arg8 : memref<96x128xi32, #tpu.memory_space<vmem>>)
      tpu.yield
    }) : () -> ()
    "tpu.region"() ({
      %run_scoped3A_195 = tpu.sem_alloc : memref<!tpu.dma_semaphore, #tpu.memory_space<semaphore_mem>>
      %dma_start3A_196 = arith.constant 0 : i32
      %dma_start3A_197 = tpu.memref_slice %arg5[%select_n3A, %dma_start3A_196] : memref<2624x128xi32, #tpu.memory_space<hbm>> -> memref<96x128xi32, #tpu.memory_space<hbm>>
      %dma_start3A_198 = arith.constant 0 : i32
      %dma_start3A_199 = tpu.memref_slice %arg5[%select_n3A, %dma_start3A_198] : memref<2624x128xi32, #tpu.memory_space<hbm>> -> memref<96x128xi32, #tpu.memory_space<hbm>>
      tpu.enqueue_dma source(%dma_start3A_199 : memref<96x128xi32, #tpu.memory_space<hbm>>) target(%arg9 : memref<96x128xi32, #tpu.memory_space<vmem>>) target_semaphore(%run_scoped3A_195 : memref<!tpu.dma_semaphore, #tpu.memory_space<semaphore_mem>>)
      %dma_wait3A_200 = arith.constant 0 : i32
      %dma_wait3A_201 = tpu.memref_slice %arg5[%select_n3A, %dma_wait3A_200] : memref<2624x128xi32, #tpu.memory_space<hbm>> -> memref<96x128xi32, #tpu.memory_space<hbm>>
      %dma_wait3A_202 = arith.constant 0 : i32
      %dma_wait3A_203 = tpu.memref_slice %arg5[%select_n3A, %dma_wait3A_202] : memref<2624x128xi32, #tpu.memory_space<hbm>> -> memref<96x128xi32, #tpu.memory_space<hbm>>
      tpu.wait_dma2 semaphore(%run_scoped3A_195 : memref<!tpu.dma_semaphore, #tpu.memory_space<semaphore_mem>>) src(%dma_wait3A_203 : memref<96x128xi32, #tpu.memory_space<hbm>>) dst(%arg9 : memref<96x128xi32, #tpu.memory_space<vmem>>)
      tpu.yield
    }) : () -> ()
    "tpu.region"() ({
      %run_scoped3A_195 = tpu.sem_alloc : memref<!tpu.dma_semaphore, #tpu.memory_space<semaphore_mem>>
      %dma_start3A_196 = arith.constant 0 : i32
      %dma_start3A_197 = tpu.memref_slice %arg6[%select_n3A, %dma_start3A_196] : memref<2624x128xf32, #tpu.memory_space<hbm>> -> memref<96x128xf32, #tpu.memory_space<hbm>>
      %dma_start3A_198 = arith.constant 0 : i32
      %dma_start3A_199 = tpu.memref_slice %arg6[%select_n3A, %dma_start3A_198] : memref<2624x128xf32, #tpu.memory_space<hbm>> -> memref<96x128xf32, #tpu.memory_space<hbm>>
      tpu.enqueue_dma source(%dma_start3A_199 : memref<96x128xf32, #tpu.memory_space<hbm>>) target(%arg10 : memref<96x128xf32, #tpu.memory_space<vmem>>) target_semaphore(%run_scoped3A_195 : memref<!tpu.dma_semaphore, #tpu.memory_space<semaphore_mem>>)
      %dma_wait3A_200 = arith.constant 0 : i32
      %dma_wait3A_201 = tpu.memref_slice %arg6[%select_n3A, %dma_wait3A_200] : memref<2624x128xf32, #tpu.memory_space<hbm>> -> memref<96x128xf32, #tpu.memory_space<hbm>>
      %dma_wait3A_202 = arith.constant 0 : i32
      %dma_wait3A_203 = tpu.memref_slice %arg6[%select_n3A, %dma_wait3A_202] : memref<2624x128xf32, #tpu.memory_space<hbm>> -> memref<96x128xf32, #tpu.memory_space<hbm>>
      tpu.wait_dma2 semaphore(%run_scoped3A_195 : memref<!tpu.dma_semaphore, #tpu.memory_space<semaphore_mem>>) src(%dma_wait3A_203 : memref<96x128xf32, #tpu.memory_space<hbm>>) dst(%arg10 : memref<96x128xf32, #tpu.memory_space<vmem>>)
      tpu.yield
    }) : () -> ()
    %scan3A = arith.constant 0 : i32
    %scan3A_9 = arith.constant 0 : i32
    %scan3A_10 = arith.constant 128 : i32
    %scan3A_11 = arith.addi %scan3A_9, %scan3A_10 : i32
    %scan3A_12 = arith.constant 1 : i32
    scf.for %scan3A_195 = %scan3A_9 to %scan3A_11 step %scan3A_12  : i32 {
      %broadcast_in_dim3A = arith.constant 0.000000e+00 : f32
      %broadcast_in_dim3A_196 = vector.broadcast %broadcast_in_dim3A : f32 to vector<16xf32>
      %swap3A = arith.index_cast %scan3A_195 : i32 to index
      %swap3A_197 = arith.constant 0 : index
      %swap3A_198 = tpu.vector_load %arg15[%swap3A, %swap3A_197] {strides = array<i32>} : memref<128x64xf32, #tpu.memory_space<vmem>>, vector<16xf32>,
      tpu.vector_store %arg15[%swap3A, %swap3A_197], %broadcast_in_dim3A_196 {strides = array<i32>} : memref<128x64xf32, #tpu.memory_space<vmem>>, vector<16xf32>,
      %broadcast_in_dim3A_199 = arith.constant 0.000000e+00 : f32
      %broadcast_in_dim3A_200 = vector.broadcast %broadcast_in_dim3A_199 : f32 to vector<16xf32>
      %swap3A_201 = arith.index_cast %scan3A_195 : i32 to index
      %swap3A_202 = arith.constant 16 : index
      %swap3A_203 = tpu.vector_load %arg15[%swap3A_201, %swap3A_202] {strides = array<i32>} : memref<128x64xf32, #tpu.memory_space<vmem>>, vector<16xf32>,
      tpu.vector_store %arg15[%swap3A_201, %swap3A_202], %broadcast_in_dim3A_200 {strides = array<i32>} : memref<128x64xf32, #tpu.memory_space<vmem>>, vector<16xf32>,
      %broadcast_in_dim3A_204 = arith.constant 0.000000e+00 : f32
      %broadcast_in_dim3A_205 = vector.broadcast %broadcast_in_dim3A_204 : f32 to vector<16xf32>
      %swap3A_206 = arith.index_cast %scan3A_195 : i32 to index
      %swap3A_207 = arith.constant 32 : index
      %swap3A_208 = tpu.vector_load %arg15[%swap3A_206, %swap3A_207] {strides = array<i32>} : memref<128x64xf32, #tpu.memory_space<vmem>>, vector<16xf32>,
      tpu.vector_store %arg15[%swap3A_206, %swap3A_207], %broadcast_in_dim3A_205 {strides = array<i32>} : memref<128x64xf32, #tpu.memory_space<vmem>>, vector<16xf32>,
      %broadcast_in_dim3A_209 = arith.constant 0.000000e+00 : f32
      %broadcast_in_dim3A_210 = vector.broadcast %broadcast_in_dim3A_209 : f32 to vector<16xf32>
      %swap3A_211 = arith.index_cast %scan3A_195 : i32 to index
      %swap3A_212 = arith.constant 48 : index
      %swap3A_213 = tpu.vector_load %arg15[%swap3A_211, %swap3A_212] {strides = array<i32>} : memref<128x64xf32, #tpu.memory_space<vmem>>, vector<16xf32>,
      tpu.vector_store %arg15[%swap3A_211, %swap3A_212], %broadcast_in_dim3A_210 {strides = array<i32>} : memref<128x64xf32, #tpu.memory_space<vmem>>, vector<16xf32>,
    }
    %scan3A_13 = arith.constant 128 : i32
    %mul3A_14 = arith.constant 640 : i32
    %mul3A_15 = arith.muli %arg1, %mul3A_14 : i32
    %add3A_16 = arith.constant 0 : i32
    %add3A_17 = arith.addi %mul3A_15, %add3A_16 : i32
    "tpu.region"() ({
      %run_scoped3A_195 = tpu.sem_alloc : memref<!tpu.dma_semaphore, #tpu.memory_space<semaphore_mem>>
      %dma_start3A_196 = arith.constant 0 : i32
      %dma_start3A_197 = tpu.memref_slice %arg16[%add3A_17, %dma_start3A_196] : memref<10240x64xf32, #tpu.memory_space<vmem_shared>> -> memref<128x64xf32, #tpu.memory_space<vmem_shared>>
      %dma_start3A_198 = arith.constant 0 : i32
      %dma_start3A_199 = tpu.memref_slice %arg16[%add3A_17, %dma_start3A_198] : memref<10240x64xf32, #tpu.memory_space<vmem_shared>> -> memref<128x64xf32, #tpu.memory_space<vmem_shared>>
      tpu.enqueue_dma source(%arg15 : memref<128x64xf32, #tpu.memory_space<vmem>>) target(%dma_start3A_199 : memref<128x64xf32, #tpu.memory_space<vmem_shared>>) target_semaphore(%run_scoped3A_195 : memref<!tpu.dma_semaphore, #tpu.memory_space<semaphore_mem>>)
      %dma_wait3A_200 = arith.constant 0 : i32
      %dma_wait3A_201 = tpu.memref_slice %arg16[%add3A_17, %dma_wait3A_200] : memref<10240x64xf32, #tpu.memory_space<vmem_shared>> -> memref<128x64xf32, #tpu.memory_space<vmem_shared>>
      %dma_wait3A_202 = arith.constant 0 : i32
      %dma_wait3A_203 = tpu.memref_slice %arg16[%add3A_17, %dma_wait3A_202] : memref<10240x64xf32, #tpu.memory_space<vmem_shared>> -> memref<128x64xf32, #tpu.memory_space<vmem_shared>>
      tpu.wait_dma2 semaphore(%run_scoped3A_195 : memref<!tpu.dma_semaphore, #tpu.memory_space<semaphore_mem>>) src(%arg15 : memref<128x64xf32, #tpu.memory_space<vmem>>) dst(%dma_wait3A_203 : memref<128x64xf32, #tpu.memory_space<vmem_shared>>)
      tpu.yield
    }) : () -> ()
    %mul3A_18 = arith.constant 640 : i32
    %mul3A_19 = arith.muli %arg1, %mul3A_18 : i32
    %add3A_20 = arith.constant 128 : i32
    %add3A_21 = arith.addi %mul3A_19, %add3A_20 : i32
    "tpu.region"() ({
      %run_scoped3A_195 = tpu.sem_alloc : memref<!tpu.dma_semaphore, #tpu.memory_space<semaphore_mem>>
      %dma_start3A_196 = arith.constant 0 : i32
      %dma_start3A_197 = tpu.memref_slice %arg16[%add3A_21, %dma_start3A_196] : memref<10240x64xf32, #tpu.memory_space<vmem_shared>> -> memref<128x64xf32, #tpu.memory_space<vmem_shared>>
      %dma_start3A_198 = arith.constant 0 : i32
      %dma_start3A_199 = tpu.memref_slice %arg16[%add3A_21, %dma_start3A_198] : memref<10240x64xf32, #tpu.memory_space<vmem_shared>> -> memref<128x64xf32, #tpu.memory_space<vmem_shared>>
      tpu.enqueue_dma source(%arg15 : memref<128x64xf32, #tpu.memory_space<vmem>>) target(%dma_start3A_199 : memref<128x64xf32, #tpu.memory_space<vmem_shared>>) target_semaphore(%run_scoped3A_195 : memref<!tpu.dma_semaphore, #tpu.memory_space<semaphore_mem>>)
      %dma_wait3A_200 = arith.constant 0 : i32
      %dma_wait3A_201 = tpu.memref_slice %arg16[%add3A_21, %dma_wait3A_200] : memref<10240x64xf32, #tpu.memory_space<vmem_shared>> -> memref<128x64xf32, #tpu.memory_space<vmem_shared>>
      %dma_wait3A_202 = arith.constant 0 : i32
      %dma_wait3A_203 = tpu.memref_slice %arg16[%add3A_21, %dma_wait3A_202] : memref<10240x64xf32, #tpu.memory_space<vmem_shared>> -> memref<128x64xf32, #tpu.memory_space<vmem_shared>>
      tpu.wait_dma2 semaphore(%run_scoped3A_195 : memref<!tpu.dma_semaphore, #tpu.memory_space<semaphore_mem>>) src(%arg15 : memref<128x64xf32, #tpu.memory_space<vmem>>) dst(%dma_wait3A_203 : memref<128x64xf32, #tpu.memory_space<vmem_shared>>)
      tpu.yield
    }) : () -> ()
    %mul3A_22 = arith.constant 640 : i32
    %mul3A_23 = arith.muli %arg1, %mul3A_22 : i32
    %add3A_24 = arith.constant 256 : i32
    %add3A_25 = arith.addi %mul3A_23, %add3A_24 : i32
    "tpu.region"() ({
      %run_scoped3A_195 = tpu.sem_alloc : memref<!tpu.dma_semaphore, #tpu.memory_space<semaphore_mem>>
      %dma_start3A_196 = arith.constant 0 : i32
      %dma_start3A_197 = tpu.memref_slice %arg16[%add3A_25, %dma_start3A_196] : memref<10240x64xf32, #tpu.memory_space<vmem_shared>> -> memref<128x64xf32, #tpu.memory_space<vmem_shared>>
      %dma_start3A_198 = arith.constant 0 : i32
      %dma_start3A_199 = tpu.memref_slice %arg16[%add3A_25, %dma_start3A_198] : memref<10240x64xf32, #tpu.memory_space<vmem_shared>> -> memref<128x64xf32, #tpu.memory_space<vmem_shared>>
      tpu.enqueue_dma source(%arg15 : memref<128x64xf32, #tpu.memory_space<vmem>>) target(%dma_start3A_199 : memref<128x64xf32, #tpu.memory_space<vmem_shared>>) target_semaphore(%run_scoped3A_195 : memref<!tpu.dma_semaphore, #tpu.memory_space<semaphore_mem>>)
      %dma_wait3A_200 = arith.constant 0 : i32
      %dma_wait3A_201 = tpu.memref_slice %arg16[%add3A_25, %dma_wait3A_200] : memref<10240x64xf32, #tpu.memory_space<vmem_shared>> -> memref<128x64xf32, #tpu.memory_space<vmem_shared>>
      %dma_wait3A_202 = arith.constant 0 : i32
      %dma_wait3A_203 = tpu.memref_slice %arg16[%add3A_25, %dma_wait3A_202] : memref<10240x64xf32, #tpu.memory_space<vmem_shared>> -> memref<128x64xf32, #tpu.memory_space<vmem_shared>>
      tpu.wait_dma2 semaphore(%run_scoped3A_195 : memref<!tpu.dma_semaphore, #tpu.memory_space<semaphore_mem>>) src(%arg15 : memref<128x64xf32, #tpu.memory_space<vmem>>) dst(%dma_wait3A_203 : memref<128x64xf32, #tpu.memory_space<vmem_shared>>)
      tpu.yield
    }) : () -> ()
    %mul3A_26 = arith.constant 640 : i32
    %mul3A_27 = arith.muli %arg1, %mul3A_26 : i32
    %add3A_28 = arith.constant 384 : i32
    %add3A_29 = arith.addi %mul3A_27, %add3A_28 : i32
    "tpu.region"() ({
      %run_scoped3A_195 = tpu.sem_alloc : memref<!tpu.dma_semaphore, #tpu.memory_space<semaphore_mem>>
      %dma_start3A_196 = arith.constant 0 : i32
      %dma_start3A_197 = tpu.memref_slice %arg16[%add3A_29, %dma_start3A_196] : memref<10240x64xf32, #tpu.memory_space<vmem_shared>> -> memref<128x64xf32, #tpu.memory_space<vmem_shared>>
      %dma_start3A_198 = arith.constant 0 : i32
      %dma_start3A_199 = tpu.memref_slice %arg16[%add3A_29, %dma_start3A_198] : memref<10240x64xf32, #tpu.memory_space<vmem_shared>> -> memref<128x64xf32, #tpu.memory_space<vmem_shared>>
      tpu.enqueue_dma source(%arg15 : memref<128x64xf32, #tpu.memory_space<vmem>>) target(%dma_start3A_199 : memref<128x64xf32, #tpu.memory_space<vmem_shared>>) target_semaphore(%run_scoped3A_195 : memref<!tpu.dma_semaphore, #tpu.memory_space<semaphore_mem>>)
      %dma_wait3A_200 = arith.constant 0 : i32
      %dma_wait3A_201 = tpu.memref_slice %arg16[%add3A_29, %dma_wait3A_200] : memref<10240x64xf32, #tpu.memory_space<vmem_shared>> -> memref<128x64xf32, #tpu.memory_space<vmem_shared>>
      %dma_wait3A_202 = arith.constant 0 : i32
      %dma_wait3A_203 = tpu.memref_slice %arg16[%add3A_29, %dma_wait3A_202] : memref<10240x64xf32, #tpu.memory_space<vmem_shared>> -> memref<128x64xf32, #tpu.memory_space<vmem_shared>>
      tpu.wait_dma2 semaphore(%run_scoped3A_195 : memref<!tpu.dma_semaphore, #tpu.memory_space<semaphore_mem>>) src(%arg15 : memref<128x64xf32, #tpu.memory_space<vmem>>) dst(%dma_wait3A_203 : memref<128x64xf32, #tpu.memory_space<vmem_shared>>)
      tpu.yield
    }) : () -> ()
    %mul3A_30 = arith.constant 640 : i32
    %mul3A_31 = arith.muli %arg1, %mul3A_30 : i32
    %add3A_32 = arith.constant 512 : i32
    %add3A_33 = arith.addi %mul3A_31, %add3A_32 : i32
    "tpu.region"() ({
      %run_scoped3A_195 = tpu.sem_alloc : memref<!tpu.dma_semaphore, #tpu.memory_space<semaphore_mem>>
      %dma_start3A_196 = arith.constant 0 : i32
      %dma_start3A_197 = tpu.memref_slice %arg16[%add3A_33, %dma_start3A_196] : memref<10240x64xf32, #tpu.memory_space<vmem_shared>> -> memref<128x64xf32, #tpu.memory_space<vmem_shared>>
      %dma_start3A_198 = arith.constant 0 : i32
      %dma_start3A_199 = tpu.memref_slice %arg16[%add3A_33, %dma_start3A_198] : memref<10240x64xf32, #tpu.memory_space<vmem_shared>> -> memref<128x64xf32, #tpu.memory_space<vmem_shared>>
      tpu.enqueue_dma source(%arg15 : memref<128x64xf32, #tpu.memory_space<vmem>>) target(%dma_start3A_199 : memref<128x64xf32, #tpu.memory_space<vmem_shared>>) target_semaphore(%run_scoped3A_195 : memref<!tpu.dma_semaphore, #tpu.memory_space<semaphore_mem>>)
      %dma_wait3A_200 = arith.constant 0 : i32
      %dma_wait3A_201 = tpu.memref_slice %arg16[%add3A_33, %dma_wait3A_200] : memref<10240x64xf32, #tpu.memory_space<vmem_shared>> -> memref<128x64xf32, #tpu.memory_space<vmem_shared>>
      %dma_wait3A_202 = arith.constant 0 : i32
      %dma_wait3A_203 = tpu.memref_slice %arg16[%add3A_33, %dma_wait3A_202] : memref<10240x64xf32, #tpu.memory_space<vmem_shared>> -> memref<128x64xf32, #tpu.memory_space<vmem_shared>>
      tpu.wait_dma2 semaphore(%run_scoped3A_195 : memref<!tpu.dma_semaphore, #tpu.memory_space<semaphore_mem>>) src(%arg15 : memref<128x64xf32, #tpu.memory_space<vmem>>) dst(%dma_wait3A_203 : memref<128x64xf32, #tpu.memory_space<vmem_shared>>)
      tpu.yield
    }) : () -> ()
    %barrier3A = arith.constant 0 : index
    tpu.barrier barrier_id(%barrier3A)
    %dma_start3A = arith.constant 0 : i32
    %dma_start3A_34 = arith.constant 0 : i32
    %dma_start3A_35 = tpu.memref_slice %arg8[%dma_start3A, %dma_start3A_34] : memref<96x128xi32, #tpu.memory_space<vmem>> -> memref<1x128xi32, #tpu.memory_space<vmem>>
    %dma_start3A_36 = tpu.memref_squeeze %dma_start3A_35 : memref<1x128xi32, #tpu.memory_space<vmem>> -> memref<128xi32, #tpu.memory_space<vmem>>
    %dma_start3A_37 = arith.constant 0 : i32
    %dma_start3A_38 = arith.constant 0 : i32
    %dma_start3A_39 = tpu.memref_slice %arg2[%dma_start3A_37, %dma_start3A_38] : memref<10000x64xbf16, #tpu.memory_space<hbm>> -> memref<10000x64xbf16, #tpu.memory_space<hbm>>
    tpu.enqueue_indirect_dma source(%dma_start3A_39 : memref<10000x64xbf16, #tpu.memory_space<hbm>>) target(%arg11 : memref<128x64xbf16, #tpu.memory_space<vmem>>) offsets(%dma_start3A_36 : memref<128xi32, #tpu.memory_space<vmem>>) semaphore(%arg17 : memref<!tpu.dma_semaphore, #tpu.memory_space<semaphore_mem>>)
    %dma_start3A_40 = arith.constant 1 : i32
    %dma_start3A_41 = arith.constant 0 : i32
    %dma_start3A_42 = tpu.memref_slice %arg8[%dma_start3A_40, %dma_start3A_41] : memref<96x128xi32, #tpu.memory_space<vmem>> -> memref<1x128xi32, #tpu.memory_space<vmem>>
    %dma_start3A_43 = tpu.memref_squeeze %dma_start3A_42 : memref<1x128xi32, #tpu.memory_space<vmem>> -> memref<128xi32, #tpu.memory_space<vmem>>
    %dma_start3A_44 = arith.constant 0 : i32
    %dma_start3A_45 = arith.constant 0 : i32
    %dma_start3A_46 = tpu.memref_slice %arg2[%dma_start3A_44, %dma_start3A_45] : memref<10000x64xbf16, #tpu.memory_space<hbm>> -> memref<10000x64xbf16, #tpu.memory_space<hbm>>
    tpu.enqueue_indirect_dma source(%dma_start3A_46 : memref<10000x64xbf16, #tpu.memory_space<hbm>>) target(%arg12 : memref<128x64xbf16, #tpu.memory_space<vmem>>) offsets(%dma_start3A_43 : memref<128xi32, #tpu.memory_space<vmem>>) semaphore(%arg18 : memref<!tpu.dma_semaphore, #tpu.memory_space<semaphore_mem>>)
    %jit3A_47 = arith.constant 2 : i32
    %div3A = arith.divsi %select_n3A_8, %jit3A_47 : i32
    %sign3A = arith.constant 0 : i32
    %sign3A_48 = arith.cmpi sgt, %select_n3A_8, %sign3A : i32
    %sign3A_49 = arith.extui %sign3A_48 : i1 to i32
    %sign3A_50 = arith.constant 0 : i32
    %sign3A_51 = arith.cmpi slt, %select_n3A_8, %sign3A_50 : i32
    %sign3A_52 = arith.extui %sign3A_51 : i1 to i32
    %sign3A_53 = arith.subi %sign3A_49, %sign3A_52 : i32
    %sign3A_54 = arith.constant 0 : i32
    %sign3A_55 = arith.cmpi sgt, %jit3A_47, %sign3A_54 : i32
    %sign3A_56 = arith.extui %sign3A_55 : i1 to i32
    %sign3A_57 = arith.constant 0 : i32
    %sign3A_58 = arith.cmpi slt, %jit3A_47, %sign3A_57 : i32
    %sign3A_59 = arith.extui %sign3A_58 : i1 to i32
    %sign3A_60 = arith.subi %sign3A_56, %sign3A_59 : i32
    %ne3A = arith.cmpi ne, %sign3A_53, %sign3A_60 : i32
    %rem3A = arith.remsi %select_n3A_8, %jit3A_47 : i32
    %ne3A_61 = arith.constant 0 : i32
    %ne3A_62 = arith.cmpi ne, %rem3A, %ne3A_61 : i32
    %and3A = arith.andi %ne3A, %ne3A_62 : i1
    %sub3A = arith.constant 1 : i32
    %sub3A_63 = arith.subi %div3A, %sub3A : i32
    %select_n3A_64 = arith.select %and3A, %sub3A_63, %div3A : i32
    %while3A = arith.constant 0 : i32
    %while3A_65 = arith.constant 0 : i32
    %while3A_66 = arith.subi %select_n3A_64, %while3A_65 : i32
    %while3A_67 = arith.addi %while3A_65, %while3A_66 : i32
    %while3A_68 = arith.constant 1 : i32
    %while3A_69 = arith.divsi %while3A_66, %while3A_68 : i32
    %while3A_70 = arith.muli %while3A_69, %while3A_68 : i32
    %while3A_71 = arith.addi %while3A_65, %while3A_70 : i32
    %while3A_72 = arith.constant 1 : i32
    scf.for %while3A_195 = %while3A_65 to %while3A_71 step %while3A_72  : i32 {
      %mul3A_196 = arith.constant 2 : i32
      %mul3A_197 = arith.muli %mul3A_196, %while3A_195 : i32
      %add3A_198 = arith.constant 0 : i32
      %add3A_199 = arith.addi %mul3A_197, %add3A_198 : i32
      %dma_wait3A_200 = arith.constant 0 : i32
      %dma_wait3A_201 = tpu.memref_slice %arg8[%add3A_199, %dma_wait3A_200] : memref<96x128xi32, #tpu.memory_space<vmem>> -> memref<1x128xi32, #tpu.memory_space<vmem>>
      %dma_wait3A_202 = tpu.memref_squeeze %dma_wait3A_201 : memref<1x128xi32, #tpu.memory_space<vmem>> -> memref<128xi32, #tpu.memory_space<vmem>>
      %dma_wait3A_203 = arith.constant 0 : i32
      %dma_wait3A_204 = arith.constant 0 : i32
      %dma_wait3A_205 = tpu.memref_slice %arg2[%dma_wait3A_203, %dma_wait3A_204] : memref<10000x64xbf16, #tpu.memory_space<hbm>> -> memref<10000x64xbf16, #tpu.memory_space<hbm>>
      tpu.wait_indirect_dma semaphore(%arg17 : memref<!tpu.dma_semaphore, #tpu.memory_space<semaphore_mem>>) src(%dma_wait3A_205 : memref<10000x64xbf16, #tpu.memory_space<hbm>>) dst(%arg11 : memref<128x64xbf16, #tpu.memory_space<vmem>>)
      %ge3A = arith.constant 2 : i32
      %ge3A_206 = arith.cmpi sge, %add3A_199, %ge3A : i32
      %convert_element_type3A = arith.extui %ge3A_206 : i1 to i32
      %cond3A = arith.constant 0 : i32
      %cond3A_207 = arith.cmpi ne, %convert_element_type3A, %cond3A : i32
      scf.if %cond3A_207 {
        %sub3A_258 = arith.constant 2 : i32
        %sub3A_259 = arith.subi %add3A_199, %sub3A_258 : i32
        %dma_wait3A_260 = arith.constant 0 : i32
        %dma_wait3A_261 = tpu.memref_slice %arg9[%sub3A_259, %dma_wait3A_260] : memref<96x128xi32, #tpu.memory_space<vmem>> -> memref<1x128xi32, #tpu.memory_space<vmem>>
        %dma_wait3A_262 = tpu.memref_squeeze %dma_wait3A_261 : memref<1x128xi32, #tpu.memory_space<vmem>> -> memref<128xi32, #tpu.memory_space<vmem>>
        %dma_wait3A_263 = arith.constant 0 : i32
        %dma_wait3A_264 = arith.constant 0 : i32
        %dma_wait3A_265 = tpu.memref_slice %arg16[%dma_wait3A_263, %dma_wait3A_264] : memref<10240x64xf32, #tpu.memory_space<vmem_shared>> -> memref<10240x64xf32, #tpu.memory_space<vmem_shared>>
        tpu.wait_indirect_dma semaphore(%arg19 : memref<!tpu.dma_semaphore, #tpu.memory_space<semaphore_mem>>) src(%arg13 : memref<128x64xf32, #tpu.memory_space<vmem>>) dst(%dma_wait3A_265 : memref<10240x64xf32, #tpu.memory_space<vmem_shared>>)
      } else {
      }
      %iota3A = tpu.iota {dimensions = array<i32: 0>} : vector<16xi32>
      %mul3A_208 = arith.constant 2 : i32
      %mul3A_209 = vector.broadcast %mul3A_208 : i32 to vector<16xi32>
      %mul3A_210 = arith.muli %mul3A_209, %iota3A : vector<16xi32>
      %parallel_loop3A = arith.constant 0 : i32
      %parallel_loop3A_211 = arith.constant 128 : i32
      %parallel_loop3A_212 = arith.constant 1 : i32
      scf.for %parallel_loop3A_258 = %parallel_loop3A to %parallel_loop3A_211 step %parallel_loop3A_212  : i32 {
        %parallel_loop3A_259 = vector.broadcast %add3A_199 : i32 to vector<16xi32>
        %parallel_loop3A_260 = vector.broadcast %parallel_loop3A_258 : i32 to vector<16xi32>
        %parallel_loop3A_261 = tpu.vector_load_idx %arg10[%parallel_loop3A_259, %parallel_loop3A_260] : memref<96x128xf32, #tpu.memory_space<vmem>>[vector<16xi32>, vector<16xi32>], vector<16xf32>,
        %parallel_loop3A_262 = arith.index_cast %parallel_loop3A_258 : i32 to index
        %parallel_loop3A_263 = arith.constant 0 : index
        %parallel_loop3A_264 = tpu.vector_load %arg11[%parallel_loop3A_262, %parallel_loop3A_263] {strides = array<i32>} : memref<128x64xbf16, #tpu.memory_space<vmem>>, vector<32xbf16>,
        %parallel_loop3A_265 = vector.bitcast %parallel_loop3A_264 : vector<32xbf16> to vector<16xi32>
        %parallel_loop3A_266 = arith.constant 16 : i32
        %parallel_loop3A_267 = vector.broadcast %parallel_loop3A_266 : i32 to vector<16xi32>
        %parallel_loop3A_268 = arith.shli %parallel_loop3A_265, %parallel_loop3A_267 : vector<16xi32>
        %parallel_loop3A_269 = vector.bitcast %parallel_loop3A_268 : vector<16xi32> to vector<16xf32>
        %parallel_loop3A_270 = arith.constant -65536 : i32
        %parallel_loop3A_271 = vector.broadcast %parallel_loop3A_270 : i32 to vector<16xi32>
        %parallel_loop3A_272 = arith.andi %parallel_loop3A_265, %parallel_loop3A_271 : vector<16xi32>
        %parallel_loop3A_273 = vector.bitcast %parallel_loop3A_272 : vector<16xi32> to vector<16xf32>
        %parallel_loop3A_274 = arith.constant 0 : i32
        %parallel_loop3A_275 = vector.broadcast %parallel_loop3A_274 : i32 to vector<16xi32>
        %parallel_loop3A_276 = arith.addi %parallel_loop3A_275, %mul3A_210 : vector<16xi32>
        %parallel_loop3A_277 = arith.mulf %parallel_loop3A_269, %parallel_loop3A_261 : vector<16xf32>
        %parallel_loop3A_278 = arith.constant 0 : i32
        %parallel_loop3A_279 = tpu.memref_slice %arg13[%parallel_loop3A_258, %parallel_loop3A_278] : memref<128x64xf32, #tpu.memory_space<vmem>> -> memref<1x64xf32, #tpu.memory_space<vmem>>
        %parallel_loop3A_280 = tpu.memref_squeeze %parallel_loop3A_279 : memref<1x64xf32, #tpu.memory_space<vmem>> -> memref<64xf32, #tpu.memory_space<vmem>>
        tpu.vector_store_idx %parallel_loop3A_280[%parallel_loop3A_276], %parallel_loop3A_277 : memref<64xf32, #tpu.memory_space<vmem>>[vector<16xi32>], vector<16xf32>,
        %parallel_loop3A_281 = arith.constant 0 : i32
        %parallel_loop3A_282 = vector.broadcast %parallel_loop3A_281 : i32 to vector<16xi32>
        %parallel_loop3A_283 = arith.addi %parallel_loop3A_282, %mul3A_210 : vector<16xi32>
        %parallel_loop3A_284 = arith.constant 1 : i32
        %parallel_loop3A_285 = vector.broadcast %parallel_loop3A_284 : i32 to vector<16xi32>
        %parallel_loop3A_286 = arith.addi %parallel_loop3A_283, %parallel_loop3A_285 : vector<16xi32>
        %parallel_loop3A_287 = arith.mulf %parallel_loop3A_273, %parallel_loop3A_261 : vector<16xf32>
        %parallel_loop3A_288 = arith.constant 0 : i32
        %parallel_loop3A_289 = tpu.memref_slice %arg13[%parallel_loop3A_258, %parallel_loop3A_288] : memref<128x64xf32, #tpu.memory_space<vmem>> -> memref<1x64xf32, #tpu.memory_space<vmem>>
        %parallel_loop3A_290 = tpu.memref_squeeze %parallel_loop3A_289 : memref<1x64xf32, #tpu.memory_space<vmem>> -> memref<64xf32, #tpu.memory_space<vmem>>
        tpu.vector_store_idx %parallel_loop3A_290[%parallel_loop3A_286], %parallel_loop3A_287 : memref<64xf32, #tpu.memory_space<vmem>>[vector<16xi32>], vector<16xf32>,
        %parallel_loop3A_291 = arith.index_cast %parallel_loop3A_258 : i32 to index
        %parallel_loop3A_292 = arith.constant 32 : index
        %parallel_loop3A_293 = tpu.vector_load %arg11[%parallel_loop3A_291, %parallel_loop3A_292] {strides = array<i32>} : memref<128x64xbf16, #tpu.memory_space<vmem>>, vector<32xbf16>,
        %parallel_loop3A_294 = vector.bitcast %parallel_loop3A_293 : vector<32xbf16> to vector<16xi32>
        %parallel_loop3A_295 = arith.constant 16 : i32
        %parallel_loop3A_296 = vector.broadcast %parallel_loop3A_295 : i32 to vector<16xi32>
        %parallel_loop3A_297 = arith.shli %parallel_loop3A_294, %parallel_loop3A_296 : vector<16xi32>
        %parallel_loop3A_298 = vector.bitcast %parallel_loop3A_297 : vector<16xi32> to vector<16xf32>
        %parallel_loop3A_299 = arith.constant -65536 : i32
        %parallel_loop3A_300 = vector.broadcast %parallel_loop3A_299 : i32 to vector<16xi32>
        %parallel_loop3A_301 = arith.andi %parallel_loop3A_294, %parallel_loop3A_300 : vector<16xi32>
        %parallel_loop3A_302 = vector.bitcast %parallel_loop3A_301 : vector<16xi32> to vector<16xf32>
        %parallel_loop3A_303 = arith.constant 32 : i32
        %parallel_loop3A_304 = vector.broadcast %parallel_loop3A_303 : i32 to vector<16xi32>
        %parallel_loop3A_305 = arith.addi %parallel_loop3A_304, %mul3A_210 : vector<16xi32>
        %parallel_loop3A_306 = arith.mulf %parallel_loop3A_298, %parallel_loop3A_261 : vector<16xf32>
        %parallel_loop3A_307 = arith.constant 0 : i32
        %parallel_loop3A_308 = tpu.memref_slice %arg13[%parallel_loop3A_258, %parallel_loop3A_307] : memref<128x64xf32, #tpu.memory_space<vmem>> -> memref<1x64xf32, #tpu.memory_space<vmem>>
        %parallel_loop3A_309 = tpu.memref_squeeze %parallel_loop3A_308 : memref<1x64xf32, #tpu.memory_space<vmem>> -> memref<64xf32, #tpu.memory_space<vmem>>
        tpu.vector_store_idx %parallel_loop3A_309[%parallel_loop3A_305], %parallel_loop3A_306 : memref<64xf32, #tpu.memory_space<vmem>>[vector<16xi32>], vector<16xf32>,
        %parallel_loop3A_310 = arith.constant 32 : i32
        %parallel_loop3A_311 = vector.broadcast %parallel_loop3A_310 : i32 to vector<16xi32>
        %parallel_loop3A_312 = arith.addi %parallel_loop3A_311, %mul3A_210 : vector<16xi32>
        %parallel_loop3A_313 = arith.constant 1 : i32
        %parallel_loop3A_314 = vector.broadcast %parallel_loop3A_313 : i32 to vector<16xi32>
        %parallel_loop3A_315 = arith.addi %parallel_loop3A_312, %parallel_loop3A_314 : vector<16xi32>
        %parallel_loop3A_316 = arith.mulf %parallel_loop3A_302, %parallel_loop3A_261 : vector<16xf32>
        %parallel_loop3A_317 = arith.constant 0 : i32
        %parallel_loop3A_318 = tpu.memref_slice %arg13[%parallel_loop3A_258, %parallel_loop3A_317] : memref<128x64xf32, #tpu.memory_space<vmem>> -> memref<1x64xf32, #tpu.memory_space<vmem>>
        %parallel_loop3A_319 = tpu.memref_squeeze %parallel_loop3A_318 : memref<1x64xf32, #tpu.memory_space<vmem>> -> memref<64xf32, #tpu.memory_space<vmem>>
        tpu.vector_store_idx %parallel_loop3A_319[%parallel_loop3A_315], %parallel_loop3A_316 : memref<64xf32, #tpu.memory_space<vmem>>[vector<16xi32>], vector<16xf32>,
      } {sc.loop_unroll_factor = 8 : i64, sc.parallel_access}
      %add3A_213 = arith.constant 2 : i32
      %add3A_214 = arith.addi %add3A_199, %add3A_213 : i32
      %lt3A = arith.cmpi slt, %add3A_214, %select_n3A_8 : i32
      %convert_element_type3A_215 = arith.extui %lt3A : i1 to i32
      %cond3A_216 = arith.constant 0 : i32
      %cond3A_217 = arith.cmpi ne, %convert_element_type3A_215, %cond3A_216 : i32
      scf.if %cond3A_217 {
        %add3A_258 = arith.constant 2 : i32
        %add3A_259 = arith.addi %add3A_199, %add3A_258 : i32
        %dma_start3A_260 = arith.constant 0 : i32
        %dma_start3A_261 = tpu.memref_slice %arg8[%add3A_259, %dma_start3A_260] : memref<96x128xi32, #tpu.memory_space<vmem>> -> memref<1x128xi32, #tpu.memory_space<vmem>>
        %dma_start3A_262 = tpu.memref_squeeze %dma_start3A_261 : memref<1x128xi32, #tpu.memory_space<vmem>> -> memref<128xi32, #tpu.memory_space<vmem>>
        %dma_start3A_263 = arith.constant 0 : i32
        %dma_start3A_264 = arith.constant 0 : i32
        %dma_start3A_265 = tpu.memref_slice %arg2[%dma_start3A_263, %dma_start3A_264] : memref<10000x64xbf16, #tpu.memory_space<hbm>> -> memref<10000x64xbf16, #tpu.memory_space<hbm>>
        tpu.enqueue_indirect_dma source(%dma_start3A_265 : memref<10000x64xbf16, #tpu.memory_space<hbm>>) target(%arg11 : memref<128x64xbf16, #tpu.memory_space<vmem>>) offsets(%dma_start3A_262 : memref<128xi32, #tpu.memory_space<vmem>>) semaphore(%arg17 : memref<!tpu.dma_semaphore, #tpu.memory_space<semaphore_mem>>)
      } else {
      }
      %dma_start3A_218 = arith.constant 0 : i32
      %dma_start3A_219 = tpu.memref_slice %arg9[%add3A_199, %dma_start3A_218] : memref<96x128xi32, #tpu.memory_space<vmem>> -> memref<1x128xi32, #tpu.memory_space<vmem>>
      %dma_start3A_220 = tpu.memref_squeeze %dma_start3A_219 : memref<1x128xi32, #tpu.memory_space<vmem>> -> memref<128xi32, #tpu.memory_space<vmem>>
      %dma_start3A_221 = arith.constant 0 : i32
      %dma_start3A_222 = arith.constant 0 : i32
      %dma_start3A_223 = tpu.memref_slice %arg16[%dma_start3A_221, %dma_start3A_222] : memref<10240x64xf32, #tpu.memory_space<vmem_shared>> -> memref<10240x64xf32, #tpu.memory_space<vmem_shared>>
      tpu.enqueue_indirect_dma source(%arg13 : memref<128x64xf32, #tpu.memory_space<vmem>>) target(%dma_start3A_223 : memref<10240x64xf32, #tpu.memory_space<vmem_shared>>) offsets(%dma_start3A_220 : memref<128xi32, #tpu.memory_space<vmem>>) semaphore(%arg19 : memref<!tpu.dma_semaphore, #tpu.memory_space<semaphore_mem>>) {add = true}
      %mul3A_224 = arith.constant 2 : i32
      %mul3A_225 = arith.muli %mul3A_224, %while3A_195 : i32
      %add3A_226 = arith.constant 1 : i32
      %add3A_227 = arith.addi %mul3A_225, %add3A_226 : i32
      %dma_wait3A_228 = arith.constant 0 : i32
      %dma_wait3A_229 = tpu.memref_slice %arg8[%add3A_227, %dma_wait3A_228] : memref<96x128xi32, #tpu.memory_space<vmem>> -> memref<1x128xi32, #tpu.memory_space<vmem>>
      %dma_wait3A_230 = tpu.memref_squeeze %dma_wait3A_229 : memref<1x128xi32, #tpu.memory_space<vmem>> -> memref<128xi32, #tpu.memory_space<vmem>>
      %dma_wait3A_231 = arith.constant 0 : i32
      %dma_wait3A_232 = arith.constant 0 : i32
      %dma_wait3A_233 = tpu.memref_slice %arg2[%dma_wait3A_231, %dma_wait3A_232] : memref<10000x64xbf16, #tpu.memory_space<hbm>> -> memref<10000x64xbf16, #tpu.memory_space<hbm>>
      tpu.wait_indirect_dma semaphore(%arg18 : memref<!tpu.dma_semaphore, #tpu.memory_space<semaphore_mem>>) src(%dma_wait3A_233 : memref<10000x64xbf16, #tpu.memory_space<hbm>>) dst(%arg12 : memref<128x64xbf16, #tpu.memory_space<vmem>>)
      %ge3A_234 = arith.constant 2 : i32
      %ge3A_235 = arith.cmpi sge, %add3A_227, %ge3A_234 : i32
      %convert_element_type3A_236 = arith.extui %ge3A_235 : i1 to i32
      %cond3A_237 = arith.constant 0 : i32
      %cond3A_238 = arith.cmpi ne, %convert_element_type3A_236, %cond3A_237 : i32
      scf.if %cond3A_238 {
        %sub3A_258 = arith.constant 2 : i32
        %sub3A_259 = arith.subi %add3A_227, %sub3A_258 : i32
        %dma_wait3A_260 = arith.constant 0 : i32
        %dma_wait3A_261 = tpu.memref_slice %arg9[%sub3A_259, %dma_wait3A_260] : memref<96x128xi32, #tpu.memory_space<vmem>> -> memref<1x128xi32, #tpu.memory_space<vmem>>
        %dma_wait3A_262 = tpu.memref_squeeze %dma_wait3A_261 : memref<1x128xi32, #tpu.memory_space<vmem>> -> memref<128xi32, #tpu.memory_space<vmem>>
        %dma_wait3A_263 = arith.constant 0 : i32
        %dma_wait3A_264 = arith.constant 0 : i32
        %dma_wait3A_265 = tpu.memref_slice %arg16[%dma_wait3A_263, %dma_wait3A_264] : memref<10240x64xf32, #tpu.memory_space<vmem_shared>> -> memref<10240x64xf32, #tpu.memory_space<vmem_shared>>
        tpu.wait_indirect_dma semaphore(%arg20 : memref<!tpu.dma_semaphore, #tpu.memory_space<semaphore_mem>>) src(%arg14 : memref<128x64xf32, #tpu.memory_space<vmem>>) dst(%dma_wait3A_265 : memref<10240x64xf32, #tpu.memory_space<vmem_shared>>)
      } else {
      }
      %iota3A_239 = tpu.iota {dimensions = array<i32: 0>} : vector<16xi32>
      %mul3A_240 = arith.constant 2 : i32
      %mul3A_241 = vector.broadcast %mul3A_240 : i32 to vector<16xi32>
      %mul3A_242 = arith.muli %mul3A_241, %iota3A_239 : vector<16xi32>
      %parallel_loop3A_243 = arith.constant 0 : i32
      %parallel_loop3A_244 = arith.constant 128 : i32
      %parallel_loop3A_245 = arith.constant 1 : i32
      scf.for %parallel_loop3A_258 = %parallel_loop3A_243 to %parallel_loop3A_244 step %parallel_loop3A_245  : i32 {
        %parallel_loop3A_259 = vector.broadcast %add3A_227 : i32 to vector<16xi32>
        %parallel_loop3A_260 = vector.broadcast %parallel_loop3A_258 : i32 to vector<16xi32>
        %parallel_loop3A_261 = tpu.vector_load_idx %arg10[%parallel_loop3A_259, %parallel_loop3A_260] : memref<96x128xf32, #tpu.memory_space<vmem>>[vector<16xi32>, vector<16xi32>], vector<16xf32>,
        %parallel_loop3A_262 = arith.index_cast %parallel_loop3A_258 : i32 to index
        %parallel_loop3A_263 = arith.constant 0 : index
        %parallel_loop3A_264 = tpu.vector_load %arg12[%parallel_loop3A_262, %parallel_loop3A_263] {strides = array<i32>} : memref<128x64xbf16, #tpu.memory_space<vmem>>, vector<32xbf16>,
        %parallel_loop3A_265 = vector.bitcast %parallel_loop3A_264 : vector<32xbf16> to vector<16xi32>
        %parallel_loop3A_266 = arith.constant 16 : i32
        %parallel_loop3A_267 = vector.broadcast %parallel_loop3A_266 : i32 to vector<16xi32>
        %parallel_loop3A_268 = arith.shli %parallel_loop3A_265, %parallel_loop3A_267 : vector<16xi32>
        %parallel_loop3A_269 = vector.bitcast %parallel_loop3A_268 : vector<16xi32> to vector<16xf32>
        %parallel_loop3A_270 = arith.constant -65536 : i32
        %parallel_loop3A_271 = vector.broadcast %parallel_loop3A_270 : i32 to vector<16xi32>
        %parallel_loop3A_272 = arith.andi %parallel_loop3A_265, %parallel_loop3A_271 : vector<16xi32>
        %parallel_loop3A_273 = vector.bitcast %parallel_loop3A_272 : vector<16xi32> to vector<16xf32>
        %parallel_loop3A_274 = arith.constant 0 : i32
        %parallel_loop3A_275 = vector.broadcast %parallel_loop3A_274 : i32 to vector<16xi32>
        %parallel_loop3A_276 = arith.addi %parallel_loop3A_275, %mul3A_242 : vector<16xi32>
        %parallel_loop3A_277 = arith.mulf %parallel_loop3A_269, %parallel_loop3A_261 : vector<16xf32>
        %parallel_loop3A_278 = arith.constant 0 : i32
        %parallel_loop3A_279 = tpu.memref_slice %arg14[%parallel_loop3A_258, %parallel_loop3A_278] : memref<128x64xf32, #tpu.memory_space<vmem>> -> memref<1x64xf32, #tpu.memory_space<vmem>>
        %parallel_loop3A_280 = tpu.memref_squeeze %parallel_loop3A_279 : memref<1x64xf32, #tpu.memory_space<vmem>> -> memref<64xf32, #tpu.memory_space<vmem>>
        tpu.vector_store_idx %parallel_loop3A_280[%parallel_loop3A_276], %parallel_loop3A_277 : memref<64xf32, #tpu.memory_space<vmem>>[vector<16xi32>], vector<16xf32>,
        %parallel_loop3A_281 = arith.constant 0 : i32
        %parallel_loop3A_282 = vector.broadcast %parallel_loop3A_281 : i32 to vector<16xi32>
        %parallel_loop3A_283 = arith.addi %parallel_loop3A_282, %mul3A_242 : vector<16xi32>
        %parallel_loop3A_284 = arith.constant 1 : i32
        %parallel_loop3A_285 = vector.broadcast %parallel_loop3A_284 : i32 to vector<16xi32>
        %parallel_loop3A_286 = arith.addi %parallel_loop3A_283, %parallel_loop3A_285 : vector<16xi32>
        %parallel_loop3A_287 = arith.mulf %parallel_loop3A_273, %parallel_loop3A_261 : vector<16xf32>
        %parallel_loop3A_288 = arith.constant 0 : i32
        %parallel_loop3A_289 = tpu.memref_slice %arg14[%parallel_loop3A_258, %parallel_loop3A_288] : memref<128x64xf32, #tpu.memory_space<vmem>> -> memref<1x64xf32, #tpu.memory_space<vmem>>
        %parallel_loop3A_290 = tpu.memref_squeeze %parallel_loop3A_289 : memref<1x64xf32, #tpu.memory_space<vmem>> -> memref<64xf32, #tpu.memory_space<vmem>>
        tpu.vector_store_idx %parallel_loop3A_290[%parallel_loop3A_286], %parallel_loop3A_287 : memref<64xf32, #tpu.memory_space<vmem>>[vector<16xi32>], vector<16xf32>,
        %parallel_loop3A_291 = arith.index_cast %parallel_loop3A_258 : i32 to index
        %parallel_loop3A_292 = arith.constant 32 : index
        %parallel_loop3A_293 = tpu.vector_load %arg12[%parallel_loop3A_291, %parallel_loop3A_292] {strides = array<i32>} : memref<128x64xbf16, #tpu.memory_space<vmem>>, vector<32xbf16>,
        %parallel_loop3A_294 = vector.bitcast %parallel_loop3A_293 : vector<32xbf16> to vector<16xi32>
        %parallel_loop3A_295 = arith.constant 16 : i32
        %parallel_loop3A_296 = vector.broadcast %parallel_loop3A_295 : i32 to vector<16xi32>
        %parallel_loop3A_297 = arith.shli %parallel_loop3A_294, %parallel_loop3A_296 : vector<16xi32>
        %parallel_loop3A_298 = vector.bitcast %parallel_loop3A_297 : vector<16xi32> to vector<16xf32>
        %parallel_loop3A_299 = arith.constant -65536 : i32
        %parallel_loop3A_300 = vector.broadcast %parallel_loop3A_299 : i32 to vector<16xi32>
        %parallel_loop3A_301 = arith.andi %parallel_loop3A_294, %parallel_loop3A_300 : vector<16xi32>
        %parallel_loop3A_302 = vector.bitcast %parallel_loop3A_301 : vector<16xi32> to vector<16xf32>
        %parallel_loop3A_303 = arith.constant 32 : i32
        %parallel_loop3A_304 = vector.broadcast %parallel_loop3A_303 : i32 to vector<16xi32>
        %parallel_loop3A_305 = arith.addi %parallel_loop3A_304, %mul3A_242 : vector<16xi32>
        %parallel_loop3A_306 = arith.mulf %parallel_loop3A_298, %parallel_loop3A_261 : vector<16xf32>
        %parallel_loop3A_307 = arith.constant 0 : i32
        %parallel_loop3A_308 = tpu.memref_slice %arg14[%parallel_loop3A_258, %parallel_loop3A_307] : memref<128x64xf32, #tpu.memory_space<vmem>> -> memref<1x64xf32, #tpu.memory_space<vmem>>
        %parallel_loop3A_309 = tpu.memref_squeeze %parallel_loop3A_308 : memref<1x64xf32, #tpu.memory_space<vmem>> -> memref<64xf32, #tpu.memory_space<vmem>>
        tpu.vector_store_idx %parallel_loop3A_309[%parallel_loop3A_305], %parallel_loop3A_306 : memref<64xf32, #tpu.memory_space<vmem>>[vector<16xi32>], vector<16xf32>,
        %parallel_loop3A_310 = arith.constant 32 : i32
        %parallel_loop3A_311 = vector.broadcast %parallel_loop3A_310 : i32 to vector<16xi32>
        %parallel_loop3A_312 = arith.addi %parallel_loop3A_311, %mul3A_242 : vector<16xi32>
        %parallel_loop3A_313 = arith.constant 1 : i32
        %parallel_loop3A_314 = vector.broadcast %parallel_loop3A_313 : i32 to vector<16xi32>
        %parallel_loop3A_315 = arith.addi %parallel_loop3A_312, %parallel_loop3A_314 : vector<16xi32>
        %parallel_loop3A_316 = arith.mulf %parallel_loop3A_302, %parallel_loop3A_261 : vector<16xf32>
        %parallel_loop3A_317 = arith.constant 0 : i32
        %parallel_loop3A_318 = tpu.memref_slice %arg14[%parallel_loop3A_258, %parallel_loop3A_317] : memref<128x64xf32, #tpu.memory_space<vmem>> -> memref<1x64xf32, #tpu.memory_space<vmem>>
        %parallel_loop3A_319 = tpu.memref_squeeze %parallel_loop3A_318 : memref<1x64xf32, #tpu.memory_space<vmem>> -> memref<64xf32, #tpu.memory_space<vmem>>
        tpu.vector_store_idx %parallel_loop3A_319[%parallel_loop3A_315], %parallel_loop3A_316 : memref<64xf32, #tpu.memory_space<vmem>>[vector<16xi32>], vector<16xf32>,
      } {sc.loop_unroll_factor = 8 : i64, sc.parallel_access}
      %add3A_246 = arith.constant 2 : i32
      %add3A_247 = arith.addi %add3A_227, %add3A_246 : i32
      %lt3A_248 = arith.cmpi slt, %add3A_247, %select_n3A_8 : i32
      %convert_element_type3A_249 = arith.extui %lt3A_248 : i1 to i32
      %cond3A_250 = arith.constant 0 : i32
      %cond3A_251 = arith.cmpi ne, %convert_element_type3A_249, %cond3A_250 : i32
      scf.if %cond3A_251 {
        %add3A_258 = arith.constant 2 : i32
        %add3A_259 = arith.addi %add3A_227, %add3A_258 : i32
        %dma_start3A_260 = arith.constant 0 : i32
        %dma_start3A_261 = tpu.memref_slice %arg8[%add3A_259, %dma_start3A_260] : memref<96x128xi32, #tpu.memory_space<vmem>> -> memref<1x128xi32, #tpu.memory_space<vmem>>
        %dma_start3A_262 = tpu.memref_squeeze %dma_start3A_261 : memref<1x128xi32, #tpu.memory_space<vmem>> -> memref<128xi32, #tpu.memory_space<vmem>>
        %dma_start3A_263 = arith.constant 0 : i32
        %dma_start3A_264 = arith.constant 0 : i32
        %dma_start3A_265 = tpu.memref_slice %arg2[%dma_start3A_263, %dma_start3A_264] : memref<10000x64xbf16, #tpu.memory_space<hbm>> -> memref<10000x64xbf16, #tpu.memory_space<hbm>>
        tpu.enqueue_indirect_dma source(%dma_start3A_265 : memref<10000x64xbf16, #tpu.memory_space<hbm>>) target(%arg12 : memref<128x64xbf16, #tpu.memory_space<vmem>>) offsets(%dma_start3A_262 : memref<128xi32, #tpu.memory_space<vmem>>) semaphore(%arg18 : memref<!tpu.dma_semaphore, #tpu.memory_space<semaphore_mem>>)
      } else {
      }
      %dma_start3A_252 = arith.constant 0 : i32
      %dma_start3A_253 = tpu.memref_slice %arg9[%add3A_227, %dma_start3A_252] : memref<96x128xi32, #tpu.memory_space<vmem>> -> memref<1x128xi32, #tpu.memory_space<vmem>>
      %dma_start3A_254 = tpu.memref_squeeze %dma_start3A_253 : memref<1x128xi32, #tpu.memory_space<vmem>> -> memref<128xi32, #tpu.memory_space<vmem>>
      %dma_start3A_255 = arith.constant 0 : i32
      %dma_start3A_256 = arith.constant 0 : i32
      %dma_start3A_257 = tpu.memref_slice %arg16[%dma_start3A_255, %dma_start3A_256] : memref<10240x64xf32, #tpu.memory_space<vmem_shared>> -> memref<10240x64xf32, #tpu.memory_space<vmem_shared>>
      tpu.enqueue_indirect_dma source(%arg14 : memref<128x64xf32, #tpu.memory_space<vmem>>) target(%dma_start3A_257 : memref<10240x64xf32, #tpu.memory_space<vmem_shared>>) offsets(%dma_start3A_254 : memref<128xi32, #tpu.memory_space<vmem>>) semaphore(%arg20 : memref<!tpu.dma_semaphore, #tpu.memory_space<semaphore_mem>>) {add = true}
    }
    %while3A_73 = arith.constant 1 : i32
    scf.for %while3A_195 = %while3A_71 to %while3A_67 step %while3A_73  : i32 {
      %mul3A_196 = arith.constant 2 : i32
      %mul3A_197 = arith.muli %mul3A_196, %while3A_195 : i32
      %add3A_198 = arith.constant 0 : i32
      %add3A_199 = arith.addi %mul3A_197, %add3A_198 : i32
      %dma_wait3A_200 = arith.constant 0 : i32
      %dma_wait3A_201 = tpu.memref_slice %arg8[%add3A_199, %dma_wait3A_200] : memref<96x128xi32, #tpu.memory_space<vmem>> -> memref<1x128xi32, #tpu.memory_space<vmem>>
      %dma_wait3A_202 = tpu.memref_squeeze %dma_wait3A_201 : memref<1x128xi32, #tpu.memory_space<vmem>> -> memref<128xi32, #tpu.memory_space<vmem>>
      %dma_wait3A_203 = arith.constant 0 : i32
      %dma_wait3A_204 = arith.constant 0 : i32
      %dma_wait3A_205 = tpu.memref_slice %arg2[%dma_wait3A_203, %dma_wait3A_204] : memref<10000x64xbf16, #tpu.memory_space<hbm>> -> memref<10000x64xbf16, #tpu.memory_space<hbm>>
      tpu.wait_indirect_dma semaphore(%arg17 : memref<!tpu.dma_semaphore, #tpu.memory_space<semaphore_mem>>) src(%dma_wait3A_205 : memref<10000x64xbf16, #tpu.memory_space<hbm>>) dst(%arg11 : memref<128x64xbf16, #tpu.memory_space<vmem>>)
      %ge3A = arith.constant 2 : i32
      %ge3A_206 = arith.cmpi sge, %add3A_199, %ge3A : i32
      %convert_element_type3A = arith.extui %ge3A_206 : i1 to i32
      %cond3A = arith.constant 0 : i32
      %cond3A_207 = arith.cmpi ne, %convert_element_type3A, %cond3A : i32
      scf.if %cond3A_207 {
        %sub3A_258 = arith.constant 2 : i32
        %sub3A_259 = arith.subi %add3A_199, %sub3A_258 : i32
        %dma_wait3A_260 = arith.constant 0 : i32
        %dma_wait3A_261 = tpu.memref_slice %arg9[%sub3A_259, %dma_wait3A_260] : memref<96x128xi32, #tpu.memory_space<vmem>> -> memref<1x128xi32, #tpu.memory_space<vmem>>
        %dma_wait3A_262 = tpu.memref_squeeze %dma_wait3A_261 : memref<1x128xi32, #tpu.memory_space<vmem>> -> memref<128xi32, #tpu.memory_space<vmem>>
        %dma_wait3A_263 = arith.constant 0 : i32
        %dma_wait3A_264 = arith.constant 0 : i32
        %dma_wait3A_265 = tpu.memref_slice %arg16[%dma_wait3A_263, %dma_wait3A_264] : memref<10240x64xf32, #tpu.memory_space<vmem_shared>> -> memref<10240x64xf32, #tpu.memory_space<vmem_shared>>
        tpu.wait_indirect_dma semaphore(%arg19 : memref<!tpu.dma_semaphore, #tpu.memory_space<semaphore_mem>>) src(%arg13 : memref<128x64xf32, #tpu.memory_space<vmem>>) dst(%dma_wait3A_265 : memref<10240x64xf32, #tpu.memory_space<vmem_shared>>)
      } else {
      }
      %iota3A = tpu.iota {dimensions = array<i32: 0>} : vector<16xi32>
      %mul3A_208 = arith.constant 2 : i32
      %mul3A_209 = vector.broadcast %mul3A_208 : i32 to vector<16xi32>
      %mul3A_210 = arith.muli %mul3A_209, %iota3A : vector<16xi32>
      %parallel_loop3A = arith.constant 0 : i32
      %parallel_loop3A_211 = arith.constant 128 : i32
      %parallel_loop3A_212 = arith.constant 1 : i32
      scf.for %parallel_loop3A_258 = %parallel_loop3A to %parallel_loop3A_211 step %parallel_loop3A_212  : i32 {
        %parallel_loop3A_259 = vector.broadcast %add3A_199 : i32 to vector<16xi32>
        %parallel_loop3A_260 = vector.broadcast %parallel_loop3A_258 : i32 to vector<16xi32>
        %parallel_loop3A_261 = tpu.vector_load_idx %arg10[%parallel_loop3A_259, %parallel_loop3A_260] : memref<96x128xf32, #tpu.memory_space<vmem>>[vector<16xi32>, vector<16xi32>], vector<16xf32>,
        %parallel_loop3A_262 = arith.index_cast %parallel_loop3A_258 : i32 to index
        %parallel_loop3A_263 = arith.constant 0 : index
        %parallel_loop3A_264 = tpu.vector_load %arg11[%parallel_loop3A_262, %parallel_loop3A_263] {strides = array<i32>} : memref<128x64xbf16, #tpu.memory_space<vmem>>, vector<32xbf16>,
        %parallel_loop3A_265 = vector.bitcast %parallel_loop3A_264 : vector<32xbf16> to vector<16xi32>
        %parallel_loop3A_266 = arith.constant 16 : i32
        %parallel_loop3A_267 = vector.broadcast %parallel_loop3A_266 : i32 to vector<16xi32>
        %parallel_loop3A_268 = arith.shli %parallel_loop3A_265, %parallel_loop3A_267 : vector<16xi32>
        %parallel_loop3A_269 = vector.bitcast %parallel_loop3A_268 : vector<16xi32> to vector<16xf32>
        %parallel_loop3A_270 = arith.constant -65536 : i32
        %parallel_loop3A_271 = vector.broadcast %parallel_loop3A_270 : i32 to vector<16xi32>
        %parallel_loop3A_272 = arith.andi %parallel_loop3A_265, %parallel_loop3A_271 : vector<16xi32>
        %parallel_loop3A_273 = vector.bitcast %parallel_loop3A_272 : vector<16xi32> to vector<16xf32>
        %parallel_loop3A_274 = arith.constant 0 : i32
        %parallel_loop3A_275 = vector.broadcast %parallel_loop3A_274 : i32 to vector<16xi32>
        %parallel_loop3A_276 = arith.addi %parallel_loop3A_275, %mul3A_210 : vector<16xi32>
        %parallel_loop3A_277 = arith.mulf %parallel_loop3A_269, %parallel_loop3A_261 : vector<16xf32>
        %parallel_loop3A_278 = arith.constant 0 : i32
        %parallel_loop3A_279 = tpu.memref_slice %arg13[%parallel_loop3A_258, %parallel_loop3A_278] : memref<128x64xf32, #tpu.memory_space<vmem>> -> memref<1x64xf32, #tpu.memory_space<vmem>>
        %parallel_loop3A_280 = tpu.memref_squeeze %parallel_loop3A_279 : memref<1x64xf32, #tpu.memory_space<vmem>> -> memref<64xf32, #tpu.memory_space<vmem>>
        tpu.vector_store_idx %parallel_loop3A_280[%parallel_loop3A_276], %parallel_loop3A_277 : memref<64xf32, #tpu.memory_space<vmem>>[vector<16xi32>], vector<16xf32>,
        %parallel_loop3A_281 = arith.constant 0 : i32
        %parallel_loop3A_282 = vector.broadcast %parallel_loop3A_281 : i32 to vector<16xi32>
        %parallel_loop3A_283 = arith.addi %parallel_loop3A_282, %mul3A_210 : vector<16xi32>
        %parallel_loop3A_284 = arith.constant 1 : i32
        %parallel_loop3A_285 = vector.broadcast %parallel_loop3A_284 : i32 to vector<16xi32>
        %parallel_loop3A_286 = arith.addi %parallel_loop3A_283, %parallel_loop3A_285 : vector<16xi32>
        %parallel_loop3A_287 = arith.mulf %parallel_loop3A_273, %parallel_loop3A_261 : vector<16xf32>
        %parallel_loop3A_288 = arith.constant 0 : i32
        %parallel_loop3A_289 = tpu.memref_slice %arg13[%parallel_loop3A_258, %parallel_loop3A_288] : memref<128x64xf32, #tpu.memory_space<vmem>> -> memref<1x64xf32, #tpu.memory_space<vmem>>
        %parallel_loop3A_290 = tpu.memref_squeeze %parallel_loop3A_289 : memref<1x64xf32, #tpu.memory_space<vmem>> -> memref<64xf32, #tpu.memory_space<vmem>>
        tpu.vector_store_idx %parallel_loop3A_290[%parallel_loop3A_286], %parallel_loop3A_287 : memref<64xf32, #tpu.memory_space<vmem>>[vector<16xi32>], vector<16xf32>,
        %parallel_loop3A_291 = arith.index_cast %parallel_loop3A_258 : i32 to index
        %parallel_loop3A_292 = arith.constant 32 : index
        %parallel_loop3A_293 = tpu.vector_load %arg11[%parallel_loop3A_291, %parallel_loop3A_292] {strides = array<i32>} : memref<128x64xbf16, #tpu.memory_space<vmem>>, vector<32xbf16>,
        %parallel_loop3A_294 = vector.bitcast %parallel_loop3A_293 : vector<32xbf16> to vector<16xi32>
        %parallel_loop3A_295 = arith.constant 16 : i32
        %parallel_loop3A_296 = vector.broadcast %parallel_loop3A_295 : i32 to vector<16xi32>
        %parallel_loop3A_297 = arith.shli %parallel_loop3A_294, %parallel_loop3A_296 : vector<16xi32>
        %parallel_loop3A_298 = vector.bitcast %parallel_loop3A_297 : vector<16xi32> to vector<16xf32>
        %parallel_loop3A_299 = arith.constant -65536 : i32
        %parallel_loop3A_300 = vector.broadcast %parallel_loop3A_299 : i32 to vector<16xi32>
        %parallel_loop3A_301 = arith.andi %parallel_loop3A_294, %parallel_loop3A_300 : vector<16xi32>
        %parallel_loop3A_302 = vector.bitcast %parallel_loop3A_301 : vector<16xi32> to vector<16xf32>
        %parallel_loop3A_303 = arith.constant 32 : i32
        %parallel_loop3A_304 = vector.broadcast %parallel_loop3A_303 : i32 to vector<16xi32>
        %parallel_loop3A_305 = arith.addi %parallel_loop3A_304, %mul3A_210 : vector<16xi32>
        %parallel_loop3A_306 = arith.mulf %parallel_loop3A_298, %parallel_loop3A_261 : vector<16xf32>
        %parallel_loop3A_307 = arith.constant 0 : i32
        %parallel_loop3A_308 = tpu.memref_slice %arg13[%parallel_loop3A_258, %parallel_loop3A_307] : memref<128x64xf32, #tpu.memory_space<vmem>> -> memref<1x64xf32, #tpu.memory_space<vmem>>
        %parallel_loop3A_309 = tpu.memref_squeeze %parallel_loop3A_308 : memref<1x64xf32, #tpu.memory_space<vmem>> -> memref<64xf32, #tpu.memory_space<vmem>>
        tpu.vector_store_idx %parallel_loop3A_309[%parallel_loop3A_305], %parallel_loop3A_306 : memref<64xf32, #tpu.memory_space<vmem>>[vector<16xi32>], vector<16xf32>,
        %parallel_loop3A_310 = arith.constant 32 : i32
        %parallel_loop3A_311 = vector.broadcast %parallel_loop3A_310 : i32 to vector<16xi32>
        %parallel_loop3A_312 = arith.addi %parallel_loop3A_311, %mul3A_210 : vector<16xi32>
        %parallel_loop3A_313 = arith.constant 1 : i32
        %parallel_loop3A_314 = vector.broadcast %parallel_loop3A_313 : i32 to vector<16xi32>
        %parallel_loop3A_315 = arith.addi %parallel_loop3A_312, %parallel_loop3A_314 : vector<16xi32>
        %parallel_loop3A_316 = arith.mulf %parallel_loop3A_302, %parallel_loop3A_261 : vector<16xf32>
        %parallel_loop3A_317 = arith.constant 0 : i32
        %parallel_loop3A_318 = tpu.memref_slice %arg13[%parallel_loop3A_258, %parallel_loop3A_317] : memref<128x64xf32, #tpu.memory_space<vmem>> -> memref<1x64xf32, #tpu.memory_space<vmem>>
        %parallel_loop3A_319 = tpu.memref_squeeze %parallel_loop3A_318 : memref<1x64xf32, #tpu.memory_space<vmem>> -> memref<64xf32, #tpu.memory_space<vmem>>
        tpu.vector_store_idx %parallel_loop3A_319[%parallel_loop3A_315], %parallel_loop3A_316 : memref<64xf32, #tpu.memory_space<vmem>>[vector<16xi32>], vector<16xf32>,
      } {sc.loop_unroll_factor = 8 : i64, sc.parallel_access}
      %add3A_213 = arith.constant 2 : i32
      %add3A_214 = arith.addi %add3A_199, %add3A_213 : i32
      %lt3A = arith.cmpi slt, %add3A_214, %select_n3A_8 : i32
      %convert_element_type3A_215 = arith.extui %lt3A : i1 to i32
      %cond3A_216 = arith.constant 0 : i32
      %cond3A_217 = arith.cmpi ne, %convert_element_type3A_215, %cond3A_216 : i32
      scf.if %cond3A_217 {
        %add3A_258 = arith.constant 2 : i32
        %add3A_259 = arith.addi %add3A_199, %add3A_258 : i32
        %dma_start3A_260 = arith.constant 0 : i32
        %dma_start3A_261 = tpu.memref_slice %arg8[%add3A_259, %dma_start3A_260] : memref<96x128xi32, #tpu.memory_space<vmem>> -> memref<1x128xi32, #tpu.memory_space<vmem>>
        %dma_start3A_262 = tpu.memref_squeeze %dma_start3A_261 : memref<1x128xi32, #tpu.memory_space<vmem>> -> memref<128xi32, #tpu.memory_space<vmem>>
        %dma_start3A_263 = arith.constant 0 : i32
        %dma_start3A_264 = arith.constant 0 : i32
        %dma_start3A_265 = tpu.memref_slice %arg2[%dma_start3A_263, %dma_start3A_264] : memref<10000x64xbf16, #tpu.memory_space<hbm>> -> memref<10000x64xbf16, #tpu.memory_space<hbm>>
        tpu.enqueue_indirect_dma source(%dma_start3A_265 : memref<10000x64xbf16, #tpu.memory_space<hbm>>) target(%arg11 : memref<128x64xbf16, #tpu.memory_space<vmem>>) offsets(%dma_start3A_262 : memref<128xi32, #tpu.memory_space<vmem>>) semaphore(%arg17 : memref<!tpu.dma_semaphore, #tpu.memory_space<semaphore_mem>>)
      } else {
      }
      %dma_start3A_218 = arith.constant 0 : i32
      %dma_start3A_219 = tpu.memref_slice %arg9[%add3A_199, %dma_start3A_218] : memref<96x128xi32, #tpu.memory_space<vmem>> -> memref<1x128xi32, #tpu.memory_space<vmem>>
      %dma_start3A_220 = tpu.memref_squeeze %dma_start3A_219 : memref<1x128xi32, #tpu.memory_space<vmem>> -> memref<128xi32, #tpu.memory_space<vmem>>
      %dma_start3A_221 = arith.constant 0 : i32
      %dma_start3A_222 = arith.constant 0 : i32
      %dma_start3A_223 = tpu.memref_slice %arg16[%dma_start3A_221, %dma_start3A_222] : memref<10240x64xf32, #tpu.memory_space<vmem_shared>> -> memref<10240x64xf32, #tpu.memory_space<vmem_shared>>
      tpu.enqueue_indirect_dma source(%arg13 : memref<128x64xf32, #tpu.memory_space<vmem>>) target(%dma_start3A_223 : memref<10240x64xf32, #tpu.memory_space<vmem_shared>>) offsets(%dma_start3A_220 : memref<128xi32, #tpu.memory_space<vmem>>) semaphore(%arg19 : memref<!tpu.dma_semaphore, #tpu.memory_space<semaphore_mem>>) {add = true}
      %mul3A_224 = arith.constant 2 : i32
      %mul3A_225 = arith.muli %mul3A_224, %while3A_195 : i32
      %add3A_226 = arith.constant 1 : i32
      %add3A_227 = arith.addi %mul3A_225, %add3A_226 : i32
      %dma_wait3A_228 = arith.constant 0 : i32
      %dma_wait3A_229 = tpu.memref_slice %arg8[%add3A_227, %dma_wait3A_228] : memref<96x128xi32, #tpu.memory_space<vmem>> -> memref<1x128xi32, #tpu.memory_space<vmem>>
      %dma_wait3A_230 = tpu.memref_squeeze %dma_wait3A_229 : memref<1x128xi32, #tpu.memory_space<vmem>> -> memref<128xi32, #tpu.memory_space<vmem>>
      %dma_wait3A_231 = arith.constant 0 : i32
      %dma_wait3A_232 = arith.constant 0 : i32
      %dma_wait3A_233 = tpu.memref_slice %arg2[%dma_wait3A_231, %dma_wait3A_232] : memref<10000x64xbf16, #tpu.memory_space<hbm>> -> memref<10000x64xbf16, #tpu.memory_space<hbm>>
      tpu.wait_indirect_dma semaphore(%arg18 : memref<!tpu.dma_semaphore, #tpu.memory_space<semaphore_mem>>) src(%dma_wait3A_233 : memref<10000x64xbf16, #tpu.memory_space<hbm>>) dst(%arg12 : memref<128x64xbf16, #tpu.memory_space<vmem>>)
      %ge3A_234 = arith.constant 2 : i32
      %ge3A_235 = arith.cmpi sge, %add3A_227, %ge3A_234 : i32
      %convert_element_type3A_236 = arith.extui %ge3A_235 : i1 to i32
      %cond3A_237 = arith.constant 0 : i32
      %cond3A_238 = arith.cmpi ne, %convert_element_type3A_236, %cond3A_237 : i32
      scf.if %cond3A_238 {
        %sub3A_258 = arith.constant 2 : i32
        %sub3A_259 = arith.subi %add3A_227, %sub3A_258 : i32
        %dma_wait3A_260 = arith.constant 0 : i32
        %dma_wait3A_261 = tpu.memref_slice %arg9[%sub3A_259, %dma_wait3A_260] : memref<96x128xi32, #tpu.memory_space<vmem>> -> memref<1x128xi32, #tpu.memory_space<vmem>>
        %dma_wait3A_262 = tpu.memref_squeeze %dma_wait3A_261 : memref<1x128xi32, #tpu.memory_space<vmem>> -> memref<128xi32, #tpu.memory_space<vmem>>
        %dma_wait3A_263 = arith.constant 0 : i32
        %dma_wait3A_264 = arith.constant 0 : i32
        %dma_wait3A_265 = tpu.memref_slice %arg16[%dma_wait3A_263, %dma_wait3A_264] : memref<10240x64xf32, #tpu.memory_space<vmem_shared>> -> memref<10240x64xf32, #tpu.memory_space<vmem_shared>>
        tpu.wait_indirect_dma semaphore(%arg20 : memref<!tpu.dma_semaphore, #tpu.memory_space<semaphore_mem>>) src(%arg14 : memref<128x64xf32, #tpu.memory_space<vmem>>) dst(%dma_wait3A_265 : memref<10240x64xf32, #tpu.memory_space<vmem_shared>>)
      } else {
      }
      %iota3A_239 = tpu.iota {dimensions = array<i32: 0>} : vector<16xi32>
      %mul3A_240 = arith.constant 2 : i32
      %mul3A_241 = vector.broadcast %mul3A_240 : i32 to vector<16xi32>
      %mul3A_242 = arith.muli %mul3A_241, %iota3A_239 : vector<16xi32>
      %parallel_loop3A_243 = arith.constant 0 : i32
      %parallel_loop3A_244 = arith.constant 128 : i32
      %parallel_loop3A_245 = arith.constant 1 : i32
      scf.for %parallel_loop3A_258 = %parallel_loop3A_243 to %parallel_loop3A_244 step %parallel_loop3A_245  : i32 {
        %parallel_loop3A_259 = vector.broadcast %add3A_227 : i32 to vector<16xi32>
        %parallel_loop3A_260 = vector.broadcast %parallel_loop3A_258 : i32 to vector<16xi32>
        %parallel_loop3A_261 = tpu.vector_load_idx %arg10[%parallel_loop3A_259, %parallel_loop3A_260] : memref<96x128xf32, #tpu.memory_space<vmem>>[vector<16xi32>, vector<16xi32>], vector<16xf32>,
        %parallel_loop3A_262 = arith.index_cast %parallel_loop3A_258 : i32 to index
        %parallel_loop3A_263 = arith.constant 0 : index
        %parallel_loop3A_264 = tpu.vector_load %arg12[%parallel_loop3A_262, %parallel_loop3A_263] {strides = array<i32>} : memref<128x64xbf16, #tpu.memory_space<vmem>>, vector<32xbf16>,
        %parallel_loop3A_265 = vector.bitcast %parallel_loop3A_264 : vector<32xbf16> to vector<16xi32>
        %parallel_loop3A_266 = arith.constant 16 : i32
        %parallel_loop3A_267 = vector.broadcast %parallel_loop3A_266 : i32 to vector<16xi32>
        %parallel_loop3A_268 = arith.shli %parallel_loop3A_265, %parallel_loop3A_267 : vector<16xi32>
        %parallel_loop3A_269 = vector.bitcast %parallel_loop3A_268 : vector<16xi32> to vector<16xf32>
        %parallel_loop3A_270 = arith.constant -65536 : i32
        %parallel_loop3A_271 = vector.broadcast %parallel_loop3A_270 : i32 to vector<16xi32>
        %parallel_loop3A_272 = arith.andi %parallel_loop3A_265, %parallel_loop3A_271 : vector<16xi32>
        %parallel_loop3A_273 = vector.bitcast %parallel_loop3A_272 : vector<16xi32> to vector<16xf32>
        %parallel_loop3A_274 = arith.constant 0 : i32
        %parallel_loop3A_275 = vector.broadcast %parallel_loop3A_274 : i32 to vector<16xi32>
        %parallel_loop3A_276 = arith.addi %parallel_loop3A_275, %mul3A_242 : vector<16xi32>
        %parallel_loop3A_277 = arith.mulf %parallel_loop3A_269, %parallel_loop3A_261 : vector<16xf32>
        %parallel_loop3A_278 = arith.constant 0 : i32
        %parallel_loop3A_279 = tpu.memref_slice %arg14[%parallel_loop3A_258, %parallel_loop3A_278] : memref<128x64xf32, #tpu.memory_space<vmem>> -> memref<1x64xf32, #tpu.memory_space<vmem>>
        %parallel_loop3A_280 = tpu.memref_squeeze %parallel_loop3A_279 : memref<1x64xf32, #tpu.memory_space<vmem>> -> memref<64xf32, #tpu.memory_space<vmem>>
        tpu.vector_store_idx %parallel_loop3A_280[%parallel_loop3A_276], %parallel_loop3A_277 : memref<64xf32, #tpu.memory_space<vmem>>[vector<16xi32>], vector<16xf32>,
        %parallel_loop3A_281 = arith.constant 0 : i32
        %parallel_loop3A_282 = vector.broadcast %parallel_loop3A_281 : i32 to vector<16xi32>
        %parallel_loop3A_283 = arith.addi %parallel_loop3A_282, %mul3A_242 : vector<16xi32>
        %parallel_loop3A_284 = arith.constant 1 : i32
        %parallel_loop3A_285 = vector.broadcast %parallel_loop3A_284 : i32 to vector<16xi32>
        %parallel_loop3A_286 = arith.addi %parallel_loop3A_283, %parallel_loop3A_285 : vector<16xi32>
        %parallel_loop3A_287 = arith.mulf %parallel_loop3A_273, %parallel_loop3A_261 : vector<16xf32>
        %parallel_loop3A_288 = arith.constant 0 : i32
        %parallel_loop3A_289 = tpu.memref_slice %arg14[%parallel_loop3A_258, %parallel_loop3A_288] : memref<128x64xf32, #tpu.memory_space<vmem>> -> memref<1x64xf32, #tpu.memory_space<vmem>>
        %parallel_loop3A_290 = tpu.memref_squeeze %parallel_loop3A_289 : memref<1x64xf32, #tpu.memory_space<vmem>> -> memref<64xf32, #tpu.memory_space<vmem>>
        tpu.vector_store_idx %parallel_loop3A_290[%parallel_loop3A_286], %parallel_loop3A_287 : memref<64xf32, #tpu.memory_space<vmem>>[vector<16xi32>], vector<16xf32>,
        %parallel_loop3A_291 = arith.index_cast %parallel_loop3A_258 : i32 to index
        %parallel_loop3A_292 = arith.constant 32 : index
        %parallel_loop3A_293 = tpu.vector_load %arg12[%parallel_loop3A_291, %parallel_loop3A_292] {strides = array<i32>} : memref<128x64xbf16, #tpu.memory_space<vmem>>, vector<32xbf16>,
        %parallel_loop3A_294 = vector.bitcast %parallel_loop3A_293 : vector<32xbf16> to vector<16xi32>
        %parallel_loop3A_295 = arith.constant 16 : i32
        %parallel_loop3A_296 = vector.broadcast %parallel_loop3A_295 : i32 to vector<16xi32>
        %parallel_loop3A_297 = arith.shli %parallel_loop3A_294, %parallel_loop3A_296 : vector<16xi32>
        %parallel_loop3A_298 = vector.bitcast %parallel_loop3A_297 : vector<16xi32> to vector<16xf32>
        %parallel_loop3A_299 = arith.constant -65536 : i32
        %parallel_loop3A_300 = vector.broadcast %parallel_loop3A_299 : i32 to vector<16xi32>
        %parallel_loop3A_301 = arith.andi %parallel_loop3A_294, %parallel_loop3A_300 : vector<16xi32>
        %parallel_loop3A_302 = vector.bitcast %parallel_loop3A_301 : vector<16xi32> to vector<16xf32>
        %parallel_loop3A_303 = arith.constant 32 : i32
        %parallel_loop3A_304 = vector.broadcast %parallel_loop3A_303 : i32 to vector<16xi32>
        %parallel_loop3A_305 = arith.addi %parallel_loop3A_304, %mul3A_242 : vector<16xi32>
        %parallel_loop3A_306 = arith.mulf %parallel_loop3A_298, %parallel_loop3A_261 : vector<16xf32>
        %parallel_loop3A_307 = arith.constant 0 : i32
        %parallel_loop3A_308 = tpu.memref_slice %arg14[%parallel_loop3A_258, %parallel_loop3A_307] : memref<128x64xf32, #tpu.memory_space<vmem>> -> memref<1x64xf32, #tpu.memory_space<vmem>>
        %parallel_loop3A_309 = tpu.memref_squeeze %parallel_loop3A_308 : memref<1x64xf32, #tpu.memory_space<vmem>> -> memref<64xf32, #tpu.memory_space<vmem>>
        tpu.vector_store_idx %parallel_loop3A_309[%parallel_loop3A_305], %parallel_loop3A_306 : memref<64xf32, #tpu.memory_space<vmem>>[vector<16xi32>], vector<16xf32>,
        %parallel_loop3A_310 = arith.constant 32 : i32
        %parallel_loop3A_311 = vector.broadcast %parallel_loop3A_310 : i32 to vector<16xi32>
        %parallel_loop3A_312 = arith.addi %parallel_loop3A_311, %mul3A_242 : vector<16xi32>
        %parallel_loop3A_313 = arith.constant 1 : i32
        %parallel_loop3A_314 = vector.broadcast %parallel_loop3A_313 : i32 to vector<16xi32>
        %parallel_loop3A_315 = arith.addi %parallel_loop3A_312, %parallel_loop3A_314 : vector<16xi32>
        %parallel_loop3A_316 = arith.mulf %parallel_loop3A_302, %parallel_loop3A_261 : vector<16xf32>
        %parallel_loop3A_317 = arith.constant 0 : i32
        %parallel_loop3A_318 = tpu.memref_slice %arg14[%parallel_loop3A_258, %parallel_loop3A_317] : memref<128x64xf32, #tpu.memory_space<vmem>> -> memref<1x64xf32, #tpu.memory_space<vmem>>
        %parallel_loop3A_319 = tpu.memref_squeeze %parallel_loop3A_318 : memref<1x64xf32, #tpu.memory_space<vmem>> -> memref<64xf32, #tpu.memory_space<vmem>>
        tpu.vector_store_idx %parallel_loop3A_319[%parallel_loop3A_315], %parallel_loop3A_316 : memref<64xf32, #tpu.memory_space<vmem>>[vector<16xi32>], vector<16xf32>,
      } {sc.loop_unroll_factor = 8 : i64, sc.parallel_access}
      %add3A_246 = arith.constant 2 : i32
      %add3A_247 = arith.addi %add3A_227, %add3A_246 : i32
      %lt3A_248 = arith.cmpi slt, %add3A_247, %select_n3A_8 : i32
      %convert_element_type3A_249 = arith.extui %lt3A_248 : i1 to i32
      %cond3A_250 = arith.constant 0 : i32
      %cond3A_251 = arith.cmpi ne, %convert_element_type3A_249, %cond3A_250 : i32
      scf.if %cond3A_251 {
        %add3A_258 = arith.constant 2 : i32
        %add3A_259 = arith.addi %add3A_227, %add3A_258 : i32
        %dma_start3A_260 = arith.constant 0 : i32
        %dma_start3A_261 = tpu.memref_slice %arg8[%add3A_259, %dma_start3A_260] : memref<96x128xi32, #tpu.memory_space<vmem>> -> memref<1x128xi32, #tpu.memory_space<vmem>>
        %dma_start3A_262 = tpu.memref_squeeze %dma_start3A_261 : memref<1x128xi32, #tpu.memory_space<vmem>> -> memref<128xi32, #tpu.memory_space<vmem>>
        %dma_start3A_263 = arith.constant 0 : i32
        %dma_start3A_264 = arith.constant 0 : i32
        %dma_start3A_265 = tpu.memref_slice %arg2[%dma_start3A_263, %dma_start3A_264] : memref<10000x64xbf16, #tpu.memory_space<hbm>> -> memref<10000x64xbf16, #tpu.memory_space<hbm>>
        tpu.enqueue_indirect_dma source(%dma_start3A_265 : memref<10000x64xbf16, #tpu.memory_space<hbm>>) target(%arg12 : memref<128x64xbf16, #tpu.memory_space<vmem>>) offsets(%dma_start3A_262 : memref<128xi32, #tpu.memory_space<vmem>>) semaphore(%arg18 : memref<!tpu.dma_semaphore, #tpu.memory_space<semaphore_mem>>)
      } else {
      }
      %dma_start3A_252 = arith.constant 0 : i32
      %dma_start3A_253 = tpu.memref_slice %arg9[%add3A_227, %dma_start3A_252] : memref<96x128xi32, #tpu.memory_space<vmem>> -> memref<1x128xi32, #tpu.memory_space<vmem>>
      %dma_start3A_254 = tpu.memref_squeeze %dma_start3A_253 : memref<1x128xi32, #tpu.memory_space<vmem>> -> memref<128xi32, #tpu.memory_space<vmem>>
      %dma_start3A_255 = arith.constant 0 : i32
      %dma_start3A_256 = arith.constant 0 : i32
      %dma_start3A_257 = tpu.memref_slice %arg16[%dma_start3A_255, %dma_start3A_256] : memref<10240x64xf32, #tpu.memory_space<vmem_shared>> -> memref<10240x64xf32, #tpu.memory_space<vmem_shared>>
      tpu.enqueue_indirect_dma source(%arg14 : memref<128x64xf32, #tpu.memory_space<vmem>>) target(%dma_start3A_257 : memref<10240x64xf32, #tpu.memory_space<vmem_shared>>) offsets(%dma_start3A_254 : memref<128xi32, #tpu.memory_space<vmem>>) semaphore(%arg20 : memref<!tpu.dma_semaphore, #tpu.memory_space<semaphore_mem>>) {add = true}
    }
    %sub3A_74 = arith.constant 2 : i32
    %sub3A_75 = arith.subi %select_n3A_8, %sub3A_74 : i32
    %add3A_76 = arith.constant 0 : i32
    %add3A_77 = arith.addi %sub3A_75, %add3A_76 : i32
    %dma_wait3A = arith.constant 0 : i32
    %dma_wait3A_78 = tpu.memref_slice %arg9[%add3A_77, %dma_wait3A] : memref<96x128xi32, #tpu.memory_space<vmem>> -> memref<1x128xi32, #tpu.memory_space<vmem>>
    %dma_wait3A_79 = tpu.memref_squeeze %dma_wait3A_78 : memref<1x128xi32, #tpu.memory_space<vmem>> -> memref<128xi32, #tpu.memory_space<vmem>>
    %dma_wait3A_80 = arith.constant 0 : i32
    %dma_wait3A_81 = arith.constant 0 : i32
    %dma_wait3A_82 = tpu.memref_slice %arg16[%dma_wait3A_80, %dma_wait3A_81] : memref<10240x64xf32, #tpu.memory_space<vmem_shared>> -> memref<10240x64xf32, #tpu.memory_space<vmem_shared>>
    tpu.wait_indirect_dma semaphore(%arg19 : memref<!tpu.dma_semaphore, #tpu.memory_space<semaphore_mem>>) src(%arg13 : memref<128x64xf32, #tpu.memory_space<vmem>>) dst(%dma_wait3A_82 : memref<10240x64xf32, #tpu.memory_space<vmem_shared>>)
    %sub3A_83 = arith.constant 2 : i32
    %sub3A_84 = arith.subi %select_n3A_8, %sub3A_83 : i32
    %add3A_85 = arith.constant 1 : i32
    %add3A_86 = arith.addi %sub3A_84, %add3A_85 : i32
    %dma_wait3A_87 = arith.constant 0 : i32
    %dma_wait3A_88 = tpu.memref_slice %arg9[%add3A_86, %dma_wait3A_87] : memref<96x128xi32, #tpu.memory_space<vmem>> -> memref<1x128xi32, #tpu.memory_space<vmem>>
    %dma_wait3A_89 = tpu.memref_squeeze %dma_wait3A_88 : memref<1x128xi32, #tpu.memory_space<vmem>> -> memref<128xi32, #tpu.memory_space<vmem>>
    %dma_wait3A_90 = arith.constant 0 : i32
    %dma_wait3A_91 = arith.constant 0 : i32
    %dma_wait3A_92 = tpu.memref_slice %arg16[%dma_wait3A_90, %dma_wait3A_91] : memref<10240x64xf32, #tpu.memory_space<vmem_shared>> -> memref<10240x64xf32, #tpu.memory_space<vmem_shared>>
    tpu.wait_indirect_dma semaphore(%arg20 : memref<!tpu.dma_semaphore, #tpu.memory_space<semaphore_mem>>) src(%arg14 : memref<128x64xf32, #tpu.memory_space<vmem>>) dst(%dma_wait3A_92 : memref<10240x64xf32, #tpu.memory_space<vmem_shared>>)
    %barrier3A_93 = arith.constant 0 : index
    tpu.barrier barrier_id(%barrier3A_93)
    %mul3A_94 = arith.constant 640 : i32
    %mul3A_95 = arith.muli %arg1, %mul3A_94 : i32
    %mul3A_96 = arith.constant 640 : i32
    %mul3A_97 = arith.muli %arg1, %mul3A_96 : i32
    %run_scoped3A = arith.constant 0 : i32
    "tpu.region"() ({
      %run_scoped3A_195 = tpu.sem_alloc : memref<!tpu.dma_semaphore, #tpu.memory_space<semaphore_mem>>
      %dma_start3A_196 = arith.constant 0 : i32
      %dma_start3A_197 = tpu.memref_slice %arg7[%run_scoped3A, %arg0, %mul3A_97, %dma_start3A_196] : memref<2x2x10240x64xf32, #tpu.memory_space<hbm>> -> memref<1x1x640x64xf32, #tpu.memory_space<hbm>>
      %dma_start3A_198 = tpu.memref_squeeze %dma_start3A_197 : memref<1x1x640x64xf32, #tpu.memory_space<hbm>> -> memref<640x64xf32, #tpu.memory_space<hbm>>
      %dma_start3A_199 = arith.constant 0 : i32
      %dma_start3A_200 = tpu.memref_slice %arg16[%mul3A_95, %dma_start3A_199] : memref<10240x64xf32, #tpu.memory_space<vmem_shared>> -> memref<640x64xf32, #tpu.memory_space<vmem_shared>>
      tpu.enqueue_dma source(%dma_start3A_200 : memref<640x64xf32, #tpu.memory_space<vmem_shared>>) target(%dma_start3A_198 : memref<640x64xf32, #tpu.memory_space<hbm>>) target_semaphore(%run_scoped3A_195 : memref<!tpu.dma_semaphore, #tpu.memory_space<semaphore_mem>>)
      %dma_wait3A_201 = arith.constant 0 : i32
      %dma_wait3A_202 = tpu.memref_slice %arg7[%run_scoped3A, %arg0, %mul3A_97, %dma_wait3A_201] : memref<2x2x10240x64xf32, #tpu.memory_space<hbm>> -> memref<1x1x640x64xf32, #tpu.memory_space<hbm>>
      %dma_wait3A_203 = tpu.memref_squeeze %dma_wait3A_202 : memref<1x1x640x64xf32, #tpu.memory_space<hbm>> -> memref<640x64xf32, #tpu.memory_space<hbm>>
      %dma_wait3A_204 = arith.constant 0 : i32
      %dma_wait3A_205 = tpu.memref_slice %arg16[%mul3A_95, %dma_wait3A_204] : memref<10240x64xf32, #tpu.memory_space<vmem_shared>> -> memref<640x64xf32, #tpu.memory_space<vmem_shared>>
      tpu.wait_dma2 semaphore(%run_scoped3A_195 : memref<!tpu.dma_semaphore, #tpu.memory_space<semaphore_mem>>) src(%dma_wait3A_205 : memref<640x64xf32, #tpu.memory_space<vmem_shared>>) dst(%dma_wait3A_203 : memref<640x64xf32, #tpu.memory_space<hbm>>)
      tpu.yield
    }) : () -> ()
    %barrier3A_98 = arith.constant 0 : index
    tpu.barrier barrier_id(%barrier3A_98)
    %mul3A_99 = arith.constant 640 : i32
    %mul3A_100 = arith.muli %arg1, %mul3A_99 : i32
    %add3A_101 = arith.constant 0 : i32
    %add3A_102 = arith.addi %mul3A_100, %add3A_101 : i32
    "tpu.region"() ({
      %run_scoped3A_195 = tpu.sem_alloc : memref<!tpu.dma_semaphore, #tpu.memory_space<semaphore_mem>>
      %dma_start3A_196 = arith.constant 0 : i32
      %dma_start3A_197 = tpu.memref_slice %arg16[%add3A_102, %dma_start3A_196] : memref<10240x64xf32, #tpu.memory_space<vmem_shared>> -> memref<128x64xf32, #tpu.memory_space<vmem_shared>>
      %dma_start3A_198 = arith.constant 0 : i32
      %dma_start3A_199 = tpu.memref_slice %arg16[%add3A_102, %dma_start3A_198] : memref<10240x64xf32, #tpu.memory_space<vmem_shared>> -> memref<128x64xf32, #tpu.memory_space<vmem_shared>>
      tpu.enqueue_dma source(%arg15 : memref<128x64xf32, #tpu.memory_space<vmem>>) target(%dma_start3A_199 : memref<128x64xf32, #tpu.memory_space<vmem_shared>>) target_semaphore(%run_scoped3A_195 : memref<!tpu.dma_semaphore, #tpu.memory_space<semaphore_mem>>)
      %dma_wait3A_200 = arith.constant 0 : i32
      %dma_wait3A_201 = tpu.memref_slice %arg16[%add3A_102, %dma_wait3A_200] : memref<10240x64xf32, #tpu.memory_space<vmem_shared>> -> memref<128x64xf32, #tpu.memory_space<vmem_shared>>
      %dma_wait3A_202 = arith.constant 0 : i32
      %dma_wait3A_203 = tpu.memref_slice %arg16[%add3A_102, %dma_wait3A_202] : memref<10240x64xf32, #tpu.memory_space<vmem_shared>> -> memref<128x64xf32, #tpu.memory_space<vmem_shared>>
      tpu.wait_dma2 semaphore(%run_scoped3A_195 : memref<!tpu.dma_semaphore, #tpu.memory_space<semaphore_mem>>) src(%arg15 : memref<128x64xf32, #tpu.memory_space<vmem>>) dst(%dma_wait3A_203 : memref<128x64xf32, #tpu.memory_space<vmem_shared>>)
      tpu.yield
    }) : () -> ()
    %mul3A_103 = arith.constant 640 : i32
    %mul3A_104 = arith.muli %arg1, %mul3A_103 : i32
    %add3A_105 = arith.constant 128 : i32
    %add3A_106 = arith.addi %mul3A_104, %add3A_105 : i32
    "tpu.region"() ({
      %run_scoped3A_195 = tpu.sem_alloc : memref<!tpu.dma_semaphore, #tpu.memory_space<semaphore_mem>>
      %dma_start3A_196 = arith.constant 0 : i32
      %dma_start3A_197 = tpu.memref_slice %arg16[%add3A_106, %dma_start3A_196] : memref<10240x64xf32, #tpu.memory_space<vmem_shared>> -> memref<128x64xf32, #tpu.memory_space<vmem_shared>>
      %dma_start3A_198 = arith.constant 0 : i32
      %dma_start3A_199 = tpu.memref_slice %arg16[%add3A_106, %dma_start3A_198] : memref<10240x64xf32, #tpu.memory_space<vmem_shared>> -> memref<128x64xf32, #tpu.memory_space<vmem_shared>>
      tpu.enqueue_dma source(%arg15 : memref<128x64xf32, #tpu.memory_space<vmem>>) target(%dma_start3A_199 : memref<128x64xf32, #tpu.memory_space<vmem_shared>>) target_semaphore(%run_scoped3A_195 : memref<!tpu.dma_semaphore, #tpu.memory_space<semaphore_mem>>)
      %dma_wait3A_200 = arith.constant 0 : i32
      %dma_wait3A_201 = tpu.memref_slice %arg16[%add3A_106, %dma_wait3A_200] : memref<10240x64xf32, #tpu.memory_space<vmem_shared>> -> memref<128x64xf32, #tpu.memory_space<vmem_shared>>
      %dma_wait3A_202 = arith.constant 0 : i32
      %dma_wait3A_203 = tpu.memref_slice %arg16[%add3A_106, %dma_wait3A_202] : memref<10240x64xf32, #tpu.memory_space<vmem_shared>> -> memref<128x64xf32, #tpu.memory_space<vmem_shared>>
      tpu.wait_dma2 semaphore(%run_scoped3A_195 : memref<!tpu.dma_semaphore, #tpu.memory_space<semaphore_mem>>) src(%arg15 : memref<128x64xf32, #tpu.memory_space<vmem>>) dst(%dma_wait3A_203 : memref<128x64xf32, #tpu.memory_space<vmem_shared>>)
      tpu.yield
    }) : () -> ()
    %mul3A_107 = arith.constant 640 : i32
    %mul3A_108 = arith.muli %arg1, %mul3A_107 : i32
    %add3A_109 = arith.constant 256 : i32
    %add3A_110 = arith.addi %mul3A_108, %add3A_109 : i32
    "tpu.region"() ({
      %run_scoped3A_195 = tpu.sem_alloc : memref<!tpu.dma_semaphore, #tpu.memory_space<semaphore_mem>>
      %dma_start3A_196 = arith.constant 0 : i32
      %dma_start3A_197 = tpu.memref_slice %arg16[%add3A_110, %dma_start3A_196] : memref<10240x64xf32, #tpu.memory_space<vmem_shared>> -> memref<128x64xf32, #tpu.memory_space<vmem_shared>>
      %dma_start3A_198 = arith.constant 0 : i32
      %dma_start3A_199 = tpu.memref_slice %arg16[%add3A_110, %dma_start3A_198] : memref<10240x64xf32, #tpu.memory_space<vmem_shared>> -> memref<128x64xf32, #tpu.memory_space<vmem_shared>>
      tpu.enqueue_dma source(%arg15 : memref<128x64xf32, #tpu.memory_space<vmem>>) target(%dma_start3A_199 : memref<128x64xf32, #tpu.memory_space<vmem_shared>>) target_semaphore(%run_scoped3A_195 : memref<!tpu.dma_semaphore, #tpu.memory_space<semaphore_mem>>)
      %dma_wait3A_200 = arith.constant 0 : i32
      %dma_wait3A_201 = tpu.memref_slice %arg16[%add3A_110, %dma_wait3A_200] : memref<10240x64xf32, #tpu.memory_space<vmem_shared>> -> memref<128x64xf32, #tpu.memory_space<vmem_shared>>
      %dma_wait3A_202 = arith.constant 0 : i32
      %dma_wait3A_203 = tpu.memref_slice %arg16[%add3A_110, %dma_wait3A_202] : memref<10240x64xf32, #tpu.memory_space<vmem_shared>> -> memref<128x64xf32, #tpu.memory_space<vmem_shared>>
      tpu.wait_dma2 semaphore(%run_scoped3A_195 : memref<!tpu.dma_semaphore, #tpu.memory_space<semaphore_mem>>) src(%arg15 : memref<128x64xf32, #tpu.memory_space<vmem>>) dst(%dma_wait3A_203 : memref<128x64xf32, #tpu.memory_space<vmem_shared>>)
      tpu.yield
    }) : () -> ()
    %mul3A_111 = arith.constant 640 : i32
    %mul3A_112 = arith.muli %arg1, %mul3A_111 : i32
    %add3A_113 = arith.constant 384 : i32
    %add3A_114 = arith.addi %mul3A_112, %add3A_113 : i32
    "tpu.region"() ({
      %run_scoped3A_195 = tpu.sem_alloc : memref<!tpu.dma_semaphore, #tpu.memory_space<semaphore_mem>>
      %dma_start3A_196 = arith.constant 0 : i32
      %dma_start3A_197 = tpu.memref_slice %arg16[%add3A_114, %dma_start3A_196] : memref<10240x64xf32, #tpu.memory_space<vmem_shared>> -> memref<128x64xf32, #tpu.memory_space<vmem_shared>>
      %dma_start3A_198 = arith.constant 0 : i32
      %dma_start3A_199 = tpu.memref_slice %arg16[%add3A_114, %dma_start3A_198] : memref<10240x64xf32, #tpu.memory_space<vmem_shared>> -> memref<128x64xf32, #tpu.memory_space<vmem_shared>>
      tpu.enqueue_dma source(%arg15 : memref<128x64xf32, #tpu.memory_space<vmem>>) target(%dma_start3A_199 : memref<128x64xf32, #tpu.memory_space<vmem_shared>>) target_semaphore(%run_scoped3A_195 : memref<!tpu.dma_semaphore, #tpu.memory_space<semaphore_mem>>)
      %dma_wait3A_200 = arith.constant 0 : i32
      %dma_wait3A_201 = tpu.memref_slice %arg16[%add3A_114, %dma_wait3A_200] : memref<10240x64xf32, #tpu.memory_space<vmem_shared>> -> memref<128x64xf32, #tpu.memory_space<vmem_shared>>
      %dma_wait3A_202 = arith.constant 0 : i32
      %dma_wait3A_203 = tpu.memref_slice %arg16[%add3A_114, %dma_wait3A_202] : memref<10240x64xf32, #tpu.memory_space<vmem_shared>> -> memref<128x64xf32, #tpu.memory_space<vmem_shared>>
      tpu.wait_dma2 semaphore(%run_scoped3A_195 : memref<!tpu.dma_semaphore, #tpu.memory_space<semaphore_mem>>) src(%arg15 : memref<128x64xf32, #tpu.memory_space<vmem>>) dst(%dma_wait3A_203 : memref<128x64xf32, #tpu.memory_space<vmem_shared>>)
      tpu.yield
    }) : () -> ()
    %mul3A_115 = arith.constant 640 : i32
    %mul3A_116 = arith.muli %arg1, %mul3A_115 : i32
    %add3A_117 = arith.constant 512 : i32
    %add3A_118 = arith.addi %mul3A_116, %add3A_117 : i32
    "tpu.region"() ({
      %run_scoped3A_195 = tpu.sem_alloc : memref<!tpu.dma_semaphore, #tpu.memory_space<semaphore_mem>>
      %dma_start3A_196 = arith.constant 0 : i32
      %dma_start3A_197 = tpu.memref_slice %arg16[%add3A_118, %dma_start3A_196] : memref<10240x64xf32, #tpu.memory_space<vmem_shared>> -> memref<128x64xf32, #tpu.memory_space<vmem_shared>>
      %dma_start3A_198 = arith.constant 0 : i32
      %dma_start3A_199 = tpu.memref_slice %arg16[%add3A_118, %dma_start3A_198] : memref<10240x64xf32, #tpu.memory_space<vmem_shared>> -> memref<128x64xf32, #tpu.memory_space<vmem_shared>>
      tpu.enqueue_dma source(%arg15 : memref<128x64xf32, #tpu.memory_space<vmem>>) target(%dma_start3A_199 : memref<128x64xf32, #tpu.memory_space<vmem_shared>>) target_semaphore(%run_scoped3A_195 : memref<!tpu.dma_semaphore, #tpu.memory_space<semaphore_mem>>)
      %dma_wait3A_200 = arith.constant 0 : i32
      %dma_wait3A_201 = tpu.memref_slice %arg16[%add3A_118, %dma_wait3A_200] : memref<10240x64xf32, #tpu.memory_space<vmem_shared>> -> memref<128x64xf32, #tpu.memory_space<vmem_shared>>
      %dma_wait3A_202 = arith.constant 0 : i32
      %dma_wait3A_203 = tpu.memref_slice %arg16[%add3A_118, %dma_wait3A_202] : memref<10240x64xf32, #tpu.memory_space<vmem_shared>> -> memref<128x64xf32, #tpu.memory_space<vmem_shared>>
      tpu.wait_dma2 semaphore(%run_scoped3A_195 : memref<!tpu.dma_semaphore, #tpu.memory_space<semaphore_mem>>) src(%arg15 : memref<128x64xf32, #tpu.memory_space<vmem>>) dst(%dma_wait3A_203 : memref<128x64xf32, #tpu.memory_space<vmem_shared>>)
      tpu.yield
    }) : () -> ()
    %barrier3A_119 = arith.constant 0 : index
    tpu.barrier barrier_id(%barrier3A_119)
    %dma_start3A_120 = arith.constant 0 : i32
    %dma_start3A_121 = arith.constant 0 : i32
    %dma_start3A_122 = tpu.memref_slice %arg8[%dma_start3A_120, %dma_start3A_121] : memref<96x128xi32, #tpu.memory_space<vmem>> -> memref<1x128xi32, #tpu.memory_space<vmem>>
    %dma_start3A_123 = tpu.memref_squeeze %dma_start3A_122 : memref<1x128xi32, #tpu.memory_space<vmem>> -> memref<128xi32, #tpu.memory_space<vmem>>
    %dma_start3A_124 = arith.constant 0 : i32
    %dma_start3A_125 = arith.constant 0 : i32
    %dma_start3A_126 = tpu.memref_slice %arg3[%dma_start3A_124, %dma_start3A_125] : memref<10000x64xbf16, #tpu.memory_space<hbm>> -> memref<10000x64xbf16, #tpu.memory_space<hbm>>
    tpu.enqueue_indirect_dma source(%dma_start3A_126 : memref<10000x64xbf16, #tpu.memory_space<hbm>>) target(%arg11 : memref<128x64xbf16, #tpu.memory_space<vmem>>) offsets(%dma_start3A_123 : memref<128xi32, #tpu.memory_space<vmem>>) semaphore(%arg17 : memref<!tpu.dma_semaphore, #tpu.memory_space<semaphore_mem>>)
    %dma_start3A_127 = arith.constant 1 : i32
    %dma_start3A_128 = arith.constant 0 : i32
    %dma_start3A_129 = tpu.memref_slice %arg8[%dma_start3A_127, %dma_start3A_128] : memref<96x128xi32, #tpu.memory_space<vmem>> -> memref<1x128xi32, #tpu.memory_space<vmem>>
    %dma_start3A_130 = tpu.memref_squeeze %dma_start3A_129 : memref<1x128xi32, #tpu.memory_space<vmem>> -> memref<128xi32, #tpu.memory_space<vmem>>
    %dma_start3A_131 = arith.constant 0 : i32
    %dma_start3A_132 = arith.constant 0 : i32
    %dma_start3A_133 = tpu.memref_slice %arg3[%dma_start3A_131, %dma_start3A_132] : memref<10000x64xbf16, #tpu.memory_space<hbm>> -> memref<10000x64xbf16, #tpu.memory_space<hbm>>
    tpu.enqueue_indirect_dma source(%dma_start3A_133 : memref<10000x64xbf16, #tpu.memory_space<hbm>>) target(%arg12 : memref<128x64xbf16, #tpu.memory_space<vmem>>) offsets(%dma_start3A_130 : memref<128xi32, #tpu.memory_space<vmem>>) semaphore(%arg18 : memref<!tpu.dma_semaphore, #tpu.memory_space<semaphore_mem>>)
    %jit3A_134 = arith.constant 2 : i32
    %div3A_135 = arith.divsi %select_n3A_8, %jit3A_134 : i32
    %sign3A_136 = arith.constant 0 : i32
    %sign3A_137 = arith.cmpi sgt, %select_n3A_8, %sign3A_136 : i32
    %sign3A_138 = arith.extui %sign3A_137 : i1 to i32
    %sign3A_139 = arith.constant 0 : i32
    %sign3A_140 = arith.cmpi slt, %select_n3A_8, %sign3A_139 : i32
    %sign3A_141 = arith.extui %sign3A_140 : i1 to i32
    %sign3A_142 = arith.subi %sign3A_138, %sign3A_141 : i32
    %sign3A_143 = arith.constant 0 : i32
    %sign3A_144 = arith.cmpi sgt, %jit3A_134, %sign3A_143 : i32
    %sign3A_145 = arith.extui %sign3A_144 : i1 to i32
    %sign3A_146 = arith.constant 0 : i32
    %sign3A_147 = arith.cmpi slt, %jit3A_134, %sign3A_146 : i32
    %sign3A_148 = arith.extui %sign3A_147 : i1 to i32
    %sign3A_149 = arith.subi %sign3A_145, %sign3A_148 : i32
    %ne3A_150 = arith.cmpi ne, %sign3A_142, %sign3A_149 : i32
    %rem3A_151 = arith.remsi %select_n3A_8, %jit3A_134 : i32
    %ne3A_152 = arith.constant 0 : i32
    %ne3A_153 = arith.cmpi ne, %rem3A_151, %ne3A_152 : i32
    %and3A_154 = arith.andi %ne3A_150, %ne3A_153 : i1
    %sub3A_155 = arith.constant 1 : i32
    %sub3A_156 = arith.subi %div3A_135, %sub3A_155 : i32
    %select_n3A_157 = arith.select %and3A_154, %sub3A_156, %div3A_135 : i32
    %while3A_158 = arith.constant 0 : i32
    %while3A_159 = arith.constant 0 : i32
    %while3A_160 = arith.subi %select_n3A_157, %while3A_159 : i32
    %while3A_161 = arith.addi %while3A_159, %while3A_160 : i32
    %while3A_162 = arith.constant 1 : i32
    %while3A_163 = arith.divsi %while3A_160, %while3A_162 : i32
    %while3A_164 = arith.muli %while3A_163, %while3A_162 : i32
    %while3A_165 = arith.addi %while3A_159, %while3A_164 : i32
    %while3A_166 = arith.constant 1 : i32
    scf.for %while3A_195 = %while3A_159 to %while3A_165 step %while3A_166  : i32 {
      %mul3A_196 = arith.constant 2 : i32
      %mul3A_197 = arith.muli %mul3A_196, %while3A_195 : i32
      %add3A_198 = arith.constant 0 : i32
      %add3A_199 = arith.addi %mul3A_197, %add3A_198 : i32
      %dma_wait3A_200 = arith.constant 0 : i32
      %dma_wait3A_201 = tpu.memref_slice %arg8[%add3A_199, %dma_wait3A_200] : memref<96x128xi32, #tpu.memory_space<vmem>> -> memref<1x128xi32, #tpu.memory_space<vmem>>
      %dma_wait3A_202 = tpu.memref_squeeze %dma_wait3A_201 : memref<1x128xi32, #tpu.memory_space<vmem>> -> memref<128xi32, #tpu.memory_space<vmem>>
      %dma_wait3A_203 = arith.constant 0 : i32
      %dma_wait3A_204 = arith.constant 0 : i32
      %dma_wait3A_205 = tpu.memref_slice %arg3[%dma_wait3A_203, %dma_wait3A_204] : memref<10000x64xbf16, #tpu.memory_space<hbm>> -> memref<10000x64xbf16, #tpu.memory_space<hbm>>
      tpu.wait_indirect_dma semaphore(%arg17 : memref<!tpu.dma_semaphore, #tpu.memory_space<semaphore_mem>>) src(%dma_wait3A_205 : memref<10000x64xbf16, #tpu.memory_space<hbm>>) dst(%arg11 : memref<128x64xbf16, #tpu.memory_space<vmem>>)
      %ge3A = arith.constant 2 : i32
      %ge3A_206 = arith.cmpi sge, %add3A_199, %ge3A : i32
      %convert_element_type3A = arith.extui %ge3A_206 : i1 to i32
      %cond3A = arith.constant 0 : i32
      %cond3A_207 = arith.cmpi ne, %convert_element_type3A, %cond3A : i32
      scf.if %cond3A_207 {
        %sub3A_258 = arith.constant 2 : i32
        %sub3A_259 = arith.subi %add3A_199, %sub3A_258 : i32
        %dma_wait3A_260 = arith.constant 0 : i32
        %dma_wait3A_261 = tpu.memref_slice %arg9[%sub3A_259, %dma_wait3A_260] : memref<96x128xi32, #tpu.memory_space<vmem>> -> memref<1x128xi32, #tpu.memory_space<vmem>>
        %dma_wait3A_262 = tpu.memref_squeeze %dma_wait3A_261 : memref<1x128xi32, #tpu.memory_space<vmem>> -> memref<128xi32, #tpu.memory_space<vmem>>
        %dma_wait3A_263 = arith.constant 0 : i32
        %dma_wait3A_264 = arith.constant 0 : i32
        %dma_wait3A_265 = tpu.memref_slice %arg16[%dma_wait3A_263, %dma_wait3A_264] : memref<10240x64xf32, #tpu.memory_space<vmem_shared>> -> memref<10240x64xf32, #tpu.memory_space<vmem_shared>>
        tpu.wait_indirect_dma semaphore(%arg19 : memref<!tpu.dma_semaphore, #tpu.memory_space<semaphore_mem>>) src(%arg13 : memref<128x64xf32, #tpu.memory_space<vmem>>) dst(%dma_wait3A_265 : memref<10240x64xf32, #tpu.memory_space<vmem_shared>>)
      } else {
      }
      %iota3A = tpu.iota {dimensions = array<i32: 0>} : vector<16xi32>
      %mul3A_208 = arith.constant 2 : i32
      %mul3A_209 = vector.broadcast %mul3A_208 : i32 to vector<16xi32>
      %mul3A_210 = arith.muli %mul3A_209, %iota3A : vector<16xi32>
      %parallel_loop3A = arith.constant 0 : i32
      %parallel_loop3A_211 = arith.constant 128 : i32
      %parallel_loop3A_212 = arith.constant 1 : i32
      scf.for %parallel_loop3A_258 = %parallel_loop3A to %parallel_loop3A_211 step %parallel_loop3A_212  : i32 {
        %parallel_loop3A_259 = vector.broadcast %add3A_199 : i32 to vector<16xi32>
        %parallel_loop3A_260 = vector.broadcast %parallel_loop3A_258 : i32 to vector<16xi32>
        %parallel_loop3A_261 = tpu.vector_load_idx %arg10[%parallel_loop3A_259, %parallel_loop3A_260] : memref<96x128xf32, #tpu.memory_space<vmem>>[vector<16xi32>, vector<16xi32>], vector<16xf32>,
        %parallel_loop3A_262 = arith.index_cast %parallel_loop3A_258 : i32 to index
        %parallel_loop3A_263 = arith.constant 0 : index
        %parallel_loop3A_264 = tpu.vector_load %arg11[%parallel_loop3A_262, %parallel_loop3A_263] {strides = array<i32>} : memref<128x64xbf16, #tpu.memory_space<vmem>>, vector<32xbf16>,
        %parallel_loop3A_265 = vector.bitcast %parallel_loop3A_264 : vector<32xbf16> to vector<16xi32>
        %parallel_loop3A_266 = arith.constant 16 : i32
        %parallel_loop3A_267 = vector.broadcast %parallel_loop3A_266 : i32 to vector<16xi32>
        %parallel_loop3A_268 = arith.shli %parallel_loop3A_265, %parallel_loop3A_267 : vector<16xi32>
        %parallel_loop3A_269 = vector.bitcast %parallel_loop3A_268 : vector<16xi32> to vector<16xf32>
        %parallel_loop3A_270 = arith.constant -65536 : i32
        %parallel_loop3A_271 = vector.broadcast %parallel_loop3A_270 : i32 to vector<16xi32>
        %parallel_loop3A_272 = arith.andi %parallel_loop3A_265, %parallel_loop3A_271 : vector<16xi32>
        %parallel_loop3A_273 = vector.bitcast %parallel_loop3A_272 : vector<16xi32> to vector<16xf32>
        %parallel_loop3A_274 = arith.constant 0 : i32
        %parallel_loop3A_275 = vector.broadcast %parallel_loop3A_274 : i32 to vector<16xi32>
        %parallel_loop3A_276 = arith.addi %parallel_loop3A_275, %mul3A_210 : vector<16xi32>
        %parallel_loop3A_277 = arith.mulf %parallel_loop3A_269, %parallel_loop3A_261 : vector<16xf32>
        %parallel_loop3A_278 = arith.constant 0 : i32
        %parallel_loop3A_279 = tpu.memref_slice %arg13[%parallel_loop3A_258, %parallel_loop3A_278] : memref<128x64xf32, #tpu.memory_space<vmem>> -> memref<1x64xf32, #tpu.memory_space<vmem>>
        %parallel_loop3A_280 = tpu.memref_squeeze %parallel_loop3A_279 : memref<1x64xf32, #tpu.memory_space<vmem>> -> memref<64xf32, #tpu.memory_space<vmem>>
        tpu.vector_store_idx %parallel_loop3A_280[%parallel_loop3A_276], %parallel_loop3A_277 : memref<64xf32, #tpu.memory_space<vmem>>[vector<16xi32>], vector<16xf32>,
        %parallel_loop3A_281 = arith.constant 0 : i32
        %parallel_loop3A_282 = vector.broadcast %parallel_loop3A_281 : i32 to vector<16xi32>
        %parallel_loop3A_283 = arith.addi %parallel_loop3A_282, %mul3A_210 : vector<16xi32>
        %parallel_loop3A_284 = arith.constant 1 : i32
        %parallel_loop3A_285 = vector.broadcast %parallel_loop3A_284 : i32 to vector<16xi32>
        %parallel_loop3A_286 = arith.addi %parallel_loop3A_283, %parallel_loop3A_285 : vector<16xi32>
        %parallel_loop3A_287 = arith.mulf %parallel_loop3A_273, %parallel_loop3A_261 : vector<16xf32>
        %parallel_loop3A_288 = arith.constant 0 : i32
        %parallel_loop3A_289 = tpu.memref_slice %arg13[%parallel_loop3A_258, %parallel_loop3A_288] : memref<128x64xf32, #tpu.memory_space<vmem>> -> memref<1x64xf32, #tpu.memory_space<vmem>>
        %parallel_loop3A_290 = tpu.memref_squeeze %parallel_loop3A_289 : memref<1x64xf32, #tpu.memory_space<vmem>> -> memref<64xf32, #tpu.memory_space<vmem>>
        tpu.vector_store_idx %parallel_loop3A_290[%parallel_loop3A_286], %parallel_loop3A_287 : memref<64xf32, #tpu.memory_space<vmem>>[vector<16xi32>], vector<16xf32>,
        %parallel_loop3A_291 = arith.index_cast %parallel_loop3A_258 : i32 to index
        %parallel_loop3A_292 = arith.constant 32 : index
        %parallel_loop3A_293 = tpu.vector_load %arg11[%parallel_loop3A_291, %parallel_loop3A_292] {strides = array<i32>} : memref<128x64xbf16, #tpu.memory_space<vmem>>, vector<32xbf16>,
        %parallel_loop3A_294 = vector.bitcast %parallel_loop3A_293 : vector<32xbf16> to vector<16xi32>
        %parallel_loop3A_295 = arith.constant 16 : i32
        %parallel_loop3A_296 = vector.broadcast %parallel_loop3A_295 : i32 to vector<16xi32>
        %parallel_loop3A_297 = arith.shli %parallel_loop3A_294, %parallel_loop3A_296 : vector<16xi32>
        %parallel_loop3A_298 = vector.bitcast %parallel_loop3A_297 : vector<16xi32> to vector<16xf32>
        %parallel_loop3A_299 = arith.constant -65536 : i32
        %parallel_loop3A_300 = vector.broadcast %parallel_loop3A_299 : i32 to vector<16xi32>
        %parallel_loop3A_301 = arith.andi %parallel_loop3A_294, %parallel_loop3A_300 : vector<16xi32>
        %parallel_loop3A_302 = vector.bitcast %parallel_loop3A_301 : vector<16xi32> to vector<16xf32>
        %parallel_loop3A_303 = arith.constant 32 : i32
        %parallel_loop3A_304 = vector.broadcast %parallel_loop3A_303 : i32 to vector<16xi32>
        %parallel_loop3A_305 = arith.addi %parallel_loop3A_304, %mul3A_210 : vector<16xi32>
        %parallel_loop3A_306 = arith.mulf %parallel_loop3A_298, %parallel_loop3A_261 : vector<16xf32>
        %parallel_loop3A_307 = arith.constant 0 : i32
        %parallel_loop3A_308 = tpu.memref_slice %arg13[%parallel_loop3A_258, %parallel_loop3A_307] : memref<128x64xf32, #tpu.memory_space<vmem>> -> memref<1x64xf32, #tpu.memory_space<vmem>>
        %parallel_loop3A_309 = tpu.memref_squeeze %parallel_loop3A_308 : memref<1x64xf32, #tpu.memory_space<vmem>> -> memref<64xf32, #tpu.memory_space<vmem>>
        tpu.vector_store_idx %parallel_loop3A_309[%parallel_loop3A_305], %parallel_loop3A_306 : memref<64xf32, #tpu.memory_space<vmem>>[vector<16xi32>], vector<16xf32>,
        %parallel_loop3A_310 = arith.constant 32 : i32
        %parallel_loop3A_311 = vector.broadcast %parallel_loop3A_310 : i32 to vector<16xi32>
        %parallel_loop3A_312 = arith.addi %parallel_loop3A_311, %mul3A_210 : vector<16xi32>
        %parallel_loop3A_313 = arith.constant 1 : i32
        %parallel_loop3A_314 = vector.broadcast %parallel_loop3A_313 : i32 to vector<16xi32>
        %parallel_loop3A_315 = arith.addi %parallel_loop3A_312, %parallel_loop3A_314 : vector<16xi32>
        %parallel_loop3A_316 = arith.mulf %parallel_loop3A_302, %parallel_loop3A_261 : vector<16xf32>
        %parallel_loop3A_317 = arith.constant 0 : i32
        %parallel_loop3A_318 = tpu.memref_slice %arg13[%parallel_loop3A_258, %parallel_loop3A_317] : memref<128x64xf32, #tpu.memory_space<vmem>> -> memref<1x64xf32, #tpu.memory_space<vmem>>
        %parallel_loop3A_319 = tpu.memref_squeeze %parallel_loop3A_318 : memref<1x64xf32, #tpu.memory_space<vmem>> -> memref<64xf32, #tpu.memory_space<vmem>>
        tpu.vector_store_idx %parallel_loop3A_319[%parallel_loop3A_315], %parallel_loop3A_316 : memref<64xf32, #tpu.memory_space<vmem>>[vector<16xi32>], vector<16xf32>,
      } {sc.loop_unroll_factor = 8 : i64, sc.parallel_access}
      %add3A_213 = arith.constant 2 : i32
      %add3A_214 = arith.addi %add3A_199, %add3A_213 : i32
      %lt3A = arith.cmpi slt, %add3A_214, %select_n3A_8 : i32
      %convert_element_type3A_215 = arith.extui %lt3A : i1 to i32
      %cond3A_216 = arith.constant 0 : i32
      %cond3A_217 = arith.cmpi ne, %convert_element_type3A_215, %cond3A_216 : i32
      scf.if %cond3A_217 {
        %add3A_258 = arith.constant 2 : i32
        %add3A_259 = arith.addi %add3A_199, %add3A_258 : i32
        %dma_start3A_260 = arith.constant 0 : i32
        %dma_start3A_261 = tpu.memref_slice %arg8[%add3A_259, %dma_start3A_260] : memref<96x128xi32, #tpu.memory_space<vmem>> -> memref<1x128xi32, #tpu.memory_space<vmem>>
        %dma_start3A_262 = tpu.memref_squeeze %dma_start3A_261 : memref<1x128xi32, #tpu.memory_space<vmem>> -> memref<128xi32, #tpu.memory_space<vmem>>
        %dma_start3A_263 = arith.constant 0 : i32
        %dma_start3A_264 = arith.constant 0 : i32
        %dma_start3A_265 = tpu.memref_slice %arg3[%dma_start3A_263, %dma_start3A_264] : memref<10000x64xbf16, #tpu.memory_space<hbm>> -> memref<10000x64xbf16, #tpu.memory_space<hbm>>
        tpu.enqueue_indirect_dma source(%dma_start3A_265 : memref<10000x64xbf16, #tpu.memory_space<hbm>>) target(%arg11 : memref<128x64xbf16, #tpu.memory_space<vmem>>) offsets(%dma_start3A_262 : memref<128xi32, #tpu.memory_space<vmem>>) semaphore(%arg17 : memref<!tpu.dma_semaphore, #tpu.memory_space<semaphore_mem>>)
      } else {
      }
      %dma_start3A_218 = arith.constant 0 : i32
      %dma_start3A_219 = tpu.memref_slice %arg9[%add3A_199, %dma_start3A_218] : memref<96x128xi32, #tpu.memory_space<vmem>> -> memref<1x128xi32, #tpu.memory_space<vmem>>
      %dma_start3A_220 = tpu.memref_squeeze %dma_start3A_219 : memref<1x128xi32, #tpu.memory_space<vmem>> -> memref<128xi32, #tpu.memory_space<vmem>>
      %dma_start3A_221 = arith.constant 0 : i32
      %dma_start3A_222 = arith.constant 0 : i32
      %dma_start3A_223 = tpu.memref_slice %arg16[%dma_start3A_221, %dma_start3A_222] : memref<10240x64xf32, #tpu.memory_space<vmem_shared>> -> memref<10240x64xf32, #tpu.memory_space<vmem_shared>>
      tpu.enqueue_indirect_dma source(%arg13 : memref<128x64xf32, #tpu.memory_space<vmem>>) target(%dma_start3A_223 : memref<10240x64xf32, #tpu.memory_space<vmem_shared>>) offsets(%dma_start3A_220 : memref<128xi32, #tpu.memory_space<vmem>>) semaphore(%arg19 : memref<!tpu.dma_semaphore, #tpu.memory_space<semaphore_mem>>) {add = true}
      %mul3A_224 = arith.constant 2 : i32
      %mul3A_225 = arith.muli %mul3A_224, %while3A_195 : i32
      %add3A_226 = arith.constant 1 : i32
      %add3A_227 = arith.addi %mul3A_225, %add3A_226 : i32
      %dma_wait3A_228 = arith.constant 0 : i32
      %dma_wait3A_229 = tpu.memref_slice %arg8[%add3A_227, %dma_wait3A_228] : memref<96x128xi32, #tpu.memory_space<vmem>> -> memref<1x128xi32, #tpu.memory_space<vmem>>
      %dma_wait3A_230 = tpu.memref_squeeze %dma_wait3A_229 : memref<1x128xi32, #tpu.memory_space<vmem>> -> memref<128xi32, #tpu.memory_space<vmem>>
      %dma_wait3A_231 = arith.constant 0 : i32
      %dma_wait3A_232 = arith.constant 0 : i32
      %dma_wait3A_233 = tpu.memref_slice %arg3[%dma_wait3A_231, %dma_wait3A_232] : memref<10000x64xbf16, #tpu.memory_space<hbm>> -> memref<10000x64xbf16, #tpu.memory_space<hbm>>
      tpu.wait_indirect_dma semaphore(%arg18 : memref<!tpu.dma_semaphore, #tpu.memory_space<semaphore_mem>>) src(%dma_wait3A_233 : memref<10000x64xbf16, #tpu.memory_space<hbm>>) dst(%arg12 : memref<128x64xbf16, #tpu.memory_space<vmem>>)
      %ge3A_234 = arith.constant 2 : i32
      %ge3A_235 = arith.cmpi sge, %add3A_227, %ge3A_234 : i32
      %convert_element_type3A_236 = arith.extui %ge3A_235 : i1 to i32
      %cond3A_237 = arith.constant 0 : i32
      %cond3A_238 = arith.cmpi ne, %convert_element_type3A_236, %cond3A_237 : i32
      scf.if %cond3A_238 {
        %sub3A_258 = arith.constant 2 : i32
        %sub3A_259 = arith.subi %add3A_227, %sub3A_258 : i32
        %dma_wait3A_260 = arith.constant 0 : i32
        %dma_wait3A_261 = tpu.memref_slice %arg9[%sub3A_259, %dma_wait3A_260] : memref<96x128xi32, #tpu.memory_space<vmem>> -> memref<1x128xi32, #tpu.memory_space<vmem>>
        %dma_wait3A_262 = tpu.memref_squeeze %dma_wait3A_261 : memref<1x128xi32, #tpu.memory_space<vmem>> -> memref<128xi32, #tpu.memory_space<vmem>>
        %dma_wait3A_263 = arith.constant 0 : i32
        %dma_wait3A_264 = arith.constant 0 : i32
        %dma_wait3A_265 = tpu.memref_slice %arg16[%dma_wait3A_263, %dma_wait3A_264] : memref<10240x64xf32, #tpu.memory_space<vmem_shared>> -> memref<10240x64xf32, #tpu.memory_space<vmem_shared>>
        tpu.wait_indirect_dma semaphore(%arg20 : memref<!tpu.dma_semaphore, #tpu.memory_space<semaphore_mem>>) src(%arg14 : memref<128x64xf32, #tpu.memory_space<vmem>>) dst(%dma_wait3A_265 : memref<10240x64xf32, #tpu.memory_space<vmem_shared>>)
      } else {
      }
      %iota3A_239 = tpu.iota {dimensions = array<i32: 0>} : vector<16xi32>
      %mul3A_240 = arith.constant 2 : i32
      %mul3A_241 = vector.broadcast %mul3A_240 : i32 to vector<16xi32>
      %mul3A_242 = arith.muli %mul3A_241, %iota3A_239 : vector<16xi32>
      %parallel_loop3A_243 = arith.constant 0 : i32
      %parallel_loop3A_244 = arith.constant 128 : i32
      %parallel_loop3A_245 = arith.constant 1 : i32
      scf.for %parallel_loop3A_258 = %parallel_loop3A_243 to %parallel_loop3A_244 step %parallel_loop3A_245  : i32 {
        %parallel_loop3A_259 = vector.broadcast %add3A_227 : i32 to vector<16xi32>
        %parallel_loop3A_260 = vector.broadcast %parallel_loop3A_258 : i32 to vector<16xi32>
        %parallel_loop3A_261 = tpu.vector_load_idx %arg10[%parallel_loop3A_259, %parallel_loop3A_260] : memref<96x128xf32, #tpu.memory_space<vmem>>[vector<16xi32>, vector<16xi32>], vector<16xf32>,
        %parallel_loop3A_262 = arith.index_cast %parallel_loop3A_258 : i32 to index
        %parallel_loop3A_263 = arith.constant 0 : index
        %parallel_loop3A_264 = tpu.vector_load %arg12[%parallel_loop3A_262, %parallel_loop3A_263] {strides = array<i32>} : memref<128x64xbf16, #tpu.memory_space<vmem>>, vector<32xbf16>,
        %parallel_loop3A_265 = vector.bitcast %parallel_loop3A_264 : vector<32xbf16> to vector<16xi32>
        %parallel_loop3A_266 = arith.constant 16 : i32
        %parallel_loop3A_267 = vector.broadcast %parallel_loop3A_266 : i32 to vector<16xi32>
        %parallel_loop3A_268 = arith.shli %parallel_loop3A_265, %parallel_loop3A_267 : vector<16xi32>
        %parallel_loop3A_269 = vector.bitcast %parallel_loop3A_268 : vector<16xi32> to vector<16xf32>
        %parallel_loop3A_270 = arith.constant -65536 : i32
        %parallel_loop3A_271 = vector.broadcast %parallel_loop3A_270 : i32 to vector<16xi32>
        %parallel_loop3A_272 = arith.andi %parallel_loop3A_265, %parallel_loop3A_271 : vector<16xi32>
        %parallel_loop3A_273 = vector.bitcast %parallel_loop3A_272 : vector<16xi32> to vector<16xf32>
        %parallel_loop3A_274 = arith.constant 0 : i32
        %parallel_loop3A_275 = vector.broadcast %parallel_loop3A_274 : i32 to vector<16xi32>
        %parallel_loop3A_276 = arith.addi %parallel_loop3A_275, %mul3A_242 : vector<16xi32>
        %parallel_loop3A_277 = arith.mulf %parallel_loop3A_269, %parallel_loop3A_261 : vector<16xf32>
        %parallel_loop3A_278 = arith.constant 0 : i32
        %parallel_loop3A_279 = tpu.memref_slice %arg14[%parallel_loop3A_258, %parallel_loop3A_278] : memref<128x64xf32, #tpu.memory_space<vmem>> -> memref<1x64xf32, #tpu.memory_space<vmem>>
        %parallel_loop3A_280 = tpu.memref_squeeze %parallel_loop3A_279 : memref<1x64xf32, #tpu.memory_space<vmem>> -> memref<64xf32, #tpu.memory_space<vmem>>
        tpu.vector_store_idx %parallel_loop3A_280[%parallel_loop3A_276], %parallel_loop3A_277 : memref<64xf32, #tpu.memory_space<vmem>>[vector<16xi32>], vector<16xf32>,
        %parallel_loop3A_281 = arith.constant 0 : i32
        %parallel_loop3A_282 = vector.broadcast %parallel_loop3A_281 : i32 to vector<16xi32>
        %parallel_loop3A_283 = arith.addi %parallel_loop3A_282, %mul3A_242 : vector<16xi32>
        %parallel_loop3A_284 = arith.constant 1 : i32
        %parallel_loop3A_285 = vector.broadcast %parallel_loop3A_284 : i32 to vector<16xi32>
        %parallel_loop3A_286 = arith.addi %parallel_loop3A_283, %parallel_loop3A_285 : vector<16xi32>
        %parallel_loop3A_287 = arith.mulf %parallel_loop3A_273, %parallel_loop3A_261 : vector<16xf32>
        %parallel_loop3A_288 = arith.constant 0 : i32
        %parallel_loop3A_289 = tpu.memref_slice %arg14[%parallel_loop3A_258, %parallel_loop3A_288] : memref<128x64xf32, #tpu.memory_space<vmem>> -> memref<1x64xf32, #tpu.memory_space<vmem>>
        %parallel_loop3A_290 = tpu.memref_squeeze %parallel_loop3A_289 : memref<1x64xf32, #tpu.memory_space<vmem>> -> memref<64xf32, #tpu.memory_space<vmem>>
        tpu.vector_store_idx %parallel_loop3A_290[%parallel_loop3A_286], %parallel_loop3A_287 : memref<64xf32, #tpu.memory_space<vmem>>[vector<16xi32>], vector<16xf32>,
        %parallel_loop3A_291 = arith.index_cast %parallel_loop3A_258 : i32 to index
        %parallel_loop3A_292 = arith.constant 32 : index
        %parallel_loop3A_293 = tpu.vector_load %arg12[%parallel_loop3A_291, %parallel_loop3A_292] {strides = array<i32>} : memref<128x64xbf16, #tpu.memory_space<vmem>>, vector<32xbf16>,
        %parallel_loop3A_294 = vector.bitcast %parallel_loop3A_293 : vector<32xbf16> to vector<16xi32>
        %parallel_loop3A_295 = arith.constant 16 : i32
        %parallel_loop3A_296 = vector.broadcast %parallel_loop3A_295 : i32 to vector<16xi32>
        %parallel_loop3A_297 = arith.shli %parallel_loop3A_294, %parallel_loop3A_296 : vector<16xi32>
        %parallel_loop3A_298 = vector.bitcast %parallel_loop3A_297 : vector<16xi32> to vector<16xf32>
        %parallel_loop3A_299 = arith.constant -65536 : i32
        %parallel_loop3A_300 = vector.broadcast %parallel_loop3A_299 : i32 to vector<16xi32>
        %parallel_loop3A_301 = arith.andi %parallel_loop3A_294, %parallel_loop3A_300 : vector<16xi32>
        %parallel_loop3A_302 = vector.bitcast %parallel_loop3A_301 : vector<16xi32> to vector<16xf32>
        %parallel_loop3A_303 = arith.constant 32 : i32
        %parallel_loop3A_304 = vector.broadcast %parallel_loop3A_303 : i32 to vector<16xi32>
        %parallel_loop3A_305 = arith.addi %parallel_loop3A_304, %mul3A_242 : vector<16xi32>
        %parallel_loop3A_306 = arith.mulf %parallel_loop3A_298, %parallel_loop3A_261 : vector<16xf32>
        %parallel_loop3A_307 = arith.constant 0 : i32
        %parallel_loop3A_308 = tpu.memref_slice %arg14[%parallel_loop3A_258, %parallel_loop3A_307] : memref<128x64xf32, #tpu.memory_space<vmem>> -> memref<1x64xf32, #tpu.memory_space<vmem>>
        %parallel_loop3A_309 = tpu.memref_squeeze %parallel_loop3A_308 : memref<1x64xf32, #tpu.memory_space<vmem>> -> memref<64xf32, #tpu.memory_space<vmem>>
        tpu.vector_store_idx %parallel_loop3A_309[%parallel_loop3A_305], %parallel_loop3A_306 : memref<64xf32, #tpu.memory_space<vmem>>[vector<16xi32>], vector<16xf32>,
        %parallel_loop3A_310 = arith.constant 32 : i32
        %parallel_loop3A_311 = vector.broadcast %parallel_loop3A_310 : i32 to vector<16xi32>
        %parallel_loop3A_312 = arith.addi %parallel_loop3A_311, %mul3A_242 : vector<16xi32>
        %parallel_loop3A_313 = arith.constant 1 : i32
        %parallel_loop3A_314 = vector.broadcast %parallel_loop3A_313 : i32 to vector<16xi32>
        %parallel_loop3A_315 = arith.addi %parallel_loop3A_312, %parallel_loop3A_314 : vector<16xi32>
        %parallel_loop3A_316 = arith.mulf %parallel_loop3A_302, %parallel_loop3A_261 : vector<16xf32>
        %parallel_loop3A_317 = arith.constant 0 : i32
        %parallel_loop3A_318 = tpu.memref_slice %arg14[%parallel_loop3A_258, %parallel_loop3A_317] : memref<128x64xf32, #tpu.memory_space<vmem>> -> memref<1x64xf32, #tpu.memory_space<vmem>>
        %parallel_loop3A_319 = tpu.memref_squeeze %parallel_loop3A_318 : memref<1x64xf32, #tpu.memory_space<vmem>> -> memref<64xf32, #tpu.memory_space<vmem>>
        tpu.vector_store_idx %parallel_loop3A_319[%parallel_loop3A_315], %parallel_loop3A_316 : memref<64xf32, #tpu.memory_space<vmem>>[vector<16xi32>], vector<16xf32>,
      } {sc.loop_unroll_factor = 8 : i64, sc.parallel_access}
      %add3A_246 = arith.constant 2 : i32
      %add3A_247 = arith.addi %add3A_227, %add3A_246 : i32
      %lt3A_248 = arith.cmpi slt, %add3A_247, %select_n3A_8 : i32
      %convert_element_type3A_249 = arith.extui %lt3A_248 : i1 to i32
      %cond3A_250 = arith.constant 0 : i32
      %cond3A_251 = arith.cmpi ne, %convert_element_type3A_249, %cond3A_250 : i32
      scf.if %cond3A_251 {
        %add3A_258 = arith.constant 2 : i32
        %add3A_259 = arith.addi %add3A_227, %add3A_258 : i32
        %dma_start3A_260 = arith.constant 0 : i32
        %dma_start3A_261 = tpu.memref_slice %arg8[%add3A_259, %dma_start3A_260] : memref<96x128xi32, #tpu.memory_space<vmem>> -> memref<1x128xi32, #tpu.memory_space<vmem>>
        %dma_start3A_262 = tpu.memref_squeeze %dma_start3A_261 : memref<1x128xi32, #tpu.memory_space<vmem>> -> memref<128xi32, #tpu.memory_space<vmem>>
        %dma_start3A_263 = arith.constant 0 : i32
        %dma_start3A_264 = arith.constant 0 : i32
        %dma_start3A_265 = tpu.memref_slice %arg3[%dma_start3A_263, %dma_start3A_264] : memref<10000x64xbf16, #tpu.memory_space<hbm>> -> memref<10000x64xbf16, #tpu.memory_space<hbm>>
        tpu.enqueue_indirect_dma source(%dma_start3A_265 : memref<10000x64xbf16, #tpu.memory_space<hbm>>) target(%arg12 : memref<128x64xbf16, #tpu.memory_space<vmem>>) offsets(%dma_start3A_262 : memref<128xi32, #tpu.memory_space<vmem>>) semaphore(%arg18 : memref<!tpu.dma_semaphore, #tpu.memory_space<semaphore_mem>>)
      } else {
      }
      %dma_start3A_252 = arith.constant 0 : i32
      %dma_start3A_253 = tpu.memref_slice %arg9[%add3A_227, %dma_start3A_252] : memref<96x128xi32, #tpu.memory_space<vmem>> -> memref<1x128xi32, #tpu.memory_space<vmem>>
      %dma_start3A_254 = tpu.memref_squeeze %dma_start3A_253 : memref<1x128xi32, #tpu.memory_space<vmem>> -> memref<128xi32, #tpu.memory_space<vmem>>
      %dma_start3A_255 = arith.constant 0 : i32
      %dma_start3A_256 = arith.constant 0 : i32
      %dma_start3A_257 = tpu.memref_slice %arg16[%dma_start3A_255, %dma_start3A_256] : memref<10240x64xf32, #tpu.memory_space<vmem_shared>> -> memref<10240x64xf32, #tpu.memory_space<vmem_shared>>
      tpu.enqueue_indirect_dma source(%arg14 : memref<128x64xf32, #tpu.memory_space<vmem>>) target(%dma_start3A_257 : memref<10240x64xf32, #tpu.memory_space<vmem_shared>>) offsets(%dma_start3A_254 : memref<128xi32, #tpu.memory_space<vmem>>) semaphore(%arg20 : memref<!tpu.dma_semaphore, #tpu.memory_space<semaphore_mem>>) {add = true}
    }
    %while3A_167 = arith.constant 1 : i32
    scf.for %while3A_195 = %while3A_165 to %while3A_161 step %while3A_167  : i32 {
      %mul3A_196 = arith.constant 2 : i32
      %mul3A_197 = arith.muli %mul3A_196, %while3A_195 : i32
      %add3A_198 = arith.constant 0 : i32
      %add3A_199 = arith.addi %mul3A_197, %add3A_198 : i32
      %dma_wait3A_200 = arith.constant 0 : i32
      %dma_wait3A_201 = tpu.memref_slice %arg8[%add3A_199, %dma_wait3A_200] : memref<96x128xi32, #tpu.memory_space<vmem>> -> memref<1x128xi32, #tpu.memory_space<vmem>>
      %dma_wait3A_202 = tpu.memref_squeeze %dma_wait3A_201 : memref<1x128xi32, #tpu.memory_space<vmem>> -> memref<128xi32, #tpu.memory_space<vmem>>
      %dma_wait3A_203 = arith.constant 0 : i32
      %dma_wait3A_204 = arith.constant 0 : i32
      %dma_wait3A_205 = tpu.memref_slice %arg3[%dma_wait3A_203, %dma_wait3A_204] : memref<10000x64xbf16, #tpu.memory_space<hbm>> -> memref<10000x64xbf16, #tpu.memory_space<hbm>>
      tpu.wait_indirect_dma semaphore(%arg17 : memref<!tpu.dma_semaphore, #tpu.memory_space<semaphore_mem>>) src(%dma_wait3A_205 : memref<10000x64xbf16, #tpu.memory_space<hbm>>) dst(%arg11 : memref<128x64xbf16, #tpu.memory_space<vmem>>)
      %ge3A = arith.constant 2 : i32
      %ge3A_206 = arith.cmpi sge, %add3A_199, %ge3A : i32
      %convert_element_type3A = arith.extui %ge3A_206 : i1 to i32
      %cond3A = arith.constant 0 : i32
      %cond3A_207 = arith.cmpi ne, %convert_element_type3A, %cond3A : i32
      scf.if %cond3A_207 {
        %sub3A_258 = arith.constant 2 : i32
        %sub3A_259 = arith.subi %add3A_199, %sub3A_258 : i32
        %dma_wait3A_260 = arith.constant 0 : i32
        %dma_wait3A_261 = tpu.memref_slice %arg9[%sub3A_259, %dma_wait3A_260] : memref<96x128xi32, #tpu.memory_space<vmem>> -> memref<1x128xi32, #tpu.memory_space<vmem>>
        %dma_wait3A_262 = tpu.memref_squeeze %dma_wait3A_261 : memref<1x128xi32, #tpu.memory_space<vmem>> -> memref<128xi32, #tpu.memory_space<vmem>>
        %dma_wait3A_263 = arith.constant 0 : i32
        %dma_wait3A_264 = arith.constant 0 : i32
        %dma_wait3A_265 = tpu.memref_slice %arg16[%dma_wait3A_263, %dma_wait3A_264] : memref<10240x64xf32, #tpu.memory_space<vmem_shared>> -> memref<10240x64xf32, #tpu.memory_space<vmem_shared>>
        tpu.wait_indirect_dma semaphore(%arg19 : memref<!tpu.dma_semaphore, #tpu.memory_space<semaphore_mem>>) src(%arg13 : memref<128x64xf32, #tpu.memory_space<vmem>>) dst(%dma_wait3A_265 : memref<10240x64xf32, #tpu.memory_space<vmem_shared>>)
      } else {
      }
      %iota3A = tpu.iota {dimensions = array<i32: 0>} : vector<16xi32>
      %mul3A_208 = arith.constant 2 : i32
      %mul3A_209 = vector.broadcast %mul3A_208 : i32 to vector<16xi32>
      %mul3A_210 = arith.muli %mul3A_209, %iota3A : vector<16xi32>
      %parallel_loop3A = arith.constant 0 : i32
      %parallel_loop3A_211 = arith.constant 128 : i32
      %parallel_loop3A_212 = arith.constant 1 : i32
      scf.for %parallel_loop3A_258 = %parallel_loop3A to %parallel_loop3A_211 step %parallel_loop3A_212  : i32 {
        %parallel_loop3A_259 = vector.broadcast %add3A_199 : i32 to vector<16xi32>
        %parallel_loop3A_260 = vector.broadcast %parallel_loop3A_258 : i32 to vector<16xi32>
        %parallel_loop3A_261 = tpu.vector_load_idx %arg10[%parallel_loop3A_259, %parallel_loop3A_260] : memref<96x128xf32, #tpu.memory_space<vmem>>[vector<16xi32>, vector<16xi32>], vector<16xf32>,
        %parallel_loop3A_262 = arith.index_cast %parallel_loop3A_258 : i32 to index
        %parallel_loop3A_263 = arith.constant 0 : index
        %parallel_loop3A_264 = tpu.vector_load %arg11[%parallel_loop3A_262, %parallel_loop3A_263] {strides = array<i32>} : memref<128x64xbf16, #tpu.memory_space<vmem>>, vector<32xbf16>,
        %parallel_loop3A_265 = vector.bitcast %parallel_loop3A_264 : vector<32xbf16> to vector<16xi32>
        %parallel_loop3A_266 = arith.constant 16 : i32
        %parallel_loop3A_267 = vector.broadcast %parallel_loop3A_266 : i32 to vector<16xi32>
        %parallel_loop3A_268 = arith.shli %parallel_loop3A_265, %parallel_loop3A_267 : vector<16xi32>
        %parallel_loop3A_269 = vector.bitcast %parallel_loop3A_268 : vector<16xi32> to vector<16xf32>
        %parallel_loop3A_270 = arith.constant -65536 : i32
        %parallel_loop3A_271 = vector.broadcast %parallel_loop3A_270 : i32 to vector<16xi32>
        %parallel_loop3A_272 = arith.andi %parallel_loop3A_265, %parallel_loop3A_271 : vector<16xi32>
        %parallel_loop3A_273 = vector.bitcast %parallel_loop3A_272 : vector<16xi32> to vector<16xf32>
        %parallel_loop3A_274 = arith.constant 0 : i32
        %parallel_loop3A_275 = vector.broadcast %parallel_loop3A_274 : i32 to vector<16xi32>
        %parallel_loop3A_276 = arith.addi %parallel_loop3A_275, %mul3A_210 : vector<16xi32>
        %parallel_loop3A_277 = arith.mulf %parallel_loop3A_269, %parallel_loop3A_261 : vector<16xf32>
        %parallel_loop3A_278 = arith.constant 0 : i32
        %parallel_loop3A_279 = tpu.memref_slice %arg13[%parallel_loop3A_258, %parallel_loop3A_278] : memref<128x64xf32, #tpu.memory_space<vmem>> -> memref<1x64xf32, #tpu.memory_space<vmem>>
        %parallel_loop3A_280 = tpu.memref_squeeze %parallel_loop3A_279 : memref<1x64xf32, #tpu.memory_space<vmem>> -> memref<64xf32, #tpu.memory_space<vmem>>
        tpu.vector_store_idx %parallel_loop3A_280[%parallel_loop3A_276], %parallel_loop3A_277 : memref<64xf32, #tpu.memory_space<vmem>>[vector<16xi32>], vector<16xf32>,
        %parallel_loop3A_281 = arith.constant 0 : i32
        %parallel_loop3A_282 = vector.broadcast %parallel_loop3A_281 : i32 to vector<16xi32>
        %parallel_loop3A_283 = arith.addi %parallel_loop3A_282, %mul3A_210 : vector<16xi32>
        %parallel_loop3A_284 = arith.constant 1 : i32
        %parallel_loop3A_285 = vector.broadcast %parallel_loop3A_284 : i32 to vector<16xi32>
        %parallel_loop3A_286 = arith.addi %parallel_loop3A_283, %parallel_loop3A_285 : vector<16xi32>
        %parallel_loop3A_287 = arith.mulf %parallel_loop3A_273, %parallel_loop3A_261 : vector<16xf32>
        %parallel_loop3A_288 = arith.constant 0 : i32
        %parallel_loop3A_289 = tpu.memref_slice %arg13[%parallel_loop3A_258, %parallel_loop3A_288] : memref<128x64xf32, #tpu.memory_space<vmem>> -> memref<1x64xf32, #tpu.memory_space<vmem>>
        %parallel_loop3A_290 = tpu.memref_squeeze %parallel_loop3A_289 : memref<1x64xf32, #tpu.memory_space<vmem>> -> memref<64xf32, #tpu.memory_space<vmem>>
        tpu.vector_store_idx %parallel_loop3A_290[%parallel_loop3A_286], %parallel_loop3A_287 : memref<64xf32, #tpu.memory_space<vmem>>[vector<16xi32>], vector<16xf32>,
        %parallel_loop3A_291 = arith.index_cast %parallel_loop3A_258 : i32 to index
        %parallel_loop3A_292 = arith.constant 32 : index
        %parallel_loop3A_293 = tpu.vector_load %arg11[%parallel_loop3A_291, %parallel_loop3A_292] {strides = array<i32>} : memref<128x64xbf16, #tpu.memory_space<vmem>>, vector<32xbf16>,
        %parallel_loop3A_294 = vector.bitcast %parallel_loop3A_293 : vector<32xbf16> to vector<16xi32>
        %parallel_loop3A_295 = arith.constant 16 : i32
        %parallel_loop3A_296 = vector.broadcast %parallel_loop3A_295 : i32 to vector<16xi32>
        %parallel_loop3A_297 = arith.shli %parallel_loop3A_294, %parallel_loop3A_296 : vector<16xi32>
        %parallel_loop3A_298 = vector.bitcast %parallel_loop3A_297 : vector<16xi32> to vector<16xf32>
        %parallel_loop3A_299 = arith.constant -65536 : i32
        %parallel_loop3A_300 = vector.broadcast %parallel_loop3A_299 : i32 to vector<16xi32>
        %parallel_loop3A_301 = arith.andi %parallel_loop3A_294, %parallel_loop3A_300 : vector<16xi32>
        %parallel_loop3A_302 = vector.bitcast %parallel_loop3A_301 : vector<16xi32> to vector<16xf32>
        %parallel_loop3A_303 = arith.constant 32 : i32
        %parallel_loop3A_304 = vector.broadcast %parallel_loop3A_303 : i32 to vector<16xi32>
        %parallel_loop3A_305 = arith.addi %parallel_loop3A_304, %mul3A_210 : vector<16xi32>
        %parallel_loop3A_306 = arith.mulf %parallel_loop3A_298, %parallel_loop3A_261 : vector<16xf32>
        %parallel_loop3A_307 = arith.constant 0 : i32
        %parallel_loop3A_308 = tpu.memref_slice %arg13[%parallel_loop3A_258, %parallel_loop3A_307] : memref<128x64xf32, #tpu.memory_space<vmem>> -> memref<1x64xf32, #tpu.memory_space<vmem>>
        %parallel_loop3A_309 = tpu.memref_squeeze %parallel_loop3A_308 : memref<1x64xf32, #tpu.memory_space<vmem>> -> memref<64xf32, #tpu.memory_space<vmem>>
        tpu.vector_store_idx %parallel_loop3A_309[%parallel_loop3A_305], %parallel_loop3A_306 : memref<64xf32, #tpu.memory_space<vmem>>[vector<16xi32>], vector<16xf32>,
        %parallel_loop3A_310 = arith.constant 32 : i32
        %parallel_loop3A_311 = vector.broadcast %parallel_loop3A_310 : i32 to vector<16xi32>
        %parallel_loop3A_312 = arith.addi %parallel_loop3A_311, %mul3A_210 : vector<16xi32>
        %parallel_loop3A_313 = arith.constant 1 : i32
        %parallel_loop3A_314 = vector.broadcast %parallel_loop3A_313 : i32 to vector<16xi32>
        %parallel_loop3A_315 = arith.addi %parallel_loop3A_312, %parallel_loop3A_314 : vector<16xi32>
        %parallel_loop3A_316 = arith.mulf %parallel_loop3A_302, %parallel_loop3A_261 : vector<16xf32>
        %parallel_loop3A_317 = arith.constant 0 : i32
        %parallel_loop3A_318 = tpu.memref_slice %arg13[%parallel_loop3A_258, %parallel_loop3A_317] : memref<128x64xf32, #tpu.memory_space<vmem>> -> memref<1x64xf32, #tpu.memory_space<vmem>>
        %parallel_loop3A_319 = tpu.memref_squeeze %parallel_loop3A_318 : memref<1x64xf32, #tpu.memory_space<vmem>> -> memref<64xf32, #tpu.memory_space<vmem>>
        tpu.vector_store_idx %parallel_loop3A_319[%parallel_loop3A_315], %parallel_loop3A_316 : memref<64xf32, #tpu.memory_space<vmem>>[vector<16xi32>], vector<16xf32>,
      } {sc.loop_unroll_factor = 8 : i64, sc.parallel_access}
      %add3A_213 = arith.constant 2 : i32
      %add3A_214 = arith.addi %add3A_199, %add3A_213 : i32
      %lt3A = arith.cmpi slt, %add3A_214, %select_n3A_8 : i32
      %convert_element_type3A_215 = arith.extui %lt3A : i1 to i32
      %cond3A_216 = arith.constant 0 : i32
      %cond3A_217 = arith.cmpi ne, %convert_element_type3A_215, %cond3A_216 : i32
      scf.if %cond3A_217 {
        %add3A_258 = arith.constant 2 : i32
        %add3A_259 = arith.addi %add3A_199, %add3A_258 : i32
        %dma_start3A_260 = arith.constant 0 : i32
        %dma_start3A_261 = tpu.memref_slice %arg8[%add3A_259, %dma_start3A_260] : memref<96x128xi32, #tpu.memory_space<vmem>> -> memref<1x128xi32, #tpu.memory_space<vmem>>
        %dma_start3A_262 = tpu.memref_squeeze %dma_start3A_261 : memref<1x128xi32, #tpu.memory_space<vmem>> -> memref<128xi32, #tpu.memory_space<vmem>>
        %dma_start3A_263 = arith.constant 0 : i32
        %dma_start3A_264 = arith.constant 0 : i32
        %dma_start3A_265 = tpu.memref_slice %arg3[%dma_start3A_263, %dma_start3A_264] : memref<10000x64xbf16, #tpu.memory_space<hbm>> -> memref<10000x64xbf16, #tpu.memory_space<hbm>>
        tpu.enqueue_indirect_dma source(%dma_start3A_265 : memref<10000x64xbf16, #tpu.memory_space<hbm>>) target(%arg11 : memref<128x64xbf16, #tpu.memory_space<vmem>>) offsets(%dma_start3A_262 : memref<128xi32, #tpu.memory_space<vmem>>) semaphore(%arg17 : memref<!tpu.dma_semaphore, #tpu.memory_space<semaphore_mem>>)
      } else {
      }
      %dma_start3A_218 = arith.constant 0 : i32
      %dma_start3A_219 = tpu.memref_slice %arg9[%add3A_199, %dma_start3A_218] : memref<96x128xi32, #tpu.memory_space<vmem>> -> memref<1x128xi32, #tpu.memory_space<vmem>>
      %dma_start3A_220 = tpu.memref_squeeze %dma_start3A_219 : memref<1x128xi32, #tpu.memory_space<vmem>> -> memref<128xi32, #tpu.memory_space<vmem>>
      %dma_start3A_221 = arith.constant 0 : i32
      %dma_start3A_222 = arith.constant 0 : i32
      %dma_start3A_223 = tpu.memref_slice %arg16[%dma_start3A_221, %dma_start3A_222] : memref<10240x64xf32, #tpu.memory_space<vmem_shared>> -> memref<10240x64xf32, #tpu.memory_space<vmem_shared>>
      tpu.enqueue_indirect_dma source(%arg13 : memref<128x64xf32, #tpu.memory_space<vmem>>) target(%dma_start3A_223 : memref<10240x64xf32, #tpu.memory_space<vmem_shared>>) offsets(%dma_start3A_220 : memref<128xi32, #tpu.memory_space<vmem>>) semaphore(%arg19 : memref<!tpu.dma_semaphore, #tpu.memory_space<semaphore_mem>>) {add = true}
      %mul3A_224 = arith.constant 2 : i32
      %mul3A_225 = arith.muli %mul3A_224, %while3A_195 : i32
      %add3A_226 = arith.constant 1 : i32
      %add3A_227 = arith.addi %mul3A_225, %add3A_226 : i32
      %dma_wait3A_228 = arith.constant 0 : i32
      %dma_wait3A_229 = tpu.memref_slice %arg8[%add3A_227, %dma_wait3A_228] : memref<96x128xi32, #tpu.memory_space<vmem>> -> memref<1x128xi32, #tpu.memory_space<vmem>>
      %dma_wait3A_230 = tpu.memref_squeeze %dma_wait3A_229 : memref<1x128xi32, #tpu.memory_space<vmem>> -> memref<128xi32, #tpu.memory_space<vmem>>
      %dma_wait3A_231 = arith.constant 0 : i32
      %dma_wait3A_232 = arith.constant 0 : i32
      %dma_wait3A_233 = tpu.memref_slice %arg3[%dma_wait3A_231, %dma_wait3A_232] : memref<10000x64xbf16, #tpu.memory_space<hbm>> -> memref<10000x64xbf16, #tpu.memory_space<hbm>>
      tpu.wait_indirect_dma semaphore(%arg18 : memref<!tpu.dma_semaphore, #tpu.memory_space<semaphore_mem>>) src(%dma_wait3A_233 : memref<10000x64xbf16, #tpu.memory_space<hbm>>) dst(%arg12 : memref<128x64xbf16, #tpu.memory_space<vmem>>)
      %ge3A_234 = arith.constant 2 : i32
      %ge3A_235 = arith.cmpi sge, %add3A_227, %ge3A_234 : i32
      %convert_element_type3A_236 = arith.extui %ge3A_235 : i1 to i32
      %cond3A_237 = arith.constant 0 : i32
      %cond3A_238 = arith.cmpi ne, %convert_element_type3A_236, %cond3A_237 : i32
      scf.if %cond3A_238 {
        %sub3A_258 = arith.constant 2 : i32
        %sub3A_259 = arith.subi %add3A_227, %sub3A_258 : i32
        %dma_wait3A_260 = arith.constant 0 : i32
        %dma_wait3A_261 = tpu.memref_slice %arg9[%sub3A_259, %dma_wait3A_260] : memref<96x128xi32, #tpu.memory_space<vmem>> -> memref<1x128xi32, #tpu.memory_space<vmem>>
        %dma_wait3A_262 = tpu.memref_squeeze %dma_wait3A_261 : memref<1x128xi32, #tpu.memory_space<vmem>> -> memref<128xi32, #tpu.memory_space<vmem>>
        %dma_wait3A_263 = arith.constant 0 : i32
        %dma_wait3A_264 = arith.constant 0 : i32
        %dma_wait3A_265 = tpu.memref_slice %arg16[%dma_wait3A_263, %dma_wait3A_264] : memref<10240x64xf32, #tpu.memory_space<vmem_shared>> -> memref<10240x64xf32, #tpu.memory_space<vmem_shared>>
        tpu.wait_indirect_dma semaphore(%arg20 : memref<!tpu.dma_semaphore, #tpu.memory_space<semaphore_mem>>) src(%arg14 : memref<128x64xf32, #tpu.memory_space<vmem>>) dst(%dma_wait3A_265 : memref<10240x64xf32, #tpu.memory_space<vmem_shared>>)
      } else {
      }
      %iota3A_239 = tpu.iota {dimensions = array<i32: 0>} : vector<16xi32>
      %mul3A_240 = arith.constant 2 : i32
      %mul3A_241 = vector.broadcast %mul3A_240 : i32 to vector<16xi32>
      %mul3A_242 = arith.muli %mul3A_241, %iota3A_239 : vector<16xi32>
      %parallel_loop3A_243 = arith.constant 0 : i32
      %parallel_loop3A_244 = arith.constant 128 : i32
      %parallel_loop3A_245 = arith.constant 1 : i32
      scf.for %parallel_loop3A_258 = %parallel_loop3A_243 to %parallel_loop3A_244 step %parallel_loop3A_245  : i32 {
        %parallel_loop3A_259 = vector.broadcast %add3A_227 : i32 to vector<16xi32>
        %parallel_loop3A_260 = vector.broadcast %parallel_loop3A_258 : i32 to vector<16xi32>
        %parallel_loop3A_261 = tpu.vector_load_idx %arg10[%parallel_loop3A_259, %parallel_loop3A_260] : memref<96x128xf32, #tpu.memory_space<vmem>>[vector<16xi32>, vector<16xi32>], vector<16xf32>,
        %parallel_loop3A_262 = arith.index_cast %parallel_loop3A_258 : i32 to index
        %parallel_loop3A_263 = arith.constant 0 : index
        %parallel_loop3A_264 = tpu.vector_load %arg12[%parallel_loop3A_262, %parallel_loop3A_263] {strides = array<i32>} : memref<128x64xbf16, #tpu.memory_space<vmem>>, vector<32xbf16>,
        %parallel_loop3A_265 = vector.bitcast %parallel_loop3A_264 : vector<32xbf16> to vector<16xi32>
        %parallel_loop3A_266 = arith.constant 16 : i32
        %parallel_loop3A_267 = vector.broadcast %parallel_loop3A_266 : i32 to vector<16xi32>
        %parallel_loop3A_268 = arith.shli %parallel_loop3A_265, %parallel_loop3A_267 : vector<16xi32>
        %parallel_loop3A_269 = vector.bitcast %parallel_loop3A_268 : vector<16xi32> to vector<16xf32>
        %parallel_loop3A_270 = arith.constant -65536 : i32
        %parallel_loop3A_271 = vector.broadcast %parallel_loop3A_270 : i32 to vector<16xi32>
        %parallel_loop3A_272 = arith.andi %parallel_loop3A_265, %parallel_loop3A_271 : vector<16xi32>
        %parallel_loop3A_273 = vector.bitcast %parallel_loop3A_272 : vector<16xi32> to vector<16xf32>
        %parallel_loop3A_274 = arith.constant 0 : i32
        %parallel_loop3A_275 = vector.broadcast %parallel_loop3A_274 : i32 to vector<16xi32>
        %parallel_loop3A_276 = arith.addi %parallel_loop3A_275, %mul3A_242 : vector<16xi32>
        %parallel_loop3A_277 = arith.mulf %parallel_loop3A_269, %parallel_loop3A_261 : vector<16xf32>
        %parallel_loop3A_278 = arith.constant 0 : i32
        %parallel_loop3A_279 = tpu.memref_slice %arg14[%parallel_loop3A_258, %parallel_loop3A_278] : memref<128x64xf32, #tpu.memory_space<vmem>> -> memref<1x64xf32, #tpu.memory_space<vmem>>
        %parallel_loop3A_280 = tpu.memref_squeeze %parallel_loop3A_279 : memref<1x64xf32, #tpu.memory_space<vmem>> -> memref<64xf32, #tpu.memory_space<vmem>>
        tpu.vector_store_idx %parallel_loop3A_280[%parallel_loop3A_276], %parallel_loop3A_277 : memref<64xf32, #tpu.memory_space<vmem>>[vector<16xi32>], vector<16xf32>,
        %parallel_loop3A_281 = arith.constant 0 : i32
        %parallel_loop3A_282 = vector.broadcast %parallel_loop3A_281 : i32 to vector<16xi32>
        %parallel_loop3A_283 = arith.addi %parallel_loop3A_282, %mul3A_242 : vector<16xi32>
        %parallel_loop3A_284 = arith.constant 1 : i32
        %parallel_loop3A_285 = vector.broadcast %parallel_loop3A_284 : i32 to vector<16xi32>
        %parallel_loop3A_286 = arith.addi %parallel_loop3A_283, %parallel_loop3A_285 : vector<16xi32>
        %parallel_loop3A_287 = arith.mulf %parallel_loop3A_273, %parallel_loop3A_261 : vector<16xf32>
        %parallel_loop3A_288 = arith.constant 0 : i32
        %parallel_loop3A_289 = tpu.memref_slice %arg14[%parallel_loop3A_258, %parallel_loop3A_288] : memref<128x64xf32, #tpu.memory_space<vmem>> -> memref<1x64xf32, #tpu.memory_space<vmem>>
        %parallel_loop3A_290 = tpu.memref_squeeze %parallel_loop3A_289 : memref<1x64xf32, #tpu.memory_space<vmem>> -> memref<64xf32, #tpu.memory_space<vmem>>
        tpu.vector_store_idx %parallel_loop3A_290[%parallel_loop3A_286], %parallel_loop3A_287 : memref<64xf32, #tpu.memory_space<vmem>>[vector<16xi32>], vector<16xf32>,
        %parallel_loop3A_291 = arith.index_cast %parallel_loop3A_258 : i32 to index
        %parallel_loop3A_292 = arith.constant 32 : index
        %parallel_loop3A_293 = tpu.vector_load %arg12[%parallel_loop3A_291, %parallel_loop3A_292] {strides = array<i32>} : memref<128x64xbf16, #tpu.memory_space<vmem>>, vector<32xbf16>,
        %parallel_loop3A_294 = vector.bitcast %parallel_loop3A_293 : vector<32xbf16> to vector<16xi32>
        %parallel_loop3A_295 = arith.constant 16 : i32
        %parallel_loop3A_296 = vector.broadcast %parallel_loop3A_295 : i32 to vector<16xi32>
        %parallel_loop3A_297 = arith.shli %parallel_loop3A_294, %parallel_loop3A_296 : vector<16xi32>
        %parallel_loop3A_298 = vector.bitcast %parallel_loop3A_297 : vector<16xi32> to vector<16xf32>
        %parallel_loop3A_299 = arith.constant -65536 : i32
        %parallel_loop3A_300 = vector.broadcast %parallel_loop3A_299 : i32 to vector<16xi32>
        %parallel_loop3A_301 = arith.andi %parallel_loop3A_294, %parallel_loop3A_300 : vector<16xi32>
        %parallel_loop3A_302 = vector.bitcast %parallel_loop3A_301 : vector<16xi32> to vector<16xf32>
        %parallel_loop3A_303 = arith.constant 32 : i32
        %parallel_loop3A_304 = vector.broadcast %parallel_loop3A_303 : i32 to vector<16xi32>
        %parallel_loop3A_305 = arith.addi %parallel_loop3A_304, %mul3A_242 : vector<16xi32>
        %parallel_loop3A_306 = arith.mulf %parallel_loop3A_298, %parallel_loop3A_261 : vector<16xf32>
        %parallel_loop3A_307 = arith.constant 0 : i32
        %parallel_loop3A_308 = tpu.memref_slice %arg14[%parallel_loop3A_258, %parallel_loop3A_307] : memref<128x64xf32, #tpu.memory_space<vmem>> -> memref<1x64xf32, #tpu.memory_space<vmem>>
        %parallel_loop3A_309 = tpu.memref_squeeze %parallel_loop3A_308 : memref<1x64xf32, #tpu.memory_space<vmem>> -> memref<64xf32, #tpu.memory_space<vmem>>
        tpu.vector_store_idx %parallel_loop3A_309[%parallel_loop3A_305], %parallel_loop3A_306 : memref<64xf32, #tpu.memory_space<vmem>>[vector<16xi32>], vector<16xf32>,
        %parallel_loop3A_310 = arith.constant 32 : i32
        %parallel_loop3A_311 = vector.broadcast %parallel_loop3A_310 : i32 to vector<16xi32>
        %parallel_loop3A_312 = arith.addi %parallel_loop3A_311, %mul3A_242 : vector<16xi32>
        %parallel_loop3A_313 = arith.constant 1 : i32
        %parallel_loop3A_314 = vector.broadcast %parallel_loop3A_313 : i32 to vector<16xi32>
        %parallel_loop3A_315 = arith.addi %parallel_loop3A_312, %parallel_loop3A_314 : vector<16xi32>
        %parallel_loop3A_316 = arith.mulf %parallel_loop3A_302, %parallel_loop3A_261 : vector<16xf32>
        %parallel_loop3A_317 = arith.constant 0 : i32
        %parallel_loop3A_318 = tpu.memref_slice %arg14[%parallel_loop3A_258, %parallel_loop3A_317] : memref<128x64xf32, #tpu.memory_space<vmem>> -> memref<1x64xf32, #tpu.memory_space<vmem>>
        %parallel_loop3A_319 = tpu.memref_squeeze %parallel_loop3A_318 : memref<1x64xf32, #tpu.memory_space<vmem>> -> memref<64xf32, #tpu.memory_space<vmem>>
        tpu.vector_store_idx %parallel_loop3A_319[%parallel_loop3A_315], %parallel_loop3A_316 : memref<64xf32, #tpu.memory_space<vmem>>[vector<16xi32>], vector<16xf32>,
      } {sc.loop_unroll_factor = 8 : i64, sc.parallel_access}
      %add3A_246 = arith.constant 2 : i32
      %add3A_247 = arith.addi %add3A_227, %add3A_246 : i32
      %lt3A_248 = arith.cmpi slt, %add3A_247, %select_n3A_8 : i32
      %convert_element_type3A_249 = arith.extui %lt3A_248 : i1 to i32
      %cond3A_250 = arith.constant 0 : i32
      %cond3A_251 = arith.cmpi ne, %convert_element_type3A_249, %cond3A_250 : i32
      scf.if %cond3A_251 {
        %add3A_258 = arith.constant 2 : i32
        %add3A_259 = arith.addi %add3A_227, %add3A_258 : i32
        %dma_start3A_260 = arith.constant 0 : i32
        %dma_start3A_261 = tpu.memref_slice %arg8[%add3A_259, %dma_start3A_260] : memref<96x128xi32, #tpu.memory_space<vmem>> -> memref<1x128xi32, #tpu.memory_space<vmem>>
        %dma_start3A_262 = tpu.memref_squeeze %dma_start3A_261 : memref<1x128xi32, #tpu.memory_space<vmem>> -> memref<128xi32, #tpu.memory_space<vmem>>
        %dma_start3A_263 = arith.constant 0 : i32
        %dma_start3A_264 = arith.constant 0 : i32
        %dma_start3A_265 = tpu.memref_slice %arg3[%dma_start3A_263, %dma_start3A_264] : memref<10000x64xbf16, #tpu.memory_space<hbm>> -> memref<10000x64xbf16, #tpu.memory_space<hbm>>
        tpu.enqueue_indirect_dma source(%dma_start3A_265 : memref<10000x64xbf16, #tpu.memory_space<hbm>>) target(%arg12 : memref<128x64xbf16, #tpu.memory_space<vmem>>) offsets(%dma_start3A_262 : memref<128xi32, #tpu.memory_space<vmem>>) semaphore(%arg18 : memref<!tpu.dma_semaphore, #tpu.memory_space<semaphore_mem>>)
      } else {
      }
      %dma_start3A_252 = arith.constant 0 : i32
      %dma_start3A_253 = tpu.memref_slice %arg9[%add3A_227, %dma_start3A_252] : memref<96x128xi32, #tpu.memory_space<vmem>> -> memref<1x128xi32, #tpu.memory_space<vmem>>
      %dma_start3A_254 = tpu.memref_squeeze %dma_start3A_253 : memref<1x128xi32, #tpu.memory_space<vmem>> -> memref<128xi32, #tpu.memory_space<vmem>>
      %dma_start3A_255 = arith.constant 0 : i32
      %dma_start3A_256 = arith.constant 0 : i32
      %dma_start3A_257 = tpu.memref_slice %arg16[%dma_start3A_255, %dma_start3A_256] : memref<10240x64xf32, #tpu.memory_space<vmem_shared>> -> memref<10240x64xf32, #tpu.memory_space<vmem_shared>>
      tpu.enqueue_indirect_dma source(%arg14 : memref<128x64xf32, #tpu.memory_space<vmem>>) target(%dma_start3A_257 : memref<10240x64xf32, #tpu.memory_space<vmem_shared>>) offsets(%dma_start3A_254 : memref<128xi32, #tpu.memory_space<vmem>>) semaphore(%arg20 : memref<!tpu.dma_semaphore, #tpu.memory_space<semaphore_mem>>) {add = true}
    }
    %sub3A_168 = arith.constant 2 : i32
    %sub3A_169 = arith.subi %select_n3A_8, %sub3A_168 : i32
    %add3A_170 = arith.constant 0 : i32
    %add3A_171 = arith.addi %sub3A_169, %add3A_170 : i32
    %dma_wait3A_172 = arith.constant 0 : i32
    %dma_wait3A_173 = tpu.memref_slice %arg9[%add3A_171, %dma_wait3A_172] : memref<96x128xi32, #tpu.memory_space<vmem>> -> memref<1x128xi32, #tpu.memory_space<vmem>>
    %dma_wait3A_174 = tpu.memref_squeeze %dma_wait3A_173 : memref<1x128xi32, #tpu.memory_space<vmem>> -> memref<128xi32, #tpu.memory_space<vmem>>
    %dma_wait3A_175 = arith.constant 0 : i32
    %dma_wait3A_176 = arith.constant 0 : i32
    %dma_wait3A_177 = tpu.memref_slice %arg16[%dma_wait3A_175, %dma_wait3A_176] : memref<10240x64xf32, #tpu.memory_space<vmem_shared>> -> memref<10240x64xf32, #tpu.memory_space<vmem_shared>>
    tpu.wait_indirect_dma semaphore(%arg19 : memref<!tpu.dma_semaphore, #tpu.memory_space<semaphore_mem>>) src(%arg13 : memref<128x64xf32, #tpu.memory_space<vmem>>) dst(%dma_wait3A_177 : memref<10240x64xf32, #tpu.memory_space<vmem_shared>>)
    %sub3A_178 = arith.constant 2 : i32
    %sub3A_179 = arith.subi %select_n3A_8, %sub3A_178 : i32
    %add3A_180 = arith.constant 1 : i32
    %add3A_181 = arith.addi %sub3A_179, %add3A_180 : i32
    %dma_wait3A_182 = arith.constant 0 : i32
    %dma_wait3A_183 = tpu.memref_slice %arg9[%add3A_181, %dma_wait3A_182] : memref<96x128xi32, #tpu.memory_space<vmem>> -> memref<1x128xi32, #tpu.memory_space<vmem>>
    %dma_wait3A_184 = tpu.memref_squeeze %dma_wait3A_183 : memref<1x128xi32, #tpu.memory_space<vmem>> -> memref<128xi32, #tpu.memory_space<vmem>>
    %dma_wait3A_185 = arith.constant 0 : i32
    %dma_wait3A_186 = arith.constant 0 : i32
    %dma_wait3A_187 = tpu.memref_slice %arg16[%dma_wait3A_185, %dma_wait3A_186] : memref<10240x64xf32, #tpu.memory_space<vmem_shared>> -> memref<10240x64xf32, #tpu.memory_space<vmem_shared>>
    tpu.wait_indirect_dma semaphore(%arg20 : memref<!tpu.dma_semaphore, #tpu.memory_space<semaphore_mem>>) src(%arg14 : memref<128x64xf32, #tpu.memory_space<vmem>>) dst(%dma_wait3A_187 : memref<10240x64xf32, #tpu.memory_space<vmem_shared>>)
    %barrier3A_188 = arith.constant 0 : index
    tpu.barrier barrier_id(%barrier3A_188)
    %mul3A_189 = arith.constant 640 : i32
    %mul3A_190 = arith.muli %arg1, %mul3A_189 : i32
    %mul3A_191 = arith.constant 640 : i32
    %mul3A_192 = arith.muli %arg1, %mul3A_191 : i32
    %run_scoped3A_193 = arith.constant 1 : i32
    "tpu.region"() ({
      %run_scoped3A_195 = tpu.sem_alloc : memref<!tpu.dma_semaphore, #tpu.memory_space<semaphore_mem>>
      %dma_start3A_196 = arith.constant 0 : i32
      %dma_start3A_197 = tpu.memref_slice %arg7[%run_scoped3A_193, %arg0, %mul3A_192, %dma_start3A_196] : memref<2x2x10240x64xf32, #tpu.memory_space<hbm>> -> memref<1x1x640x64xf32, #tpu.memory_space<hbm>>
      %dma_start3A_198 = tpu.memref_squeeze %dma_start3A_197 : memref<1x1x640x64xf32, #tpu.memory_space<hbm>> -> memref<640x64xf32, #tpu.memory_space<hbm>>
      %dma_start3A_199 = arith.constant 0 : i32
      %dma_start3A_200 = tpu.memref_slice %arg16[%mul3A_190, %dma_start3A_199] : memref<10240x64xf32, #tpu.memory_space<vmem_shared>> -> memref<640x64xf32, #tpu.memory_space<vmem_shared>>
      tpu.enqueue_dma source(%dma_start3A_200 : memref<640x64xf32, #tpu.memory_space<vmem_shared>>) target(%dma_start3A_198 : memref<640x64xf32, #tpu.memory_space<hbm>>) target_semaphore(%run_scoped3A_195 : memref<!tpu.dma_semaphore, #tpu.memory_space<semaphore_mem>>)
      %dma_wait3A_201 = arith.constant 0 : i32
      %dma_wait3A_202 = tpu.memref_slice %arg7[%run_scoped3A_193, %arg0, %mul3A_192, %dma_wait3A_201] : memref<2x2x10240x64xf32, #tpu.memory_space<hbm>> -> memref<1x1x640x64xf32, #tpu.memory_space<hbm>>
      %dma_wait3A_203 = tpu.memref_squeeze %dma_wait3A_202 : memref<1x1x640x64xf32, #tpu.memory_space<hbm>> -> memref<640x64xf32, #tpu.memory_space<hbm>>
      %dma_wait3A_204 = arith.constant 0 : i32
      %dma_wait3A_205 = tpu.memref_slice %arg16[%mul3A_190, %dma_wait3A_204] : memref<10240x64xf32, #tpu.memory_space<vmem_shared>> -> memref<640x64xf32, #tpu.memory_space<vmem_shared>>
      tpu.wait_dma2 semaphore(%run_scoped3A_195 : memref<!tpu.dma_semaphore, #tpu.memory_space<semaphore_mem>>) src(%dma_wait3A_205 : memref<640x64xf32, #tpu.memory_space<vmem_shared>>) dst(%dma_wait3A_203 : memref<640x64xf32, #tpu.memory_space<hbm>>)
      tpu.yield
    }) : () -> ()
    %barrier3A_194 = arith.constant 0 : index
    tpu.barrier barrier_id(%barrier3A_194)
    return
  }
}

#map = affine_map<(d0, d1) -> (0, 0)>
#map1 = affine_map<(d0, d1) -> (0, 0, 0)>
module attributes {stable_mosaic.version = 14 : i64} {
  func.func @_deg_body(%arg0: i32, %arg1: i32, %arg2: memref<2624x128xi32, #tpu.memory_space<hbm>>, %arg3: memref<2624x128xf32, #tpu.memory_space<hbm>>, %arg4: memref<32x1x10240xf32, #tpu.memory_space<hbm>>, %arg5: memref<82x128xi32, #tpu.memory_space<vmem>>, %arg6: memref<82x128xf32, #tpu.memory_space<vmem>>, %arg7: memref<10240xf32, #tpu.memory_space<vmem>>) attributes {dimension_semantics = [#tpu.dimension_semantics<core_parallel>, #tpu.dimension_semantics<subcore_parallel>], iteration_bounds = array<i64: 2, 16>, scalar_prefetch = 0 : i64, scratch_operands = 3 : i64, tpu.core_type = #tpu.core_type<sc_vector_subcore>, window_params = [{transform_indices = #map}, {transform_indices = #map}, {transform_indices = #map1}]} {
    %mul3A = arith.constant 2 : i32
    %mul3A_0 = arith.muli %arg1, %mul3A : i32
    %add3A = arith.addi %mul3A_0, %arg0 : i32
    %mul3A_1 = arith.constant 82 : i32
    %mul3A_2 = arith.muli %add3A, %mul3A_1 : i32
    "tpu.region"() ({
      %run_scoped3A_16 = tpu.sem_alloc : memref<!tpu.dma_semaphore, #tpu.memory_space<semaphore_mem>>
      %dma_start3A = arith.constant 0 : i32
      %dma_start3A_17 = tpu.memref_slice %arg2[%mul3A_2, %dma_start3A] : memref<2624x128xi32, #tpu.memory_space<hbm>> -> memref<82x128xi32, #tpu.memory_space<hbm>>
      %dma_start3A_18 = arith.constant 0 : i32
      %dma_start3A_19 = tpu.memref_slice %arg2[%mul3A_2, %dma_start3A_18] : memref<2624x128xi32, #tpu.memory_space<hbm>> -> memref<82x128xi32, #tpu.memory_space<hbm>>
      tpu.enqueue_dma source(%dma_start3A_19 : memref<82x128xi32, #tpu.memory_space<hbm>>) target(%arg5 : memref<82x128xi32, #tpu.memory_space<vmem>>) target_semaphore(%run_scoped3A_16 : memref<!tpu.dma_semaphore, #tpu.memory_space<semaphore_mem>>)
      %dma_wait3A = arith.constant 0 : i32
      %dma_wait3A_20 = tpu.memref_slice %arg2[%mul3A_2, %dma_wait3A] : memref<2624x128xi32, #tpu.memory_space<hbm>> -> memref<82x128xi32, #tpu.memory_space<hbm>>
      %dma_wait3A_21 = arith.constant 0 : i32
      %dma_wait3A_22 = tpu.memref_slice %arg2[%mul3A_2, %dma_wait3A_21] : memref<2624x128xi32, #tpu.memory_space<hbm>> -> memref<82x128xi32, #tpu.memory_space<hbm>>
      tpu.wait_dma2 semaphore(%run_scoped3A_16 : memref<!tpu.dma_semaphore, #tpu.memory_space<semaphore_mem>>) src(%dma_wait3A_22 : memref<82x128xi32, #tpu.memory_space<hbm>>) dst(%arg5 : memref<82x128xi32, #tpu.memory_space<vmem>>)
      tpu.yield
    }) : () -> ()
    %mul3A_3 = arith.constant 82 : i32
    %mul3A_4 = arith.muli %add3A, %mul3A_3 : i32
    "tpu.region"() ({
      %run_scoped3A_16 = tpu.sem_alloc : memref<!tpu.dma_semaphore, #tpu.memory_space<semaphore_mem>>
      %dma_start3A = arith.constant 0 : i32
      %dma_start3A_17 = tpu.memref_slice %arg3[%mul3A_4, %dma_start3A] : memref<2624x128xf32, #tpu.memory_space<hbm>> -> memref<82x128xf32, #tpu.memory_space<hbm>>
      %dma_start3A_18 = arith.constant 0 : i32
      %dma_start3A_19 = tpu.memref_slice %arg3[%mul3A_4, %dma_start3A_18] : memref<2624x128xf32, #tpu.memory_space<hbm>> -> memref<82x128xf32, #tpu.memory_space<hbm>>
      tpu.enqueue_dma source(%dma_start3A_19 : memref<82x128xf32, #tpu.memory_space<hbm>>) target(%arg6 : memref<82x128xf32, #tpu.memory_space<vmem>>) target_semaphore(%run_scoped3A_16 : memref<!tpu.dma_semaphore, #tpu.memory_space<semaphore_mem>>)
      %dma_wait3A = arith.constant 0 : i32
      %dma_wait3A_20 = tpu.memref_slice %arg3[%mul3A_4, %dma_wait3A] : memref<2624x128xf32, #tpu.memory_space<hbm>> -> memref<82x128xf32, #tpu.memory_space<hbm>>
      %dma_wait3A_21 = arith.constant 0 : i32
      %dma_wait3A_22 = tpu.memref_slice %arg3[%mul3A_4, %dma_wait3A_21] : memref<2624x128xf32, #tpu.memory_space<hbm>> -> memref<82x128xf32, #tpu.memory_space<hbm>>
      tpu.wait_dma2 semaphore(%run_scoped3A_16 : memref<!tpu.dma_semaphore, #tpu.memory_space<semaphore_mem>>) src(%dma_wait3A_22 : memref<82x128xf32, #tpu.memory_space<hbm>>) dst(%arg6 : memref<82x128xf32, #tpu.memory_space<vmem>>)
      tpu.yield
    }) : () -> ()
    %scan3A = arith.constant 0 : i32
    %scan3A_5 = arith.constant 0 : i32
    %scan3A_6 = arith.constant 640 : i32
    %scan3A_7 = arith.addi %scan3A_5, %scan3A_6 : i32
    %scan3A_8 = arith.constant 1 : i32
    scf.for %scan3A_16 = %scan3A_5 to %scan3A_7 step %scan3A_8  : i32 {
      %broadcast_in_dim3A = arith.constant 0.000000e+00 : f32
      %broadcast_in_dim3A_17 = vector.broadcast %broadcast_in_dim3A : f32 to vector<16xf32>
      %mul3A_18 = arith.constant 16 : i32
      %mul3A_19 = arith.muli %scan3A_16, %mul3A_18 : i32
      %swap3A = arith.index_cast %mul3A_19 : i32 to index
      %swap3A_20 = tpu.vector_load %arg7[%swap3A] {strides = array<i32>} : memref<10240xf32, #tpu.memory_space<vmem>>, vector<16xf32>,
      tpu.vector_store %arg7[%swap3A], %broadcast_in_dim3A_17 {strides = array<i32>} : memref<10240xf32, #tpu.memory_space<vmem>>, vector<16xf32>,
    }
    %scan3A_9 = arith.constant 640 : i32
    %scan3A_10 = arith.constant 0 : i32
    %scan3A_11 = arith.constant 0 : i32
    %scan3A_12 = arith.constant 82 : i32
    %scan3A_13 = arith.addi %scan3A_11, %scan3A_12 : i32
    %scan3A_14 = arith.constant 1 : i32
    scf.for %scan3A_16 = %scan3A_11 to %scan3A_13 step %scan3A_14  : i32 {
      %scan3A_17 = arith.constant 0 : i32
      %scan3A_18 = arith.constant 8 : i32
      %scan3A_19 = arith.addi %scan3A_17, %scan3A_18 : i32
      %scan3A_20 = arith.constant 1 : i32
      scf.for %scan3A_22 = %scan3A_17 to %scan3A_19 step %scan3A_20  : i32 {
        %mul3A_23 = arith.constant 16 : i32
        %mul3A_24 = arith.muli %scan3A_22, %mul3A_23 : i32
        %get3A = arith.index_cast %scan3A_16 : i32 to index
        %get3A_25 = arith.index_cast %mul3A_24 : i32 to index
        %get3A_26 = tpu.vector_load %arg5[%get3A, %get3A_25] {strides = array<i32>} : memref<82x128xi32, #tpu.memory_space<vmem>>, vector<16xi32>,
        %mul3A_27 = arith.constant 16 : i32
        %mul3A_28 = arith.muli %scan3A_22, %mul3A_27 : i32
        %get3A_29 = arith.index_cast %scan3A_16 : i32 to index
        %get3A_30 = arith.index_cast %mul3A_28 : i32 to index
        %get3A_31 = tpu.vector_load %arg6[%get3A_29, %get3A_30] {strides = array<i32>} : memref<82x128xf32, #tpu.memory_space<vmem>>, vector<16xf32>,
        tpu.vector_store_idx %arg7[%get3A_26], %get3A_31 {add = true} : memref<10240xf32, #tpu.memory_space<vmem>>[vector<16xi32>], vector<16xf32>,
      }
      %scan3A_21 = arith.constant 8 : i32
    }
    %scan3A_15 = arith.constant 82 : i32
    %run_scoped3A = arith.constant 0 : i32
    "tpu.region"() ({
      %run_scoped3A_16 = tpu.sem_alloc : memref<!tpu.dma_semaphore, #tpu.memory_space<semaphore_mem>>
      %dma_start3A = arith.constant 0 : i32
      %dma_start3A_17 = tpu.memref_slice %arg4[%add3A, %run_scoped3A, %dma_start3A] : memref<32x1x10240xf32, #tpu.memory_space<hbm>> -> memref<1x1x10240xf32, #tpu.memory_space<hbm>>
      %dma_start3A_18 = tpu.memref_squeeze %dma_start3A_17 : memref<1x1x10240xf32, #tpu.memory_space<hbm>> -> memref<10240xf32, #tpu.memory_space<hbm>>
      %dma_start3A_19 = arith.constant 0 : i32
      %dma_start3A_20 = tpu.memref_slice %arg4[%add3A, %run_scoped3A, %dma_start3A_19] : memref<32x1x10240xf32, #tpu.memory_space<hbm>> -> memref<1x1x10240xf32, #tpu.memory_space<hbm>>
      %dma_start3A_21 = tpu.memref_squeeze %dma_start3A_20 : memref<1x1x10240xf32, #tpu.memory_space<hbm>> -> memref<10240xf32, #tpu.memory_space<hbm>>
      tpu.enqueue_dma source(%arg7 : memref<10240xf32, #tpu.memory_space<vmem>>) target(%dma_start3A_21 : memref<10240xf32, #tpu.memory_space<hbm>>) target_semaphore(%run_scoped3A_16 : memref<!tpu.dma_semaphore, #tpu.memory_space<semaphore_mem>>)
      %dma_wait3A = arith.constant 0 : i32
      %dma_wait3A_22 = tpu.memref_slice %arg4[%add3A, %run_scoped3A, %dma_wait3A] : memref<32x1x10240xf32, #tpu.memory_space<hbm>> -> memref<1x1x10240xf32, #tpu.memory_space<hbm>>
      %dma_wait3A_23 = tpu.memref_squeeze %dma_wait3A_22 : memref<1x1x10240xf32, #tpu.memory_space<hbm>> -> memref<10240xf32, #tpu.memory_space<hbm>>
      %dma_wait3A_24 = arith.constant 0 : i32
      %dma_wait3A_25 = tpu.memref_slice %arg4[%add3A, %run_scoped3A, %dma_wait3A_24] : memref<32x1x10240xf32, #tpu.memory_space<hbm>> -> memref<1x1x10240xf32, #tpu.memory_space<hbm>>
      %dma_wait3A_26 = tpu.memref_squeeze %dma_wait3A_25 : memref<1x1x10240xf32, #tpu.memory_space<hbm>> -> memref<10240xf32, #tpu.memory_space<hbm>>
      tpu.wait_dma2 semaphore(%run_scoped3A_16 : memref<!tpu.dma_semaphore, #tpu.memory_space<semaphore_mem>>) src(%arg7 : memref<10240xf32, #tpu.memory_space<vmem>>) dst(%dma_wait3A_26 : memref<10240xf32, #tpu.memory_space<hbm>>)
      tpu.yield
    }) : () -> ()
    return
  }
}

#map = affine_map<(d0, d1) -> (0, 0)>
#map1 = affine_map<(d0, d1) -> (0, 0, 0, 0)>
module attributes {stable_mosaic.version = 14 : i64} {
  func.func @_agg_body(%arg0: i32, %arg1: i32, %arg2: memref<10000x64xbf16, #tpu.memory_space<hbm>>, %arg3: memref<2624x128xi32, #tpu.memory_space<hbm>>, %arg4: memref<2624x128xi32, #tpu.memory_space<hbm>>, %arg5: memref<2624x128xf32, #tpu.memory_space<hbm>>, %arg6: memref<1x2x10240x64xf32, #tpu.memory_space<hbm>>, %arg7: memref<96x128xi32, #tpu.memory_space<vmem>>, %arg8: memref<96x128xi32, #tpu.memory_space<vmem>>, %arg9: memref<96x128xf32, #tpu.memory_space<vmem>>, %arg10: memref<128x64xbf16, #tpu.memory_space<vmem>>, %arg11: memref<128x64xbf16, #tpu.memory_space<vmem>>, %arg12: memref<128x64xf32, #tpu.memory_space<vmem>>, %arg13: memref<128x64xf32, #tpu.memory_space<vmem>>, %arg14: memref<128x64xf32, #tpu.memory_space<vmem>>, %arg15: memref<10240x64xf32, #tpu.memory_space<vmem_shared>>, %arg16: memref<!tpu.dma_semaphore, #tpu.memory_space<semaphore_mem>>, %arg17: memref<!tpu.dma_semaphore, #tpu.memory_space<semaphore_mem>>, %arg18: memref<!tpu.dma_semaphore, #tpu.memory_space<semaphore_mem>>, %arg19: memref<!tpu.dma_semaphore, #tpu.memory_space<semaphore_mem>>) attributes {dimension_semantics = [#tpu.dimension_semantics<core_parallel>, #tpu.dimension_semantics<subcore_parallel>], iteration_bounds = array<i64: 2, 16>, scalar_prefetch = 0 : i64, scratch_operands = 13 : i64, tpu.core_type = #tpu.core_type<sc_vector_subcore>, window_params = [{transform_indices = #map}, {transform_indices = #map}, {transform_indices = #map}, {transform_indices = #map}, {transform_indices = #map1}]} {
    %eq3A = arith.constant 0 : i32
    %eq3A_0 = arith.cmpi eq, %arg0, %eq3A : i32
    %mul3A = arith.constant 96 : i32
    %mul3A_1 = arith.muli %arg1, %mul3A : i32
    %mul3A_2 = arith.constant 64 : i32
    %mul3A_3 = arith.muli %arg1, %mul3A_2 : i32
    %add3A = arith.constant 1536 : i32
    %add3A_4 = arith.addi %add3A, %mul3A_3 : i32
    %select_n3A = arith.select %eq3A_0, %mul3A_1, %add3A_4 : i32
    %eq3A_5 = arith.constant 0 : i32
    %eq3A_6 = arith.cmpi eq, %arg0, %eq3A_5 : i32
    %jit3A = arith.constant 96 : i32
    %jit3A_7 = arith.constant 64 : i32
    %select_n3A_8 = arith.select %eq3A_6, %jit3A, %jit3A_7 : i32
    "tpu.region"() ({
      %run_scoped3A_99 = tpu.sem_alloc : memref<!tpu.dma_semaphore, #tpu.memory_space<semaphore_mem>>
      %dma_start3A_100 = arith.constant 0 : i32
      %dma_start3A_101 = tpu.memref_slice %arg3[%select_n3A, %dma_start3A_100] : memref<2624x128xi32, #tpu.memory_space<hbm>> -> memref<96x128xi32, #tpu.memory_space<hbm>>
      %dma_start3A_102 = arith.constant 0 : i32
      %dma_start3A_103 = tpu.memref_slice %arg3[%select_n3A, %dma_start3A_102] : memref<2624x128xi32, #tpu.memory_space<hbm>> -> memref<96x128xi32, #tpu.memory_space<hbm>>
      tpu.enqueue_dma source(%dma_start3A_103 : memref<96x128xi32, #tpu.memory_space<hbm>>) target(%arg7 : memref<96x128xi32, #tpu.memory_space<vmem>>) target_semaphore(%run_scoped3A_99 : memref<!tpu.dma_semaphore, #tpu.memory_space<semaphore_mem>>)
      %dma_wait3A_104 = arith.constant 0 : i32
      %dma_wait3A_105 = tpu.memref_slice %arg3[%select_n3A, %dma_wait3A_104] : memref<2624x128xi32, #tpu.memory_space<hbm>> -> memref<96x128xi32, #tpu.memory_space<hbm>>
      %dma_wait3A_106 = arith.constant 0 : i32
      %dma_wait3A_107 = tpu.memref_slice %arg3[%select_n3A, %dma_wait3A_106] : memref<2624x128xi32, #tpu.memory_space<hbm>> -> memref<96x128xi32, #tpu.memory_space<hbm>>
      tpu.wait_dma2 semaphore(%run_scoped3A_99 : memref<!tpu.dma_semaphore, #tpu.memory_space<semaphore_mem>>) src(%dma_wait3A_107 : memref<96x128xi32, #tpu.memory_space<hbm>>) dst(%arg7 : memref<96x128xi32, #tpu.memory_space<vmem>>)
      tpu.yield
    }) : () -> ()
    "tpu.region"() ({
      %run_scoped3A_99 = tpu.sem_alloc : memref<!tpu.dma_semaphore, #tpu.memory_space<semaphore_mem>>
      %dma_start3A_100 = arith.constant 0 : i32
      %dma_start3A_101 = tpu.memref_slice %arg4[%select_n3A, %dma_start3A_100] : memref<2624x128xi32, #tpu.memory_space<hbm>> -> memref<96x128xi32, #tpu.memory_space<hbm>>
      %dma_start3A_102 = arith.constant 0 : i32
      %dma_start3A_103 = tpu.memref_slice %arg4[%select_n3A, %dma_start3A_102] : memref<2624x128xi32, #tpu.memory_space<hbm>> -> memref<96x128xi32, #tpu.memory_space<hbm>>
      tpu.enqueue_dma source(%dma_start3A_103 : memref<96x128xi32, #tpu.memory_space<hbm>>) target(%arg8 : memref<96x128xi32, #tpu.memory_space<vmem>>) target_semaphore(%run_scoped3A_99 : memref<!tpu.dma_semaphore, #tpu.memory_space<semaphore_mem>>)
      %dma_wait3A_104 = arith.constant 0 : i32
      %dma_wait3A_105 = tpu.memref_slice %arg4[%select_n3A, %dma_wait3A_104] : memref<2624x128xi32, #tpu.memory_space<hbm>> -> memref<96x128xi32, #tpu.memory_space<hbm>>
      %dma_wait3A_106 = arith.constant 0 : i32
      %dma_wait3A_107 = tpu.memref_slice %arg4[%select_n3A, %dma_wait3A_106] : memref<2624x128xi32, #tpu.memory_space<hbm>> -> memref<96x128xi32, #tpu.memory_space<hbm>>
      tpu.wait_dma2 semaphore(%run_scoped3A_99 : memref<!tpu.dma_semaphore, #tpu.memory_space<semaphore_mem>>) src(%dma_wait3A_107 : memref<96x128xi32, #tpu.memory_space<hbm>>) dst(%arg8 : memref<96x128xi32, #tpu.memory_space<vmem>>)
      tpu.yield
    }) : () -> ()
    "tpu.region"() ({
      %run_scoped3A_99 = tpu.sem_alloc : memref<!tpu.dma_semaphore, #tpu.memory_space<semaphore_mem>>
      %dma_start3A_100 = arith.constant 0 : i32
      %dma_start3A_101 = tpu.memref_slice %arg5[%select_n3A, %dma_start3A_100] : memref<2624x128xf32, #tpu.memory_space<hbm>> -> memref<96x128xf32, #tpu.memory_space<hbm>>
      %dma_start3A_102 = arith.constant 0 : i32
      %dma_start3A_103 = tpu.memref_slice %arg5[%select_n3A, %dma_start3A_102] : memref<2624x128xf32, #tpu.memory_space<hbm>> -> memref<96x128xf32, #tpu.memory_space<hbm>>
      tpu.enqueue_dma source(%dma_start3A_103 : memref<96x128xf32, #tpu.memory_space<hbm>>) target(%arg9 : memref<96x128xf32, #tpu.memory_space<vmem>>) target_semaphore(%run_scoped3A_99 : memref<!tpu.dma_semaphore, #tpu.memory_space<semaphore_mem>>)
      %dma_wait3A_104 = arith.constant 0 : i32
      %dma_wait3A_105 = tpu.memref_slice %arg5[%select_n3A, %dma_wait3A_104] : memref<2624x128xf32, #tpu.memory_space<hbm>> -> memref<96x128xf32, #tpu.memory_space<hbm>>
      %dma_wait3A_106 = arith.constant 0 : i32
      %dma_wait3A_107 = tpu.memref_slice %arg5[%select_n3A, %dma_wait3A_106] : memref<2624x128xf32, #tpu.memory_space<hbm>> -> memref<96x128xf32, #tpu.memory_space<hbm>>
      tpu.wait_dma2 semaphore(%run_scoped3A_99 : memref<!tpu.dma_semaphore, #tpu.memory_space<semaphore_mem>>) src(%dma_wait3A_107 : memref<96x128xf32, #tpu.memory_space<hbm>>) dst(%arg9 : memref<96x128xf32, #tpu.memory_space<vmem>>)
      tpu.yield
    }) : () -> ()
    %scan3A = arith.constant 0 : i32
    %scan3A_9 = arith.constant 0 : i32
    %scan3A_10 = arith.constant 128 : i32
    %scan3A_11 = arith.addi %scan3A_9, %scan3A_10 : i32
    %scan3A_12 = arith.constant 1 : i32
    scf.for %scan3A_99 = %scan3A_9 to %scan3A_11 step %scan3A_12  : i32 {
      %broadcast_in_dim3A = arith.constant 0.000000e+00 : f32
      %broadcast_in_dim3A_100 = vector.broadcast %broadcast_in_dim3A : f32 to vector<16xf32>
      %swap3A = arith.index_cast %scan3A_99 : i32 to index
      %swap3A_101 = arith.constant 0 : index
      %swap3A_102 = tpu.vector_load %arg14[%swap3A, %swap3A_101] {strides = array<i32>} : memref<128x64xf32, #tpu.memory_space<vmem>>, vector<16xf32>,
      tpu.vector_store %arg14[%swap3A, %swap3A_101], %broadcast_in_dim3A_100 {strides = array<i32>} : memref<128x64xf32, #tpu.memory_space<vmem>>, vector<16xf32>,
      %broadcast_in_dim3A_103 = arith.constant 0.000000e+00 : f32
      %broadcast_in_dim3A_104 = vector.broadcast %broadcast_in_dim3A_103 : f32 to vector<16xf32>
      %swap3A_105 = arith.index_cast %scan3A_99 : i32 to index
      %swap3A_106 = arith.constant 16 : index
      %swap3A_107 = tpu.vector_load %arg14[%swap3A_105, %swap3A_106] {strides = array<i32>} : memref<128x64xf32, #tpu.memory_space<vmem>>, vector<16xf32>,
      tpu.vector_store %arg14[%swap3A_105, %swap3A_106], %broadcast_in_dim3A_104 {strides = array<i32>} : memref<128x64xf32, #tpu.memory_space<vmem>>, vector<16xf32>,
      %broadcast_in_dim3A_108 = arith.constant 0.000000e+00 : f32
      %broadcast_in_dim3A_109 = vector.broadcast %broadcast_in_dim3A_108 : f32 to vector<16xf32>
      %swap3A_110 = arith.index_cast %scan3A_99 : i32 to index
      %swap3A_111 = arith.constant 32 : index
      %swap3A_112 = tpu.vector_load %arg14[%swap3A_110, %swap3A_111] {strides = array<i32>} : memref<128x64xf32, #tpu.memory_space<vmem>>, vector<16xf32>,
      tpu.vector_store %arg14[%swap3A_110, %swap3A_111], %broadcast_in_dim3A_109 {strides = array<i32>} : memref<128x64xf32, #tpu.memory_space<vmem>>, vector<16xf32>,
      %broadcast_in_dim3A_113 = arith.constant 0.000000e+00 : f32
      %broadcast_in_dim3A_114 = vector.broadcast %broadcast_in_dim3A_113 : f32 to vector<16xf32>
      %swap3A_115 = arith.index_cast %scan3A_99 : i32 to index
      %swap3A_116 = arith.constant 48 : index
      %swap3A_117 = tpu.vector_load %arg14[%swap3A_115, %swap3A_116] {strides = array<i32>} : memref<128x64xf32, #tpu.memory_space<vmem>>, vector<16xf32>,
      tpu.vector_store %arg14[%swap3A_115, %swap3A_116], %broadcast_in_dim3A_114 {strides = array<i32>} : memref<128x64xf32, #tpu.memory_space<vmem>>, vector<16xf32>,
    }
    %scan3A_13 = arith.constant 128 : i32
    %mul3A_14 = arith.constant 640 : i32
    %mul3A_15 = arith.muli %arg1, %mul3A_14 : i32
    %add3A_16 = arith.constant 0 : i32
    %add3A_17 = arith.addi %mul3A_15, %add3A_16 : i32
    "tpu.region"() ({
      %run_scoped3A_99 = tpu.sem_alloc : memref<!tpu.dma_semaphore, #tpu.memory_space<semaphore_mem>>
      %dma_start3A_100 = arith.constant 0 : i32
      %dma_start3A_101 = tpu.memref_slice %arg15[%add3A_17, %dma_start3A_100] : memref<10240x64xf32, #tpu.memory_space<vmem_shared>> -> memref<128x64xf32, #tpu.memory_space<vmem_shared>>
      %dma_start3A_102 = arith.constant 0 : i32
      %dma_start3A_103 = tpu.memref_slice %arg15[%add3A_17, %dma_start3A_102] : memref<10240x64xf32, #tpu.memory_space<vmem_shared>> -> memref<128x64xf32, #tpu.memory_space<vmem_shared>>
      tpu.enqueue_dma source(%arg14 : memref<128x64xf32, #tpu.memory_space<vmem>>) target(%dma_start3A_103 : memref<128x64xf32, #tpu.memory_space<vmem_shared>>) target_semaphore(%run_scoped3A_99 : memref<!tpu.dma_semaphore, #tpu.memory_space<semaphore_mem>>)
      %dma_wait3A_104 = arith.constant 0 : i32
      %dma_wait3A_105 = tpu.memref_slice %arg15[%add3A_17, %dma_wait3A_104] : memref<10240x64xf32, #tpu.memory_space<vmem_shared>> -> memref<128x64xf32, #tpu.memory_space<vmem_shared>>
      %dma_wait3A_106 = arith.constant 0 : i32
      %dma_wait3A_107 = tpu.memref_slice %arg15[%add3A_17, %dma_wait3A_106] : memref<10240x64xf32, #tpu.memory_space<vmem_shared>> -> memref<128x64xf32, #tpu.memory_space<vmem_shared>>
      tpu.wait_dma2 semaphore(%run_scoped3A_99 : memref<!tpu.dma_semaphore, #tpu.memory_space<semaphore_mem>>) src(%arg14 : memref<128x64xf32, #tpu.memory_space<vmem>>) dst(%dma_wait3A_107 : memref<128x64xf32, #tpu.memory_space<vmem_shared>>)
      tpu.yield
    }) : () -> ()
    %mul3A_18 = arith.constant 640 : i32
    %mul3A_19 = arith.muli %arg1, %mul3A_18 : i32
    %add3A_20 = arith.constant 128 : i32
    %add3A_21 = arith.addi %mul3A_19, %add3A_20 : i32
    "tpu.region"() ({
      %run_scoped3A_99 = tpu.sem_alloc : memref<!tpu.dma_semaphore, #tpu.memory_space<semaphore_mem>>
      %dma_start3A_100 = arith.constant 0 : i32
      %dma_start3A_101 = tpu.memref_slice %arg15[%add3A_21, %dma_start3A_100] : memref<10240x64xf32, #tpu.memory_space<vmem_shared>> -> memref<128x64xf32, #tpu.memory_space<vmem_shared>>
      %dma_start3A_102 = arith.constant 0 : i32
      %dma_start3A_103 = tpu.memref_slice %arg15[%add3A_21, %dma_start3A_102] : memref<10240x64xf32, #tpu.memory_space<vmem_shared>> -> memref<128x64xf32, #tpu.memory_space<vmem_shared>>
      tpu.enqueue_dma source(%arg14 : memref<128x64xf32, #tpu.memory_space<vmem>>) target(%dma_start3A_103 : memref<128x64xf32, #tpu.memory_space<vmem_shared>>) target_semaphore(%run_scoped3A_99 : memref<!tpu.dma_semaphore, #tpu.memory_space<semaphore_mem>>)
      %dma_wait3A_104 = arith.constant 0 : i32
      %dma_wait3A_105 = tpu.memref_slice %arg15[%add3A_21, %dma_wait3A_104] : memref<10240x64xf32, #tpu.memory_space<vmem_shared>> -> memref<128x64xf32, #tpu.memory_space<vmem_shared>>
      %dma_wait3A_106 = arith.constant 0 : i32
      %dma_wait3A_107 = tpu.memref_slice %arg15[%add3A_21, %dma_wait3A_106] : memref<10240x64xf32, #tpu.memory_space<vmem_shared>> -> memref<128x64xf32, #tpu.memory_space<vmem_shared>>
      tpu.wait_dma2 semaphore(%run_scoped3A_99 : memref<!tpu.dma_semaphore, #tpu.memory_space<semaphore_mem>>) src(%arg14 : memref<128x64xf32, #tpu.memory_space<vmem>>) dst(%dma_wait3A_107 : memref<128x64xf32, #tpu.memory_space<vmem_shared>>)
      tpu.yield
    }) : () -> ()
    %mul3A_22 = arith.constant 640 : i32
    %mul3A_23 = arith.muli %arg1, %mul3A_22 : i32
    %add3A_24 = arith.constant 256 : i32
    %add3A_25 = arith.addi %mul3A_23, %add3A_24 : i32
    "tpu.region"() ({
      %run_scoped3A_99 = tpu.sem_alloc : memref<!tpu.dma_semaphore, #tpu.memory_space<semaphore_mem>>
      %dma_start3A_100 = arith.constant 0 : i32
      %dma_start3A_101 = tpu.memref_slice %arg15[%add3A_25, %dma_start3A_100] : memref<10240x64xf32, #tpu.memory_space<vmem_shared>> -> memref<128x64xf32, #tpu.memory_space<vmem_shared>>
      %dma_start3A_102 = arith.constant 0 : i32
      %dma_start3A_103 = tpu.memref_slice %arg15[%add3A_25, %dma_start3A_102] : memref<10240x64xf32, #tpu.memory_space<vmem_shared>> -> memref<128x64xf32, #tpu.memory_space<vmem_shared>>
      tpu.enqueue_dma source(%arg14 : memref<128x64xf32, #tpu.memory_space<vmem>>) target(%dma_start3A_103 : memref<128x64xf32, #tpu.memory_space<vmem_shared>>) target_semaphore(%run_scoped3A_99 : memref<!tpu.dma_semaphore, #tpu.memory_space<semaphore_mem>>)
      %dma_wait3A_104 = arith.constant 0 : i32
      %dma_wait3A_105 = tpu.memref_slice %arg15[%add3A_25, %dma_wait3A_104] : memref<10240x64xf32, #tpu.memory_space<vmem_shared>> -> memref<128x64xf32, #tpu.memory_space<vmem_shared>>
      %dma_wait3A_106 = arith.constant 0 : i32
      %dma_wait3A_107 = tpu.memref_slice %arg15[%add3A_25, %dma_wait3A_106] : memref<10240x64xf32, #tpu.memory_space<vmem_shared>> -> memref<128x64xf32, #tpu.memory_space<vmem_shared>>
      tpu.wait_dma2 semaphore(%run_scoped3A_99 : memref<!tpu.dma_semaphore, #tpu.memory_space<semaphore_mem>>) src(%arg14 : memref<128x64xf32, #tpu.memory_space<vmem>>) dst(%dma_wait3A_107 : memref<128x64xf32, #tpu.memory_space<vmem_shared>>)
      tpu.yield
    }) : () -> ()
    %mul3A_26 = arith.constant 640 : i32
    %mul3A_27 = arith.muli %arg1, %mul3A_26 : i32
    %add3A_28 = arith.constant 384 : i32
    %add3A_29 = arith.addi %mul3A_27, %add3A_28 : i32
    "tpu.region"() ({
      %run_scoped3A_99 = tpu.sem_alloc : memref<!tpu.dma_semaphore, #tpu.memory_space<semaphore_mem>>
      %dma_start3A_100 = arith.constant 0 : i32
      %dma_start3A_101 = tpu.memref_slice %arg15[%add3A_29, %dma_start3A_100] : memref<10240x64xf32, #tpu.memory_space<vmem_shared>> -> memref<128x64xf32, #tpu.memory_space<vmem_shared>>
      %dma_start3A_102 = arith.constant 0 : i32
      %dma_start3A_103 = tpu.memref_slice %arg15[%add3A_29, %dma_start3A_102] : memref<10240x64xf32, #tpu.memory_space<vmem_shared>> -> memref<128x64xf32, #tpu.memory_space<vmem_shared>>
      tpu.enqueue_dma source(%arg14 : memref<128x64xf32, #tpu.memory_space<vmem>>) target(%dma_start3A_103 : memref<128x64xf32, #tpu.memory_space<vmem_shared>>) target_semaphore(%run_scoped3A_99 : memref<!tpu.dma_semaphore, #tpu.memory_space<semaphore_mem>>)
      %dma_wait3A_104 = arith.constant 0 : i32
      %dma_wait3A_105 = tpu.memref_slice %arg15[%add3A_29, %dma_wait3A_104] : memref<10240x64xf32, #tpu.memory_space<vmem_shared>> -> memref<128x64xf32, #tpu.memory_space<vmem_shared>>
      %dma_wait3A_106 = arith.constant 0 : i32
      %dma_wait3A_107 = tpu.memref_slice %arg15[%add3A_29, %dma_wait3A_106] : memref<10240x64xf32, #tpu.memory_space<vmem_shared>> -> memref<128x64xf32, #tpu.memory_space<vmem_shared>>
      tpu.wait_dma2 semaphore(%run_scoped3A_99 : memref<!tpu.dma_semaphore, #tpu.memory_space<semaphore_mem>>) src(%arg14 : memref<128x64xf32, #tpu.memory_space<vmem>>) dst(%dma_wait3A_107 : memref<128x64xf32, #tpu.memory_space<vmem_shared>>)
      tpu.yield
    }) : () -> ()
    %mul3A_30 = arith.constant 640 : i32
    %mul3A_31 = arith.muli %arg1, %mul3A_30 : i32
    %add3A_32 = arith.constant 512 : i32
    %add3A_33 = arith.addi %mul3A_31, %add3A_32 : i32
    "tpu.region"() ({
      %run_scoped3A_99 = tpu.sem_alloc : memref<!tpu.dma_semaphore, #tpu.memory_space<semaphore_mem>>
      %dma_start3A_100 = arith.constant 0 : i32
      %dma_start3A_101 = tpu.memref_slice %arg15[%add3A_33, %dma_start3A_100] : memref<10240x64xf32, #tpu.memory_space<vmem_shared>> -> memref<128x64xf32, #tpu.memory_space<vmem_shared>>
      %dma_start3A_102 = arith.constant 0 : i32
      %dma_start3A_103 = tpu.memref_slice %arg15[%add3A_33, %dma_start3A_102] : memref<10240x64xf32, #tpu.memory_space<vmem_shared>> -> memref<128x64xf32, #tpu.memory_space<vmem_shared>>
      tpu.enqueue_dma source(%arg14 : memref<128x64xf32, #tpu.memory_space<vmem>>) target(%dma_start3A_103 : memref<128x64xf32, #tpu.memory_space<vmem_shared>>) target_semaphore(%run_scoped3A_99 : memref<!tpu.dma_semaphore, #tpu.memory_space<semaphore_mem>>)
      %dma_wait3A_104 = arith.constant 0 : i32
      %dma_wait3A_105 = tpu.memref_slice %arg15[%add3A_33, %dma_wait3A_104] : memref<10240x64xf32, #tpu.memory_space<vmem_shared>> -> memref<128x64xf32, #tpu.memory_space<vmem_shared>>
      %dma_wait3A_106 = arith.constant 0 : i32
      %dma_wait3A_107 = tpu.memref_slice %arg15[%add3A_33, %dma_wait3A_106] : memref<10240x64xf32, #tpu.memory_space<vmem_shared>> -> memref<128x64xf32, #tpu.memory_space<vmem_shared>>
      tpu.wait_dma2 semaphore(%run_scoped3A_99 : memref<!tpu.dma_semaphore, #tpu.memory_space<semaphore_mem>>) src(%arg14 : memref<128x64xf32, #tpu.memory_space<vmem>>) dst(%dma_wait3A_107 : memref<128x64xf32, #tpu.memory_space<vmem_shared>>)
      tpu.yield
    }) : () -> ()
    %barrier3A = arith.constant 0 : index
    tpu.barrier barrier_id(%barrier3A)
    %dma_start3A = arith.constant 0 : i32
    %dma_start3A_34 = arith.constant 0 : i32
    %dma_start3A_35 = tpu.memref_slice %arg7[%dma_start3A, %dma_start3A_34] : memref<96x128xi32, #tpu.memory_space<vmem>> -> memref<1x128xi32, #tpu.memory_space<vmem>>
    %dma_start3A_36 = tpu.memref_squeeze %dma_start3A_35 : memref<1x128xi32, #tpu.memory_space<vmem>> -> memref<128xi32, #tpu.memory_space<vmem>>
    %dma_start3A_37 = arith.constant 0 : i32
    %dma_start3A_38 = arith.constant 0 : i32
    %dma_start3A_39 = tpu.memref_slice %arg2[%dma_start3A_37, %dma_start3A_38] : memref<10000x64xbf16, #tpu.memory_space<hbm>> -> memref<10000x64xbf16, #tpu.memory_space<hbm>>
    tpu.enqueue_indirect_dma source(%dma_start3A_39 : memref<10000x64xbf16, #tpu.memory_space<hbm>>) target(%arg10 : memref<128x64xbf16, #tpu.memory_space<vmem>>) offsets(%dma_start3A_36 : memref<128xi32, #tpu.memory_space<vmem>>) semaphore(%arg16 : memref<!tpu.dma_semaphore, #tpu.memory_space<semaphore_mem>>)
    %dma_start3A_40 = arith.constant 1 : i32
    %dma_start3A_41 = arith.constant 0 : i32
    %dma_start3A_42 = tpu.memref_slice %arg7[%dma_start3A_40, %dma_start3A_41] : memref<96x128xi32, #tpu.memory_space<vmem>> -> memref<1x128xi32, #tpu.memory_space<vmem>>
    %dma_start3A_43 = tpu.memref_squeeze %dma_start3A_42 : memref<1x128xi32, #tpu.memory_space<vmem>> -> memref<128xi32, #tpu.memory_space<vmem>>
    %dma_start3A_44 = arith.constant 0 : i32
    %dma_start3A_45 = arith.constant 0 : i32
    %dma_start3A_46 = tpu.memref_slice %arg2[%dma_start3A_44, %dma_start3A_45] : memref<10000x64xbf16, #tpu.memory_space<hbm>> -> memref<10000x64xbf16, #tpu.memory_space<hbm>>
    tpu.enqueue_indirect_dma source(%dma_start3A_46 : memref<10000x64xbf16, #tpu.memory_space<hbm>>) target(%arg11 : memref<128x64xbf16, #tpu.memory_space<vmem>>) offsets(%dma_start3A_43 : memref<128xi32, #tpu.memory_space<vmem>>) semaphore(%arg17 : memref<!tpu.dma_semaphore, #tpu.memory_space<semaphore_mem>>)
    %jit3A_47 = arith.constant 2 : i32
    %div3A = arith.divsi %select_n3A_8, %jit3A_47 : i32
    %sign3A = arith.constant 0 : i32
    %sign3A_48 = arith.cmpi sgt, %select_n3A_8, %sign3A : i32
    %sign3A_49 = arith.extui %sign3A_48 : i1 to i32
    %sign3A_50 = arith.constant 0 : i32
    %sign3A_51 = arith.cmpi slt, %select_n3A_8, %sign3A_50 : i32
    %sign3A_52 = arith.extui %sign3A_51 : i1 to i32
    %sign3A_53 = arith.subi %sign3A_49, %sign3A_52 : i32
    %sign3A_54 = arith.constant 0 : i32
    %sign3A_55 = arith.cmpi sgt, %jit3A_47, %sign3A_54 : i32
    %sign3A_56 = arith.extui %sign3A_55 : i1 to i32
    %sign3A_57 = arith.constant 0 : i32
    %sign3A_58 = arith.cmpi slt, %jit3A_47, %sign3A_57 : i32
    %sign3A_59 = arith.extui %sign3A_58 : i1 to i32
    %sign3A_60 = arith.subi %sign3A_56, %sign3A_59 : i32
    %ne3A = arith.cmpi ne, %sign3A_53, %sign3A_60 : i32
    %rem3A = arith.remsi %select_n3A_8, %jit3A_47 : i32
    %ne3A_61 = arith.constant 0 : i32
    %ne3A_62 = arith.cmpi ne, %rem3A, %ne3A_61 : i32
    %and3A = arith.andi %ne3A, %ne3A_62 : i1
    %sub3A = arith.constant 1 : i32
    %sub3A_63 = arith.subi %div3A, %sub3A : i32
    %select_n3A_64 = arith.select %and3A, %sub3A_63, %div3A : i32
    %while3A = arith.constant 0 : i32
    %while3A_65 = arith.constant 0 : i32
    %while3A_66 = arith.subi %select_n3A_64, %while3A_65 : i32
    %while3A_67 = arith.addi %while3A_65, %while3A_66 : i32
    %while3A_68 = arith.constant 1 : i32
    %while3A_69 = arith.divsi %while3A_66, %while3A_68 : i32
    %while3A_70 = arith.muli %while3A_69, %while3A_68 : i32
    %while3A_71 = arith.addi %while3A_65, %while3A_70 : i32
    %while3A_72 = arith.constant 1 : i32
    scf.for %while3A_99 = %while3A_65 to %while3A_71 step %while3A_72  : i32 {
      %mul3A_100 = arith.constant 2 : i32
      %mul3A_101 = arith.muli %mul3A_100, %while3A_99 : i32
      %add3A_102 = arith.constant 0 : i32
      %add3A_103 = arith.addi %mul3A_101, %add3A_102 : i32
      %dma_wait3A_104 = arith.constant 0 : i32
      %dma_wait3A_105 = tpu.memref_slice %arg7[%add3A_103, %dma_wait3A_104] : memref<96x128xi32, #tpu.memory_space<vmem>> -> memref<1x128xi32, #tpu.memory_space<vmem>>
      %dma_wait3A_106 = tpu.memref_squeeze %dma_wait3A_105 : memref<1x128xi32, #tpu.memory_space<vmem>> -> memref<128xi32, #tpu.memory_space<vmem>>
      %dma_wait3A_107 = arith.constant 0 : i32
      %dma_wait3A_108 = arith.constant 0 : i32
      %dma_wait3A_109 = tpu.memref_slice %arg2[%dma_wait3A_107, %dma_wait3A_108] : memref<10000x64xbf16, #tpu.memory_space<hbm>> -> memref<10000x64xbf16, #tpu.memory_space<hbm>>
      tpu.wait_indirect_dma semaphore(%arg16 : memref<!tpu.dma_semaphore, #tpu.memory_space<semaphore_mem>>) src(%dma_wait3A_109 : memref<10000x64xbf16, #tpu.memory_space<hbm>>) dst(%arg10 : memref<128x64xbf16, #tpu.memory_space<vmem>>)
      %ge3A = arith.constant 2 : i32
      %ge3A_110 = arith.cmpi sge, %add3A_103, %ge3A : i32
      %convert_element_type3A = arith.extui %ge3A_110 : i1 to i32
      %cond3A = arith.constant 0 : i32
      %cond3A_111 = arith.cmpi ne, %convert_element_type3A, %cond3A : i32
      scf.if %cond3A_111 {
        %sub3A_162 = arith.constant 2 : i32
        %sub3A_163 = arith.subi %add3A_103, %sub3A_162 : i32
        %dma_wait3A_164 = arith.constant 0 : i32
        %dma_wait3A_165 = tpu.memref_slice %arg8[%sub3A_163, %dma_wait3A_164] : memref<96x128xi32, #tpu.memory_space<vmem>> -> memref<1x128xi32, #tpu.memory_space<vmem>>
        %dma_wait3A_166 = tpu.memref_squeeze %dma_wait3A_165 : memref<1x128xi32, #tpu.memory_space<vmem>> -> memref<128xi32, #tpu.memory_space<vmem>>
        %dma_wait3A_167 = arith.constant 0 : i32
        %dma_wait3A_168 = arith.constant 0 : i32
        %dma_wait3A_169 = tpu.memref_slice %arg15[%dma_wait3A_167, %dma_wait3A_168] : memref<10240x64xf32, #tpu.memory_space<vmem_shared>> -> memref<10240x64xf32, #tpu.memory_space<vmem_shared>>
        tpu.wait_indirect_dma semaphore(%arg18 : memref<!tpu.dma_semaphore, #tpu.memory_space<semaphore_mem>>) src(%arg12 : memref<128x64xf32, #tpu.memory_space<vmem>>) dst(%dma_wait3A_169 : memref<10240x64xf32, #tpu.memory_space<vmem_shared>>)
      } else {
      }
      %iota3A = tpu.iota {dimensions = array<i32: 0>} : vector<16xi32>
      %mul3A_112 = arith.constant 2 : i32
      %mul3A_113 = vector.broadcast %mul3A_112 : i32 to vector<16xi32>
      %mul3A_114 = arith.muli %mul3A_113, %iota3A : vector<16xi32>
      %parallel_loop3A = arith.constant 0 : i32
      %parallel_loop3A_115 = arith.constant 128 : i32
      %parallel_loop3A_116 = arith.constant 1 : i32
      scf.for %parallel_loop3A_162 = %parallel_loop3A to %parallel_loop3A_115 step %parallel_loop3A_116  : i32 {
        %parallel_loop3A_163 = vector.broadcast %add3A_103 : i32 to vector<16xi32>
        %parallel_loop3A_164 = vector.broadcast %parallel_loop3A_162 : i32 to vector<16xi32>
        %parallel_loop3A_165 = tpu.vector_load_idx %arg9[%parallel_loop3A_163, %parallel_loop3A_164] : memref<96x128xf32, #tpu.memory_space<vmem>>[vector<16xi32>, vector<16xi32>], vector<16xf32>,
        %parallel_loop3A_166 = arith.index_cast %parallel_loop3A_162 : i32 to index
        %parallel_loop3A_167 = arith.constant 0 : index
        %parallel_loop3A_168 = tpu.vector_load %arg10[%parallel_loop3A_166, %parallel_loop3A_167] {strides = array<i32>} : memref<128x64xbf16, #tpu.memory_space<vmem>>, vector<32xbf16>,
        %parallel_loop3A_169 = vector.bitcast %parallel_loop3A_168 : vector<32xbf16> to vector<16xi32>
        %parallel_loop3A_170 = arith.constant 16 : i32
        %parallel_loop3A_171 = vector.broadcast %parallel_loop3A_170 : i32 to vector<16xi32>
        %parallel_loop3A_172 = arith.shli %parallel_loop3A_169, %parallel_loop3A_171 : vector<16xi32>
        %parallel_loop3A_173 = vector.bitcast %parallel_loop3A_172 : vector<16xi32> to vector<16xf32>
        %parallel_loop3A_174 = arith.constant -65536 : i32
        %parallel_loop3A_175 = vector.broadcast %parallel_loop3A_174 : i32 to vector<16xi32>
        %parallel_loop3A_176 = arith.andi %parallel_loop3A_169, %parallel_loop3A_175 : vector<16xi32>
        %parallel_loop3A_177 = vector.bitcast %parallel_loop3A_176 : vector<16xi32> to vector<16xf32>
        %parallel_loop3A_178 = arith.constant 0 : i32
        %parallel_loop3A_179 = vector.broadcast %parallel_loop3A_178 : i32 to vector<16xi32>
        %parallel_loop3A_180 = arith.addi %parallel_loop3A_179, %mul3A_114 : vector<16xi32>
        %parallel_loop3A_181 = arith.mulf %parallel_loop3A_173, %parallel_loop3A_165 : vector<16xf32>
        %parallel_loop3A_182 = arith.constant 0 : i32
        %parallel_loop3A_183 = tpu.memref_slice %arg12[%parallel_loop3A_162, %parallel_loop3A_182] : memref<128x64xf32, #tpu.memory_space<vmem>> -> memref<1x64xf32, #tpu.memory_space<vmem>>
        %parallel_loop3A_184 = tpu.memref_squeeze %parallel_loop3A_183 : memref<1x64xf32, #tpu.memory_space<vmem>> -> memref<64xf32, #tpu.memory_space<vmem>>
        tpu.vector_store_idx %parallel_loop3A_184[%parallel_loop3A_180], %parallel_loop3A_181 : memref<64xf32, #tpu.memory_space<vmem>>[vector<16xi32>], vector<16xf32>,
        %parallel_loop3A_185 = arith.constant 0 : i32
        %parallel_loop3A_186 = vector.broadcast %parallel_loop3A_185 : i32 to vector<16xi32>
        %parallel_loop3A_187 = arith.addi %parallel_loop3A_186, %mul3A_114 : vector<16xi32>
        %parallel_loop3A_188 = arith.constant 1 : i32
        %parallel_loop3A_189 = vector.broadcast %parallel_loop3A_188 : i32 to vector<16xi32>
        %parallel_loop3A_190 = arith.addi %parallel_loop3A_187, %parallel_loop3A_189 : vector<16xi32>
        %parallel_loop3A_191 = arith.mulf %parallel_loop3A_177, %parallel_loop3A_165 : vector<16xf32>
        %parallel_loop3A_192 = arith.constant 0 : i32
        %parallel_loop3A_193 = tpu.memref_slice %arg12[%parallel_loop3A_162, %parallel_loop3A_192] : memref<128x64xf32, #tpu.memory_space<vmem>> -> memref<1x64xf32, #tpu.memory_space<vmem>>
        %parallel_loop3A_194 = tpu.memref_squeeze %parallel_loop3A_193 : memref<1x64xf32, #tpu.memory_space<vmem>> -> memref<64xf32, #tpu.memory_space<vmem>>
        tpu.vector_store_idx %parallel_loop3A_194[%parallel_loop3A_190], %parallel_loop3A_191 : memref<64xf32, #tpu.memory_space<vmem>>[vector<16xi32>], vector<16xf32>,
        %parallel_loop3A_195 = arith.index_cast %parallel_loop3A_162 : i32 to index
        %parallel_loop3A_196 = arith.constant 32 : index
        %parallel_loop3A_197 = tpu.vector_load %arg10[%parallel_loop3A_195, %parallel_loop3A_196] {strides = array<i32>} : memref<128x64xbf16, #tpu.memory_space<vmem>>, vector<32xbf16>,
        %parallel_loop3A_198 = vector.bitcast %parallel_loop3A_197 : vector<32xbf16> to vector<16xi32>
        %parallel_loop3A_199 = arith.constant 16 : i32
        %parallel_loop3A_200 = vector.broadcast %parallel_loop3A_199 : i32 to vector<16xi32>
        %parallel_loop3A_201 = arith.shli %parallel_loop3A_198, %parallel_loop3A_200 : vector<16xi32>
        %parallel_loop3A_202 = vector.bitcast %parallel_loop3A_201 : vector<16xi32> to vector<16xf32>
        %parallel_loop3A_203 = arith.constant -65536 : i32
        %parallel_loop3A_204 = vector.broadcast %parallel_loop3A_203 : i32 to vector<16xi32>
        %parallel_loop3A_205 = arith.andi %parallel_loop3A_198, %parallel_loop3A_204 : vector<16xi32>
        %parallel_loop3A_206 = vector.bitcast %parallel_loop3A_205 : vector<16xi32> to vector<16xf32>
        %parallel_loop3A_207 = arith.constant 32 : i32
        %parallel_loop3A_208 = vector.broadcast %parallel_loop3A_207 : i32 to vector<16xi32>
        %parallel_loop3A_209 = arith.addi %parallel_loop3A_208, %mul3A_114 : vector<16xi32>
        %parallel_loop3A_210 = arith.mulf %parallel_loop3A_202, %parallel_loop3A_165 : vector<16xf32>
        %parallel_loop3A_211 = arith.constant 0 : i32
        %parallel_loop3A_212 = tpu.memref_slice %arg12[%parallel_loop3A_162, %parallel_loop3A_211] : memref<128x64xf32, #tpu.memory_space<vmem>> -> memref<1x64xf32, #tpu.memory_space<vmem>>
        %parallel_loop3A_213 = tpu.memref_squeeze %parallel_loop3A_212 : memref<1x64xf32, #tpu.memory_space<vmem>> -> memref<64xf32, #tpu.memory_space<vmem>>
        tpu.vector_store_idx %parallel_loop3A_213[%parallel_loop3A_209], %parallel_loop3A_210 : memref<64xf32, #tpu.memory_space<vmem>>[vector<16xi32>], vector<16xf32>,
        %parallel_loop3A_214 = arith.constant 32 : i32
        %parallel_loop3A_215 = vector.broadcast %parallel_loop3A_214 : i32 to vector<16xi32>
        %parallel_loop3A_216 = arith.addi %parallel_loop3A_215, %mul3A_114 : vector<16xi32>
        %parallel_loop3A_217 = arith.constant 1 : i32
        %parallel_loop3A_218 = vector.broadcast %parallel_loop3A_217 : i32 to vector<16xi32>
        %parallel_loop3A_219 = arith.addi %parallel_loop3A_216, %parallel_loop3A_218 : vector<16xi32>
        %parallel_loop3A_220 = arith.mulf %parallel_loop3A_206, %parallel_loop3A_165 : vector<16xf32>
        %parallel_loop3A_221 = arith.constant 0 : i32
        %parallel_loop3A_222 = tpu.memref_slice %arg12[%parallel_loop3A_162, %parallel_loop3A_221] : memref<128x64xf32, #tpu.memory_space<vmem>> -> memref<1x64xf32, #tpu.memory_space<vmem>>
        %parallel_loop3A_223 = tpu.memref_squeeze %parallel_loop3A_222 : memref<1x64xf32, #tpu.memory_space<vmem>> -> memref<64xf32, #tpu.memory_space<vmem>>
        tpu.vector_store_idx %parallel_loop3A_223[%parallel_loop3A_219], %parallel_loop3A_220 : memref<64xf32, #tpu.memory_space<vmem>>[vector<16xi32>], vector<16xf32>,
      } {sc.loop_unroll_factor = 8 : i64, sc.parallel_access}
      %add3A_117 = arith.constant 2 : i32
      %add3A_118 = arith.addi %add3A_103, %add3A_117 : i32
      %lt3A = arith.cmpi slt, %add3A_118, %select_n3A_8 : i32
      %convert_element_type3A_119 = arith.extui %lt3A : i1 to i32
      %cond3A_120 = arith.constant 0 : i32
      %cond3A_121 = arith.cmpi ne, %convert_element_type3A_119, %cond3A_120 : i32
      scf.if %cond3A_121 {
        %add3A_162 = arith.constant 2 : i32
        %add3A_163 = arith.addi %add3A_103, %add3A_162 : i32
        %dma_start3A_164 = arith.constant 0 : i32
        %dma_start3A_165 = tpu.memref_slice %arg7[%add3A_163, %dma_start3A_164] : memref<96x128xi32, #tpu.memory_space<vmem>> -> memref<1x128xi32, #tpu.memory_space<vmem>>
        %dma_start3A_166 = tpu.memref_squeeze %dma_start3A_165 : memref<1x128xi32, #tpu.memory_space<vmem>> -> memref<128xi32, #tpu.memory_space<vmem>>
        %dma_start3A_167 = arith.constant 0 : i32
        %dma_start3A_168 = arith.constant 0 : i32
        %dma_start3A_169 = tpu.memref_slice %arg2[%dma_start3A_167, %dma_start3A_168] : memref<10000x64xbf16, #tpu.memory_space<hbm>> -> memref<10000x64xbf16, #tpu.memory_space<hbm>>
        tpu.enqueue_indirect_dma source(%dma_start3A_169 : memref<10000x64xbf16, #tpu.memory_space<hbm>>) target(%arg10 : memref<128x64xbf16, #tpu.memory_space<vmem>>) offsets(%dma_start3A_166 : memref<128xi32, #tpu.memory_space<vmem>>) semaphore(%arg16 : memref<!tpu.dma_semaphore, #tpu.memory_space<semaphore_mem>>)
      } else {
      }
      %dma_start3A_122 = arith.constant 0 : i32
      %dma_start3A_123 = tpu.memref_slice %arg8[%add3A_103, %dma_start3A_122] : memref<96x128xi32, #tpu.memory_space<vmem>> -> memref<1x128xi32, #tpu.memory_space<vmem>>
      %dma_start3A_124 = tpu.memref_squeeze %dma_start3A_123 : memref<1x128xi32, #tpu.memory_space<vmem>> -> memref<128xi32, #tpu.memory_space<vmem>>
      %dma_start3A_125 = arith.constant 0 : i32
      %dma_start3A_126 = arith.constant 0 : i32
      %dma_start3A_127 = tpu.memref_slice %arg15[%dma_start3A_125, %dma_start3A_126] : memref<10240x64xf32, #tpu.memory_space<vmem_shared>> -> memref<10240x64xf32, #tpu.memory_space<vmem_shared>>
      tpu.enqueue_indirect_dma source(%arg12 : memref<128x64xf32, #tpu.memory_space<vmem>>) target(%dma_start3A_127 : memref<10240x64xf32, #tpu.memory_space<vmem_shared>>) offsets(%dma_start3A_124 : memref<128xi32, #tpu.memory_space<vmem>>) semaphore(%arg18 : memref<!tpu.dma_semaphore, #tpu.memory_space<semaphore_mem>>) {add = true}
      %mul3A_128 = arith.constant 2 : i32
      %mul3A_129 = arith.muli %mul3A_128, %while3A_99 : i32
      %add3A_130 = arith.constant 1 : i32
      %add3A_131 = arith.addi %mul3A_129, %add3A_130 : i32
      %dma_wait3A_132 = arith.constant 0 : i32
      %dma_wait3A_133 = tpu.memref_slice %arg7[%add3A_131, %dma_wait3A_132] : memref<96x128xi32, #tpu.memory_space<vmem>> -> memref<1x128xi32, #tpu.memory_space<vmem>>
      %dma_wait3A_134 = tpu.memref_squeeze %dma_wait3A_133 : memref<1x128xi32, #tpu.memory_space<vmem>> -> memref<128xi32, #tpu.memory_space<vmem>>
      %dma_wait3A_135 = arith.constant 0 : i32
      %dma_wait3A_136 = arith.constant 0 : i32
      %dma_wait3A_137 = tpu.memref_slice %arg2[%dma_wait3A_135, %dma_wait3A_136] : memref<10000x64xbf16, #tpu.memory_space<hbm>> -> memref<10000x64xbf16, #tpu.memory_space<hbm>>
      tpu.wait_indirect_dma semaphore(%arg17 : memref<!tpu.dma_semaphore, #tpu.memory_space<semaphore_mem>>) src(%dma_wait3A_137 : memref<10000x64xbf16, #tpu.memory_space<hbm>>) dst(%arg11 : memref<128x64xbf16, #tpu.memory_space<vmem>>)
      %ge3A_138 = arith.constant 2 : i32
      %ge3A_139 = arith.cmpi sge, %add3A_131, %ge3A_138 : i32
      %convert_element_type3A_140 = arith.extui %ge3A_139 : i1 to i32
      %cond3A_141 = arith.constant 0 : i32
      %cond3A_142 = arith.cmpi ne, %convert_element_type3A_140, %cond3A_141 : i32
      scf.if %cond3A_142 {
        %sub3A_162 = arith.constant 2 : i32
        %sub3A_163 = arith.subi %add3A_131, %sub3A_162 : i32
        %dma_wait3A_164 = arith.constant 0 : i32
        %dma_wait3A_165 = tpu.memref_slice %arg8[%sub3A_163, %dma_wait3A_164] : memref<96x128xi32, #tpu.memory_space<vmem>> -> memref<1x128xi32, #tpu.memory_space<vmem>>
        %dma_wait3A_166 = tpu.memref_squeeze %dma_wait3A_165 : memref<1x128xi32, #tpu.memory_space<vmem>> -> memref<128xi32, #tpu.memory_space<vmem>>
        %dma_wait3A_167 = arith.constant 0 : i32
        %dma_wait3A_168 = arith.constant 0 : i32
        %dma_wait3A_169 = tpu.memref_slice %arg15[%dma_wait3A_167, %dma_wait3A_168] : memref<10240x64xf32, #tpu.memory_space<vmem_shared>> -> memref<10240x64xf32, #tpu.memory_space<vmem_shared>>
        tpu.wait_indirect_dma semaphore(%arg19 : memref<!tpu.dma_semaphore, #tpu.memory_space<semaphore_mem>>) src(%arg13 : memref<128x64xf32, #tpu.memory_space<vmem>>) dst(%dma_wait3A_169 : memref<10240x64xf32, #tpu.memory_space<vmem_shared>>)
      } else {
      }
      %iota3A_143 = tpu.iota {dimensions = array<i32: 0>} : vector<16xi32>
      %mul3A_144 = arith.constant 2 : i32
      %mul3A_145 = vector.broadcast %mul3A_144 : i32 to vector<16xi32>
      %mul3A_146 = arith.muli %mul3A_145, %iota3A_143 : vector<16xi32>
      %parallel_loop3A_147 = arith.constant 0 : i32
      %parallel_loop3A_148 = arith.constant 128 : i32
      %parallel_loop3A_149 = arith.constant 1 : i32
      scf.for %parallel_loop3A_162 = %parallel_loop3A_147 to %parallel_loop3A_148 step %parallel_loop3A_149  : i32 {
        %parallel_loop3A_163 = vector.broadcast %add3A_131 : i32 to vector<16xi32>
        %parallel_loop3A_164 = vector.broadcast %parallel_loop3A_162 : i32 to vector<16xi32>
        %parallel_loop3A_165 = tpu.vector_load_idx %arg9[%parallel_loop3A_163, %parallel_loop3A_164] : memref<96x128xf32, #tpu.memory_space<vmem>>[vector<16xi32>, vector<16xi32>], vector<16xf32>,
        %parallel_loop3A_166 = arith.index_cast %parallel_loop3A_162 : i32 to index
        %parallel_loop3A_167 = arith.constant 0 : index
        %parallel_loop3A_168 = tpu.vector_load %arg11[%parallel_loop3A_166, %parallel_loop3A_167] {strides = array<i32>} : memref<128x64xbf16, #tpu.memory_space<vmem>>, vector<32xbf16>,
        %parallel_loop3A_169 = vector.bitcast %parallel_loop3A_168 : vector<32xbf16> to vector<16xi32>
        %parallel_loop3A_170 = arith.constant 16 : i32
        %parallel_loop3A_171 = vector.broadcast %parallel_loop3A_170 : i32 to vector<16xi32>
        %parallel_loop3A_172 = arith.shli %parallel_loop3A_169, %parallel_loop3A_171 : vector<16xi32>
        %parallel_loop3A_173 = vector.bitcast %parallel_loop3A_172 : vector<16xi32> to vector<16xf32>
        %parallel_loop3A_174 = arith.constant -65536 : i32
        %parallel_loop3A_175 = vector.broadcast %parallel_loop3A_174 : i32 to vector<16xi32>
        %parallel_loop3A_176 = arith.andi %parallel_loop3A_169, %parallel_loop3A_175 : vector<16xi32>
        %parallel_loop3A_177 = vector.bitcast %parallel_loop3A_176 : vector<16xi32> to vector<16xf32>
        %parallel_loop3A_178 = arith.constant 0 : i32
        %parallel_loop3A_179 = vector.broadcast %parallel_loop3A_178 : i32 to vector<16xi32>
        %parallel_loop3A_180 = arith.addi %parallel_loop3A_179, %mul3A_146 : vector<16xi32>
        %parallel_loop3A_181 = arith.mulf %parallel_loop3A_173, %parallel_loop3A_165 : vector<16xf32>
        %parallel_loop3A_182 = arith.constant 0 : i32
        %parallel_loop3A_183 = tpu.memref_slice %arg13[%parallel_loop3A_162, %parallel_loop3A_182] : memref<128x64xf32, #tpu.memory_space<vmem>> -> memref<1x64xf32, #tpu.memory_space<vmem>>
        %parallel_loop3A_184 = tpu.memref_squeeze %parallel_loop3A_183 : memref<1x64xf32, #tpu.memory_space<vmem>> -> memref<64xf32, #tpu.memory_space<vmem>>
        tpu.vector_store_idx %parallel_loop3A_184[%parallel_loop3A_180], %parallel_loop3A_181 : memref<64xf32, #tpu.memory_space<vmem>>[vector<16xi32>], vector<16xf32>,
        %parallel_loop3A_185 = arith.constant 0 : i32
        %parallel_loop3A_186 = vector.broadcast %parallel_loop3A_185 : i32 to vector<16xi32>
        %parallel_loop3A_187 = arith.addi %parallel_loop3A_186, %mul3A_146 : vector<16xi32>
        %parallel_loop3A_188 = arith.constant 1 : i32
        %parallel_loop3A_189 = vector.broadcast %parallel_loop3A_188 : i32 to vector<16xi32>
        %parallel_loop3A_190 = arith.addi %parallel_loop3A_187, %parallel_loop3A_189 : vector<16xi32>
        %parallel_loop3A_191 = arith.mulf %parallel_loop3A_177, %parallel_loop3A_165 : vector<16xf32>
        %parallel_loop3A_192 = arith.constant 0 : i32
        %parallel_loop3A_193 = tpu.memref_slice %arg13[%parallel_loop3A_162, %parallel_loop3A_192] : memref<128x64xf32, #tpu.memory_space<vmem>> -> memref<1x64xf32, #tpu.memory_space<vmem>>
        %parallel_loop3A_194 = tpu.memref_squeeze %parallel_loop3A_193 : memref<1x64xf32, #tpu.memory_space<vmem>> -> memref<64xf32, #tpu.memory_space<vmem>>
        tpu.vector_store_idx %parallel_loop3A_194[%parallel_loop3A_190], %parallel_loop3A_191 : memref<64xf32, #tpu.memory_space<vmem>>[vector<16xi32>], vector<16xf32>,
        %parallel_loop3A_195 = arith.index_cast %parallel_loop3A_162 : i32 to index
        %parallel_loop3A_196 = arith.constant 32 : index
        %parallel_loop3A_197 = tpu.vector_load %arg11[%parallel_loop3A_195, %parallel_loop3A_196] {strides = array<i32>} : memref<128x64xbf16, #tpu.memory_space<vmem>>, vector<32xbf16>,
        %parallel_loop3A_198 = vector.bitcast %parallel_loop3A_197 : vector<32xbf16> to vector<16xi32>
        %parallel_loop3A_199 = arith.constant 16 : i32
        %parallel_loop3A_200 = vector.broadcast %parallel_loop3A_199 : i32 to vector<16xi32>
        %parallel_loop3A_201 = arith.shli %parallel_loop3A_198, %parallel_loop3A_200 : vector<16xi32>
        %parallel_loop3A_202 = vector.bitcast %parallel_loop3A_201 : vector<16xi32> to vector<16xf32>
        %parallel_loop3A_203 = arith.constant -65536 : i32
        %parallel_loop3A_204 = vector.broadcast %parallel_loop3A_203 : i32 to vector<16xi32>
        %parallel_loop3A_205 = arith.andi %parallel_loop3A_198, %parallel_loop3A_204 : vector<16xi32>
        %parallel_loop3A_206 = vector.bitcast %parallel_loop3A_205 : vector<16xi32> to vector<16xf32>
        %parallel_loop3A_207 = arith.constant 32 : i32
        %parallel_loop3A_208 = vector.broadcast %parallel_loop3A_207 : i32 to vector<16xi32>
        %parallel_loop3A_209 = arith.addi %parallel_loop3A_208, %mul3A_146 : vector<16xi32>
        %parallel_loop3A_210 = arith.mulf %parallel_loop3A_202, %parallel_loop3A_165 : vector<16xf32>
        %parallel_loop3A_211 = arith.constant 0 : i32
        %parallel_loop3A_212 = tpu.memref_slice %arg13[%parallel_loop3A_162, %parallel_loop3A_211] : memref<128x64xf32, #tpu.memory_space<vmem>> -> memref<1x64xf32, #tpu.memory_space<vmem>>
        %parallel_loop3A_213 = tpu.memref_squeeze %parallel_loop3A_212 : memref<1x64xf32, #tpu.memory_space<vmem>> -> memref<64xf32, #tpu.memory_space<vmem>>
        tpu.vector_store_idx %parallel_loop3A_213[%parallel_loop3A_209], %parallel_loop3A_210 : memref<64xf32, #tpu.memory_space<vmem>>[vector<16xi32>], vector<16xf32>,
        %parallel_loop3A_214 = arith.constant 32 : i32
        %parallel_loop3A_215 = vector.broadcast %parallel_loop3A_214 : i32 to vector<16xi32>
        %parallel_loop3A_216 = arith.addi %parallel_loop3A_215, %mul3A_146 : vector<16xi32>
        %parallel_loop3A_217 = arith.constant 1 : i32
        %parallel_loop3A_218 = vector.broadcast %parallel_loop3A_217 : i32 to vector<16xi32>
        %parallel_loop3A_219 = arith.addi %parallel_loop3A_216, %parallel_loop3A_218 : vector<16xi32>
        %parallel_loop3A_220 = arith.mulf %parallel_loop3A_206, %parallel_loop3A_165 : vector<16xf32>
        %parallel_loop3A_221 = arith.constant 0 : i32
        %parallel_loop3A_222 = tpu.memref_slice %arg13[%parallel_loop3A_162, %parallel_loop3A_221] : memref<128x64xf32, #tpu.memory_space<vmem>> -> memref<1x64xf32, #tpu.memory_space<vmem>>
        %parallel_loop3A_223 = tpu.memref_squeeze %parallel_loop3A_222 : memref<1x64xf32, #tpu.memory_space<vmem>> -> memref<64xf32, #tpu.memory_space<vmem>>
        tpu.vector_store_idx %parallel_loop3A_223[%parallel_loop3A_219], %parallel_loop3A_220 : memref<64xf32, #tpu.memory_space<vmem>>[vector<16xi32>], vector<16xf32>,
      } {sc.loop_unroll_factor = 8 : i64, sc.parallel_access}
      %add3A_150 = arith.constant 2 : i32
      %add3A_151 = arith.addi %add3A_131, %add3A_150 : i32
      %lt3A_152 = arith.cmpi slt, %add3A_151, %select_n3A_8 : i32
      %convert_element_type3A_153 = arith.extui %lt3A_152 : i1 to i32
      %cond3A_154 = arith.constant 0 : i32
      %cond3A_155 = arith.cmpi ne, %convert_element_type3A_153, %cond3A_154 : i32
      scf.if %cond3A_155 {
        %add3A_162 = arith.constant 2 : i32
        %add3A_163 = arith.addi %add3A_131, %add3A_162 : i32
        %dma_start3A_164 = arith.constant 0 : i32
        %dma_start3A_165 = tpu.memref_slice %arg7[%add3A_163, %dma_start3A_164] : memref<96x128xi32, #tpu.memory_space<vmem>> -> memref<1x128xi32, #tpu.memory_space<vmem>>
        %dma_start3A_166 = tpu.memref_squeeze %dma_start3A_165 : memref<1x128xi32, #tpu.memory_space<vmem>> -> memref<128xi32, #tpu.memory_space<vmem>>
        %dma_start3A_167 = arith.constant 0 : i32
        %dma_start3A_168 = arith.constant 0 : i32
        %dma_start3A_169 = tpu.memref_slice %arg2[%dma_start3A_167, %dma_start3A_168] : memref<10000x64xbf16, #tpu.memory_space<hbm>> -> memref<10000x64xbf16, #tpu.memory_space<hbm>>
        tpu.enqueue_indirect_dma source(%dma_start3A_169 : memref<10000x64xbf16, #tpu.memory_space<hbm>>) target(%arg11 : memref<128x64xbf16, #tpu.memory_space<vmem>>) offsets(%dma_start3A_166 : memref<128xi32, #tpu.memory_space<vmem>>) semaphore(%arg17 : memref<!tpu.dma_semaphore, #tpu.memory_space<semaphore_mem>>)
      } else {
      }
      %dma_start3A_156 = arith.constant 0 : i32
      %dma_start3A_157 = tpu.memref_slice %arg8[%add3A_131, %dma_start3A_156] : memref<96x128xi32, #tpu.memory_space<vmem>> -> memref<1x128xi32, #tpu.memory_space<vmem>>
      %dma_start3A_158 = tpu.memref_squeeze %dma_start3A_157 : memref<1x128xi32, #tpu.memory_space<vmem>> -> memref<128xi32, #tpu.memory_space<vmem>>
      %dma_start3A_159 = arith.constant 0 : i32
      %dma_start3A_160 = arith.constant 0 : i32
      %dma_start3A_161 = tpu.memref_slice %arg15[%dma_start3A_159, %dma_start3A_160] : memref<10240x64xf32, #tpu.memory_space<vmem_shared>> -> memref<10240x64xf32, #tpu.memory_space<vmem_shared>>
      tpu.enqueue_indirect_dma source(%arg13 : memref<128x64xf32, #tpu.memory_space<vmem>>) target(%dma_start3A_161 : memref<10240x64xf32, #tpu.memory_space<vmem_shared>>) offsets(%dma_start3A_158 : memref<128xi32, #tpu.memory_space<vmem>>) semaphore(%arg19 : memref<!tpu.dma_semaphore, #tpu.memory_space<semaphore_mem>>) {add = true}
    }
    %while3A_73 = arith.constant 1 : i32
    scf.for %while3A_99 = %while3A_71 to %while3A_67 step %while3A_73  : i32 {
      %mul3A_100 = arith.constant 2 : i32
      %mul3A_101 = arith.muli %mul3A_100, %while3A_99 : i32
      %add3A_102 = arith.constant 0 : i32
      %add3A_103 = arith.addi %mul3A_101, %add3A_102 : i32
      %dma_wait3A_104 = arith.constant 0 : i32
      %dma_wait3A_105 = tpu.memref_slice %arg7[%add3A_103, %dma_wait3A_104] : memref<96x128xi32, #tpu.memory_space<vmem>> -> memref<1x128xi32, #tpu.memory_space<vmem>>
      %dma_wait3A_106 = tpu.memref_squeeze %dma_wait3A_105 : memref<1x128xi32, #tpu.memory_space<vmem>> -> memref<128xi32, #tpu.memory_space<vmem>>
      %dma_wait3A_107 = arith.constant 0 : i32
      %dma_wait3A_108 = arith.constant 0 : i32
      %dma_wait3A_109 = tpu.memref_slice %arg2[%dma_wait3A_107, %dma_wait3A_108] : memref<10000x64xbf16, #tpu.memory_space<hbm>> -> memref<10000x64xbf16, #tpu.memory_space<hbm>>
      tpu.wait_indirect_dma semaphore(%arg16 : memref<!tpu.dma_semaphore, #tpu.memory_space<semaphore_mem>>) src(%dma_wait3A_109 : memref<10000x64xbf16, #tpu.memory_space<hbm>>) dst(%arg10 : memref<128x64xbf16, #tpu.memory_space<vmem>>)
      %ge3A = arith.constant 2 : i32
      %ge3A_110 = arith.cmpi sge, %add3A_103, %ge3A : i32
      %convert_element_type3A = arith.extui %ge3A_110 : i1 to i32
      %cond3A = arith.constant 0 : i32
      %cond3A_111 = arith.cmpi ne, %convert_element_type3A, %cond3A : i32
      scf.if %cond3A_111 {
        %sub3A_162 = arith.constant 2 : i32
        %sub3A_163 = arith.subi %add3A_103, %sub3A_162 : i32
        %dma_wait3A_164 = arith.constant 0 : i32
        %dma_wait3A_165 = tpu.memref_slice %arg8[%sub3A_163, %dma_wait3A_164] : memref<96x128xi32, #tpu.memory_space<vmem>> -> memref<1x128xi32, #tpu.memory_space<vmem>>
        %dma_wait3A_166 = tpu.memref_squeeze %dma_wait3A_165 : memref<1x128xi32, #tpu.memory_space<vmem>> -> memref<128xi32, #tpu.memory_space<vmem>>
        %dma_wait3A_167 = arith.constant 0 : i32
        %dma_wait3A_168 = arith.constant 0 : i32
        %dma_wait3A_169 = tpu.memref_slice %arg15[%dma_wait3A_167, %dma_wait3A_168] : memref<10240x64xf32, #tpu.memory_space<vmem_shared>> -> memref<10240x64xf32, #tpu.memory_space<vmem_shared>>
        tpu.wait_indirect_dma semaphore(%arg18 : memref<!tpu.dma_semaphore, #tpu.memory_space<semaphore_mem>>) src(%arg12 : memref<128x64xf32, #tpu.memory_space<vmem>>) dst(%dma_wait3A_169 : memref<10240x64xf32, #tpu.memory_space<vmem_shared>>)
      } else {
      }
      %iota3A = tpu.iota {dimensions = array<i32: 0>} : vector<16xi32>
      %mul3A_112 = arith.constant 2 : i32
      %mul3A_113 = vector.broadcast %mul3A_112 : i32 to vector<16xi32>
      %mul3A_114 = arith.muli %mul3A_113, %iota3A : vector<16xi32>
      %parallel_loop3A = arith.constant 0 : i32
      %parallel_loop3A_115 = arith.constant 128 : i32
      %parallel_loop3A_116 = arith.constant 1 : i32
      scf.for %parallel_loop3A_162 = %parallel_loop3A to %parallel_loop3A_115 step %parallel_loop3A_116  : i32 {
        %parallel_loop3A_163 = vector.broadcast %add3A_103 : i32 to vector<16xi32>
        %parallel_loop3A_164 = vector.broadcast %parallel_loop3A_162 : i32 to vector<16xi32>
        %parallel_loop3A_165 = tpu.vector_load_idx %arg9[%parallel_loop3A_163, %parallel_loop3A_164] : memref<96x128xf32, #tpu.memory_space<vmem>>[vector<16xi32>, vector<16xi32>], vector<16xf32>,
        %parallel_loop3A_166 = arith.index_cast %parallel_loop3A_162 : i32 to index
        %parallel_loop3A_167 = arith.constant 0 : index
        %parallel_loop3A_168 = tpu.vector_load %arg10[%parallel_loop3A_166, %parallel_loop3A_167] {strides = array<i32>} : memref<128x64xbf16, #tpu.memory_space<vmem>>, vector<32xbf16>,
        %parallel_loop3A_169 = vector.bitcast %parallel_loop3A_168 : vector<32xbf16> to vector<16xi32>
        %parallel_loop3A_170 = arith.constant 16 : i32
        %parallel_loop3A_171 = vector.broadcast %parallel_loop3A_170 : i32 to vector<16xi32>
        %parallel_loop3A_172 = arith.shli %parallel_loop3A_169, %parallel_loop3A_171 : vector<16xi32>
        %parallel_loop3A_173 = vector.bitcast %parallel_loop3A_172 : vector<16xi32> to vector<16xf32>
        %parallel_loop3A_174 = arith.constant -65536 : i32
        %parallel_loop3A_175 = vector.broadcast %parallel_loop3A_174 : i32 to vector<16xi32>
        %parallel_loop3A_176 = arith.andi %parallel_loop3A_169, %parallel_loop3A_175 : vector<16xi32>
        %parallel_loop3A_177 = vector.bitcast %parallel_loop3A_176 : vector<16xi32> to vector<16xf32>
        %parallel_loop3A_178 = arith.constant 0 : i32
        %parallel_loop3A_179 = vector.broadcast %parallel_loop3A_178 : i32 to vector<16xi32>
        %parallel_loop3A_180 = arith.addi %parallel_loop3A_179, %mul3A_114 : vector<16xi32>
        %parallel_loop3A_181 = arith.mulf %parallel_loop3A_173, %parallel_loop3A_165 : vector<16xf32>
        %parallel_loop3A_182 = arith.constant 0 : i32
        %parallel_loop3A_183 = tpu.memref_slice %arg12[%parallel_loop3A_162, %parallel_loop3A_182] : memref<128x64xf32, #tpu.memory_space<vmem>> -> memref<1x64xf32, #tpu.memory_space<vmem>>
        %parallel_loop3A_184 = tpu.memref_squeeze %parallel_loop3A_183 : memref<1x64xf32, #tpu.memory_space<vmem>> -> memref<64xf32, #tpu.memory_space<vmem>>
        tpu.vector_store_idx %parallel_loop3A_184[%parallel_loop3A_180], %parallel_loop3A_181 : memref<64xf32, #tpu.memory_space<vmem>>[vector<16xi32>], vector<16xf32>,
        %parallel_loop3A_185 = arith.constant 0 : i32
        %parallel_loop3A_186 = vector.broadcast %parallel_loop3A_185 : i32 to vector<16xi32>
        %parallel_loop3A_187 = arith.addi %parallel_loop3A_186, %mul3A_114 : vector<16xi32>
        %parallel_loop3A_188 = arith.constant 1 : i32
        %parallel_loop3A_189 = vector.broadcast %parallel_loop3A_188 : i32 to vector<16xi32>
        %parallel_loop3A_190 = arith.addi %parallel_loop3A_187, %parallel_loop3A_189 : vector<16xi32>
        %parallel_loop3A_191 = arith.mulf %parallel_loop3A_177, %parallel_loop3A_165 : vector<16xf32>
        %parallel_loop3A_192 = arith.constant 0 : i32
        %parallel_loop3A_193 = tpu.memref_slice %arg12[%parallel_loop3A_162, %parallel_loop3A_192] : memref<128x64xf32, #tpu.memory_space<vmem>> -> memref<1x64xf32, #tpu.memory_space<vmem>>
        %parallel_loop3A_194 = tpu.memref_squeeze %parallel_loop3A_193 : memref<1x64xf32, #tpu.memory_space<vmem>> -> memref<64xf32, #tpu.memory_space<vmem>>
        tpu.vector_store_idx %parallel_loop3A_194[%parallel_loop3A_190], %parallel_loop3A_191 : memref<64xf32, #tpu.memory_space<vmem>>[vector<16xi32>], vector<16xf32>,
        %parallel_loop3A_195 = arith.index_cast %parallel_loop3A_162 : i32 to index
        %parallel_loop3A_196 = arith.constant 32 : index
        %parallel_loop3A_197 = tpu.vector_load %arg10[%parallel_loop3A_195, %parallel_loop3A_196] {strides = array<i32>} : memref<128x64xbf16, #tpu.memory_space<vmem>>, vector<32xbf16>,
        %parallel_loop3A_198 = vector.bitcast %parallel_loop3A_197 : vector<32xbf16> to vector<16xi32>
        %parallel_loop3A_199 = arith.constant 16 : i32
        %parallel_loop3A_200 = vector.broadcast %parallel_loop3A_199 : i32 to vector<16xi32>
        %parallel_loop3A_201 = arith.shli %parallel_loop3A_198, %parallel_loop3A_200 : vector<16xi32>
        %parallel_loop3A_202 = vector.bitcast %parallel_loop3A_201 : vector<16xi32> to vector<16xf32>
        %parallel_loop3A_203 = arith.constant -65536 : i32
        %parallel_loop3A_204 = vector.broadcast %parallel_loop3A_203 : i32 to vector<16xi32>
        %parallel_loop3A_205 = arith.andi %parallel_loop3A_198, %parallel_loop3A_204 : vector<16xi32>
        %parallel_loop3A_206 = vector.bitcast %parallel_loop3A_205 : vector<16xi32> to vector<16xf32>
        %parallel_loop3A_207 = arith.constant 32 : i32
        %parallel_loop3A_208 = vector.broadcast %parallel_loop3A_207 : i32 to vector<16xi32>
        %parallel_loop3A_209 = arith.addi %parallel_loop3A_208, %mul3A_114 : vector<16xi32>
        %parallel_loop3A_210 = arith.mulf %parallel_loop3A_202, %parallel_loop3A_165 : vector<16xf32>
        %parallel_loop3A_211 = arith.constant 0 : i32
        %parallel_loop3A_212 = tpu.memref_slice %arg12[%parallel_loop3A_162, %parallel_loop3A_211] : memref<128x64xf32, #tpu.memory_space<vmem>> -> memref<1x64xf32, #tpu.memory_space<vmem>>
        %parallel_loop3A_213 = tpu.memref_squeeze %parallel_loop3A_212 : memref<1x64xf32, #tpu.memory_space<vmem>> -> memref<64xf32, #tpu.memory_space<vmem>>
        tpu.vector_store_idx %parallel_loop3A_213[%parallel_loop3A_209], %parallel_loop3A_210 : memref<64xf32, #tpu.memory_space<vmem>>[vector<16xi32>], vector<16xf32>,
        %parallel_loop3A_214 = arith.constant 32 : i32
        %parallel_loop3A_215 = vector.broadcast %parallel_loop3A_214 : i32 to vector<16xi32>
        %parallel_loop3A_216 = arith.addi %parallel_loop3A_215, %mul3A_114 : vector<16xi32>
        %parallel_loop3A_217 = arith.constant 1 : i32
        %parallel_loop3A_218 = vector.broadcast %parallel_loop3A_217 : i32 to vector<16xi32>
        %parallel_loop3A_219 = arith.addi %parallel_loop3A_216, %parallel_loop3A_218 : vector<16xi32>
        %parallel_loop3A_220 = arith.mulf %parallel_loop3A_206, %parallel_loop3A_165 : vector<16xf32>
        %parallel_loop3A_221 = arith.constant 0 : i32
        %parallel_loop3A_222 = tpu.memref_slice %arg12[%parallel_loop3A_162, %parallel_loop3A_221] : memref<128x64xf32, #tpu.memory_space<vmem>> -> memref<1x64xf32, #tpu.memory_space<vmem>>
        %parallel_loop3A_223 = tpu.memref_squeeze %parallel_loop3A_222 : memref<1x64xf32, #tpu.memory_space<vmem>> -> memref<64xf32, #tpu.memory_space<vmem>>
        tpu.vector_store_idx %parallel_loop3A_223[%parallel_loop3A_219], %parallel_loop3A_220 : memref<64xf32, #tpu.memory_space<vmem>>[vector<16xi32>], vector<16xf32>,
      } {sc.loop_unroll_factor = 8 : i64, sc.parallel_access}
      %add3A_117 = arith.constant 2 : i32
      %add3A_118 = arith.addi %add3A_103, %add3A_117 : i32
      %lt3A = arith.cmpi slt, %add3A_118, %select_n3A_8 : i32
      %convert_element_type3A_119 = arith.extui %lt3A : i1 to i32
      %cond3A_120 = arith.constant 0 : i32
      %cond3A_121 = arith.cmpi ne, %convert_element_type3A_119, %cond3A_120 : i32
      scf.if %cond3A_121 {
        %add3A_162 = arith.constant 2 : i32
        %add3A_163 = arith.addi %add3A_103, %add3A_162 : i32
        %dma_start3A_164 = arith.constant 0 : i32
        %dma_start3A_165 = tpu.memref_slice %arg7[%add3A_163, %dma_start3A_164] : memref<96x128xi32, #tpu.memory_space<vmem>> -> memref<1x128xi32, #tpu.memory_space<vmem>>
        %dma_start3A_166 = tpu.memref_squeeze %dma_start3A_165 : memref<1x128xi32, #tpu.memory_space<vmem>> -> memref<128xi32, #tpu.memory_space<vmem>>
        %dma_start3A_167 = arith.constant 0 : i32
        %dma_start3A_168 = arith.constant 0 : i32
        %dma_start3A_169 = tpu.memref_slice %arg2[%dma_start3A_167, %dma_start3A_168] : memref<10000x64xbf16, #tpu.memory_space<hbm>> -> memref<10000x64xbf16, #tpu.memory_space<hbm>>
        tpu.enqueue_indirect_dma source(%dma_start3A_169 : memref<10000x64xbf16, #tpu.memory_space<hbm>>) target(%arg10 : memref<128x64xbf16, #tpu.memory_space<vmem>>) offsets(%dma_start3A_166 : memref<128xi32, #tpu.memory_space<vmem>>) semaphore(%arg16 : memref<!tpu.dma_semaphore, #tpu.memory_space<semaphore_mem>>)
      } else {
      }
      %dma_start3A_122 = arith.constant 0 : i32
      %dma_start3A_123 = tpu.memref_slice %arg8[%add3A_103, %dma_start3A_122] : memref<96x128xi32, #tpu.memory_space<vmem>> -> memref<1x128xi32, #tpu.memory_space<vmem>>
      %dma_start3A_124 = tpu.memref_squeeze %dma_start3A_123 : memref<1x128xi32, #tpu.memory_space<vmem>> -> memref<128xi32, #tpu.memory_space<vmem>>
      %dma_start3A_125 = arith.constant 0 : i32
      %dma_start3A_126 = arith.constant 0 : i32
      %dma_start3A_127 = tpu.memref_slice %arg15[%dma_start3A_125, %dma_start3A_126] : memref<10240x64xf32, #tpu.memory_space<vmem_shared>> -> memref<10240x64xf32, #tpu.memory_space<vmem_shared>>
      tpu.enqueue_indirect_dma source(%arg12 : memref<128x64xf32, #tpu.memory_space<vmem>>) target(%dma_start3A_127 : memref<10240x64xf32, #tpu.memory_space<vmem_shared>>) offsets(%dma_start3A_124 : memref<128xi32, #tpu.memory_space<vmem>>) semaphore(%arg18 : memref<!tpu.dma_semaphore, #tpu.memory_space<semaphore_mem>>) {add = true}
      %mul3A_128 = arith.constant 2 : i32
      %mul3A_129 = arith.muli %mul3A_128, %while3A_99 : i32
      %add3A_130 = arith.constant 1 : i32
      %add3A_131 = arith.addi %mul3A_129, %add3A_130 : i32
      %dma_wait3A_132 = arith.constant 0 : i32
      %dma_wait3A_133 = tpu.memref_slice %arg7[%add3A_131, %dma_wait3A_132] : memref<96x128xi32, #tpu.memory_space<vmem>> -> memref<1x128xi32, #tpu.memory_space<vmem>>
      %dma_wait3A_134 = tpu.memref_squeeze %dma_wait3A_133 : memref<1x128xi32, #tpu.memory_space<vmem>> -> memref<128xi32, #tpu.memory_space<vmem>>
      %dma_wait3A_135 = arith.constant 0 : i32
      %dma_wait3A_136 = arith.constant 0 : i32
      %dma_wait3A_137 = tpu.memref_slice %arg2[%dma_wait3A_135, %dma_wait3A_136] : memref<10000x64xbf16, #tpu.memory_space<hbm>> -> memref<10000x64xbf16, #tpu.memory_space<hbm>>
      tpu.wait_indirect_dma semaphore(%arg17 : memref<!tpu.dma_semaphore, #tpu.memory_space<semaphore_mem>>) src(%dma_wait3A_137 : memref<10000x64xbf16, #tpu.memory_space<hbm>>) dst(%arg11 : memref<128x64xbf16, #tpu.memory_space<vmem>>)
      %ge3A_138 = arith.constant 2 : i32
      %ge3A_139 = arith.cmpi sge, %add3A_131, %ge3A_138 : i32
      %convert_element_type3A_140 = arith.extui %ge3A_139 : i1 to i32
      %cond3A_141 = arith.constant 0 : i32
      %cond3A_142 = arith.cmpi ne, %convert_element_type3A_140, %cond3A_141 : i32
      scf.if %cond3A_142 {
        %sub3A_162 = arith.constant 2 : i32
        %sub3A_163 = arith.subi %add3A_131, %sub3A_162 : i32
        %dma_wait3A_164 = arith.constant 0 : i32
        %dma_wait3A_165 = tpu.memref_slice %arg8[%sub3A_163, %dma_wait3A_164] : memref<96x128xi32, #tpu.memory_space<vmem>> -> memref<1x128xi32, #tpu.memory_space<vmem>>
        %dma_wait3A_166 = tpu.memref_squeeze %dma_wait3A_165 : memref<1x128xi32, #tpu.memory_space<vmem>> -> memref<128xi32, #tpu.memory_space<vmem>>
        %dma_wait3A_167 = arith.constant 0 : i32
        %dma_wait3A_168 = arith.constant 0 : i32
        %dma_wait3A_169 = tpu.memref_slice %arg15[%dma_wait3A_167, %dma_wait3A_168] : memref<10240x64xf32, #tpu.memory_space<vmem_shared>> -> memref<10240x64xf32, #tpu.memory_space<vmem_shared>>
        tpu.wait_indirect_dma semaphore(%arg19 : memref<!tpu.dma_semaphore, #tpu.memory_space<semaphore_mem>>) src(%arg13 : memref<128x64xf32, #tpu.memory_space<vmem>>) dst(%dma_wait3A_169 : memref<10240x64xf32, #tpu.memory_space<vmem_shared>>)
      } else {
      }
      %iota3A_143 = tpu.iota {dimensions = array<i32: 0>} : vector<16xi32>
      %mul3A_144 = arith.constant 2 : i32
      %mul3A_145 = vector.broadcast %mul3A_144 : i32 to vector<16xi32>
      %mul3A_146 = arith.muli %mul3A_145, %iota3A_143 : vector<16xi32>
      %parallel_loop3A_147 = arith.constant 0 : i32
      %parallel_loop3A_148 = arith.constant 128 : i32
      %parallel_loop3A_149 = arith.constant 1 : i32
      scf.for %parallel_loop3A_162 = %parallel_loop3A_147 to %parallel_loop3A_148 step %parallel_loop3A_149  : i32 {
        %parallel_loop3A_163 = vector.broadcast %add3A_131 : i32 to vector<16xi32>
        %parallel_loop3A_164 = vector.broadcast %parallel_loop3A_162 : i32 to vector<16xi32>
        %parallel_loop3A_165 = tpu.vector_load_idx %arg9[%parallel_loop3A_163, %parallel_loop3A_164] : memref<96x128xf32, #tpu.memory_space<vmem>>[vector<16xi32>, vector<16xi32>], vector<16xf32>,
        %parallel_loop3A_166 = arith.index_cast %parallel_loop3A_162 : i32 to index
        %parallel_loop3A_167 = arith.constant 0 : index
        %parallel_loop3A_168 = tpu.vector_load %arg11[%parallel_loop3A_166, %parallel_loop3A_167] {strides = array<i32>} : memref<128x64xbf16, #tpu.memory_space<vmem>>, vector<32xbf16>,
        %parallel_loop3A_169 = vector.bitcast %parallel_loop3A_168 : vector<32xbf16> to vector<16xi32>
        %parallel_loop3A_170 = arith.constant 16 : i32
        %parallel_loop3A_171 = vector.broadcast %parallel_loop3A_170 : i32 to vector<16xi32>
        %parallel_loop3A_172 = arith.shli %parallel_loop3A_169, %parallel_loop3A_171 : vector<16xi32>
        %parallel_loop3A_173 = vector.bitcast %parallel_loop3A_172 : vector<16xi32> to vector<16xf32>
        %parallel_loop3A_174 = arith.constant -65536 : i32
        %parallel_loop3A_175 = vector.broadcast %parallel_loop3A_174 : i32 to vector<16xi32>
        %parallel_loop3A_176 = arith.andi %parallel_loop3A_169, %parallel_loop3A_175 : vector<16xi32>
        %parallel_loop3A_177 = vector.bitcast %parallel_loop3A_176 : vector<16xi32> to vector<16xf32>
        %parallel_loop3A_178 = arith.constant 0 : i32
        %parallel_loop3A_179 = vector.broadcast %parallel_loop3A_178 : i32 to vector<16xi32>
        %parallel_loop3A_180 = arith.addi %parallel_loop3A_179, %mul3A_146 : vector<16xi32>
        %parallel_loop3A_181 = arith.mulf %parallel_loop3A_173, %parallel_loop3A_165 : vector<16xf32>
        %parallel_loop3A_182 = arith.constant 0 : i32
        %parallel_loop3A_183 = tpu.memref_slice %arg13[%parallel_loop3A_162, %parallel_loop3A_182] : memref<128x64xf32, #tpu.memory_space<vmem>> -> memref<1x64xf32, #tpu.memory_space<vmem>>
        %parallel_loop3A_184 = tpu.memref_squeeze %parallel_loop3A_183 : memref<1x64xf32, #tpu.memory_space<vmem>> -> memref<64xf32, #tpu.memory_space<vmem>>
        tpu.vector_store_idx %parallel_loop3A_184[%parallel_loop3A_180], %parallel_loop3A_181 : memref<64xf32, #tpu.memory_space<vmem>>[vector<16xi32>], vector<16xf32>,
        %parallel_loop3A_185 = arith.constant 0 : i32
        %parallel_loop3A_186 = vector.broadcast %parallel_loop3A_185 : i32 to vector<16xi32>
        %parallel_loop3A_187 = arith.addi %parallel_loop3A_186, %mul3A_146 : vector<16xi32>
        %parallel_loop3A_188 = arith.constant 1 : i32
        %parallel_loop3A_189 = vector.broadcast %parallel_loop3A_188 : i32 to vector<16xi32>
        %parallel_loop3A_190 = arith.addi %parallel_loop3A_187, %parallel_loop3A_189 : vector<16xi32>
        %parallel_loop3A_191 = arith.mulf %parallel_loop3A_177, %parallel_loop3A_165 : vector<16xf32>
        %parallel_loop3A_192 = arith.constant 0 : i32
        %parallel_loop3A_193 = tpu.memref_slice %arg13[%parallel_loop3A_162, %parallel_loop3A_192] : memref<128x64xf32, #tpu.memory_space<vmem>> -> memref<1x64xf32, #tpu.memory_space<vmem>>
        %parallel_loop3A_194 = tpu.memref_squeeze %parallel_loop3A_193 : memref<1x64xf32, #tpu.memory_space<vmem>> -> memref<64xf32, #tpu.memory_space<vmem>>
        tpu.vector_store_idx %parallel_loop3A_194[%parallel_loop3A_190], %parallel_loop3A_191 : memref<64xf32, #tpu.memory_space<vmem>>[vector<16xi32>], vector<16xf32>,
        %parallel_loop3A_195 = arith.index_cast %parallel_loop3A_162 : i32 to index
        %parallel_loop3A_196 = arith.constant 32 : index
        %parallel_loop3A_197 = tpu.vector_load %arg11[%parallel_loop3A_195, %parallel_loop3A_196] {strides = array<i32>} : memref<128x64xbf16, #tpu.memory_space<vmem>>, vector<32xbf16>,
        %parallel_loop3A_198 = vector.bitcast %parallel_loop3A_197 : vector<32xbf16> to vector<16xi32>
        %parallel_loop3A_199 = arith.constant 16 : i32
        %parallel_loop3A_200 = vector.broadcast %parallel_loop3A_199 : i32 to vector<16xi32>
        %parallel_loop3A_201 = arith.shli %parallel_loop3A_198, %parallel_loop3A_200 : vector<16xi32>
        %parallel_loop3A_202 = vector.bitcast %parallel_loop3A_201 : vector<16xi32> to vector<16xf32>
        %parallel_loop3A_203 = arith.constant -65536 : i32
        %parallel_loop3A_204 = vector.broadcast %parallel_loop3A_203 : i32 to vector<16xi32>
        %parallel_loop3A_205 = arith.andi %parallel_loop3A_198, %parallel_loop3A_204 : vector<16xi32>
        %parallel_loop3A_206 = vector.bitcast %parallel_loop3A_205 : vector<16xi32> to vector<16xf32>
        %parallel_loop3A_207 = arith.constant 32 : i32
        %parallel_loop3A_208 = vector.broadcast %parallel_loop3A_207 : i32 to vector<16xi32>
        %parallel_loop3A_209 = arith.addi %parallel_loop3A_208, %mul3A_146 : vector<16xi32>
        %parallel_loop3A_210 = arith.mulf %parallel_loop3A_202, %parallel_loop3A_165 : vector<16xf32>
        %parallel_loop3A_211 = arith.constant 0 : i32
        %parallel_loop3A_212 = tpu.memref_slice %arg13[%parallel_loop3A_162, %parallel_loop3A_211] : memref<128x64xf32, #tpu.memory_space<vmem>> -> memref<1x64xf32, #tpu.memory_space<vmem>>
        %parallel_loop3A_213 = tpu.memref_squeeze %parallel_loop3A_212 : memref<1x64xf32, #tpu.memory_space<vmem>> -> memref<64xf32, #tpu.memory_space<vmem>>
        tpu.vector_store_idx %parallel_loop3A_213[%parallel_loop3A_209], %parallel_loop3A_210 : memref<64xf32, #tpu.memory_space<vmem>>[vector<16xi32>], vector<16xf32>,
        %parallel_loop3A_214 = arith.constant 32 : i32
        %parallel_loop3A_215 = vector.broadcast %parallel_loop3A_214 : i32 to vector<16xi32>
        %parallel_loop3A_216 = arith.addi %parallel_loop3A_215, %mul3A_146 : vector<16xi32>
        %parallel_loop3A_217 = arith.constant 1 : i32
        %parallel_loop3A_218 = vector.broadcast %parallel_loop3A_217 : i32 to vector<16xi32>
        %parallel_loop3A_219 = arith.addi %parallel_loop3A_216, %parallel_loop3A_218 : vector<16xi32>
        %parallel_loop3A_220 = arith.mulf %parallel_loop3A_206, %parallel_loop3A_165 : vector<16xf32>
        %parallel_loop3A_221 = arith.constant 0 : i32
        %parallel_loop3A_222 = tpu.memref_slice %arg13[%parallel_loop3A_162, %parallel_loop3A_221] : memref<128x64xf32, #tpu.memory_space<vmem>> -> memref<1x64xf32, #tpu.memory_space<vmem>>
        %parallel_loop3A_223 = tpu.memref_squeeze %parallel_loop3A_222 : memref<1x64xf32, #tpu.memory_space<vmem>> -> memref<64xf32, #tpu.memory_space<vmem>>
        tpu.vector_store_idx %parallel_loop3A_223[%parallel_loop3A_219], %parallel_loop3A_220 : memref<64xf32, #tpu.memory_space<vmem>>[vector<16xi32>], vector<16xf32>,
      } {sc.loop_unroll_factor = 8 : i64, sc.parallel_access}
      %add3A_150 = arith.constant 2 : i32
      %add3A_151 = arith.addi %add3A_131, %add3A_150 : i32
      %lt3A_152 = arith.cmpi slt, %add3A_151, %select_n3A_8 : i32
      %convert_element_type3A_153 = arith.extui %lt3A_152 : i1 to i32
      %cond3A_154 = arith.constant 0 : i32
      %cond3A_155 = arith.cmpi ne, %convert_element_type3A_153, %cond3A_154 : i32
      scf.if %cond3A_155 {
        %add3A_162 = arith.constant 2 : i32
        %add3A_163 = arith.addi %add3A_131, %add3A_162 : i32
        %dma_start3A_164 = arith.constant 0 : i32
        %dma_start3A_165 = tpu.memref_slice %arg7[%add3A_163, %dma_start3A_164] : memref<96x128xi32, #tpu.memory_space<vmem>> -> memref<1x128xi32, #tpu.memory_space<vmem>>
        %dma_start3A_166 = tpu.memref_squeeze %dma_start3A_165 : memref<1x128xi32, #tpu.memory_space<vmem>> -> memref<128xi32, #tpu.memory_space<vmem>>
        %dma_start3A_167 = arith.constant 0 : i32
        %dma_start3A_168 = arith.constant 0 : i32
        %dma_start3A_169 = tpu.memref_slice %arg2[%dma_start3A_167, %dma_start3A_168] : memref<10000x64xbf16, #tpu.memory_space<hbm>> -> memref<10000x64xbf16, #tpu.memory_space<hbm>>
        tpu.enqueue_indirect_dma source(%dma_start3A_169 : memref<10000x64xbf16, #tpu.memory_space<hbm>>) target(%arg11 : memref<128x64xbf16, #tpu.memory_space<vmem>>) offsets(%dma_start3A_166 : memref<128xi32, #tpu.memory_space<vmem>>) semaphore(%arg17 : memref<!tpu.dma_semaphore, #tpu.memory_space<semaphore_mem>>)
      } else {
      }
      %dma_start3A_156 = arith.constant 0 : i32
      %dma_start3A_157 = tpu.memref_slice %arg8[%add3A_131, %dma_start3A_156] : memref<96x128xi32, #tpu.memory_space<vmem>> -> memref<1x128xi32, #tpu.memory_space<vmem>>
      %dma_start3A_158 = tpu.memref_squeeze %dma_start3A_157 : memref<1x128xi32, #tpu.memory_space<vmem>> -> memref<128xi32, #tpu.memory_space<vmem>>
      %dma_start3A_159 = arith.constant 0 : i32
      %dma_start3A_160 = arith.constant 0 : i32
      %dma_start3A_161 = tpu.memref_slice %arg15[%dma_start3A_159, %dma_start3A_160] : memref<10240x64xf32, #tpu.memory_space<vmem_shared>> -> memref<10240x64xf32, #tpu.memory_space<vmem_shared>>
      tpu.enqueue_indirect_dma source(%arg13 : memref<128x64xf32, #tpu.memory_space<vmem>>) target(%dma_start3A_161 : memref<10240x64xf32, #tpu.memory_space<vmem_shared>>) offsets(%dma_start3A_158 : memref<128xi32, #tpu.memory_space<vmem>>) semaphore(%arg19 : memref<!tpu.dma_semaphore, #tpu.memory_space<semaphore_mem>>) {add = true}
    }
    %sub3A_74 = arith.constant 2 : i32
    %sub3A_75 = arith.subi %select_n3A_8, %sub3A_74 : i32
    %add3A_76 = arith.constant 0 : i32
    %add3A_77 = arith.addi %sub3A_75, %add3A_76 : i32
    %dma_wait3A = arith.constant 0 : i32
    %dma_wait3A_78 = tpu.memref_slice %arg8[%add3A_77, %dma_wait3A] : memref<96x128xi32, #tpu.memory_space<vmem>> -> memref<1x128xi32, #tpu.memory_space<vmem>>
    %dma_wait3A_79 = tpu.memref_squeeze %dma_wait3A_78 : memref<1x128xi32, #tpu.memory_space<vmem>> -> memref<128xi32, #tpu.memory_space<vmem>>
    %dma_wait3A_80 = arith.constant 0 : i32
    %dma_wait3A_81 = arith.constant 0 : i32
    %dma_wait3A_82 = tpu.memref_slice %arg15[%dma_wait3A_80, %dma_wait3A_81] : memref<10240x64xf32, #tpu.memory_space<vmem_shared>> -> memref<10240x64xf32, #tpu.memory_space<vmem_shared>>
    tpu.wait_indirect_dma semaphore(%arg18 : memref<!tpu.dma_semaphore, #tpu.memory_space<semaphore_mem>>) src(%arg12 : memref<128x64xf32, #tpu.memory_space<vmem>>) dst(%dma_wait3A_82 : memref<10240x64xf32, #tpu.memory_space<vmem_shared>>)
    %sub3A_83 = arith.constant 2 : i32
    %sub3A_84 = arith.subi %select_n3A_8, %sub3A_83 : i32
    %add3A_85 = arith.constant 1 : i32
    %add3A_86 = arith.addi %sub3A_84, %add3A_85 : i32
    %dma_wait3A_87 = arith.constant 0 : i32
    %dma_wait3A_88 = tpu.memref_slice %arg8[%add3A_86, %dma_wait3A_87] : memref<96x128xi32, #tpu.memory_space<vmem>> -> memref<1x128xi32, #tpu.memory_space<vmem>>
    %dma_wait3A_89 = tpu.memref_squeeze %dma_wait3A_88 : memref<1x128xi32, #tpu.memory_space<vmem>> -> memref<128xi32, #tpu.memory_space<vmem>>
    %dma_wait3A_90 = arith.constant 0 : i32
    %dma_wait3A_91 = arith.constant 0 : i32
    %dma_wait3A_92 = tpu.memref_slice %arg15[%dma_wait3A_90, %dma_wait3A_91] : memref<10240x64xf32, #tpu.memory_space<vmem_shared>> -> memref<10240x64xf32, #tpu.memory_space<vmem_shared>>
    tpu.wait_indirect_dma semaphore(%arg19 : memref<!tpu.dma_semaphore, #tpu.memory_space<semaphore_mem>>) src(%arg13 : memref<128x64xf32, #tpu.memory_space<vmem>>) dst(%dma_wait3A_92 : memref<10240x64xf32, #tpu.memory_space<vmem_shared>>)
    %barrier3A_93 = arith.constant 0 : index
    tpu.barrier barrier_id(%barrier3A_93)
    %mul3A_94 = arith.constant 640 : i32
    %mul3A_95 = arith.muli %arg1, %mul3A_94 : i32
    %mul3A_96 = arith.constant 640 : i32
    %mul3A_97 = arith.muli %arg1, %mul3A_96 : i32
    %run_scoped3A = arith.constant 0 : i32
    "tpu.region"() ({
      %run_scoped3A_99 = tpu.sem_alloc : memref<!tpu.dma_semaphore, #tpu.memory_space<semaphore_mem>>
      %dma_start3A_100 = arith.constant 0 : i32
      %dma_start3A_101 = tpu.memref_slice %arg6[%run_scoped3A, %arg0, %mul3A_97, %dma_start3A_100] : memref<1x2x10240x64xf32, #tpu.memory_space<hbm>> -> memref<1x1x640x64xf32, #tpu.memory_space<hbm>>
      %dma_start3A_102 = tpu.memref_squeeze %dma_start3A_101 : memref<1x1x640x64xf32, #tpu.memory_space<hbm>> -> memref<640x64xf32, #tpu.memory_space<hbm>>
      %dma_start3A_103 = arith.constant 0 : i32
      %dma_start3A_104 = tpu.memref_slice %arg15[%mul3A_95, %dma_start3A_103] : memref<10240x64xf32, #tpu.memory_space<vmem_shared>> -> memref<640x64xf32, #tpu.memory_space<vmem_shared>>
      tpu.enqueue_dma source(%dma_start3A_104 : memref<640x64xf32, #tpu.memory_space<vmem_shared>>) target(%dma_start3A_102 : memref<640x64xf32, #tpu.memory_space<hbm>>) target_semaphore(%run_scoped3A_99 : memref<!tpu.dma_semaphore, #tpu.memory_space<semaphore_mem>>)
      %dma_wait3A_105 = arith.constant 0 : i32
      %dma_wait3A_106 = tpu.memref_slice %arg6[%run_scoped3A, %arg0, %mul3A_97, %dma_wait3A_105] : memref<1x2x10240x64xf32, #tpu.memory_space<hbm>> -> memref<1x1x640x64xf32, #tpu.memory_space<hbm>>
      %dma_wait3A_107 = tpu.memref_squeeze %dma_wait3A_106 : memref<1x1x640x64xf32, #tpu.memory_space<hbm>> -> memref<640x64xf32, #tpu.memory_space<hbm>>
      %dma_wait3A_108 = arith.constant 0 : i32
      %dma_wait3A_109 = tpu.memref_slice %arg15[%mul3A_95, %dma_wait3A_108] : memref<10240x64xf32, #tpu.memory_space<vmem_shared>> -> memref<640x64xf32, #tpu.memory_space<vmem_shared>>
      tpu.wait_dma2 semaphore(%run_scoped3A_99 : memref<!tpu.dma_semaphore, #tpu.memory_space<semaphore_mem>>) src(%dma_wait3A_109 : memref<640x64xf32, #tpu.memory_space<vmem_shared>>) dst(%dma_wait3A_107 : memref<640x64xf32, #tpu.memory_space<hbm>>)
      tpu.yield
    }) : () -> ()
    %barrier3A_98 = arith.constant 0 : index
    tpu.barrier barrier_id(%barrier3A_98)
    return
  }
}

module attributes {stable_mosaic.version = 14 : i64} {
  func.func @_tc1_body(%arg0: i32, %arg1: memref<400x128xf32, #tpu.memory_space<vmem>>, %arg2: memref<1x128xf32, #tpu.memory_space<vmem>>, %arg3: memref<1x128xf32, #tpu.memory_space<vmem>>, %arg4: memref<128x128xf32, #tpu.memory_space<vmem>>, %arg5: memref<400x128xf32, #tpu.memory_space<vmem>>) attributes {dimension_semantics = [#tpu.dimension_semantics<arbitrary>], iteration_bounds = array<i64: 25>, scalar_prefetch = 0 : i64, scratch_operands = 0 : i64, tpu.core_type = #tpu.core_type<tc>, window_params = [{transform_indices = @transform_0, window_bounds = array<i64: 400, 128>}, {pipeline_mode = #tpu.pipeline_mode<synchronous>, transform_indices = @transform_1, window_bounds = array<i64: 1, 128>}, {pipeline_mode = #tpu.pipeline_mode<synchronous>, transform_indices = @transform_2, window_bounds = array<i64: 1, 128>}, {pipeline_mode = #tpu.pipeline_mode<synchronous>, transform_indices = @transform_3, window_bounds = array<i64: 128, 128>}, {transform_indices = @transform_4, window_bounds = array<i64: 400, 128>}]} {
    %get3A = arith.constant 0 : index
    %get3A_0 = arith.constant 0 : index
    %get3A_1 = vector.load %arg1[%get3A, %get3A_0] : memref<400x128xf32, #tpu.memory_space<vmem>>, vector<400x128xf32>
    %get3A_2 = arith.constant 0 : index
    %get3A_3 = arith.constant 0 : index
    %get3A_4 = vector.load %arg2[%get3A_2, %get3A_3] : memref<1x128xf32, #tpu.memory_space<vmem>>, vector<1x128xf32>
    %get3A_5 = arith.constant 0 : index
    %get3A_6 = arith.constant 0 : index
    %get3A_7 = vector.load %arg3[%get3A_5, %get3A_6] : memref<1x128xf32, #tpu.memory_space<vmem>>, vector<1x128xf32>
    %reduce_sum3A = arith.constant dense<0.000000e+00> : vector<400xf32>
    %reduce_sum3A_8 = vector.multi_reduction <add>, %get3A_1, %reduce_sum3A [1] : vector<400x128xf32> to vector<400xf32>
    %broadcast_in_dim3A = vector.shape_cast %reduce_sum3A_8 : vector<400xf32> to vector<400x1xf32>
    %div3A = arith.constant 1.280000e+02 : f32
    %div3A_9 = vector.broadcast %div3A : f32 to vector<400x1xf32>
    %div3A_10 = arith.divf %broadcast_in_dim3A, %div3A_9 : vector<400x1xf32>
    %sub3A = vector.broadcast %div3A_10 : vector<400x1xf32> to vector<400x128xf32>
    %sub3A_11 = arith.subf %get3A_1, %sub3A : vector<400x128xf32>
    %mul3A = arith.mulf %sub3A_11, %sub3A_11 : vector<400x128xf32>
    %reduce_sum3A_12 = arith.constant dense<0.000000e+00> : vector<400xf32>
    %reduce_sum3A_13 = vector.multi_reduction <add>, %mul3A, %reduce_sum3A_12 [1] : vector<400x128xf32> to vector<400xf32>
    %broadcast_in_dim3A_14 = vector.shape_cast %reduce_sum3A_13 : vector<400xf32> to vector<400x1xf32>
    %div3A_15 = arith.constant 1.280000e+02 : f32
    %div3A_16 = vector.broadcast %div3A_15 : f32 to vector<400x1xf32>
    %div3A_17 = arith.divf %broadcast_in_dim3A_14, %div3A_16 : vector<400x1xf32>
    %add3A = arith.constant 9.99999974E-6 : f32
    %add3A_18 = vector.broadcast %add3A : f32 to vector<400x1xf32>
    %add3A_19 = arith.addf %div3A_17, %add3A_18 : vector<400x1xf32>
    %rsqrt3A = math.rsqrt %add3A_19 : vector<400x1xf32>
    %mul3A_20 = vector.broadcast %rsqrt3A : vector<400x1xf32> to vector<400x128xf32>
    %mul3A_21 = arith.mulf %sub3A_11, %mul3A_20 : vector<400x128xf32>
    %mul3A_22 = vector.broadcast %get3A_4 : vector<1x128xf32> to vector<400x128xf32>
    %mul3A_23 = arith.mulf %mul3A_21, %mul3A_22 : vector<400x128xf32>
    %add3A_24 = vector.broadcast %get3A_7 : vector<1x128xf32> to vector<400x128xf32>
    %add3A_25 = arith.addf %mul3A_23, %add3A_24 : vector<400x128xf32>
    %get3A_26 = arith.constant 0 : index
    %get3A_27 = arith.constant 0 : index
    %get3A_28 = vector.load %arg4[%get3A_26, %get3A_27] : memref<128x128xf32, #tpu.memory_space<vmem>>, vector<128x128xf32>
    %dot_general3A = arith.constant dense<0.000000e+00> : vector<400x128xf32>
    %dot_general3A_29 = tpu.matmul %add3A_25, %get3A_28, %dot_general3A {dimension_numbers = #tpu.dot_dimension_numbers<[1], [1], [0], [0], [0, 0, 1, 0], [], []>, transpose_lhs_hint = false} : vector<400x128xf32>, vector<128x128xf32>, vector<400x128xf32> -> vector<400x128xf32>
    %swap3A = arith.constant 0 : index
    %swap3A_30 = arith.constant 0 : index
    %swap3A_31 = vector.load %arg5[%swap3A, %swap3A_30] : memref<400x128xf32, #tpu.memory_space<vmem>>, vector<400x128xf32>
    tpu.vector_store %arg5[%swap3A, %swap3A_30], %dot_general3A_29 {strides = array<i32>} : memref<400x128xf32, #tpu.memory_space<vmem>>, vector<400x128xf32>,
    return
  }
  func.func @transform_0(%arg0: i32) -> (i32, i32) {
    %c0_i32 = arith.constant 0 : i32
    %c0_i32_0 = arith.constant 0 : i32
    return %arg0, %c0_i32 : i32, i32
  }
  func.func @transform_1(%arg0: i32) -> (i32, i32) {
    %c0_i32 = arith.constant 0 : i32
    %c0_i32_0 = arith.constant 0 : i32
    %c0_i32_1 = arith.constant 0 : i32
    return %c0_i32, %c0_i32_0 : i32, i32
  }
  func.func @transform_2(%arg0: i32) -> (i32, i32) {
    %c0_i32 = arith.constant 0 : i32
    %c0_i32_0 = arith.constant 0 : i32
    %c0_i32_1 = arith.constant 0 : i32
    return %c0_i32, %c0_i32_0 : i32, i32
  }
  func.func @transform_3(%arg0: i32) -> (i32, i32) {
    %c0_i32 = arith.constant 0 : i32
    %c0_i32_0 = arith.constant 0 : i32
    %c0_i32_1 = arith.constant 0 : i32
    return %c0_i32, %c0_i32_0 : i32, i32
  }
  func.func @transform_4(%arg0: i32) -> (i32, i32) {
    %c0_i32 = arith.constant 0 : i32
    %c0_i32_0 = arith.constant 0 : i32
    return %arg0, %c0_i32 : i32, i32
  }
}

module attributes {stable_mosaic.version = 14 : i64} {
  func.func @_tcd_body(%arg0: i32, %arg1: memref<32x1280xf32, #tpu.memory_space<vmem>>, %arg2: memref<1x1280xf32, #tpu.memory_space<vmem>>) attributes {dimension_semantics = [#tpu.dimension_semantics<arbitrary>], iteration_bounds = array<i64: 8>, scalar_prefetch = 0 : i64, scratch_operands = 0 : i64, tpu.core_type = #tpu.core_type<tc>, window_params = [{transform_indices = @transform_0, window_bounds = array<i64: 32, 1280>}, {transform_indices = @transform_1, window_bounds = array<i64: 1, 1280>}]} {
    %get3A = arith.constant 0 : index
    %get3A_0 = arith.constant 0 : index
    %get3A_1 = vector.load %arg1[%get3A, %get3A_0] : memref<32x1280xf32, #tpu.memory_space<vmem>>, vector<32x1280xf32>
    %reduce_sum3A = arith.constant dense<0.000000e+00> : vector<1280xf32>
    %reduce_sum3A_2 = vector.multi_reduction <add>, %get3A_1, %reduce_sum3A [0] : vector<32x1280xf32> to vector<1280xf32>
    %broadcast_in_dim3A = vector.shape_cast %reduce_sum3A_2 : vector<1280xf32> to vector<1x1280xf32>
    %add3A = arith.constant 1.000000e+00 : f32
    %add3A_3 = vector.broadcast %add3A : f32 to vector<1x1280xf32>
    %add3A_4 = arith.addf %add3A_3, %broadcast_in_dim3A : vector<1x1280xf32>
    %rsqrt3A = math.rsqrt %add3A_4 : vector<1x1280xf32>
    %swap3A = arith.constant 0 : index
    %swap3A_5 = arith.constant 0 : index
    %swap3A_6 = vector.load %arg2[%swap3A, %swap3A_5] : memref<1x1280xf32, #tpu.memory_space<vmem>>, vector<1x1280xf32>
    tpu.vector_store %arg2[%swap3A, %swap3A_5], %rsqrt3A {strides = array<i32>} : memref<1x1280xf32, #tpu.memory_space<vmem>>, vector<1x1280xf32>,
    return
  }
  func.func @transform_0(%arg0: i32) -> (i32, i32) {
    %c0_i32 = arith.constant 0 : i32
    %c0_i32_0 = arith.constant 0 : i32
    return %c0_i32, %arg0 : i32, i32
  }
  func.func @transform_1(%arg0: i32) -> (i32, i32) {
    %c0_i32 = arith.constant 0 : i32
    %c0_i32_0 = arith.constant 0 : i32
    return %c0_i32, %arg0 : i32, i32
  }
}

module attributes {stable_mosaic.version = 14 : i64} {
  func.func @_tc2_body(%arg0: i32, %arg1: memref<400x1xf32, #tpu.memory_space<vmem>>, %arg2: memref<400x128xf32, #tpu.memory_space<vmem>>, %arg3: memref<400x128xf32, #tpu.memory_space<vmem>>, %arg4: memref<400x64xbf16, #tpu.memory_space<vmem>>, %arg5: memref<400x64xbf16, #tpu.memory_space<vmem>>) attributes {dimension_semantics = [#tpu.dimension_semantics<arbitrary>], iteration_bounds = array<i64: 25>, scalar_prefetch = 0 : i64, scratch_operands = 0 : i64, tpu.core_type = #tpu.core_type<tc>, window_params = [{transform_indices = @transform_0, window_bounds = array<i64: 400, 1>}, {transform_indices = @transform_1, window_bounds = array<i64: 400, 128>}, {transform_indices = @transform_2, window_bounds = array<i64: 400, 128>}, {transform_indices = @transform_3, window_bounds = array<i64: 400, 64>}, {transform_indices = @transform_4, window_bounds = array<i64: 400, 64>}]} {
    %get3A = arith.constant 0 : index
    %get3A_0 = arith.constant 0 : index
    %get3A_1 = vector.load %arg2[%get3A, %get3A_0] : memref<400x128xf32, #tpu.memory_space<vmem>>, vector<400x128xf32>
    %get3A_2 = arith.constant 0 : index
    %get3A_3 = arith.constant 0 : index
    %get3A_4 = vector.load %arg1[%get3A_2, %get3A_3] : memref<400x1xf32, #tpu.memory_space<vmem>>, vector<400x1xf32>
    %mul3A = vector.broadcast %get3A_4 : vector<400x1xf32> to vector<400x128xf32>
    %mul3A_5 = arith.mulf %get3A_1, %mul3A : vector<400x128xf32>
    %swap3A = arith.constant 0 : index
    %swap3A_6 = arith.constant 0 : index
    %swap3A_7 = vector.load %arg3[%swap3A, %swap3A_6] : memref<400x128xf32, #tpu.memory_space<vmem>>, vector<400x128xf32>
    tpu.vector_store %arg3[%swap3A, %swap3A_6], %mul3A_5 {strides = array<i32>} : memref<400x128xf32, #tpu.memory_space<vmem>>, vector<400x128xf32>,
    %convert_element_type3A = arith.truncf %mul3A_5 : vector<400x128xf32> to vector<400x128xbf16>
    %slice3A = vector.extract_strided_slice %convert_element_type3A {offsets = [0, 0], sizes = [400, 64], strides = [1, 1]} : vector<400x128xbf16> to vector<400x64xbf16>
    %swap3A_8 = arith.constant 0 : index
    %swap3A_9 = arith.constant 0 : index
    %swap3A_10 = vector.load %arg4[%swap3A_8, %swap3A_9] : memref<400x64xbf16, #tpu.memory_space<vmem>>, vector<400x64xbf16>
    tpu.vector_store %arg4[%swap3A_8, %swap3A_9], %slice3A {strides = array<i32>} : memref<400x64xbf16, #tpu.memory_space<vmem>>, vector<400x64xbf16>,
    %slice3A_11 = vector.extract_strided_slice %convert_element_type3A {offsets = [0, 64], sizes = [400, 64], strides = [1, 1]} : vector<400x128xbf16> to vector<400x64xbf16>
    %swap3A_12 = arith.constant 0 : index
    %swap3A_13 = arith.constant 0 : index
    %swap3A_14 = vector.load %arg5[%swap3A_12, %swap3A_13] : memref<400x64xbf16, #tpu.memory_space<vmem>>, vector<400x64xbf16>
    tpu.vector_store %arg5[%swap3A_12, %swap3A_13], %slice3A_11 {strides = array<i32>} : memref<400x64xbf16, #tpu.memory_space<vmem>>, vector<400x64xbf16>,
    return
  }
  func.func @transform_0(%arg0: i32) -> (i32, i32) {
    %c0_i32 = arith.constant 0 : i32
    %c0_i32_0 = arith.constant 0 : i32
    return %arg0, %c0_i32 : i32, i32
  }
  func.func @transform_1(%arg0: i32) -> (i32, i32) {
    %c0_i32 = arith.constant 0 : i32
    %c0_i32_0 = arith.constant 0 : i32
    return %arg0, %c0_i32 : i32, i32
  }
  func.func @transform_2(%arg0: i32) -> (i32, i32) {
    %c0_i32 = arith.constant 0 : i32
    %c0_i32_0 = arith.constant 0 : i32
    return %arg0, %c0_i32 : i32, i32
  }
  func.func @transform_3(%arg0: i32) -> (i32, i32) {
    %c0_i32 = arith.constant 0 : i32
    %c0_i32_0 = arith.constant 0 : i32
    return %arg0, %c0_i32 : i32, i32
  }
  func.func @transform_4(%arg0: i32) -> (i32, i32) {
    %c0_i32 = arith.constant 0 : i32
    %c0_i32_0 = arith.constant 0 : i32
    return %arg0, %c0_i32 : i32, i32
  }
}

module attributes {stable_mosaic.version = 14 : i64} {
  func.func @_tc3_body(%arg0: i32, %arg1: memref<400x1xf32, #tpu.memory_space<vmem>>, %arg2: memref<2x2x400x64xf32, #tpu.memory_space<vmem>>, %arg3: memref<400x128xf32, #tpu.memory_space<vmem>>, %arg4: memref<1x128xf32, #tpu.memory_space<vmem>>, %arg5: memref<1x128xf32, #tpu.memory_space<vmem>>, %arg6: memref<1x128xf32, #tpu.memory_space<vmem>>, %arg7: memref<64x128xf32, #tpu.memory_space<vmem>>, %arg8: memref<400x64xf32, #tpu.memory_space<vmem>>, %arg9: memref<400x64xbf16, #tpu.memory_space<vmem>>) attributes {dimension_semantics = [#tpu.dimension_semantics<arbitrary>], iteration_bounds = array<i64: 25>, scalar_prefetch = 0 : i64, scratch_operands = 0 : i64, tpu.core_type = #tpu.core_type<tc>, window_params = [{transform_indices = @transform_0, window_bounds = array<i64: 400, 1>}, {transform_indices = @transform_1, window_bounds = array<i64: 2, 2, 400, 64>}, {transform_indices = @transform_2, window_bounds = array<i64: 400, 128>}, {pipeline_mode = #tpu.pipeline_mode<synchronous>, transform_indices = @transform_3, window_bounds = array<i64: 1, 128>}, {pipeline_mode = #tpu.pipeline_mode<synchronous>, transform_indices = @transform_4, window_bounds = array<i64: 1, 128>}, {pipeline_mode = #tpu.pipeline_mode<synchronous>, transform_indices = @transform_5, window_bounds = array<i64: 1, 128>}, {pipeline_mode = #tpu.pipeline_mode<synchronous>, transform_indices = @transform_6, window_bounds = array<i64: 64, 128>}, {transform_indices = @transform_7, window_bounds = array<i64: 400, 64>}, {transform_indices = @transform_8, window_bounds = array<i64: 400, 64>}]} {
    %get3A = arith.constant 0 : index
    %get3A_0 = arith.constant 0 : index
    %get3A_1 = vector.load %arg1[%get3A, %get3A_0] : memref<400x1xf32, #tpu.memory_space<vmem>>, vector<400x1xf32>
    %get3A_2 = arith.constant 0 : index
    %get3A_3 = arith.constant 0 : index
    %get3A_4 = arith.constant 0 : index
    %get3A_5 = arith.constant 0 : index
    %get3A_6 = vector.load %arg2[%get3A_2, %get3A_3, %get3A_4, %get3A_5] : memref<2x2x400x64xf32, #tpu.memory_space<vmem>>, vector<1x1x400x64xf32>
    %get3A_7 = vector.shape_cast %get3A_6 : vector<1x1x400x64xf32> to vector<400x64xf32>
    %get3A_8 = arith.constant 0 : index
    %get3A_9 = arith.constant 1 : index
    %get3A_10 = arith.constant 0 : index
    %get3A_11 = arith.constant 0 : index
    %get3A_12 = vector.load %arg2[%get3A_8, %get3A_9, %get3A_10, %get3A_11] : memref<2x2x400x64xf32, #tpu.memory_space<vmem>>, vector<1x1x400x64xf32>
    %get3A_13 = vector.shape_cast %get3A_12 : vector<1x1x400x64xf32> to vector<400x64xf32>
    %add3A = arith.addf %get3A_7, %get3A_13 : vector<400x64xf32>
    %get3A_14 = arith.constant 1 : index
    %get3A_15 = arith.constant 0 : index
    %get3A_16 = arith.constant 0 : index
    %get3A_17 = arith.constant 0 : index
    %get3A_18 = vector.load %arg2[%get3A_14, %get3A_15, %get3A_16, %get3A_17] : memref<2x2x400x64xf32, #tpu.memory_space<vmem>>, vector<1x1x400x64xf32>
    %get3A_19 = vector.shape_cast %get3A_18 : vector<1x1x400x64xf32> to vector<400x64xf32>
    %get3A_20 = arith.constant 1 : index
    %get3A_21 = arith.constant 1 : index
    %get3A_22 = arith.constant 0 : index
    %get3A_23 = arith.constant 0 : index
    %get3A_24 = vector.load %arg2[%get3A_20, %get3A_21, %get3A_22, %get3A_23] : memref<2x2x400x64xf32, #tpu.memory_space<vmem>>, vector<1x1x400x64xf32>
    %get3A_25 = vector.shape_cast %get3A_24 : vector<1x1x400x64xf32> to vector<400x64xf32>
    %add3A_26 = arith.addf %get3A_19, %get3A_25 : vector<400x64xf32>
    %concatenate3A = tpu.concatenate %add3A, %add3A_26 in 1 : vector<400x64xf32>, vector<400x64xf32> -> vector<400x128xf32>
    %get3A_27 = arith.constant 0 : index
    %get3A_28 = arith.constant 0 : index
    %get3A_29 = vector.load %arg3[%get3A_27, %get3A_28] : memref<400x128xf32, #tpu.memory_space<vmem>>, vector<400x128xf32>
    %add3A_30 = arith.addf %concatenate3A, %get3A_29 : vector<400x128xf32>
    %mul3A = vector.broadcast %get3A_1 : vector<400x1xf32> to vector<400x128xf32>
    %mul3A_31 = arith.mulf %mul3A, %add3A_30 : vector<400x128xf32>
    %get3A_32 = arith.constant 0 : index
    %get3A_33 = arith.constant 0 : index
    %get3A_34 = vector.load %arg4[%get3A_32, %get3A_33] : memref<1x128xf32, #tpu.memory_space<vmem>>, vector<1x128xf32>
    %add3A_35 = vector.broadcast %get3A_34 : vector<1x128xf32> to vector<400x128xf32>
    %add3A_36 = arith.addf %mul3A_31, %add3A_35 : vector<400x128xf32>
    %max3A = arith.constant 0.000000e+00 : f32
    %max3A_37 = vector.broadcast %max3A : f32 to vector<400x128xf32>
    %max3A_38 = arith.maximumf %add3A_36, %max3A_37 : vector<400x128xf32>
    %get3A_39 = arith.constant 0 : index
    %get3A_40 = arith.constant 0 : index
    %get3A_41 = vector.load %arg5[%get3A_39, %get3A_40] : memref<1x128xf32, #tpu.memory_space<vmem>>, vector<1x128xf32>
    %get3A_42 = arith.constant 0 : index
    %get3A_43 = arith.constant 0 : index
    %get3A_44 = vector.load %arg6[%get3A_42, %get3A_43] : memref<1x128xf32, #tpu.memory_space<vmem>>, vector<1x128xf32>
    %reduce_sum3A = arith.constant dense<0.000000e+00> : vector<400xf32>
    %reduce_sum3A_45 = vector.multi_reduction <add>, %max3A_38, %reduce_sum3A [1] : vector<400x128xf32> to vector<400xf32>
    %broadcast_in_dim3A = vector.shape_cast %reduce_sum3A_45 : vector<400xf32> to vector<400x1xf32>
    %div3A = arith.constant 1.280000e+02 : f32
    %div3A_46 = vector.broadcast %div3A : f32 to vector<400x1xf32>
    %div3A_47 = arith.divf %broadcast_in_dim3A, %div3A_46 : vector<400x1xf32>
    %sub3A = vector.broadcast %div3A_47 : vector<400x1xf32> to vector<400x128xf32>
    %sub3A_48 = arith.subf %max3A_38, %sub3A : vector<400x128xf32>
    %mul3A_49 = arith.mulf %sub3A_48, %sub3A_48 : vector<400x128xf32>
    %reduce_sum3A_50 = arith.constant dense<0.000000e+00> : vector<400xf32>
    %reduce_sum3A_51 = vector.multi_reduction <add>, %mul3A_49, %reduce_sum3A_50 [1] : vector<400x128xf32> to vector<400xf32>
    %broadcast_in_dim3A_52 = vector.shape_cast %reduce_sum3A_51 : vector<400xf32> to vector<400x1xf32>
    %div3A_53 = arith.constant 1.280000e+02 : f32
    %div3A_54 = vector.broadcast %div3A_53 : f32 to vector<400x1xf32>
    %div3A_55 = arith.divf %broadcast_in_dim3A_52, %div3A_54 : vector<400x1xf32>
    %add3A_56 = arith.constant 9.99999974E-6 : f32
    %add3A_57 = vector.broadcast %add3A_56 : f32 to vector<400x1xf32>
    %add3A_58 = arith.addf %div3A_55, %add3A_57 : vector<400x1xf32>
    %rsqrt3A = math.rsqrt %add3A_58 : vector<400x1xf32>
    %mul3A_59 = vector.broadcast %rsqrt3A : vector<400x1xf32> to vector<400x128xf32>
    %mul3A_60 = arith.mulf %sub3A_48, %mul3A_59 : vector<400x128xf32>
    %mul3A_61 = vector.broadcast %get3A_41 : vector<1x128xf32> to vector<400x128xf32>
    %mul3A_62 = arith.mulf %mul3A_60, %mul3A_61 : vector<400x128xf32>
    %add3A_63 = vector.broadcast %get3A_44 : vector<1x128xf32> to vector<400x128xf32>
    %add3A_64 = arith.addf %mul3A_62, %add3A_63 : vector<400x128xf32>
    %get3A_65 = arith.constant 0 : index
    %get3A_66 = arith.constant 0 : index
    %get3A_67 = vector.load %arg7[%get3A_65, %get3A_66] : memref<64x128xf32, #tpu.memory_space<vmem>>, vector<64x128xf32>
    %dot_general3A = arith.constant dense<0.000000e+00> : vector<400x64xf32>
    %dot_general3A_68 = tpu.matmul %add3A_64, %get3A_67, %dot_general3A {dimension_numbers = #tpu.dot_dimension_numbers<[1], [1], [0], [0], [0, 0, 1, 0], [], []>, transpose_lhs_hint = false} : vector<400x128xf32>, vector<64x128xf32>, vector<400x64xf32> -> vector<400x64xf32>
    %mul3A_69 = vector.broadcast %get3A_1 : vector<400x1xf32> to vector<400x64xf32>
    %mul3A_70 = arith.mulf %dot_general3A_68, %mul3A_69 : vector<400x64xf32>
    %swap3A = arith.constant 0 : index
    %swap3A_71 = arith.constant 0 : index
    %swap3A_72 = vector.load %arg8[%swap3A, %swap3A_71] : memref<400x64xf32, #tpu.memory_space<vmem>>, vector<400x64xf32>
    tpu.vector_store %arg8[%swap3A, %swap3A_71], %mul3A_70 {strides = array<i32>} : memref<400x64xf32, #tpu.memory_space<vmem>>, vector<400x64xf32>,
    %convert_element_type3A = arith.truncf %mul3A_70 : vector<400x64xf32> to vector<400x64xbf16>
    %swap3A_73 = arith.constant 0 : index
    %swap3A_74 = arith.constant 0 : index
    %swap3A_75 = vector.load %arg9[%swap3A_73, %swap3A_74] : memref<400x64xbf16, #tpu.memory_space<vmem>>, vector<400x64xbf16>
    tpu.vector_store %arg9[%swap3A_73, %swap3A_74], %convert_element_type3A {strides = array<i32>} : memref<400x64xbf16, #tpu.memory_space<vmem>>, vector<400x64xbf16>,
    return
  }
  func.func @transform_0(%arg0: i32) -> (i32, i32) {
    %c0_i32 = arith.constant 0 : i32
    %c0_i32_0 = arith.constant 0 : i32
    return %arg0, %c0_i32 : i32, i32
  }
  func.func @transform_1(%arg0: i32) -> (i32, i32, i32, i32) {
    %c0_i32 = arith.constant 0 : i32
    %c0_i32_0 = arith.constant 0 : i32
    %c0_i32_1 = arith.constant 0 : i32
    %c0_i32_2 = arith.constant 0 : i32
    return %c0_i32, %c0_i32_0, %arg0, %c0_i32_1 : i32, i32, i32, i32
  }
  func.func @transform_2(%arg0: i32) -> (i32, i32) {
    %c0_i32 = arith.constant 0 : i32
    %c0_i32_0 = arith.constant 0 : i32
    return %arg0, %c0_i32 : i32, i32
  }
  func.func @transform_3(%arg0: i32) -> (i32, i32) {
    %c0_i32 = arith.constant 0 : i32
    %c0_i32_0 = arith.constant 0 : i32
    %c0_i32_1 = arith.constant 0 : i32
    return %c0_i32, %c0_i32_0 : i32, i32
  }
  func.func @transform_4(%arg0: i32) -> (i32, i32) {
    %c0_i32 = arith.constant 0 : i32
    %c0_i32_0 = arith.constant 0 : i32
    %c0_i32_1 = arith.constant 0 : i32
    return %c0_i32, %c0_i32_0 : i32, i32
  }
  func.func @transform_5(%arg0: i32) -> (i32, i32) {
    %c0_i32 = arith.constant 0 : i32
    %c0_i32_0 = arith.constant 0 : i32
    %c0_i32_1 = arith.constant 0 : i32
    return %c0_i32, %c0_i32_0 : i32, i32
  }
  func.func @transform_6(%arg0: i32) -> (i32, i32) {
    %c0_i32 = arith.constant 0 : i32
    %c0_i32_0 = arith.constant 0 : i32
    %c0_i32_1 = arith.constant 0 : i32
    return %c0_i32, %c0_i32_0 : i32, i32
  }
  func.func @transform_7(%arg0: i32) -> (i32, i32) {
    %c0_i32 = arith.constant 0 : i32
    %c0_i32_0 = arith.constant 0 : i32
    return %arg0, %c0_i32 : i32, i32
  }
  func.func @transform_8(%arg0: i32) -> (i32, i32) {
    %c0_i32 = arith.constant 0 : i32
    %c0_i32_0 = arith.constant 0 : i32
    return %arg0, %c0_i32 : i32, i32
  }
}

module attributes {stable_mosaic.version = 14 : i64} {
  func.func @_tc4_body(%arg0: i32, %arg1: memref<400x1xf32, #tpu.memory_space<vmem>>, %arg2: memref<1x2x400x64xf32, #tpu.memory_space<vmem>>, %arg3: memref<400x64xf32, #tpu.memory_space<vmem>>, %arg4: memref<1x40xf32, #tpu.memory_space<vmem>>, %arg5: memref<400x40xf32, #tpu.memory_space<vmem>>) attributes {dimension_semantics = [#tpu.dimension_semantics<arbitrary>], iteration_bounds = array<i64: 25>, scalar_prefetch = 0 : i64, scratch_operands = 0 : i64, tpu.core_type = #tpu.core_type<tc>, window_params = [{transform_indices = @transform_0, window_bounds = array<i64: 400, 1>}, {transform_indices = @transform_1, window_bounds = array<i64: 1, 2, 400, 64>}, {transform_indices = @transform_2, window_bounds = array<i64: 400, 64>}, {pipeline_mode = #tpu.pipeline_mode<synchronous>, transform_indices = @transform_3, window_bounds = array<i64: 1, 40>}, {transform_indices = @transform_4, window_bounds = array<i64: 400, 40>}]} {
    %get3A = arith.constant 0 : index
    %get3A_0 = arith.constant 0 : index
    %get3A_1 = vector.load %arg1[%get3A, %get3A_0] : memref<400x1xf32, #tpu.memory_space<vmem>>, vector<400x1xf32>
    %get3A_2 = arith.constant 0 : index
    %get3A_3 = arith.constant 0 : index
    %get3A_4 = arith.constant 0 : index
    %get3A_5 = arith.constant 0 : index
    %get3A_6 = vector.load %arg2[%get3A_2, %get3A_3, %get3A_4, %get3A_5] : memref<1x2x400x64xf32, #tpu.memory_space<vmem>>, vector<1x1x400x64xf32>
    %get3A_7 = vector.shape_cast %get3A_6 : vector<1x1x400x64xf32> to vector<400x64xf32>
    %get3A_8 = arith.constant 0 : index
    %get3A_9 = arith.constant 1 : index
    %get3A_10 = arith.constant 0 : index
    %get3A_11 = arith.constant 0 : index
    %get3A_12 = vector.load %arg2[%get3A_8, %get3A_9, %get3A_10, %get3A_11] : memref<1x2x400x64xf32, #tpu.memory_space<vmem>>, vector<1x1x400x64xf32>
    %get3A_13 = vector.shape_cast %get3A_12 : vector<1x1x400x64xf32> to vector<400x64xf32>
    %add3A = arith.addf %get3A_7, %get3A_13 : vector<400x64xf32>
    %get3A_14 = arith.constant 0 : index
    %get3A_15 = arith.constant 0 : index
    %get3A_16 = vector.load %arg3[%get3A_14, %get3A_15] : memref<400x64xf32, #tpu.memory_space<vmem>>, vector<400x64xf32>
    %add3A_17 = arith.addf %add3A, %get3A_16 : vector<400x64xf32>
    %mul3A = vector.broadcast %get3A_1 : vector<400x1xf32> to vector<400x64xf32>
    %mul3A_18 = arith.mulf %mul3A, %add3A_17 : vector<400x64xf32>
    %slice3A = vector.extract_strided_slice %mul3A_18 {offsets = [0, 0], sizes = [400, 40], strides = [1, 1]} : vector<400x64xf32> to vector<400x40xf32>
    %get3A_19 = arith.constant 0 : index
    %get3A_20 = arith.constant 0 : index
    %get3A_21 = vector.load %arg4[%get3A_19, %get3A_20] : memref<1x40xf32, #tpu.memory_space<vmem>>, vector<1x40xf32>
    %add3A_22 = vector.broadcast %get3A_21 : vector<1x40xf32> to vector<400x40xf32>
    %add3A_23 = arith.addf %slice3A, %add3A_22 : vector<400x40xf32>
    %reduce_max3A = arith.constant dense<0xFF800000> : vector<400xf32>
    %reduce_max3A_24 = vector.multi_reduction <maximumf>, %add3A_23, %reduce_max3A [1] : vector<400x40xf32> to vector<400xf32>
    %broadcast_in_dim3A = vector.shape_cast %reduce_max3A_24 : vector<400xf32> to vector<400x1xf32>
    %sub3A = vector.broadcast %broadcast_in_dim3A : vector<400x1xf32> to vector<400x40xf32>
    %sub3A_25 = arith.subf %add3A_23, %sub3A : vector<400x40xf32>
    %exp3A = math.exp %sub3A_25 : vector<400x40xf32>
    %reduce_sum3A = arith.constant dense<0.000000e+00> : vector<400xf32>
    %reduce_sum3A_26 = vector.multi_reduction <add>, %exp3A, %reduce_sum3A [1] : vector<400x40xf32> to vector<400xf32>
    %broadcast_in_dim3A_27 = vector.shape_cast %reduce_sum3A_26 : vector<400xf32> to vector<400x1xf32>
    %log3A = math.log %broadcast_in_dim3A_27 : vector<400x1xf32>
    %sub3A_28 = vector.broadcast %log3A : vector<400x1xf32> to vector<400x40xf32>
    %sub3A_29 = arith.subf %sub3A_25, %sub3A_28 : vector<400x40xf32>
    %swap3A = arith.constant 0 : index
    %swap3A_30 = arith.constant 0 : index
    %swap3A_31 = vector.load %arg5[%swap3A, %swap3A_30] : memref<400x40xf32, #tpu.memory_space<vmem>>, vector<400x40xf32>
    tpu.vector_store %arg5[%swap3A, %swap3A_30], %sub3A_29 {strides = array<i32>} : memref<400x40xf32, #tpu.memory_space<vmem>>, vector<400x40xf32>,
    return
  }
  func.func @transform_0(%arg0: i32) -> (i32, i32) {
    %c0_i32 = arith.constant 0 : i32
    %c0_i32_0 = arith.constant 0 : i32
    return %arg0, %c0_i32 : i32, i32
  }
  func.func @transform_1(%arg0: i32) -> (i32, i32, i32, i32) {
    %c0_i32 = arith.constant 0 : i32
    %c0_i32_0 = arith.constant 0 : i32
    %c0_i32_1 = arith.constant 0 : i32
    %c0_i32_2 = arith.constant 0 : i32
    return %c0_i32, %c0_i32_0, %arg0, %c0_i32_1 : i32, i32, i32, i32
  }
  func.func @transform_2(%arg0: i32) -> (i32, i32) {
    %c0_i32 = arith.constant 0 : i32
    %c0_i32_0 = arith.constant 0 : i32
    return %arg0, %c0_i32 : i32, i32
  }
  func.func @transform_3(%arg0: i32) -> (i32, i32) {
    %c0_i32 = arith.constant 0 : i32
    %c0_i32_0 = arith.constant 0 : i32
    %c0_i32_1 = arith.constant 0 : i32
    return %c0_i32, %c0_i32_0 : i32, i32
  }
  func.func @transform_4(%arg0: i32) -> (i32, i32) {
    %c0_i32 = arith.constant 0 : i32
    %c0_i32_0 = arith.constant 0 : i32
    return %arg0, %c0_i32 : i32, i32
  }
}

</mosaic_0001>

<sc_bundles>
// kernel: kernel.10.cloned.1.call-start
scs
__scs_entry_jumppad:
0x0: {  	(pc) =	sbr.rel $0x88, $3  }
0x1: {  	(tag) =	ssettag $0x0;
	lr =	simm.s32 $0x1  }
0x2: {  	[smem:$0x3F96] =	sst lr;
	_ =	strace $0xD0000000  }
0x3: {  	_ = 	snop  }
0x4: {  	_ = 	snop  }
0x5: {  	_ = 	snop  }
0x6: {  	_ = 	snop  }
0x7: {  	_ = 	snop  }
__scs_overlays_trampoline_lowered:
0x8: {  	[smem:$0x3FA5] =	sst s0  }
0x9: {  	[smem:$0x3FA6] =	sst s1  }
0xa: {  	[smem:$0x3FA7] =	sst s2  }
0xb: {  	[smem:$0x3FA8] =	sst s3  }
0xc: {  	[smem:$0x3FA9] =	sst s4  }
0xd: {  	[smem:$0x3FAA] =	sst s5  }
0xe: {  	[smem:$0x3FAB] =	sst s6  }
0xf: {  	[smem:$0x3FAC] =	sst s7  }
0x10: {  	[smem:$0x3FAD] =	sst s8  }
0x11: {  	[smem:$0x3FAE] =	sst s9;
	s0 =	simm.s32 @!p0 $0x0  }
0x12: {  	s1 =	sld [smem:$0x3F94];
	s0 =	simm.s32 @p0 $0x1  }
0x13: {  	[smem:$0x3FAF] =	sst s0;
	s0 =	simm.s32 @!p1 $0x0  }
0x14: {  	s2 =	sld [smem:$0x3F93];
	s0 =	simm.s32 @p1 $0x1  }
0x15: {  	[smem:$0x3FB0] =	sst s0;
	s0 =	simm.s32 @!p2 $0x0  }
0x16: {  	s3 =	sld [smem:$0x3FDB];
	s0 =	simm.s32 @p2 $0x1  }
0x17: {  	s4 =	simm.s32 $0x1BF5;
	[smem:$0x3FB2] =	sst s0  }
0x18: {  	s0 =	sld [smem:$0x3F95];
	_ =	swait.ge [sflag:s4], $0x0  }
0x19: {  	s7 =	sld [smem:$0x3F96]  }
0x1a: {  	s8 =	sadd.s32 $0xFFFFE003, lr  }
0x1b: {  	s9 =	sadd.s32 $0xFFFFFEF7, lr;
	s5 =	simm.s32 $0xFFFFFFFF;
	p2 =	slt.u32 s8, $0xFFFFF086  }
0x1c: {  	p1 =	slt.u32 s9, $0xF7A;
	s5 =	simm.s32 @!p2 $0x0  }
0x1d: {  	s5 =	simm.s32 @p1 $0x1;
	p0 =	seq.s32 s7, s2  }
0x1e: {  	s7 =	smul.u32 @!p0 $0xF7A, s2;
	p2 =	seq.s32 @!p0 s5, $0x0  }
0x1f: {  	s9 =	smul.u32 $0xF7A, s1;
	s8 =	simm.s32 @!p0 $0x1BF5;
	p2 =	por !p2, p0  }
0x20: {  	[sflag:s8] =	ssyncset.s32 @!p0 $0xFFFFF086;
	s6 =	sadd.s32 @!p0 s3, s7;
	s7 =	simm.s32 @!p0 $0x108  }
0x21: {  	s3 =	sadd.s32 s3, s9;
	s6 =	sadd.s32 @!p0 $0x88, s6;
	s7 =	simm.s32 @p2 $0x1082  }
0x22: {  	[simem:s7], [sflag:s8] =	dma.local @!p0 [hbm:s6], $0xF7A  }
0x23: {  	s9 =	sor.u32 $0xD0000000, s2;
	s6 =	simm.s32 $0x108;
	_ =	swait.ge @!p0 [sflag:s8], $0x0  }
0x24: {  	s3 =	sadd.s32 $0x88, s3;
	s6 =	simm.s32 @!p1 $0x1082;
	[sflag:s4] =	ssyncset.s32 $0xFFFFF086  }
0x25: {  	[simem:s6], [sflag:s4] =	dma.local [hbm:s3], $0xF7A  }
0x26: {  	[smem:$0x3F96] =	sst s1;
	(tag) =	ssettag s2;
	_ =	strace s9  }
0x27: {  	s1 =	sld [smem:$0x3FA6]  }
0x28: {  	s2 =	sld [smem:$0x3FA7]  }
0x29: {  	s4 =	sld [smem:$0x3FA9]  }
0x2a: {  	p0 =	seq.s32 s5, $0x0;
	s5 =	sld [smem:$0x3FAA]  }
0x2b: {  	s6 =	sld [smem:$0x3FAB]  }
0x2c: {  	s7 =	sld [smem:$0x3FAC]  }
0x2d: {  	s3 =	simm.s32 $0x108;
	s8 =	sld [smem:$0x3FAD]  }
0x2e: {  	s3 =	simm.s32 @!p0 $0x1082;
	s9 =	sld [smem:$0x3FAE]  }
0x2f: {  	lr =	sadd.s32 s0, s3;
	s0 =	sld [smem:$0x3FA5]  }
0x30: {  	s3 =	sld [smem:$0x3FA8]  }
0x31: {  	[smem:$0x3FB1] =	sst s10  }
0x32: {  	s10 =	sld [smem:$0x3FAF];
	_ =	sdelay $0x3  }
0x33: {  	p0 =	seq.s32 s10, $0x1;
	s10 =	sld [smem:$0x3FB1];
	_ =	sdelay $0x3  }
0x34: {  	[smem:$0x3FB1] =	sst s10  }
0x35: {  	s10 =	sld [smem:$0x3FB0];
	_ =	sdelay $0x3  }
0x36: {  	p1 =	seq.s32 s10, $0x1;
	s10 =	sld [smem:$0x3FB1];
	_ =	sdelay $0x3  }
0x37: {  	[smem:$0x3FB1] =	sst s10  }
0x38: {  	s10 =	sld [smem:$0x3FB2]  }
0x39: {  	_ = 	snop;
	(pc) =	sbr.ind lr, $3  }
0x3a: {  	_ = 	snop  }
0x3b: {  	_ = 	snop  }
0x3c: {  	p2 =	seq.s32 s10, $0x1;
	s10 =	sld [smem:$0x3FB1]  }
0x3d: {  	_ =	shalt  }
0x3e: {  	_ =	shalt  }
0x3f: {  	_ =	shalt  }
0x40: {  	_ =	shalt  }
0x41: {  	_ =	shalt  }
0x42: {  	_ =	shalt  }
0x43: {  	_ =	shalt  }
0x44: {  	_ =	shalt  }
0x45: {  	_ =	shalt  }
0x46: {  	_ =	shalt  }
0x47: {  	_ =	shalt  }
0x48: {  	_ =	shalt  }
0x49: {  	_ =	shalt  }
0x4a: {  	_ =	shalt  }
0x4b: {  	_ =	shalt  }
0x4c: {  	_ =	shalt  }
0x4d: {  	_ =	shalt  }
0x4e: {  	_ =	shalt  }
0x4f: {  	_ =	shalt  }
0x50: {  	_ =	shalt  }
0x51: {  	_ =	shalt  }
0x52: {  	_ =	shalt  }
0x53: {  	_ =	shalt  }
0x54: {  	_ =	shalt  }
0x55: {  	_ =	shalt  }
0x56: {  	_ =	shalt  }
0x57: {  	_ =	shalt  }
0x58: {  	_ =	shalt  }
0x59: {  	_ =	shalt  }
0x5a: {  	_ =	shalt  }
0x5b: {  	_ =	shalt  }
0x5c: {  	_ =	shalt  }
0x5d: {  	_ =	shalt  }
0x5e: {  	_ =	shalt  }
0x5f: {  	_ =	shalt  }
0x60: {  	_ =	shalt  }
0x61: {  	_ =	shalt  }
0x62: {  	_ =	shalt  }
0x63: {  	_ =	shalt  }
0x64: {  	_ =	shalt  }
0x65: {  	_ =	shalt  }
0x66: {  	_ =	shalt  }
0x67: {  	_ =	shalt  }
0x68: {  	_ =	shalt  }
0x69: {  	_ =	shalt  }
0x6a: {  	_ =	shalt  }
0x6b: {  	_ =	shalt  }
0x6c: {  	_ =	shalt  }
0x6d: {  	_ =	shalt  }
0x6e: {  	_ =	shalt  }
0x6f: {  	_ =	shalt  }
0x70: {  	_ =	shalt  }
0x71: {  	_ =	shalt  }
0x72: {  	_ =	shalt  }
0x73: {  	_ =	shalt  }
0x74: {  	_ =	shalt  }
0x75: {  	_ =	shalt  }
0x76: {  	_ =	shalt  }
0x77: {  	_ =	shalt  }
0x78: {  	_ =	shalt  }
0x79: {  	_ =	shalt  }
0x7a: {  	_ =	shalt  }
0x7b: {  	_ =	shalt  }
0x7c: {  	_ =	shalt  }
0x7d: {  	_ =	shalt  }
0x7e: {  	_ =	shalt  }
0x7f: {  	_ =	shalt  }
0x80: {  	_ =	shalt  }
0x81: {  	_ =	shalt  }
0x82: {  	_ =	shalt  }
0x83: {  	_ =	shalt  }
0x84: {  	_ =	shalt  }
0x85: {  	_ =	shalt  }
0x86: {  	_ =	shalt  }
0x87: {  	_ =	shalt  }
.Lfunc_end0:
.L_simem_size_0:
called_computation_lowered:
.L_overlay_start_0:
0x88: {  	s2 =	sld [smem:$0x3FD9]  }
0x89: {  	s3 =	sld [smem:$0x3FFE];
	_ =	sdelay $0x1  }
0x8a: {  	s1 =	srdreg.scid  }
0x8b: {  	s0 =	sand.u32 $0x1, s1  }
0x8c: {  	s17 =	sshll.u32 s0, $0xA;
	s2 =	sadd.s32 s3, s2  }
0x8d: {  	s2 =	sadd.s32 s2, s17  }
0x8e: {  	[smem:$0x3FBD] =	sst s2  }
0x8f: {  	_ = 	snop  }
0x90: {  	s2 =	sld [smem:$0x3FD0];
	(tm) =	ssettm $0x1  }
0x91: {  	s18 =	sld [smem:$0x3FFB];
	_ =	sdelay $0x3  }
0x92: {  	_ =	strace s18  }
0x93: {  	s3 =	sld [smem:$0x3FFC];
	_ =	sdelay $0x3  }
0x94: {  	_ =	strace s3  }
0x95: {  	s3 =	sld [smem:$0x3FFD];
	_ =	sdelay $0x3  }
0x96: {  	_ =	strace s3  }
0x97: {  	_ =	strace $0x8FFFFFFF  }
0x98: {  	s19 =	sld [smem:$0x3FDB];
	_ =	sdelay $0x1  }
0x99: {  	s4 =	simm.s32 $_scs_section_size  }
0x9a: {  	s5 =	simm.s32 $_size__tile_overlayer_lowered;
	s6 =	simm.s32 $_tile_overlayer_lowered  }
0x9b: {  	s22 =	simm.s32 $0x1BFF;
	s21 =	sshll.u32 s6, $0x1;
	s3 =	sadd.s32 s4, s19  }
0x9c: {  	s7 =	simm.s32 $0x0;
	s20 =	sshll.u32 s5, $0x1;
	s5 =	sadd.s32 s21, s3  }
0x9d: {  	[timem:s7], [sflag:s22] =	dma.local [hbm:s5], s20  }
0x9e: {  	_ =	swait.ge [sflag:s22], s20  }
0x9f: {  	s4 =	ssub.s32 $0x0, s20;
	[sflag:s22] =	ssyncset.done $0x0  }
0xa0: {  	[sflag:s22] =	ssyncadd.s32 s4;
	_ =	sdelay $0x1  }
0xa1: {  	s23 =	simm.s32 $0x1B8B  }
0xa2: {  	_ =	swait.ge [sflag:s23], $0x1  }
0xa3: {  	[sflag:s23] =	ssyncset.done $0x0  }
0xa4: {  	s25 =	simm.s32 $0x1B8E;
	s24 =	sld [smem:$0x3FFE];
	[sflag:s23] =	ssyncadd.s32 $0xFFFFFFFF  }
0xa5: {  	s26 =	simm.s32 $execute0_lowered;
	[smem:$0x3FD2] =	sst s25  }
0xa6: {  	s5 =	sshll.u32 s26, $0x1;
	_ =	strace $0x80000046;
	[dreg:$0x1] =	wrdreg $0xFFFFFFFF  }
0xa7: {  	s28 =	simm.s32 $_size_execute0_lowered;
	s3 =	sadd.s32 s3, s5;
	[dreg:$0x0] =	wrdreg $0x0  }
0xa8: {  	s5 =	sshll.u32 s28, $0x1;
	[dreg:$0x2] =	wrdreg s3  }
0xa9: {  	[dreg:$0x3] =	wrdreg s5  }
0xaa: {  	[dreg:$0x4] =	wrdreg $0xC0  }
0xab: {  	_ =	task [dreg:s7], $0x5FFFF  }
0xac: {  	[dreg:$0x1] =	wrdreg $0xFFFFFFFF  }
0xad: {  	[dreg:$0x0] =	wrdreg $0x60  }
0xae: {  	[dreg:$0x2] =	wrdreg s2  }
0xaf: {  	[dreg:$0x3] =	wrdreg s24  }
0xb0: {  	[dreg:$0x4] =	wrdreg $0x9  }
0xb1: {  	_ =	task.clear_ibuf [dreg:s7], $0x5FFFF;
	_ =	strace $0x90000046  }
0xb2: {  	s29 =	simm.s32 $0x9;
	_ =	strace $0x80000048  }
0xb3: {  	_ =	swait.ge [sflag:s29], $0x1  }
0xb4: {  	[sflag:s29] =	ssyncadd.s32 $0xFFFFFFFF  }
0xb5: {  	_ =	strace $0x90000048  }
0xb6: {  	_ =	sfence  }
0xb7: {  	s30 =	sld [smem:$0x0];
	_ =	sdelay $0x2  }
0xb8: {  	s31 =	sshll.u32 s1, $0xD;
	s1 =	sshrl.u32 s1, $0x2  }
0xb9: {  	s3 =	sand.u32 $0x4000, s31;
	s1 =	sadd.s32 s1, s30  }
0xba: {  	s0 =	sor.u32 s3, s0;
	s1 =	sshll.u32 s1, $0x11  }
0xbb: {  	s0 =	sor.u32 s1, s0  }
0xbc: {  	s0 =	sadd.s32 $0x8F2B, s0  }
0xbd: {  	[sflag:s0] =	ssyncadd.remote.s32 $0x1  }
0xbe: {  	_ =	sfence.sel $0xFFFF  }
0xbf: {  	[dreg:$0x0] =	wrdreg $0xFFFFFFFF;
	(pc) =	sbr.abs _section_cstart, $3  }
0xc0: {  	[dreg:$0x1] =	wrdreg $0xFFFFFFFF  }
0xc1: {  	_ =	task.clear_ibuf [dreg:s7], $0x2FFFF;
	_ =	strace $0x9FFFFFFF  }
0xc2: {  	(tm) =	ssettm $0x7FFFFFFF  }
0xc3: {  	_ =	shalt  }
tec
execute0_lowered:
.L_overlay_start_1:
0x0: {  	(tag) =	ssettag $0x1  }
0x1: {  	s1 =	srdreg.scid;
	s0 =	stileid.u32  }
0x2: {  	s3 =	rddreg [dreg:$0x0];
	s4 =	sand.u32 $0x1, s1;
	s30 =	sshll.u32 s0, $0x1  }
0x3: {  	s5 =	rddreg [dreg:$0x1];
	s2 =	simm.s32 $0x0;
	s6 =	sor.u32 s4, s30  }
0x4: {  	s9 =	simm.s32 $0x5200;
	s10 =	simm.s32 $0x0;
	s7 =	smul.u32 $0x520, s6  }
0x5: {  	[smem:$0x7FF] =	sst s2;
	s4 =	ssub.s32 $0x2, s4;
	s6 =	smul.u32 $0x500, s6  }
0x6: {  	s1 =	rddreg [dreg:$0x2];
	_ =	strace $0x80000047;
	s31 =	sshrl.u32 s4, $0x1  }
0x7: {  	s8 =	sadd.s32 s7, s5;
	s5 =	sadd.s32 s6, s5;
	s6 =	ssub.s32 s4, s31  }
0x8: {  	s3 =	sadd.s32 s3, s7;
	s7 =	simm.s32 $0x1;
	s4 =	sadd.s32 $0x2200, s8  }
0x9: {  	v0 =	vimm.f32 $0.0e+00;
	s5 =	sadd.s32 $0xC600, s5;
	s6 =	smax.u32 s6, $0x1;
	s8 =	simm.s32 $0x2900  }
.LBB2_1:
0xa: {  	[tilespmem:s2], [sflag:$0x1] =	stream.linear.gather [hbm4b:s3+s2], $0x2900, $0x38;
	[tilespmem:$0x7A00] =	vst v63  }
0xb: {  	_ =	swait.ge [sflag:s7], $0x2900  }
0xc: {  	[sflag:s7] =	ssyncset.done $0x0  }
0xd: {  	[sflag:s7] =	ssyncadd.s32 $0xFFFFD700  }
0xe: {  	[tilespmem:s8], [sflag:$0x1] =	stream.linear.gather [hbm4b:s4+s2], $0x2900, $0x38;
	[tilespmem:$0x7A00] =	vst v63  }
0xf: {  	_ =	swait.ge [sflag:s7], $0x2900  }
0x10: {  	[sflag:s7] =	ssyncset.done $0x0  }
0x11: {  	s11 =	simm.s32 $0x0;
	[sflag:s7] =	ssyncadd.s32 $0xFFFFD700  }
.LBB2_2:
0x12: {  	p0 =	sne.s32 s11, $0x9FC0  }
.Ltmp0:
0x13: {  	_ = 	snop;
	(pc) =	sbr.rel @p0 .LBB2_2-.Ltmp0, $3  }
0x14: {  	_ =	sdelay $0x1  }
0x15: {  	s12 =	sshra.s32 s11, $0x2  }
0x16: {  	s11 =	sadd.s32 $0x40, s11;
	[tilespmem:s12+$0x5200] =	vst v0  }
0x17: {  	s11 =	simm.s32 $0x0  }
.LBB2_4:
0x18: {  	s12 =	sshra.s32 s11, $0x2  }
0x19: {  	v1 =	vld [tilespmem:s12+$0x0];
	_ =	sdelay $0x2  }
0x1a: {  	v2 =	vld [tilespmem:s12+$0x2900];
	_ =	sdelay $0x4  }
0x1b: {  	[tilespmem:v1+s9+$0x0] =	vst.idx.add.f32.msk $0xffff, v2  }
0x1c: {  	v1 =	vld [tilespmem:s12+$0x10];
	_ =	sdelay $0x2  }
0x1d: {  	v2 =	vld [tilespmem:s12+$0x2910];
	_ =	sdelay $0x4  }
0x1e: {  	[tilespmem:v1+s9+$0x0] =	vst.idx.add.f32.msk $0xffff, v2  }
0x1f: {  	v1 =	vld [tilespmem:s12+$0x20];
	_ =	sdelay $0x2  }
0x20: {  	v2 =	vld [tilespmem:s12+$0x2920];
	_ =	sdelay $0x4  }
0x21: {  	[tilespmem:v1+s9+$0x0] =	vst.idx.add.f32.msk $0xffff, v2  }
0x22: {  	v1 =	vld [tilespmem:s12+$0x30];
	_ =	sdelay $0x2  }
0x23: {  	v2 =	vld [tilespmem:s12+$0x2930];
	_ =	sdelay $0x4  }
0x24: {  	[tilespmem:v1+s9+$0x0] =	vst.idx.add.f32.msk $0xffff, v2  }
0x25: {  	v1 =	vld [tilespmem:s12+$0x40];
	_ =	sdelay $0x2  }
0x26: {  	v2 =	vld [tilespmem:s12+$0x2940];
	_ =	sdelay $0x4  }
0x27: {  	[tilespmem:v1+s9+$0x0] =	vst.idx.add.f32.msk $0xffff, v2  }
0x28: {  	v1 =	vld [tilespmem:s12+$0x50];
	_ =	sdelay $0x2  }
0x29: {  	v2 =	vld [tilespmem:s12+$0x2950];
	_ =	sdelay $0x4  }
0x2a: {  	[tilespmem:v1+s9+$0x0] =	vst.idx.add.f32.msk $0xffff, v2  }
0x2b: {  	v1 =	vld [tilespmem:s12+$0x60];
	_ =	sdelay $0x2  }
0x2c: {  	v2 =	vld [tilespmem:s12+$0x2960];
	_ =	sdelay $0x4  }
0x2d: {  	[tilespmem:v1+s9+$0x0] =	vst.idx.add.f32.msk $0xffff, v2  }
0x2e: {  	v1 =	vld [tilespmem:s12+$0x70];
	_ =	sdelay $0x2  }
0x2f: {  	p0 =	sne.s32 s11, $0xA200;
	v2 =	vld [tilespmem:s12+$0x2970]  }
.Ltmp1:
0x30: {  	_ = 	snop;
	(pc) =	sbr.rel @p0 .LBB2_4-.Ltmp1, $2  }
0x31: {  	_ =	sdelay $0x2  }
0x32: {  	s11 =	sadd.s32 $0x200, s11;
	[tilespmem:v1+s9+$0x0] =	vst.idx.add.f32.msk $0xffff, v2  }
0x33: {  	s10 =	sadd.s32 $0x1, s10  }
0x34: {  	p0 =	sne.s32 s10, s6  }
.Ltmp2:
0x35: {  	_ = 	snop;
	(pc) =	sbr.rel @p0 .LBB2_1-.Ltmp2, $4  }
0x36: {  	[hbm4b:s5+s2] =	stream.linear.scatter [tilespmem:s9], [sflag:$0x1], $0x2800, $0x38;
	[tilespmem:$0x7A00] =	vst v63  }
0x37: {  	_ =	swait.ge [sflag:s7], $0x2800  }
0x38: {  	[sflag:s7] =	ssyncset.done $0x0  }
0x39: {  	[sflag:s7] =	ssyncadd.s32 $0xFFFFD800  }
0x3a: {  	_ =	sfence.sel $0x180000  }
0x3b: {  	[bflag:$0x0] =	sbarrier.arrive $0xFFFF  }
0x3c: {  	p0 =	sne.s32 s0, $0x0;
	_ =	strace $0x90000047  }
0x3d: {  	s0 =	sadd.s32 @!p0 $0x100000, s1;
	[bflag:$0x2] =	sbarrier.arrive $0xFFFF  }
0x3e: {  	[sflag:s0] =	ssyncadd.tile.s32 @!p0 $0x1;
	_ =	shalt  }
.Lfunc_end2:
_tile_overlayer_lowered:
.L_overlay_start_2:
0x3f: {  	(tag) =	ssettag $0x2  }
0x40: {  	s0 =	rddreg [dreg:$0x0];
	s2 =	stileid.u32  }
0x41: {  	s1 =	rddreg [dreg:$0x1];
	p0 =	sne.s32 s2, $0x0  }
0x42: {  	s3 =	rddreg [dreg:$0x2];
	[bflag:$0x3] =	sbarrier.arrive $0xFFFF;
	s2 =	simm.s32 @!p0 $0x1C01  }
0x43: {  	[timem:s3], [sflag:s2] =	dma.local @!p0 [hbm:s0], s1  }
0x44: {  	s0 =	simm.s32 @!p0 $0x1  }
0x45: {  	_ =	swait.ge @!p0 [sflag:s0], s1  }
0x46: {  	s1 =	ssub.s32 @!p0 $0x0, s1;
	[sflag:s0] =	ssyncset.done @!p0 $0x0  }
0x47: {  	[sflag:s0] =	ssyncadd.s32 @!p0 s1  }
0x48: {  	[bflag:$0x3] =	sbarrier.arrive $0xFFFF  }
0x49: {  	_ =	shalt  }

// kernel: kernel.13.cloned.1.call-start
scs
__scs_entry_jumppad:
0x0: {  	(pc) =	sbr.rel $0x88, $3  }
0x1: {  	(tag) =	ssettag $0x0;
	lr =	simm.s32 $0x1  }
0x2: {  	[smem:$0x3F96] =	sst lr;
	_ =	strace $0xD0000000  }
0x3: {  	_ = 	snop  }
0x4: {  	_ = 	snop  }
0x5: {  	_ = 	snop  }
0x6: {  	_ = 	snop  }
0x7: {  	_ = 	snop  }
__scs_overlays_trampoline_lowered:
0x8: {  	[smem:$0x3FA5] =	sst s0  }
0x9: {  	[smem:$0x3FA6] =	sst s1  }
0xa: {  	[smem:$0x3FA7] =	sst s2  }
0xb: {  	[smem:$0x3FA8] =	sst s3  }
0xc: {  	[smem:$0x3FA9] =	sst s4  }
0xd: {  	[smem:$0x3FAA] =	sst s5  }
0xe: {  	[smem:$0x3FAB] =	sst s6  }
0xf: {  	[smem:$0x3FAC] =	sst s7  }
0x10: {  	[smem:$0x3FAD] =	sst s8  }
0x11: {  	[smem:$0x3FAE] =	sst s9;
	s0 =	simm.s32 @!p0 $0x0  }
0x12: {  	s1 =	sld [smem:$0x3F94];
	s0 =	simm.s32 @p0 $0x1  }
0x13: {  	[smem:$0x3FAF] =	sst s0;
	s0 =	simm.s32 @!p1 $0x0  }
0x14: {  	s2 =	sld [smem:$0x3F93];
	s0 =	simm.s32 @p1 $0x1  }
0x15: {  	[smem:$0x3FB0] =	sst s0;
	s0 =	simm.s32 @!p2 $0x0  }
0x16: {  	s3 =	sld [smem:$0x3FDB];
	s0 =	simm.s32 @p2 $0x1  }
0x17: {  	s4 =	simm.s32 $0x1BF5;
	[smem:$0x3FB2] =	sst s0  }
0x18: {  	s0 =	sld [smem:$0x3F95];
	_ =	swait.ge [sflag:s4], $0x0  }
0x19: {  	s7 =	sld [smem:$0x3F96]  }
0x1a: {  	s8 =	sadd.s32 $0xFFFFE003, lr  }
0x1b: {  	s9 =	sadd.s32 $0xFFFFFEF7, lr;
	s5 =	simm.s32 $0xFFFFFFFF;
	p2 =	slt.u32 s8, $0xFFFFF086  }
0x1c: {  	p1 =	slt.u32 s9, $0xF7A;
	s5 =	simm.s32 @!p2 $0x0  }
0x1d: {  	s5 =	simm.s32 @p1 $0x1;
	p0 =	seq.s32 s7, s2  }
0x1e: {  	s7 =	smul.u32 @!p0 $0xF7A, s2;
	p2 =	seq.s32 @!p0 s5, $0x0  }
0x1f: {  	s9 =	smul.u32 $0xF7A, s1;
	s8 =	simm.s32 @!p0 $0x1BF5;
	p2 =	por !p2, p0  }
0x20: {  	[sflag:s8] =	ssyncset.s32 @!p0 $0xFFFFF086;
	s6 =	sadd.s32 @!p0 s3, s7;
	s7 =	simm.s32 @!p0 $0x108  }
0x21: {  	s3 =	sadd.s32 s3, s9;
	s6 =	sadd.s32 @!p0 $0x88, s6;
	s7 =	simm.s32 @p2 $0x1082  }
0x22: {  	[simem:s7], [sflag:s8] =	dma.local @!p0 [hbm:s6], $0xF7A  }
0x23: {  	s9 =	sor.u32 $0xD0000000, s2;
	s6 =	simm.s32 $0x108;
	_ =	swait.ge @!p0 [sflag:s8], $0x0  }
0x24: {  	s3 =	sadd.s32 $0x88, s3;
	s6 =	simm.s32 @!p1 $0x1082;
	[sflag:s4] =	ssyncset.s32 $0xFFFFF086  }
0x25: {  	[simem:s6], [sflag:s4] =	dma.local [hbm:s3], $0xF7A  }
0x26: {  	[smem:$0x3F96] =	sst s1;
	(tag) =	ssettag s2;
	_ =	strace s9  }
0x27: {  	s1 =	sld [smem:$0x3FA6]  }
0x28: {  	s2 =	sld [smem:$0x3FA7]  }
0x29: {  	s4 =	sld [smem:$0x3FA9]  }
0x2a: {  	p0 =	seq.s32 s5, $0x0;
	s5 =	sld [smem:$0x3FAA]  }
0x2b: {  	s6 =	sld [smem:$0x3FAB]  }
0x2c: {  	s7 =	sld [smem:$0x3FAC]  }
0x2d: {  	s3 =	simm.s32 $0x108;
	s8 =	sld [smem:$0x3FAD]  }
0x2e: {  	s3 =	simm.s32 @!p0 $0x1082;
	s9 =	sld [smem:$0x3FAE]  }
0x2f: {  	lr =	sadd.s32 s0, s3;
	s0 =	sld [smem:$0x3FA5]  }
0x30: {  	s3 =	sld [smem:$0x3FA8]  }
0x31: {  	[smem:$0x3FB1] =	sst s10  }
0x32: {  	s10 =	sld [smem:$0x3FAF];
	_ =	sdelay $0x3  }
0x33: {  	p0 =	seq.s32 s10, $0x1;
	s10 =	sld [smem:$0x3FB1];
	_ =	sdelay $0x3  }
0x34: {  	[smem:$0x3FB1] =	sst s10  }
0x35: {  	s10 =	sld [smem:$0x3FB0];
	_ =	sdelay $0x3  }
0x36: {  	p1 =	seq.s32 s10, $0x1;
	s10 =	sld [smem:$0x3FB1];
	_ =	sdelay $0x3  }
0x37: {  	[smem:$0x3FB1] =	sst s10  }
0x38: {  	s10 =	sld [smem:$0x3FB2]  }
0x39: {  	_ = 	snop;
	(pc) =	sbr.ind lr, $3  }
0x3a: {  	_ = 	snop  }
0x3b: {  	_ = 	snop  }
0x3c: {  	p2 =	seq.s32 s10, $0x1;
	s10 =	sld [smem:$0x3FB1]  }
0x3d: {  	_ =	shalt  }
0x3e: {  	_ =	shalt  }
0x3f: {  	_ =	shalt  }
0x40: {  	_ =	shalt  }
0x41: {  	_ =	shalt  }
0x42: {  	_ =	shalt  }
0x43: {  	_ =	shalt  }
0x44: {  	_ =	shalt  }
0x45: {  	_ =	shalt  }
0x46: {  	_ =	shalt  }
0x47: {  	_ =	shalt  }
0x48: {  	_ =	shalt  }
0x49: {  	_ =	shalt  }
0x4a: {  	_ =	shalt  }
0x4b: {  	_ =	shalt  }
0x4c: {  	_ =	shalt  }
0x4d: {  	_ =	shalt  }
0x4e: {  	_ =	shalt  }
0x4f: {  	_ =	shalt  }
0x50: {  	_ =	shalt  }
0x51: {  	_ =	shalt  }
0x52: {  	_ =	shalt  }
0x53: {  	_ =	shalt  }
0x54: {  	_ =	shalt  }
0x55: {  	_ =	shalt  }
0x56: {  	_ =	shalt  }
0x57: {  	_ =	shalt  }
0x58: {  	_ =	shalt  }
0x59: {  	_ =	shalt  }
0x5a: {  	_ =	shalt  }
0x5b: {  	_ =	shalt  }
0x5c: {  	_ =	shalt  }
0x5d: {  	_ =	shalt  }
0x5e: {  	_ =	shalt  }
0x5f: {  	_ =	shalt  }
0x60: {  	_ =	shalt  }
0x61: {  	_ =	shalt  }
0x62: {  	_ =	shalt  }
0x63: {  	_ =	shalt  }
0x64: {  	_ =	shalt  }
0x65: {  	_ =	shalt  }
0x66: {  	_ =	shalt  }
0x67: {  	_ =	shalt  }
0x68: {  	_ =	shalt  }
0x69: {  	_ =	shalt  }
0x6a: {  	_ =	shalt  }
0x6b: {  	_ =	shalt  }
0x6c: {  	_ =	shalt  }
0x6d: {  	_ =	shalt  }
0x6e: {  	_ =	shalt  }
0x6f: {  	_ =	shalt  }
0x70: {  	_ =	shalt  }
0x71: {  	_ =	shalt  }
0x72: {  	_ =	shalt  }
0x73: {  	_ =	shalt  }
0x74: {  	_ =	shalt  }
0x75: {  	_ =	shalt  }
0x76: {  	_ =	shalt  }
0x77: {  	_ =	shalt  }
0x78: {  	_ =	shalt  }
0x79: {  	_ =	shalt  }
0x7a: {  	_ =	shalt  }
0x7b: {  	_ =	shalt  }
0x7c: {  	_ =	shalt  }
0x7d: {  	_ =	shalt  }
0x7e: {  	_ =	shalt  }
0x7f: {  	_ =	shalt  }
0x80: {  	_ =	shalt  }
0x81: {  	_ =	shalt  }
0x82: {  	_ =	shalt  }
0x83: {  	_ =	shalt  }
0x84: {  	_ =	shalt  }
0x85: {  	_ =	shalt  }
0x86: {  	_ =	shalt  }
0x87: {  	_ =	shalt  }
.Lfunc_end0:
.L_simem_size_0:
called_computation.1_lowered:
.L_overlay_start_0:
0x88: {  	s2 =	sld [smem:$0x3FD9]  }
0x89: {  	s3 =	sld [smem:$0x3FFE];
	_ =	sdelay $0x1  }
0x8a: {  	s1 =	srdreg.scid  }
0x8b: {  	s0 =	sand.u32 $0x1, s1  }
0x8c: {  	s17 =	sshll.u32 s0, $0xA;
	s2 =	sadd.s32 s3, s2  }
0x8d: {  	s2 =	sadd.s32 s2, s17  }
0x8e: {  	[smem:$0x3FBD] =	sst s2  }
0x8f: {  	_ = 	snop  }
0x90: {  	s2 =	sld [smem:$0x3FD0];
	(tm) =	ssettm $0x1  }
0x91: {  	s18 =	sld [smem:$0x3FFB];
	_ =	sdelay $0x3  }
0x92: {  	_ =	strace s18  }
0x93: {  	s3 =	sld [smem:$0x3FFC];
	_ =	sdelay $0x3  }
0x94: {  	_ =	strace s3  }
0x95: {  	s3 =	sld [smem:$0x3FFD];
	_ =	sdelay $0x3  }
0x96: {  	_ =	strace s3  }
0x97: {  	_ =	strace $0x8FFFFFFF  }
0x98: {  	s19 =	sld [smem:$0x3FDB];
	_ =	sdelay $0x1  }
0x99: {  	s4 =	simm.s32 $_scs_section_size  }
0x9a: {  	s5 =	simm.s32 $_size__tile_overlayer_lowered;
	s6 =	simm.s32 $_tile_overlayer_lowered  }
0x9b: {  	s22 =	simm.s32 $0x1BFF;
	s21 =	sshll.u32 s6, $0x1;
	s3 =	sadd.s32 s4, s19  }
0x9c: {  	s7 =	simm.s32 $0x0;
	s20 =	sshll.u32 s5, $0x1;
	s5 =	sadd.s32 s21, s3  }
0x9d: {  	[timem:s7], [sflag:s22] =	dma.local [hbm:s5], s20  }
0x9e: {  	_ =	swait.ge [sflag:s22], s20  }
0x9f: {  	s4 =	ssub.s32 $0x0, s20;
	[sflag:s22] =	ssyncset.done $0x0  }
0xa0: {  	[sflag:s22] =	ssyncadd.s32 s4;
	_ =	sdelay $0x1  }
0xa1: {  	s23 =	simm.s32 $0x1B8B  }
0xa2: {  	_ =	swait.ge [sflag:s23], $0x1  }
0xa3: {  	[sflag:s23] =	ssyncset.done $0x0  }
0xa4: {  	s25 =	simm.s32 $0x1B8E;
	s24 =	sld [smem:$0x3FFE];
	[sflag:s23] =	ssyncadd.s32 $0xFFFFFFFF  }
0xa5: {  	s26 =	simm.s32 $execute0_lowered;
	[smem:$0x3FD2] =	sst s25  }
0xa6: {  	s5 =	sshll.u32 s26, $0x1;
	_ =	strace $0x80000049;
	[dreg:$0x1] =	wrdreg $0xFFFFFFFF  }
0xa7: {  	s28 =	simm.s32 $_size_execute0_lowered;
	s3 =	sadd.s32 s3, s5;
	[dreg:$0x0] =	wrdreg $0x0  }
0xa8: {  	s5 =	sshll.u32 s28, $0x1;
	[dreg:$0x2] =	wrdreg s3  }
0xa9: {  	[dreg:$0x3] =	wrdreg s5  }
0xaa: {  	[dreg:$0x4] =	wrdreg $0xC0  }
0xab: {  	_ =	task [dreg:s7], $0x5FFFF  }
0xac: {  	[dreg:$0x1] =	wrdreg $0xFFFFFFFF  }
0xad: {  	[dreg:$0x0] =	wrdreg $0x60  }
0xae: {  	[dreg:$0x2] =	wrdreg s24  }
0xaf: {  	[dreg:$0x3] =	wrdreg s2  }
0xb0: {  	[dreg:$0x4] =	wrdreg $0x110000  }
0xb1: {  	[dreg:$0x5] =	wrdreg $0x9  }
0xb2: {  	_ =	task.clear_ibuf [dreg:s7], $0x6FFFF;
	_ =	strace $0x90000049  }
0xb3: {  	s29 =	simm.s32 $0x9;
	_ =	strace $0x8000004B  }
0xb4: {  	_ =	swait.ge [sflag:s29], $0x1  }
0xb5: {  	[sflag:s29] =	ssyncadd.s32 $0xFFFFFFFF  }
0xb6: {  	_ =	strace $0x9000004B  }
0xb7: {  	_ =	sfence  }
0xb8: {  	s30 =	sld [smem:$0x0];
	_ =	sdelay $0x2  }
0xb9: {  	s31 =	sshll.u32 s1, $0xD;
	s1 =	sshrl.u32 s1, $0x2  }
0xba: {  	s3 =	sand.u32 $0x4000, s31;
	s1 =	sadd.s32 s1, s30  }
0xbb: {  	s0 =	sor.u32 s3, s0;
	s1 =	sshll.u32 s1, $0x11  }
0xbc: {  	s0 =	sor.u32 s1, s0  }
0xbd: {  	s0 =	sadd.s32 $0x8F2B, s0  }
0xbe: {  	[sflag:s0] =	ssyncadd.remote.s32 $0x1  }
0xbf: {  	_ =	sfence.sel $0xFFFF  }
0xc0: {  	[dreg:$0x0] =	wrdreg $0xFFFFFFFF;
	(pc) =	sbr.abs _section_cstart, $3  }
0xc1: {  	[dreg:$0x1] =	wrdreg $0xFFFFFFFF  }
0xc2: {  	_ =	task.clear_ibuf [dreg:s7], $0x2FFFF;
	_ =	strace $0x9FFFFFFF  }
0xc3: {  	(tm) =	ssettm $0x7FFFFFFF  }
tec
execute0_lowered:
.L_overlay_start_1:
0x0: {  	(tag) =	ssettag $0x1  }
0x1: {  	s0 =	rddreg [dreg:$0x0]  }
0x2: {  	s2 =	rddreg [dreg:$0x1]  }
0x3: {  	s1 =	rddreg [dreg:$0x2];
	s3 =	simm.s32 $0x0  }
0x4: {  	s14 =	srdreg.scid;
	s7 =	stileid.u32;
	s28 =	simm.s32 $0x1  }
0x5: {  	s29 =	simm.s32 $0xB000;
	s30 =	simm.s32 $0x2;
	s4 =	smul.u32 $0x60, s7  }
0x6: {  	s31 =	simm.s32 $0xD000;
	[smem:$0x7FF] =	sst s3;
	s8 =	smul.u32 $0xA000, s7  }
0x7: {  	s3 =	sand.u32 $0x1, s14;
	s5 =	sshll.u32 s7, $0x6;
	s11 =	smul.u32 $0x28000, s7  }
0x8: {  	s7 =	simm.s32 $0x60;
	p0 =	seq.s32 s3, $0x0;
	[dreg:$0x4] =	wrdreg s5  }
0x9: {  	s6 =	sadd.s32 $0x600, s5;
	s15 =	smul.u32 $0xA0000, s3;
	s5 =	sadd.s32 $0x20A00, s0  }
0xa: {  	s3 =	ssub.s32 $0x2, s3;
	s6 =	smov.u32 @p0 s4;
	_ =	strace $0x8000004A  }
0xb: {  	s16 =	sshrl.u32 s3, $0x1;
	s7 =	simm.s32 @!p0 $0x40;
	s17 =	sshrl.u32 s11, $0x2  }
0xc: {  	s21 =	sadd.s32 s8, s1;
	s9 =	sshll.u32 s6, $0x4;
	s6 =	sadd.s32 $0xC600, s0  }
0xd: {  	s19 =	sadd.s32 s17, s1;
	[dreg:$0x8] =	wrdreg s21;
	s2 =	sadd.s32 s2, s9  }
0xe: {  	s4 =	sadd.s32 s8, s15;
	s22 =	sadd.s32 $0x2000, s19;
	[dreg:$0x6] =	wrdreg s2  }
0xf: {  	s3 =	ssub.s32 s3, s16;
	s23 =	sadd.s32 $0x4000, s19;
	[dreg:$0x9] =	wrdreg s22  }
0x10: {  	s16 =	sshrl.u32 s7, $0x1;
	s24 =	sadd.s32 $0x6000, s19;
	[dreg:$0xa] =	wrdreg s23  }
0x11: {  	v0 =	vlaneseq.u32;
	s10 =	sadd.s32 s9, s0;
	s26 =	smax.u32 s3, $0x1;
	[dreg:$0xb] =	wrdreg s24  }
0x12: {  	v0 =	vmul.u32 $0x2, v0;
	s21 =	simm.s32 $0x0;
	s18 =	sadd.s32 $0x16600, s10;
	[dreg:$0xf] =	wrdreg s26  }
0x13: {  	s4 =	sshrl.u32 s4, $0x3;
	s20 =	sadd.s32 $0x2200, s10;
	[dreg:$0x5] =	wrdreg s18  }
0x14: {  	s0 =	sadd.s32 s4, s0;
	s2 =	sadd.s32 $0x8000, s19;
	[dreg:$0x7] =	wrdreg s20  }
0x15: {  	v5 =	vor.u32 $0x21, v0;
	s22 =	simm.s32 $0x6000;
	[dreg:$0xc] =	wrdreg s2;
	s25 =	sadd.s32 $0x2A800, s0  }
0x16: {  	v2 =	vimm.s32 $0x0;
	vm0 =	vcmask $0x300;
	v1 =	vimm.f32 $0.0e+00;
	s23 =	simm.s32 $0xF000;
	s0 =	sadd.s32 $0x52800, s0;
	[dreg:$0xd] =	wrdreg s25  }
0x17: {  	v2 =	vsel vm0, $0x3, v2;
	v3 =	vor.u32 $0x1, v0;
	v4 =	vor.u32 $0x20, v0;
	s24 =	simm.s32 $0x80;
	s20 =	simm.s32 $0x5;
	[dreg:$0xe] =	wrdreg s0  }
.LBB2_1:
0x18: {  	s0 =	simm.s32 $0x0;
	s2 =	rddreg [dreg:$0x5]  }
0x19: {  	[tilespmem:s0], [sflag:$0x5] =	stream.linear.gather [hbm4b:s2+s0], $0x3000, $0x38;
	[tilespmem:$0x1B000] =	vst v63  }
0x1a: {  	_ =	swait.ge [sflag:s20], $0x3000  }
0x1b: {  	[sflag:s20] =	ssyncset.done $0x0  }
0x1c: {  	s3 =	simm.s32 $0x3000;
	s25 =	rddreg [dreg:$0x6];
	[sflag:s20] =	ssyncadd.s32 $0xFFFFD000  }
0x1d: {  	[tilespmem:s3], [sflag:$0x5] =	stream.linear.gather [hbm4b:s25+s0], $0x3000, $0x38;
	[tilespmem:$0x1B000] =	vst v63  }
0x1e: {  	_ =	swait.ge [sflag:s20], $0x3000  }
0x1f: {  	[sflag:s20] =	ssyncset.done $0x0  }
0x20: {  	s26 =	rddreg [dreg:$0x7];
	[sflag:s20] =	ssyncadd.s32 $0xFFFFD000  }
0x21: {  	[tilespmem:s22], [sflag:$0x5] =	stream.linear.gather [hbm4b:s26+s0], $0x3000, $0x38;
	[tilespmem:$0x1B000] =	vst v63  }
0x22: {  	_ =	swait.ge [sflag:s20], $0x3000  }
0x23: {  	[sflag:s20] =	ssyncset.done $0x0  }
0x24: {  	s4 =	simm.s32 $0x100;
	s3 =	simm.s32 $0x0;
	[sflag:s20] =	ssyncadd.s32 $0xFFFFD000  }
.LBB2_2:
0x25: {  	p0 =	sne.s32 s4, $0x7F00;
	[tilespmem:s3+$0xF030] =	vst v1;
	s8 =	smov.u32 s4;
	s4 =	sadd.s32 $0x100, s4  }
.Ltmp0:
0x26: {  	[tilespmem:s3+$0xF020] =	vst v1;
	(pc) =	sbr.rel @p0 .LBB2_2-.Ltmp0, $3  }
0x27: {  	[tilespmem:s3+$0xF000] =	vst v1  }
0x28: {  	[tilespmem:s3+$0xF010] =	vst v1;
	_ =	sdelay $0x1  }
0x29: {  	s3 =	sshra.s32 s8, $0x2  }
0x2a: {  	[tilespmem:s3+$0xF030] =	vst v1  }
0x2b: {  	[tilespmem:s3+$0xF020] =	vst v1  }
0x2c: {  	[tilespmem:s3+$0xF000] =	vst v1  }
0x2d: {  	[tilespmem:s3+$0xF010] =	vst v1;
	s0 =	rddreg [dreg:$0x8]  }
0x2e: {  	[spmem:s0] =	stream.linear.scatter [tilespmem:s23], [sflag:$0x5], $0x2000, $0x38;
	[tilespmem:$0x1B000] =	vst v63  }
0x2f: {  	_ =	swait.ge [sflag:s20], $0x2000  }
0x30: {  	[sflag:s20] =	ssyncset.done $0x0  }
0x31: {  	s14 =	rddreg [dreg:$0x9];
	[sflag:s20] =	ssyncadd.s32 $0xFFFFE000  }
0x32: {  	[spmem:s14] =	stream.linear.scatter [tilespmem:s23], [sflag:$0x5], $0x2000, $0x38;
	[tilespmem:$0x1B000] =	vst v63  }
0x33: {  	_ =	swait.ge [sflag:s20], $0x2000  }
0x34: {  	[sflag:s20] =	ssyncset.done $0x0  }
0x35: {  	s15 =	rddreg [dreg:$0xa];
	[sflag:s20] =	ssyncadd.s32 $0xFFFFE000  }
0x36: {  	[spmem:s15] =	stream.linear.scatter [tilespmem:s23], [sflag:$0x5], $0x2000, $0x38;
	[tilespmem:$0x1B000] =	vst v63  }
0x37: {  	_ =	swait.ge [sflag:s20], $0x2000  }
0x38: {  	[sflag:s20] =	ssyncset.done $0x0  }
0x39: {  	s17 =	rddreg [dreg:$0xb];
	[sflag:s20] =	ssyncadd.s32 $0xFFFFE000  }
0x3a: {  	[spmem:s17] =	stream.linear.scatter [tilespmem:s23], [sflag:$0x5], $0x2000, $0x38;
	[tilespmem:$0x1B000] =	vst v63  }
0x3b: {  	_ =	swait.ge [sflag:s20], $0x2000  }
0x3c: {  	[sflag:s20] =	ssyncset.done $0x0  }
0x3d: {  	s18 =	rddreg [dreg:$0xc];
	[sflag:s20] =	ssyncadd.s32 $0xFFFFE000  }
0x3e: {  	[spmem:s18] =	stream.linear.scatter [tilespmem:s23], [sflag:$0x5], $0x2000, $0x38;
	[tilespmem:$0x1B000] =	vst v63  }
0x3f: {  	_ =	swait.ge [sflag:s20], $0x2000  }
0x40: {  	[sflag:s20] =	ssyncset.done $0x0  }
0x41: {  	[sflag:s20] =	ssyncadd.s32 $0xFFFFE000  }
0x42: {  	s25 =	simm.s32 $0x0;
	s19 =	simm.s32 $0x9000;
	[bflag:$0x0] =	sbarrier.arrive $0xFFFF  }
0x43: {  	[tilespmem:s19], [sflag:$0x1] =	stream.indirect.gather [hbm4b:s5+s24], $0x20, s25, s24, $0xb8;
	[tilespmem:$0x1B000] =	vst v63  }
0x44: {  	s26 =	simm.s32 $0xA000;
	s8 =	simm.s32 $0x0  }
0x45: {  	[tilespmem:s26], [sflag:$0x2] =	stream.indirect.gather [hbm4b:s5+s24], $0x20, s24, s24, $0xb8;
	[tilespmem:$0x1B000] =	vst v63  }
.LBB2_4:
0x46: {  	s9 =	sshll.u32 s8, $0x1;
	s18 =	simm.s32 $0x5;
	v14 =	vmov s25;
	s4 =	simm.s32 $0x1  }
0x47: {  	s10 =	simm.s32 $0x2;
	s19 =	simm.s32 $0x6;
	s26 =	simm.s32 $0x4;
	v12 =	vmov s18;
	v14 =	vshrl.u32 v14, $0x3;
	v16 =	vmov s4  }
0x48: {  	s12 =	simm.s32 $0x3;
	s0 =	simm.s32 $0x7;
	s2 =	simm.s32 $0xD;
	v17 =	vmov s10;
	v18 =	vmov s19;
	v19 =	vmov s26  }
0x49: {  	s11 =	simm.s32 $0x9;
	s13 =	simm.s32 $0xA;
	s3 =	sshll.u32 s9, $0x7;
	v20 =	vmov s12;
	v22 =	vmov s0;
	v38 =	vmov s2  }
0x4a: {  	_ =	swait.ge [sflag:s28], $0x1000;
	v39 =	vmov s11;
	v40 =	vmov s13;
	v6 =	vmov s3  }
0x4b: {  	p0 =	seq.s32 s8, $0x0;
	[sflag:s28] =	ssyncset.done $0x0;
	v13 =	vshrl.u32 v12, $0x3;
	v14 =	vshll.u32 v14, v2;
	v18 =	vshrl.u32 v18, $0x3  }
0x4c: {  	[sflag:s28] =	ssyncadd.s32 $0xFFFFF000;
	s3 =	simm.s32 @!p0 $0x3;
	v17 =	vshrl.u32 v17, $0x3;
	v20 =	vshrl.u32 v20, $0x3;
	v22 =	vshrl.u32 v22, $0x3  }
0x4d: {  	s18 =	simm.s32 $0xF;
	v19 =	vshrl.u32 v19, $0x3;
	v16 =	vshrl.u32 v16, $0x3;
	v38 =	vshrl.u32 v38, $0x3;
	_ =	swait.ge @!p0 [sflag:s3], $0x2000  }
0x4e: {  	v41 =	vmov s18;
	v11 =	vor.u32 $0x5, v6;
	v15 =	vshll.u32 v13, v2;
	[sflag:s3] =	ssyncset.done @!p0 $0x0  }
0x4f: {  	v57 =	vshrl.u32 v39, $0x3;
	v12 =	vor.u32 $0x6, v6;
	v15 =	vadd.s32 v15, v11;
	[sflag:s3] =	ssyncadd.s32 @!p0 $0xFFFFE000;
	s3 =	simm.s32 $0x9080  }
0x50: {  	s19 =	simm.s32 $0x8;
	v14 =	vadd.s32 v6, v14;
	v18 =	vshll.u32 v18, v2;
	v15 =	vbroadcast v15, $0x0;
	v21 =	vld [tilespmem:s3+$0x60]  }
0x51: {  	s26 =	simm.s32 $0xE;
	v43 =	vmov s19;
	v14 =	vbroadcast v14, $0x0;
	v18 =	vadd.s32 v18, v12;
	v23 =	vld [tilespmem:s3+$0xFFFFFFA0]  }
0x52: {  	v44 =	vmov s26;
	v7 =	vor.u32 $0x1, v6;
	v18 =	vbroadcast v18, $0x0;
	v24 =	vld [tilespmem:s3+$0x20]  }
0x53: {  	v8 =	vor.u32 $0x2, v6;
	v9 =	vor.u32 $0x3, v6;
	v10 =	vor.u32 $0x4, v6;
	v26 =	vld [tilespmem:s3+$0x0]  }
0x54: {  	s17 =	simm.s32 $0x9180;
	v13 =	vor.u32 $0x7, v6;
	v17 =	vshll.u32 v17, v2;
	v22 =	vshll.u32 v22, v2;
	v31 =	vld [tilespmem:s3+$0x40]  }
0x55: {  	v19 =	vshll.u32 v19, v2;
	v38 =	vshll.u32 v38, v2;
	v17 =	vadd.s32 v17, v8;
	v39 =	vld [tilespmem:s17+$0xFFFFFFA0]  }
0x56: {  	v27 =	vld.idx.msk [tilespmem:v15+s22+$0x0], $0xffff;
	v15 =	vbroadcast v17, $0x0;
	v17 =	vadd.s32 v22, v13;
	v22 =	vshll.u32 v20, v2  }
0x57: {  	v20 =	vld.idx.msk [tilespmem:v14+s22+$0x0], $0xffff;
	v14 =	vshll.u32 v16, v2;
	v16 =	vadd.s32 v22, v9;
	v17 =	vbroadcast v17, $0x0  }
0x58: {  	v58 =	vshll.u32 v57, v2;
	v25 =	vld.idx.msk [tilespmem:v18+s22+$0x0], $0xffff;
	v14 =	vadd.s32 v14, v7;
	v16 =	vbroadcast v16, $0x0  }
0x59: {  	v59 =	vshrl.u32 v43, $0x3;
	v19 =	vadd.s32 v19, v10;
	v18 =	vld [tilespmem:s3+$0xFFFFFFE0];
	v30 =	vbroadcast v14, $0x0  }
0x5a: {  	v61 =	vshrl.u32 v41, $0x3;
	v38 =	vadd.s32 v38, v11;
	v19 =	vbroadcast v19, $0x0;
	v22 =	vld [tilespmem:s3+$0xFFFFFF80]  }
0x5b: {  	v29 =	vld [tilespmem:s3+$0xFFFFFFC0];
	v33 =	vand.u32 $0xFFFF0000, v21;
	v35 =	vshll.u32 v26, $0x10;
	v55 =	vand.u32 $0xFFFF0000, v31  }
0x5c: {  	v31 =	vshll.u32 v31, $0x10;
	v21 =	vshll.u32 v21, $0x10;
	v14 =	vshll.u32 v24, $0x10;
	v28 =	vld.idx.msk [tilespmem:v15+s22+$0x0], $0xffff  }
0x5d: {  	v26 =	vand.u32 $0xFFFF0000, v26;
	v32 =	vmul.f32 v14, v27;
	v15 =	vand.u32 $0xFFFF0000, v24;
	v24 =	vld.idx.msk [tilespmem:v17+s22+$0x0], $0xffff  }
0x5e: {  	s10 =	simm.s32 $0xB1C0;
	v45 =	vand.u32 $0xFFFF0000, v39;
	v31 =	vmul.f32 v31, v25;
	v36 =	vshll.u32 v18, $0x10;
	v14 =	vld.idx.msk [tilespmem:v16+s22+$0x0], $0xffff  }
0x5f: {  	v18 =	vand.u32 $0xFFFF0000, v18;
	v34 =	vmul.f32 v15, v27;
	[tilespmem:v0+s10+$0xFFFFFF80] =	vst.idx.msk $0xffff, v32;
	v16 =	vshll.u32 v22, $0x10;
	v15 =	vld.idx.msk [tilespmem:v30+s22+$0x0], $0xffff  }
0x60: {  	v32 =	vmul.f32 v55, v25;
	[tilespmem:v0+s10+$0xFFFFFFC0] =	vst.idx.msk $0xffff, v31;
	v22 =	vand.u32 $0xFFFF0000, v22;
	v30 =	vmul.f32 v16, v20  }
0x61: {  	[tilespmem:v3+s10+$0xFFFFFF80] =	vst.idx.msk $0xffff, v34;
	v16 =	vld.idx.msk [tilespmem:v19+s22+$0x0], $0xffff;
	v19 =	vmul.f32 v22, v20;
	v22 =	vshll.u32 v29, $0x10;
	v29 =	vand.u32 $0xFFFF0000, v29  }
0x62: {  	v17 =	vand.u32 $0xFFFF0000, v23;
	[tilespmem:v3+s10+$0xFFFFFFC0] =	vst.idx.msk $0xffff, v32;
	v22 =	vmul.f32 v22, v28;
	v29 =	vmul.f32 v29, v28  }
0x63: {  	s14 =	simm.s32 $0xC;
	v23 =	vshll.u32 v23, $0x10;
	[tilespmem:v0+s10+$0xFFFFFE40] =	vst.idx.msk $0xffff, v30;
	v21 =	vmul.f32 v21, v24;
	v33 =	vmul.f32 v33, v24  }
0x64: {  	v34 =	vld [tilespmem:s3+$0x30];
	v30 =	vmov s14;
	[tilespmem:v3+s10+$0xFFFFFE40] =	vst.idx.msk $0xffff, v19;
	v36 =	vmul.f32 v36, v14;
	v23 =	vmul.f32 v23, v15  }
0x65: {  	v19 =	vshrl.u32 v40, $0x3;
	v18 =	vmul.f32 v18, v14;
	v37 =	vmul.f32 v17, v15;
	[tilespmem:v0+s10+$0xFFFFFEC0] =	vst.idx.msk $0xffff, v22  }
0x66: {  	v60 =	vld [tilespmem:s17+$0x20];
	v22 =	vshrl.u32 v30, $0x3;
	v30 =	vbroadcast v38, $0x0;
	v19 =	vshll.u32 v19, v2;
	[tilespmem:v0+s10+$0x0] =	vst.idx.msk $0xffff, v21  }
0x67: {  	s15 =	simm.s32 $0xB;
	v39 =	vshll.u32 v39, $0x10;
	v31 =	vld [tilespmem:s3+$0x50];
	v17 =	vmul.f32 v35, v16;
	v26 =	vmul.f32 v26, v16;
	[tilespmem:v3+s10+$0xFFFFFEC0] =	vst.idx.msk $0xffff, v29  }
0x68: {  	v21 =	vmov s15;
	v22 =	vshll.u32 v22, v2;
	v19 =	vadd.s32 v19, v8;
	[tilespmem:v0+s10+$0xFFFFFF00] =	vst.idx.msk $0xffff, v36  }
0x69: {  	v42 =	vld [tilespmem:s17+$0x60];
	v56 =	vshll.u32 v34, $0x10;
	v34 =	vand.u32 $0xFFFF0000, v34;
	v21 =	vshrl.u32 v21, $0x3;
	[tilespmem:v3+s10+$0x0] =	vst.idx.msk $0xffff, v33  }
0x6a: {  	v50 =	vld [tilespmem:s17+$0x40];
	v36 =	vadd.s32 v58, v7;
	v33 =	vshll.u32 v61, v2;
	v22 =	vadd.s32 v22, v10  }
0x6b: {  	v55 =	vld [tilespmem:s3+$0xFFFFFF90];
	[tilespmem:v0+s10+$0xFFFFFE80] =	vst.idx.msk $0xffff, v23;
	v23 =	vshll.u32 v60, $0x10;
	v58 =	vand.u32 $0xFFFF0000, v60;
	v35 =	vmul.f32 v56, v27  }
0x6c: {  	v63 =	vld [tilespmem:s3+$0xFFFFFFD0];
	v40 =	vand.u32 $0xFFFF0000, v31;
	[tilespmem:v0+s10+$0xFFFFFF40] =	vst.idx.msk $0xffff, v17;
	v27 =	vmul.f32 v34, v27;
	v17 =	vshll.u32 v59, v2  }
0x6d: {  	v34 =	vld [tilespmem:s17+$0x0];
	v56 =	vbroadcast v19, $0x0;
	v21 =	vshll.u32 v21, v2;
	v60 =	vbroadcast v22, $0x0  }
0x6e: {  	v29 =	vld [tilespmem:s3+$0x70];
	v48 =	vbroadcast v36, $0x0;
	v17 =	vadd.s32 v6, v17;
	[tilespmem:v3+s10+$0xFFFFFF40] =	vst.idx.msk $0xffff, v26;
	v26 =	vshrl.u32 v44, $0x3  }
0x6f: {  	[tilespmem:v3+s10+$0xFFFFFF00] =	vst.idx.msk $0xffff, v18;
	v19 =	vld [tilespmem:s17+$0xFFFFFFC0];
	v44 =	vand.u32 $0xFFFF0000, v42;
	v21 =	vadd.s32 v21, v9;
	v26 =	vshll.u32 v26, v2  }
0x70: {  	v57 =	vld [tilespmem:s3+$0xFFFFFFF0];
	v62 =	vbroadcast v17, $0x0;
	[tilespmem:v4+s10+$0xFFFFFF80] =	vst.idx.msk $0xffff, v35;
	v51 =	vand.u32 $0xFFFF0000, v55;
	v26 =	vadd.s32 v26, v12  }
0x71: {  	v35 =	vmul.f32 v40, v25;
	v17 =	vld.idx.msk [tilespmem:v30+s22+$0x0], $0xffff;
	v30 =	vadd.s32 v33, v13;
	v26 =	vbroadcast v26, $0x0  }
0x72: {  	[tilespmem:v3+s10+$0xFFFFFE80] =	vst.idx.msk $0xffff, v37;
	v46 =	vld [tilespmem:s3+$0x10];
	v59 =	vshll.u32 v63, $0x10;
	v30 =	vbroadcast v30, $0x0;
	v41 =	vand.u32 $0xFFFF0000, v63  }
0x73: {  	[tilespmem:v5+s10+$0xFFFFFF80] =	vst.idx.msk $0xffff, v27;
	v33 =	vld [tilespmem:s3+$0xFFFFFFB0];
	v18 =	vshll.u32 v29, $0x10;
	v49 =	vshll.u32 v34, $0x10;
	v27 =	vmul.f32 v59, v28  }
0x74: {  	v54 =	vld [tilespmem:s17+$0xFFFFFFE0];
	v29 =	vand.u32 $0xFFFF0000, v29;
	v59 =	vshll.u32 v19, $0x10;
	v47 =	vmul.f32 v18, v24  }
0x75: {  	v61 =	vld [tilespmem:s17+$0xFFFFFF80];
	v28 =	vmul.f32 v41, v28;
	v36 =	vand.u32 $0xFFFF0000, v57;
	v29 =	vmul.f32 v29, v24;
	[tilespmem:v4+s10+$0xFFFFFEC0] =	vst.idx.msk $0xffff, v27  }
0x76: {  	v18 =	vld.idx.msk [tilespmem:v62+s22+$0x0], $0xffff;
	v22 =	vmul.f32 v23, v17;
	v23 =	vshll.u32 v55, $0x10;
	[tilespmem:v4+s10+$0x0] =	vst.idx.msk $0xffff, v47;
	v62 =	vbroadcast v21, $0x0  }
0x77: {  	v21 =	vshll.u32 v31, $0x10;
	v38 =	vmul.f32 v58, v17;
	v52 =	vmul.f32 v23, v20;
	v23 =	vld.idx.msk [tilespmem:v56+s22+$0x0], $0xffff  }
0x78: {  	s18 =	simm.s32 $0xB3C0;
	v53 =	vshll.u32 v46, $0x10;
	v58 =	vshll.u32 v33, $0x10;
	[tilespmem:v5+s10+$0xFFFFFEC0] =	vst.idx.msk $0xffff, v28;
	v21 =	vmul.f32 v21, v25;
	v31 =	vld.idx.msk [tilespmem:v30+s22+$0x0], $0xffff  }
0x79: {  	v56 =	vand.u32 $0xFFFF0000, v34;
	v34 =	vmul.f32 v58, v15;
	[tilespmem:v0+s18+$0xFFFFFF80] =	vst.idx.msk $0xffff, v22;
	v22 =	vld.idx.msk [tilespmem:v26+s22+$0x0], $0xffff;
	v26 =	vshll.u32 v57, $0x10  }
0x7a: {  	v27 =	vand.u32 $0xFFFF0000, v61;
	v57 =	vand.u32 $0xFFFF0000, v50;
	v30 =	vld.idx.msk [tilespmem:v60+s22+$0x0], $0xffff;
	v63 =	vmul.f32 v26, v14;
	[tilespmem:v4+s10+$0xFFFFFFC0] =	vst.idx.msk $0xffff, v21  }
0x7b: {  	v60 =	vshll.u32 v50, $0x10;
	v26 =	vshll.u32 v61, $0x10;
	[tilespmem:v3+s18+$0xFFFFFF80] =	vst.idx.msk $0xffff, v38;
	v21 =	vmul.f32 v27, v18;
	v27 =	vld.idx.msk [tilespmem:v48+s22+$0x0], $0xffff  }
0x7c: {  	[tilespmem:v5+s10+$0x0] =	vst.idx.msk $0xffff, v29;
	v61 =	vshll.u32 v42, $0x10;
	v32 =	vld [tilespmem:s17+$0x30];
	v55 =	vmul.f32 v26, v18;
	v43 =	vmul.f32 v59, v23  }
0x7d: {  	[tilespmem:v4+s10+$0xFFFFFE80] =	vst.idx.msk $0xffff, v34;
	v26 =	vld.idx.msk [tilespmem:v62+s22+$0x0], $0xffff;
	v62 =	vmul.f32 v53, v16;
	v37 =	vmul.f32 v61, v31  }
0x7e: {  	v25 =	vand.u32 $0xFFFF0000, v54;
	[tilespmem:v4+s10+$0xFFFFFF00] =	vst.idx.msk $0xffff, v63;
	v24 =	vmul.f32 v57, v22;
	v29 =	vmul.f32 v60, v22  }
0x7f: {  	v63 =	vshll.u32 v54, $0x10;
	v38 =	vmul.f32 v44, v31;
	[tilespmem:v0+s18+$0x0] =	vst.idx.msk $0xffff, v37;
	v37 =	vmul.f32 v49, v30  }
0x80: {  	[tilespmem:v4+s10+$0xFFFFFE40] =	vst.idx.msk $0xffff, v52;
	v44 =	vand.u32 $0xFFFF0000, v33;
	v42 =	vmul.f32 v39, v27;
	v33 =	vmul.f32 v45, v27  }
0x81: {  	[tilespmem:v0+s18+$0xFFFFFE40] =	vst.idx.msk $0xffff, v55;
	v41 =	vshll.u32 v32, $0x10;
	v39 =	vmul.f32 v56, v30;
	v45 =	vmul.f32 v51, v20  }
0x82: {  	s4 =	simm.s32 $0x10;
	s12 =	simm.s32 $0x9280;
	s3 =	simm.s32 $0xB5C0;
	[tilespmem:v4+s10+$0xFFFFFF40] =	vst.idx.msk $0xffff, v62;
	v20 =	vand.u32 $0xFFFF0000, v46;
	v40 =	vmul.f32 v63, v26;
	v34 =	vmul.f32 v25, v26  }
.LBB2_5:
0x83: {  	s13 =	sadd.s32 $0x1, s4;
	[tilespmem:v0+s18+$0xFFFFFEC0] =	vst.idx.msk $0xffff, v43;
	v43 =	vand.u32 $0xFFFF0000, v32;
	v36 =	vmul.f32 v36, v14;
	v46 =	vmul.f32 v20, v16  }
0x84: {  	s19 =	sadd.s32 $0x2, s4;
	s26 =	sadd.s32 $0x3, s4;
	v20 =	vmovc v18;
	v25 =	vmovc v22;
	v28 =	vmov v23;
	v32 =	vmov v31;
	v14 =	vmov v26;
	s14 =	smov.u32 s4  }
0x85: {  	s15 =	sadd.s32 $0x6, s4;
	v23 =	vmul.f32 v44, v15;
	v15 =	vmovc v27;
	v16 =	vmovc v30;
	v18 =	vmov s13;
	v22 =	vmov s19;
	s13 =	sadd.s32 $0x4, s4;
	s19 =	sadd.s32 $0x5, s4;
	[tilespmem:v5+s10+$0xFFFFFFC0] =	vst.idx.msk $0xffff, v35  }
0x86: {  	p1 =	slt.u32 s4, $0x78;
	v19 =	vand.u32 $0xFFFF0000, v19;
	s4 =	sadd.s32 $0x8, s4;
	v26 =	vmov s13;
	v27 =	vmov s19;
	s13 =	sadd.s32 $0x7, s14;
	[tilespmem:v5+s10+$0xFFFFFF40] =	vst.idx.msk $0xffff, v46  }
0x87: {  	v30 =	vmov s26;
	v27 =	vshrl.u32 v27, $0x3;
	v31 =	vmov s13;
	[tilespmem:v5+s10+$0xFFFFFE40] =	vst.idx.msk $0xffff, v45  }
0x88: {  	v30 =	vshrl.u32 v30, $0x3;
	v26 =	vshrl.u32 v26, $0x3;
	v27 =	vshll.u32 v27, v2;
	v35 =	vld [tilespmem:s12+$0x60];
	[tilespmem:v5+s10+$0xFFFFFE80] =	vst.idx.msk $0xffff, v23  }
0x89: {  	v19 =	vmul.f32 v19, v28;
	v18 =	vshrl.u32 v18, $0x3;
	v23 =	vadd.s32 v27, v11;
	[tilespmem:v5+s10+$0xFFFFFF00] =	vst.idx.msk $0xffff, v36;
	s10 =	smov.u32 s18;
	s18 =	smov.u32 s3  }
0x8a: {  	v41 =	vmul.f32 v41, v17;
	v36 =	vmov s15;
	v27 =	vld [tilespmem:s12+$0xFFFFFFA0];
	v23 =	vbroadcast v23, $0x0;
	[tilespmem:v0+s10+$0xFFFFFE80] =	vst.idx.msk $0xffff, v42  }
0x8b: {  	v18 =	vshll.u32 v18, v2;
	v42 =	vmov s14;
	[tilespmem:v0+s10+$0xFFFFFF00] =	vst.idx.msk $0xffff, v40;
	v40 =	vmul.f32 v43, v17  }
0x8c: {  	v31 =	vshrl.u32 v31, $0x3;
	v17 =	vshrl.u32 v42, $0x3;
	v42 =	vld [tilespmem:s12+$0x20];
	[tilespmem:v0+s10+$0xFFFFFF40] =	vst.idx.msk $0xffff, v37  }
0x8d: {  	v43 =	vadd.s32 v18, v7;
	v17 =	vshll.u32 v17, v2;
	v44 =	vld [tilespmem:s12+$0x0];
	[tilespmem:v3+s10+$0x0] =	vst.idx.msk $0xffff, v38  }
0x8e: {  	v18 =	vshll.u32 v26, v2;
	v17 =	vadd.s32 v6, v17;
	[tilespmem:v3+s10+$0xFFFFFEC0] =	vst.idx.msk $0xffff, v19;
	v38 =	vld [tilespmem:s17+$0x70]  }
0x8f: {  	v26 =	vshll.u32 v31, v2;
	v19 =	vbroadcast v17, $0x0;
	v37 =	vand.u32 $0xFFFF0000, v27;
	v31 =	vld [tilespmem:s17+$0xFFFFFFD0];
	[tilespmem:v3+s10+$0xFFFFFF40] =	vst.idx.msk $0xffff, v39  }
0x90: {  	v26 =	vadd.s32 v26, v13;
	v17 =	vld.idx.msk [tilespmem:v23+s22+$0x0], $0xffff;
	v23 =	vshrl.u32 v36, $0x3;
	[tilespmem:v3+s10+$0xFFFFFE40] =	vst.idx.msk $0xffff, v21  }
0x91: {  	v21 =	vshrl.u32 v22, $0x3;
	v22 =	vadd.s32 v18, v10;
	v18 =	vshll.u32 v23, v2;
	v23 =	vld [tilespmem:s17+$0xFFFFFF90];
	[tilespmem:v0+s10+$0xFFFFFFC0] =	vst.idx.msk $0xffff, v29  }
0x92: {  	v39 =	vand.u32 $0xFFFF0000, v35;
	v21 =	vshll.u32 v21, v2;
	v18 =	vadd.s32 v18, v12;
	v46 =	vld [tilespmem:s17+$0x10];
	[tilespmem:v3+s10+$0xFFFFFFC0] =	vst.idx.msk $0xffff, v24  }
0x93: {  	v21 =	vadd.s32 v21, v8;
	v24 =	vbroadcast v18, $0x0;
	[tilespmem:v3+s10+$0xFFFFFF00] =	vst.idx.msk $0xffff, v34;
	v29 =	vld [tilespmem:s17+$0x50];
	v18 =	vshll.u32 v38, $0x10  }
0x94: {  	v30 =	vshll.u32 v30, v2;
	v21 =	vbroadcast v21, $0x0;
	[tilespmem:v3+s10+$0xFFFFFE80] =	vst.idx.msk $0xffff, v33;
	v33 =	vld [tilespmem:s17+$0xFFFFFFF0];
	v34 =	vmul.f32 v18, v32  }
0x95: {  	v36 =	vshll.u32 v42, $0x10;
	v42 =	vand.u32 $0xFFFF0000, v42;
	v45 =	vshll.u32 v31, $0x10;
	v18 =	vld.idx.msk [tilespmem:v19+s22+$0x0], $0xffff;
	[tilespmem:v4+s10+$0xFFFFFF80] =	vst.idx.msk $0xffff, v41  }
0x96: {  	v41 =	vbroadcast v22, $0x0;
	v22 =	vmul.f32 v36, v17;
	v19 =	vld [tilespmem:s12+$0xFFFFFFC0];
	v36 =	vshll.u32 v23, $0x10;
	[tilespmem:v4+s10+$0x0] =	vst.idx.msk $0xffff, v34  }
0x97: {  	v30 =	vadd.s32 v30, v9;
	v43 =	vbroadcast v43, $0x0;
	v26 =	vbroadcast v26, $0x0;
	v34 =	vld [tilespmem:s12+$0xFFFFFF80];
	[tilespmem:v5+s10+$0xFFFFFF80] =	vst.idx.msk $0xffff, v40  }
0x98: {  	v30 =	vbroadcast v30, $0x0;
	v47 =	vshll.u32 v44, $0x10;
	[tilespmem:v0+s3+$0xFFFFFF80] =	vst.idx.msk $0xffff, v22;
	v40 =	vld [tilespmem:s12+$0x40];
	v48 =	vshll.u32 v29, $0x10  }
0x99: {  	v42 =	vmul.f32 v42, v17;
	v45 =	vmul.f32 v45, v28;
	v49 =	vand.u32 $0xFFFF0000, v23;
	v50 =	vld [tilespmem:s17+$0xFFFFFFB0];
	s17 =	smov.u32 s12  }
0x9a: {  	v51 =	vmul.f32 v36, v20;
	v52 =	vshll.u32 v46, $0x10;
	v22 =	vld.idx.msk [tilespmem:v24+s22+$0x0], $0xffff;
	v24 =	vshll.u32 v33, $0x10  }
0x9b: {  	v53 =	vand.u32 $0xFFFF0000, v31;
	v23 =	vld.idx.msk [tilespmem:v21+s22+$0x0], $0xffff;
	v24 =	vmul.f32 v24, v14;
	v21 =	vmul.f32 v48, v25  }
0x9c: {  	v36 =	vand.u32 $0xFFFF0000, v33;
	v33 =	vand.u32 $0xFFFF0000, v29;
	v31 =	vshll.u32 v34, $0x10;
	v48 =	vld [tilespmem:s12+$0xFFFFFFE0];
	[tilespmem:v4+s10+$0xFFFFFEC0] =	vst.idx.msk $0xffff, v45  }
0x9d: {  	v29 =	vand.u32 $0xFFFF0000, v34;
	v45 =	vshll.u32 v27, $0x10;
	v34 =	vmul.f32 v31, v18;
	v31 =	vld.idx.msk [tilespmem:v26+s22+$0x0], $0xffff;
	[tilespmem:v4+s10+$0xFFFFFFC0] =	vst.idx.msk $0xffff, v21  }
0x9e: {  	v54 =	vand.u32 $0xFFFF0000, v44;
	v21 =	vmul.f32 v29, v18;
	v26 =	vld.idx.msk [tilespmem:v30+s22+$0x0], $0xffff;
	[tilespmem:v4+s10+$0xFFFFFF00] =	vst.idx.msk $0xffff, v24;
	v24 =	vand.u32 $0xFFFF0000, v38  }
0x9f: {  	v29 =	vand.u32 $0xFFFF0000, v40;
	v38 =	vshll.u32 v50, $0x10;
	v27 =	vld.idx.msk [tilespmem:v43+s22+$0x0], $0xffff;
	[tilespmem:v3+s3+$0xFFFFFF80] =	vst.idx.msk $0xffff, v42;
	v42 =	vmul.f32 v24, v32  }
0xa0: {  	v32 =	vshll.u32 v19, $0x10;
	v24 =	vmul.f32 v29, v22;
	v38 =	vmul.f32 v38, v15;
	v30 =	vld.idx.msk [tilespmem:v41+s22+$0x0], $0xffff  }
0xa1: {  	v28 =	vmul.f32 v53, v28;
	v29 =	vshll.u32 v40, $0x10;
	v43 =	vmul.f32 v32, v23;
	v32 =	vld [tilespmem:s12+$0x30];
	[tilespmem:v5+s10+$0x0] =	vst.idx.msk $0xffff, v42  }
0xa2: {  	v35 =	vshll.u32 v35, $0x10;
	v52 =	vmul.f32 v52, v16;
	v29 =	vmul.f32 v29, v22;
	[tilespmem:v4+s10+$0xFFFFFE80] =	vst.idx.msk $0xffff, v38  }
.Ltmp1:
0xa3: {  	v41 =	vmul.f32 v35, v31;
	v35 =	vmul.f32 v33, v25;
	[tilespmem:v0+s3+$0xFFFFFE40] =	vst.idx.msk $0xffff, v34;
	v34 =	vshll.u32 v48, $0x10;
	(pc) =	sbr.rel @p1 .LBB2_5-.Ltmp1, $4  }
0xa4: {  	v25 =	vand.u32 $0xFFFF0000, v48;
	v38 =	vmul.f32 v39, v31;
	v40 =	vmul.f32 v34, v26;
	[tilespmem:v4+s10+$0xFFFFFE40] =	vst.idx.msk $0xffff, v51  }
0xa5: {  	v44 =	vand.u32 $0xFFFF0000, v50;
	v42 =	vmul.f32 v45, v27;
	v34 =	vmul.f32 v25, v26;
	[tilespmem:v0+s3+$0x0] =	vst.idx.msk $0xffff, v41  }
0xa6: {  	v33 =	vmul.f32 v37, v27;
	v37 =	vmul.f32 v47, v30;
	v41 =	vshll.u32 v32, $0x10;
	[tilespmem:v4+s10+$0xFFFFFF40] =	vst.idx.msk $0xffff, v52  }
0xa7: {  	s12 =	sadd.s32 $0x100, s12;
	v45 =	vmul.f32 v49, v20;
	v20 =	vand.u32 $0xFFFF0000, v46;
	v39 =	vmul.f32 v54, v30;
	s3 =	sadd.s32 $0x200, s3;
	[tilespmem:v5+s10+$0xFFFFFEC0] =	vst.idx.msk $0xffff, v28  }
0xa8: {  	_ =	sdelay $0x3  }
0xa9: {  	[tilespmem:v0+s18+$0xFFFFFEC0] =	vst.idx.msk $0xffff, v43  }
0xaa: {  	[tilespmem:v5+s10+$0xFFFFFFC0] =	vst.idx.msk $0xffff, v35  }
0xab: {  	[tilespmem:v0+s18+$0xFFFFFE80] =	vst.idx.msk $0xffff, v42  }
0xac: {  	[tilespmem:v0+s18+$0xFFFFFF00] =	vst.idx.msk $0xffff, v40  }
0xad: {  	[tilespmem:v0+s18+$0xFFFFFF40] =	vst.idx.msk $0xffff, v37  }
0xae: {  	v6 =	vmul.f32 v20, v16;
	[tilespmem:v3+s18+$0x0] =	vst.idx.msk $0xffff, v38  }
0xaf: {  	[tilespmem:v0+s18+$0xFFFFFFC0] =	vst.idx.msk $0xffff, v29  }
0xb0: {  	[tilespmem:v5+s10+$0xFFFFFF40] =	vst.idx.msk $0xffff, v6;
	v6 =	vmul.f32 v36, v14  }
0xb1: {  	[tilespmem:v3+s18+$0xFFFFFE40] =	vst.idx.msk $0xffff, v21  }
0xb2: {  	[tilespmem:v5+s10+$0xFFFFFF00] =	vst.idx.msk $0xffff, v6;
	v6 =	vand.u32 $0xFFFF0000, v19  }
0xb3: {  	[tilespmem:v3+s18+$0xFFFFFF00] =	vst.idx.msk $0xffff, v34;
	v6 =	vmul.f32 v6, v23  }
0xb4: {  	v7 =	vmul.f32 v44, v15;
	[tilespmem:v5+s10+$0xFFFFFE40] =	vst.idx.msk $0xffff, v45;
	v9 =	vld [tilespmem:s17+$0xFFFFFFF0]  }
0xb5: {  	[tilespmem:v3+s18+$0xFFFFFEC0] =	vst.idx.msk $0xffff, v6;
	v6 =	vld [tilespmem:s17+$0x70]  }
0xb6: {  	v10 =	vmul.f32 v41, v17;
	v12 =	vand.u32 $0xFFFF0000, v32;
	[tilespmem:v5+s10+$0xFFFFFE80] =	vst.idx.msk $0xffff, v7;
	v7 =	vld [tilespmem:s17+$0xFFFFFFD0]  }
0xb7: {  	[tilespmem:v3+s18+$0xFFFFFFC0] =	vst.idx.msk $0xffff, v24;
	v12 =	vmul.f32 v12, v17  }
0xb8: {  	v8 =	vld [tilespmem:s17+$0x50];
	[tilespmem:v4+s18+$0xFFFFFF80] =	vst.idx.msk $0xffff, v10  }
0xb9: {  	v14 =	vld [tilespmem:s17+$0xFFFFFF90];
	[tilespmem:v5+s18+$0xFFFFFF80] =	vst.idx.msk $0xffff, v12;
	v12 =	vshll.u32 v9, $0x10  }
0xba: {  	[tilespmem:v3+s18+$0xFFFFFF40] =	vst.idx.msk $0xffff, v39;
	v12 =	vmul.f32 v12, v26;
	v11 =	vshll.u32 v6, $0x10  }
0xbb: {  	[tilespmem:v3+s18+$0xFFFFFE80] =	vst.idx.msk $0xffff, v33;
	v10 =	vld [tilespmem:s17+$0x10];
	v11 =	vmul.f32 v11, v31;
	v15 =	vshll.u32 v7, $0x10  }
0xbc: {  	[tilespmem:v4+s18+$0xFFFFFF00] =	vst.idx.msk $0xffff, v12;
	v6 =	vand.u32 $0xFFFF0000, v6;
	v15 =	vmul.f32 v15, v23  }
0xbd: {  	v13 =	vld [tilespmem:s17+$0xFFFFFFB0];
	v6 =	vmul.f32 v6, v31;
	[tilespmem:v4+s18+$0x0] =	vst.idx.msk $0xffff, v11;
	v11 =	vshll.u32 v8, $0x10  }
0xbe: {  	v11 =	vmul.f32 v11, v22;
	[tilespmem:v4+s18+$0xFFFFFEC0] =	vst.idx.msk $0xffff, v15;
	v15 =	vshll.u32 v14, $0x10  }
0xbf: {  	[tilespmem:v5+s18+$0x0] =	vst.idx.msk $0xffff, v6;
	v6 =	vand.u32 $0xFFFF0000, v7;
	v12 =	vmul.f32 v15, v18  }
0xc0: {  	v15 =	vshll.u32 v10, $0x10;
	v6 =	vmul.f32 v6, v23;
	[tilespmem:v4+s18+$0xFFFFFFC0] =	vst.idx.msk $0xffff, v11  }
0xc1: {  	v8 =	vand.u32 $0xFFFF0000, v8;
	v7 =	vmul.f32 v15, v30;
	[tilespmem:v4+s18+$0xFFFFFE40] =	vst.idx.msk $0xffff, v12  }
0xc2: {  	v8 =	vmul.f32 v8, v22;
	v11 =	vshll.u32 v13, $0x10;
	[tilespmem:v5+s18+$0xFFFFFEC0] =	vst.idx.msk $0xffff, v6  }
0xc3: {  	v11 =	vmul.f32 v11, v27;
	[tilespmem:v4+s18+$0xFFFFFF40] =	vst.idx.msk $0xffff, v7;
	v7 =	vand.u32 $0xFFFF0000, v10  }
0xc4: {  	[tilespmem:v5+s18+$0xFFFFFFC0] =	vst.idx.msk $0xffff, v8;
	v10 =	vand.u32 $0xFFFF0000, v14;
	v6 =	vmul.f32 v7, v30  }
0xc5: {  	[tilespmem:v4+s18+$0xFFFFFE80] =	vst.idx.msk $0xffff, v11;
	v7 =	vand.u32 $0xFFFF0000, v13;
	v10 =	vmul.f32 v10, v18  }
0xc6: {  	s3 =	sadd.s32 $0x2, s9;
	v8 =	vand.u32 $0xFFFF0000, v9;
	v7 =	vmul.f32 v7, v27;
	[tilespmem:v5+s18+$0xFFFFFF40] =	vst.idx.msk $0xffff, v6  }
0xc7: {  	s12 =	sshll.u32 s8, $0xA;
	s0 =	simm.s32 $0xD;
	p1 =	sge.u32 s3, s7;
	v6 =	vmul.f32 v8, v26;
	[tilespmem:v5+s18+$0xFFFFFE40] =	vst.idx.msk $0xffff, v10  }
0xc8: {  	s2 =	simm.s32 $0x9;
	s11 =	simm.s32 $0xA;
	s3 =	sshll.u32 @!p1 s3, $0x7;
	[tilespmem:v5+s18+$0xFFFFFE80] =	vst.idx.msk $0xffff, v7  }
0xc9: {  	s4 =	simm.s32 @!p1 $0x80;
	s3 =	sand.u32 @!p1 $0x3FFFFF80, s3;
	s10 =	simm.s32 @!p1 $0x9000;
	[tilespmem:v5+s18+$0xFFFFFF00] =	vst.idx.msk $0xffff, v6  }
0xca: {  	v51 =	vmov s0;
	[tilespmem:s10], [sflag:$0x1] =	stream.indirect.gather @!p1 [hbm4b:s5+s4], $0x20, s3, s4, $0xb8;
	[tilespmem:$0x1B000] =	vst v63  }
0xcb: {  	s14 =	simm.s32 $0x5;
	s19 =	simm.s32 $0x4;
	v52 =	vmov s2;
	v53 =	vmov s11;
	v38 =	vshrl.u32 v51, $0x3;
	s3 =	sshra.s32 s12, $0x2  }
0xcc: {  	v55 =	vshrl.u32 v52, $0x3;
	v38 =	vshll.u32 v38, v2;
	v19 =	vmov s19;
	s19 =	simm.s32 $0x8;
	s17 =	simm.s32 $0x1;
	s3 =	sadd.s32 $0x3000, s3  }
0xcd: {  	v57 =	vshll.u32 v55, v2;
	v19 =	vshrl.u32 v19, $0x3;
	v56 =	vmov s19;
	[spmem:s1] =	stream.indirect.scatter.add.f32 [tilespmem:s29], [sflag:$0x3], $0x40, s3, s24, $0xb8;
	[tilespmem:$0x1B000] =	vst v63  }
0xce: {  	s15 =	simm.s32 $0x0;
	s26 =	simm.s32 $0x7;
	v19 =	vshll.u32 v19, v2;
	v58 =	vshrl.u32 v56, $0x3;
	v16 =	vmov s17;
	_ =	swait.ge [sflag:s30], $0x1000  }
0xcf: {  	v16 =	vshrl.u32 v16, $0x3;
	v22 =	vmov s26;
	v12 =	vmov s14;
	s18 =	simm.s32 $0x6;
	s10 =	sor.u32 $0x1, s9;
	[sflag:s30] =	ssyncset.done $0x0  }
0xd0: {  	v22 =	vshrl.u32 v22, $0x3;
	v14 =	vmov s15;
	v13 =	vshrl.u32 v12, $0x3;
	s13 =	sshll.u32 s10, $0x7;
	s3 =	simm.s32 @!p0 $0x4;
	[sflag:s30] =	ssyncadd.s32 $0xFFFFF000  }
0xd1: {  	v14 =	vshrl.u32 v14, $0x3;
	v18 =	vmov s18;
	v6 =	vmov s13;
	_ =	swait.ge @!p0 [sflag:s3], $0x2000  }
0xd2: {  	v15 =	vshll.u32 v13, v2;
	v18 =	vshrl.u32 v18, $0x3;
	v11 =	vor.u32 $0x5, v6;
	[sflag:s3] =	ssyncset.done @!p0 $0x0  }
0xd3: {  	v14 =	vshll.u32 v14, v2;
	v18 =	vshll.u32 v18, v2;
	v15 =	vadd.s32 v15, v11;
	[sflag:s3] =	ssyncadd.s32 @!p0 $0xFFFFE000;
	s3 =	simm.s32 $0xA080  }
0xd4: {  	s26 =	simm.s32 $0xE;
	v12 =	vor.u32 $0x6, v6;
	v14 =	vadd.s32 v6, v14;
	v15 =	vbroadcast v15, $0x0;
	v21 =	vld [tilespmem:s3+$0x60]  }
0xd5: {  	v60 =	vmov s26;
	s15 =	simm.s32 $0xF;
	s12 =	simm.s32 $0x2;
	v14 =	vbroadcast v14, $0x0;
	v18 =	vadd.s32 v18, v12;
	v23 =	vld [tilespmem:s3+$0xFFFFFFA0]  }
0xd6: {  	v54 =	vmov s15;
	v17 =	vmov s12;
	v18 =	vbroadcast v18, $0x0;
	v24 =	vld [tilespmem:s3+$0x20]  }
0xd7: {  	v22 =	vshll.u32 v22, v2;
	v61 =	vshrl.u32 v54, $0x3;
	v17 =	vshrl.u32 v17, $0x3;
	v26 =	vld [tilespmem:s3+$0x0]  }
0xd8: {  	s13 =	simm.s32 $0x3;
	v7 =	vor.u32 $0x1, v6;
	v8 =	vor.u32 $0x2, v6;
	v9 =	vor.u32 $0x3, v6;
	v29 =	vld [tilespmem:s3+$0xFFFFFFC0]  }
0xd9: {  	v10 =	vor.u32 $0x4, v6;
	v20 =	vmov s13;
	v17 =	vshll.u32 v17, v2;
	v31 =	vld [tilespmem:s3+$0x40]  }
0xda: {  	v13 =	vor.u32 $0x7, v6;
	v20 =	vshrl.u32 v20, $0x3;
	v17 =	vadd.s32 v17, v8;
	v27 =	vld.idx.msk [tilespmem:v15+s22+$0x0], $0xffff  }
0xdb: {  	v15 =	vbroadcast v17, $0x0;
	v17 =	vadd.s32 v22, v13;
	v22 =	vshll.u32 v20, v2;
	v20 =	vld.idx.msk [tilespmem:v14+s22+$0x0], $0xffff  }
0xdc: {  	v14 =	vshll.u32 v16, v2;
	v25 =	vld.idx.msk [tilespmem:v18+s22+$0x0], $0xffff;
	v16 =	vadd.s32 v22, v9;
	v17 =	vbroadcast v17, $0x0  }
0xdd: {  	s18 =	simm.s32 $0xA180;
	v19 =	vadd.s32 v19, v10;
	v18 =	vld [tilespmem:s3+$0xFFFFFFE0];
	v14 =	vadd.s32 v14, v7;
	v16 =	vbroadcast v16, $0x0  }
0xde: {  	v38 =	vadd.s32 v38, v11;
	v19 =	vbroadcast v19, $0x0;
	v42 =	vld [tilespmem:s18+$0x60];
	v30 =	vbroadcast v14, $0x0  }
0xdf: {  	v22 =	vld [tilespmem:s3+$0xFFFFFF80];
	v14 =	vshll.u32 v24, $0x10;
	v44 =	vand.u32 $0xFFFF0000, v21;
	v46 =	vshll.u32 v26, $0x10  }
0xe0: {  	v39 =	vld [tilespmem:s18+$0xFFFFFFA0];
	v47 =	vand.u32 $0xFFFF0000, v31;
	v31 =	vshll.u32 v31, $0x10;
	v43 =	vmul.f32 v14, v27  }
0xe1: {  	s17 =	simm.s32 $0xD1C0;
	v21 =	vshll.u32 v21, $0x10;
	v26 =	vand.u32 $0xFFFF0000, v26;
	v31 =	vmul.f32 v31, v25;
	v28 =	vld.idx.msk [tilespmem:v15+s22+$0x0], $0xffff  }
0xe2: {  	v32 =	vmul.f32 v47, v25;
	v48 =	vshll.u32 v18, $0x10;
	v15 =	vand.u32 $0xFFFF0000, v24;
	v24 =	vld.idx.msk [tilespmem:v17+s22+$0x0], $0xffff;
	[tilespmem:v0+s17+$0xFFFFFF80] =	vst.idx.msk $0xffff, v43  }
0xe3: {  	v18 =	vand.u32 $0xFFFF0000, v18;
	v17 =	vand.u32 $0xFFFF0000, v23;
	v45 =	vmul.f32 v15, v27;
	[tilespmem:v0+s17+$0xFFFFFFC0] =	vst.idx.msk $0xffff, v31;
	v14 =	vld.idx.msk [tilespmem:v16+s22+$0x0], $0xffff  }
0xe4: {  	v23 =	vshll.u32 v23, $0x10;
	v16 =	vshll.u32 v22, $0x10;
	v22 =	vand.u32 $0xFFFF0000, v22;
	v15 =	vld.idx.msk [tilespmem:v30+s22+$0x0], $0xffff;
	[tilespmem:v3+s17+$0xFFFFFFC0] =	vst.idx.msk $0xffff, v32  }
0xe5: {  	v30 =	vmul.f32 v16, v20;
	v16 =	vld.idx.msk [tilespmem:v19+s22+$0x0], $0xffff;
	v19 =	vmul.f32 v22, v20;
	v22 =	vshll.u32 v29, $0x10  }
0xe6: {  	s13 =	simm.s32 $0xC;
	[tilespmem:v3+s17+$0xFFFFFF80] =	vst.idx.msk $0xffff, v45;
	v29 =	vand.u32 $0xFFFF0000, v29;
	v45 =	vand.u32 $0xFFFF0000, v39;
	v39 =	vshll.u32 v39, $0x10  }
0xe7: {  	v31 =	vld [tilespmem:s3+$0x50];
	v22 =	vmul.f32 v22, v28;
	[tilespmem:v0+s17+$0xFFFFFE40] =	vst.idx.msk $0xffff, v30;
	v30 =	vmov s13;
	v29 =	vmul.f32 v29, v28  }
0xe8: {  	v34 =	vld [tilespmem:s3+$0x30];
	v21 =	vmul.f32 v21, v24;
	v33 =	vmul.f32 v44, v24;
	[tilespmem:v3+s17+$0xFFFFFE40] =	vst.idx.msk $0xffff, v19;
	v19 =	vshrl.u32 v53, $0x3  }
0xe9: {  	v44 =	vand.u32 $0xFFFF0000, v42;
	v36 =	vmul.f32 v48, v14;
	v23 =	vmul.f32 v23, v15  }
0xea: {  	v18 =	vmul.f32 v18, v14;
	v49 =	vmul.f32 v17, v15;
	[tilespmem:v0+s17+$0xFFFFFEC0] =	vst.idx.msk $0xffff, v22;
	v22 =	vshrl.u32 v30, $0x3  }
0xeb: {  	s14 =	simm.s32 $0xB;
	v59 =	vld [tilespmem:s18+$0x20];
	v30 =	vbroadcast v38, $0x0;
	v19 =	vshll.u32 v19, v2;
	v17 =	vmul.f32 v46, v16  }
0xec: {  	v26 =	vmul.f32 v26, v16;
	[tilespmem:v0+s17+$0x0] =	vst.idx.msk $0xffff, v21;
	v21 =	vmov s14;
	v22 =	vshll.u32 v22, v2  }
0xed: {  	[tilespmem:v3+s17+$0xFFFFFEC0] =	vst.idx.msk $0xffff, v29;
	v19 =	vadd.s32 v19, v8;
	v40 =	vand.u32 $0xFFFF0000, v31;
	v50 =	vshll.u32 v34, $0x10  }
0xee: {  	v54 =	vld [tilespmem:s18+$0xFFFFFFE0];
	v34 =	vand.u32 $0xFFFF0000, v34;
	v21 =	vshrl.u32 v21, $0x3;
	[tilespmem:v0+s17+$0xFFFFFF00] =	vst.idx.msk $0xffff, v36;
	v36 =	vadd.s32 v57, v7  }
0xef: {  	v55 =	vld [tilespmem:s3+$0xFFFFFF90];
	[tilespmem:v3+s17+$0x0] =	vst.idx.msk $0xffff, v33;
	v33 =	vshll.u32 v61, v2;
	v22 =	vadd.s32 v22, v10;
	v56 =	vbroadcast v19, $0x0  }
0xf0: {  	v63 =	vld [tilespmem:s3+$0xFFFFFFD0];
	[tilespmem:v0+s17+$0xFFFFFE80] =	vst.idx.msk $0xffff, v23;
	v23 =	vshll.u32 v59, $0x10;
	v35 =	vmul.f32 v50, v27;
	v27 =	vmul.f32 v34, v27  }
0xf1: {  	[tilespmem:v0+s17+$0xFFFFFF40] =	vst.idx.msk $0xffff, v17;
	v17 =	vshll.u32 v58, v2;
	v34 =	vld [tilespmem:s18+$0x0];
	v21 =	vshll.u32 v21, v2;
	v58 =	vand.u32 $0xFFFF0000, v59  }
0xf2: {  	v29 =	vld [tilespmem:s3+$0x70];
	v48 =	vbroadcast v36, $0x0;
	v17 =	vadd.s32 v6, v17;
	[tilespmem:v3+s17+$0xFFFFFF40] =	vst.idx.msk $0xffff, v26;
	v26 =	vshrl.u32 v60, $0x3  }
0xf3: {  	v19 =	vld [tilespmem:s18+$0xFFFFFFC0];
	[tilespmem:v3+s17+$0xFFFFFF00] =	vst.idx.msk $0xffff, v18;
	v60 =	vbroadcast v22, $0x0;
	v21 =	vadd.s32 v21, v9;
	v26 =	vshll.u32 v26, v2  }
0xf4: {  	v57 =	vld [tilespmem:s3+$0xFFFFFFF0];
	v62 =	vbroadcast v17, $0x0;
	[tilespmem:v4+s17+$0xFFFFFF80] =	vst.idx.msk $0xffff, v35;
	v51 =	vand.u32 $0xFFFF0000, v55;
	v26 =	vadd.s32 v26, v12  }
0xf5: {  	v35 =	vmul.f32 v40, v25;
	v17 =	vld.idx.msk [tilespmem:v30+s22+$0x0], $0xffff;
	v30 =	vadd.s32 v33, v13;
	v26 =	vbroadcast v26, $0x0  }
0xf6: {  	[tilespmem:v3+s17+$0xFFFFFE80] =	vst.idx.msk $0xffff, v49;
	v46 =	vld [tilespmem:s3+$0x10];
	v59 =	vshll.u32 v63, $0x10;
	v30 =	vbroadcast v30, $0x0;
	v41 =	vand.u32 $0xFFFF0000, v63  }
0xf7: {  	[tilespmem:v5+s17+$0xFFFFFF80] =	vst.idx.msk $0xffff, v27;
	v33 =	vld [tilespmem:s3+$0xFFFFFFB0];
	v18 =	vshll.u32 v29, $0x10;
	v49 =	vshll.u32 v34, $0x10;
	v27 =	vmul.f32 v59, v28  }
0xf8: {  	v61 =	vld [tilespmem:s18+$0xFFFFFF80];
	v29 =	vand.u32 $0xFFFF0000, v29;
	v59 =	vshll.u32 v19, $0x10;
	v47 =	vmul.f32 v18, v24  }
0xf9: {  	v50 =	vld [tilespmem:s18+$0x40];
	v28 =	vmul.f32 v41, v28;
	v36 =	vand.u32 $0xFFFF0000, v57;
	v29 =	vmul.f32 v29, v24;
	[tilespmem:v4+s17+$0xFFFFFEC0] =	vst.idx.msk $0xffff, v27  }
0xfa: {  	v18 =	vld.idx.msk [tilespmem:v62+s22+$0x0], $0xffff;
	v22 =	vmul.f32 v23, v17;
	v23 =	vshll.u32 v55, $0x10;
	[tilespmem:v4+s17+$0x0] =	vst.idx.msk $0xffff, v47;
	v62 =	vbroadcast v21, $0x0  }
0xfb: {  	v21 =	vshll.u32 v31, $0x10;
	v38 =	vmul.f32 v58, v17;
	v52 =	vmul.f32 v23, v20;
	v23 =	vld.idx.msk [tilespmem:v56+s22+$0x0], $0xffff  }
0xfc: {  	s19 =	simm.s32 $0xD3C0;
	v53 =	vshll.u32 v46, $0x10;
	v58 =	vshll.u32 v33, $0x10;
	[tilespmem:v5+s17+$0xFFFFFEC0] =	vst.idx.msk $0xffff, v28;
	v21 =	vmul.f32 v21, v25;
	v31 =	vld.idx.msk [tilespmem:v30+s22+$0x0], $0xffff  }
0xfd: {  	v56 =	vand.u32 $0xFFFF0000, v34;
	v34 =	vmul.f32 v58, v15;
	[tilespmem:v0+s19+$0xFFFFFF80] =	vst.idx.msk $0xffff, v22;
	v22 =	vld.idx.msk [tilespmem:v26+s22+$0x0], $0xffff;
	v26 =	vshll.u32 v57, $0x10  }
0xfe: {  	v27 =	vand.u32 $0xFFFF0000, v61;
	v57 =	vand.u32 $0xFFFF0000, v50;
	v30 =	vld.idx.msk [tilespmem:v60+s22+$0x0], $0xffff;
	v63 =	vmul.f32 v26, v14;
	[tilespmem:v4+s17+$0xFFFFFFC0] =	vst.idx.msk $0xffff, v21  }
0xff: {  	v60 =	vshll.u32 v50, $0x10;
	v26 =	vshll.u32 v61, $0x10;
	[tilespmem:v3+s19+$0xFFFFFF80] =	vst.idx.msk $0xffff, v38;
	v21 =	vmul.f32 v27, v18;
	v27 =	vld.idx.msk [tilespmem:v48+s22+$0x0], $0xffff  }
0x100: {  	[tilespmem:v5+s17+$0x0] =	vst.idx.msk $0xffff, v29;
	v61 =	vshll.u32 v42, $0x10;
	v32 =	vld [tilespmem:s18+$0x30];
	v55 =	vmul.f32 v26, v18;
	v43 =	vmul.f32 v59, v23  }
0x101: {  	[tilespmem:v4+s17+$0xFFFFFE80] =	vst.idx.msk $0xffff, v34;
	v26 =	vld.idx.msk [tilespmem:v62+s22+$0x0], $0xffff;
	v62 =	vmul.f32 v53, v16;
	v37 =	vmul.f32 v61, v31  }
0x102: {  	v25 =	vand.u32 $0xFFFF0000, v54;
	[tilespmem:v4+s17+$0xFFFFFF00] =	vst.idx.msk $0xffff, v63;
	v24 =	vmul.f32 v57, v22;
	v29 =	vmul.f32 v60, v22  }
0x103: {  	v63 =	vshll.u32 v54, $0x10;
	v38 =	vmul.f32 v44, v31;
	[tilespmem:v0+s19+$0x0] =	vst.idx.msk $0xffff, v37;
	v37 =	vmul.f32 v49, v30  }
0x104: {  	[tilespmem:v4+s17+$0xFFFFFE40] =	vst.idx.msk $0xffff, v52;
	v44 =	vand.u32 $0xFFFF0000, v33;
	v42 =	vmul.f32 v39, v27;
	v33 =	vmul.f32 v45, v27  }
0x105: {  	[tilespmem:v0+s19+$0xFFFFFE40] =	vst.idx.msk $0xffff, v55;
	v41 =	vshll.u32 v32, $0x10;
	v39 =	vmul.f32 v56, v30;
	v45 =	vmul.f32 v51, v20  }
0x106: {  	s4 =	simm.s32 $0x10;
	s12 =	simm.s32 $0xA280;
	s3 =	simm.s32 $0xD5C0;
	[tilespmem:v4+s17+$0xFFFFFF40] =	vst.idx.msk $0xffff, v62;
	v20 =	vand.u32 $0xFFFF0000, v46;
	v40 =	vmul.f32 v63, v26;
	v34 =	vmul.f32 v25, v26  }
.LBB2_7:
0x107: {  	s13 =	sadd.s32 $0x1, s4;
	[tilespmem:v0+s19+$0xFFFFFEC0] =	vst.idx.msk $0xffff, v43;
	v43 =	vand.u32 $0xFFFF0000, v32;
	v36 =	vmul.f32 v36, v14;
	v46 =	vmul.f32 v20, v16  }
0x108: {  	s14 =	sadd.s32 $0x2, s4;
	s15 =	sadd.s32 $0x3, s4;
	v20 =	vmovc v18;
	v25 =	vmovc v22;
	v28 =	vmov v23;
	v32 =	vmov v31;
	v14 =	vmov v26;
	s26 =	smov.u32 s4  }
0x109: {  	s11 =	sadd.s32 $0x6, s4;
	v23 =	vmul.f32 v44, v15;
	v15 =	vmovc v27;
	v16 =	vmovc v30;
	v18 =	vmov s13;
	v22 =	vmov s14;
	s13 =	sadd.s32 $0x4, s4;
	s14 =	sadd.s32 $0x5, s4;
	[tilespmem:v5+s17+$0xFFFFFFC0] =	vst.idx.msk $0xffff, v35  }
0x10a: {  	p0 =	slt.u32 s4, $0x78;
	v19 =	vand.u32 $0xFFFF0000, v19;
	s4 =	sadd.s32 $0x8, s4;
	v26 =	vmov s13;
	v27 =	vmov s14;
	s13 =	sadd.s32 $0x7, s26;
	[tilespmem:v5+s17+$0xFFFFFF40] =	vst.idx.msk $0xffff, v46  }
0x10b: {  	v30 =	vmov s15;
	v27 =	vshrl.u32 v27, $0x3;
	v31 =	vmov s13;
	[tilespmem:v5+s17+$0xFFFFFE40] =	vst.idx.msk $0xffff, v45  }
0x10c: {  	v30 =	vshrl.u32 v30, $0x3;
	v26 =	vshrl.u32 v26, $0x3;
	v27 =	vshll.u32 v27, v2;
	v35 =	vld [tilespmem:s12+$0x60];
	[tilespmem:v5+s17+$0xFFFFFE80] =	vst.idx.msk $0xffff, v23  }
0x10d: {  	v19 =	vmul.f32 v19, v28;
	v18 =	vshrl.u32 v18, $0x3;
	v23 =	vadd.s32 v27, v11;
	[tilespmem:v5+s17+$0xFFFFFF00] =	vst.idx.msk $0xffff, v36;
	s17 =	smov.u32 s19;
	s19 =	smov.u32 s3  }
0x10e: {  	v41 =	vmul.f32 v41, v17;
	v36 =	vmov s11;
	v27 =	vld [tilespmem:s12+$0xFFFFFFA0];
	v23 =	vbroadcast v23, $0x0;
	[tilespmem:v0+s17+$0xFFFFFE80] =	vst.idx.msk $0xffff, v42  }
0x10f: {  	v18 =	vshll.u32 v18, v2;
	v42 =	vmov s26;
	[tilespmem:v0+s17+$0xFFFFFF00] =	vst.idx.msk $0xffff, v40;
	v40 =	vmul.f32 v43, v17  }
0x110: {  	v31 =	vshrl.u32 v31, $0x3;
	v17 =	vshrl.u32 v42, $0x3;
	v42 =	vld [tilespmem:s12+$0x20];
	[tilespmem:v0+s17+$0xFFFFFF40] =	vst.idx.msk $0xffff, v37  }
0x111: {  	v43 =	vadd.s32 v18, v7;
	v17 =	vshll.u32 v17, v2;
	v44 =	vld [tilespmem:s12+$0x0];
	[tilespmem:v3+s17+$0x0] =	vst.idx.msk $0xffff, v38  }
0x112: {  	v18 =	vshll.u32 v26, v2;
	v17 =	vadd.s32 v6, v17;
	[tilespmem:v3+s17+$0xFFFFFEC0] =	vst.idx.msk $0xffff, v19;
	v38 =	vld [tilespmem:s18+$0x70]  }
0x113: {  	v26 =	vshll.u32 v31, v2;
	v19 =	vbroadcast v17, $0x0;
	v37 =	vand.u32 $0xFFFF0000, v27;
	v31 =	vld [tilespmem:s18+$0xFFFFFFD0];
	[tilespmem:v3+s17+$0xFFFFFF40] =	vst.idx.msk $0xffff, v39  }
0x114: {  	v26 =	vadd.s32 v26, v13;
	v17 =	vld.idx.msk [tilespmem:v23+s22+$0x0], $0xffff;
	v23 =	vshrl.u32 v36, $0x3;
	[tilespmem:v3+s17+$0xFFFFFE40] =	vst.idx.msk $0xffff, v21  }
0x115: {  	v21 =	vshrl.u32 v22, $0x3;
	v22 =	vadd.s32 v18, v10;
	v18 =	vshll.u32 v23, v2;
	v23 =	vld [tilespmem:s18+$0xFFFFFF90];
	[tilespmem:v0+s17+$0xFFFFFFC0] =	vst.idx.msk $0xffff, v29  }
0x116: {  	v39 =	vand.u32 $0xFFFF0000, v35;
	v21 =	vshll.u32 v21, v2;
	v18 =	vadd.s32 v18, v12;
	v46 =	vld [tilespmem:s18+$0x10];
	[tilespmem:v3+s17+$0xFFFFFFC0] =	vst.idx.msk $0xffff, v24  }
0x117: {  	v21 =	vadd.s32 v21, v8;
	v24 =	vbroadcast v18, $0x0;
	[tilespmem:v3+s17+$0xFFFFFF00] =	vst.idx.msk $0xffff, v34;
	v29 =	vld [tilespmem:s18+$0x50];
	v18 =	vshll.u32 v38, $0x10  }
0x118: {  	v30 =	vshll.u32 v30, v2;
	v21 =	vbroadcast v21, $0x0;
	[tilespmem:v3+s17+$0xFFFFFE80] =	vst.idx.msk $0xffff, v33;
	v33 =	vld [tilespmem:s18+$0xFFFFFFF0];
	v34 =	vmul.f32 v18, v32  }
0x119: {  	v36 =	vshll.u32 v42, $0x10;
	v42 =	vand.u32 $0xFFFF0000, v42;
	v45 =	vshll.u32 v31, $0x10;
	v18 =	vld.idx.msk [tilespmem:v19+s22+$0x0], $0xffff;
	[tilespmem:v4+s17+$0xFFFFFF80] =	vst.idx.msk $0xffff, v41  }
0x11a: {  	v41 =	vbroadcast v22, $0x0;
	v22 =	vmul.f32 v36, v17;
	v19 =	vld [tilespmem:s12+$0xFFFFFFC0];
	v36 =	vshll.u32 v23, $0x10;
	[tilespmem:v4+s17+$0x0] =	vst.idx.msk $0xffff, v34  }
0x11b: {  	v30 =	vadd.s32 v30, v9;
	v43 =	vbroadcast v43, $0x0;
	v26 =	vbroadcast v26, $0x0;
	v34 =	vld [tilespmem:s12+$0xFFFFFF80];
	[tilespmem:v5+s17+$0xFFFFFF80] =	vst.idx.msk $0xffff, v40  }
0x11c: {  	v30 =	vbroadcast v30, $0x0;
	v47 =	vshll.u32 v44, $0x10;
	[tilespmem:v0+s3+$0xFFFFFF80] =	vst.idx.msk $0xffff, v22;
	v40 =	vld [tilespmem:s12+$0x40];
	v48 =	vshll.u32 v29, $0x10  }
0x11d: {  	v42 =	vmul.f32 v42, v17;
	v45 =	vmul.f32 v45, v28;
	v49 =	vand.u32 $0xFFFF0000, v23;
	v50 =	vld [tilespmem:s18+$0xFFFFFFB0];
	s18 =	smov.u32 s12  }
0x11e: {  	v51 =	vmul.f32 v36, v20;
	v52 =	vshll.u32 v46, $0x10;
	v22 =	vld.idx.msk [tilespmem:v24+s22+$0x0], $0xffff;
	v24 =	vshll.u32 v33, $0x10  }
0x11f: {  	v53 =	vand.u32 $0xFFFF0000, v31;
	v23 =	vld.idx.msk [tilespmem:v21+s22+$0x0], $0xffff;
	v24 =	vmul.f32 v24, v14;
	v21 =	vmul.f32 v48, v25  }
0x120: {  	v36 =	vand.u32 $0xFFFF0000, v33;
	v33 =	vand.u32 $0xFFFF0000, v29;
	v31 =	vshll.u32 v34, $0x10;
	v48 =	vld [tilespmem:s12+$0xFFFFFFE0];
	[tilespmem:v4+s17+$0xFFFFFEC0] =	vst.idx.msk $0xffff, v45  }
0x121: {  	v29 =	vand.u32 $0xFFFF0000, v34;
	v45 =	vshll.u32 v27, $0x10;
	v34 =	vmul.f32 v31, v18;
	v31 =	vld.idx.msk [tilespmem:v26+s22+$0x0], $0xffff;
	[tilespmem:v4+s17+$0xFFFFFFC0] =	vst.idx.msk $0xffff, v21  }
0x122: {  	v54 =	vand.u32 $0xFFFF0000, v44;
	v21 =	vmul.f32 v29, v18;
	v26 =	vld.idx.msk [tilespmem:v30+s22+$0x0], $0xffff;
	[tilespmem:v4+s17+$0xFFFFFF00] =	vst.idx.msk $0xffff, v24;
	v24 =	vand.u32 $0xFFFF0000, v38  }
0x123: {  	v29 =	vand.u32 $0xFFFF0000, v40;
	v38 =	vshll.u32 v50, $0x10;
	v27 =	vld.idx.msk [tilespmem:v43+s22+$0x0], $0xffff;
	[tilespmem:v3+s3+$0xFFFFFF80] =	vst.idx.msk $0xffff, v42;
	v42 =	vmul.f32 v24, v32  }
0x124: {  	v32 =	vshll.u32 v19, $0x10;
	v24 =	vmul.f32 v29, v22;
	v38 =	vmul.f32 v38, v15;
	v30 =	vld.idx.msk [tilespmem:v41+s22+$0x0], $0xffff  }
0x125: {  	v28 =	vmul.f32 v53, v28;
	v29 =	vshll.u32 v40, $0x10;
	v43 =	vmul.f32 v32, v23;
	v32 =	vld [tilespmem:s12+$0x30];
	[tilespmem:v5+s17+$0x0] =	vst.idx.msk $0xffff, v42  }
0x126: {  	v35 =	vshll.u32 v35, $0x10;
	v52 =	vmul.f32 v52, v16;
	v29 =	vmul.f32 v29, v22;
	[tilespmem:v4+s17+$0xFFFFFE80] =	vst.idx.msk $0xffff, v38  }
.Ltmp2:
0x127: {  	v41 =	vmul.f32 v35, v31;
	v35 =	vmul.f32 v33, v25;
	[tilespmem:v0+s3+$0xFFFFFE40] =	vst.idx.msk $0xffff, v34;
	v34 =	vshll.u32 v48, $0x10;
	(pc) =	sbr.rel @p0 .LBB2_7-.Ltmp2, $4  }
0x128: {  	v25 =	vand.u32 $0xFFFF0000, v48;
	v38 =	vmul.f32 v39, v31;
	v40 =	vmul.f32 v34, v26;
	[tilespmem:v4+s17+$0xFFFFFE40] =	vst.idx.msk $0xffff, v51  }
0x129: {  	v44 =	vand.u32 $0xFFFF0000, v50;
	v42 =	vmul.f32 v45, v27;
	v34 =	vmul.f32 v25, v26;
	[tilespmem:v0+s3+$0x0] =	vst.idx.msk $0xffff, v41  }
0x12a: {  	v33 =	vmul.f32 v37, v27;
	v37 =	vmul.f32 v47, v30;
	v41 =	vshll.u32 v32, $0x10;
	[tilespmem:v4+s17+$0xFFFFFF40] =	vst.idx.msk $0xffff, v52  }
0x12b: {  	s12 =	sadd.s32 $0x100, s12;
	v45 =	vmul.f32 v49, v20;
	v20 =	vand.u32 $0xFFFF0000, v46;
	v39 =	vmul.f32 v54, v30;
	s3 =	sadd.s32 $0x200, s3;
	[tilespmem:v5+s17+$0xFFFFFEC0] =	vst.idx.msk $0xffff, v28  }
0x12c: {  	_ =	sdelay $0x3  }
0x12d: {  	[tilespmem:v0+s19+$0xFFFFFEC0] =	vst.idx.msk $0xffff, v43  }
0x12e: {  	[tilespmem:v5+s17+$0xFFFFFFC0] =	vst.idx.msk $0xffff, v35  }
0x12f: {  	[tilespmem:v0+s19+$0xFFFFFE80] =	vst.idx.msk $0xffff, v42  }
0x130: {  	[tilespmem:v0+s19+$0xFFFFFF00] =	vst.idx.msk $0xffff, v40  }
0x131: {  	[tilespmem:v0+s19+$0xFFFFFF40] =	vst.idx.msk $0xffff, v37  }
0x132: {  	[tilespmem:v3+s19+$0x0] =	vst.idx.msk $0xffff, v38  }
0x133: {  	[tilespmem:v0+s19+$0xFFFFFFC0] =	vst.idx.msk $0xffff, v29  }
0x134: {  	v6 =	vmul.f32 v20, v16;
	[tilespmem:v3+s19+$0xFFFFFE40] =	vst.idx.msk $0xffff, v21  }
0x135: {  	[tilespmem:v5+s17+$0xFFFFFE40] =	vst.idx.msk $0xffff, v45  }
0x136: {  	[tilespmem:v5+s17+$0xFFFFFF40] =	vst.idx.msk $0xffff, v6;
	v6 =	vmul.f32 v36, v14  }
0x137: {  	[tilespmem:v3+s19+$0xFFFFFF00] =	vst.idx.msk $0xffff, v34  }
0x138: {  	v53 =	vld [tilespmem:s18+$0xFFFFFF90];
	[tilespmem:v5+s17+$0xFFFFFF00] =	vst.idx.msk $0xffff, v6;
	v6 =	vand.u32 $0xFFFF0000, v19  }
0x139: {  	[tilespmem:v3+s19+$0xFFFFFFC0] =	vst.idx.msk $0xffff, v24;
	v9 =	vld [tilespmem:s18+$0xFFFFFFF0];
	v6 =	vmul.f32 v6, v23  }
0x13a: {  	v7 =	vmul.f32 v44, v15;
	[tilespmem:v3+s19+$0xFFFFFF40] =	vst.idx.msk $0xffff, v39  }
0x13b: {  	[tilespmem:v3+s19+$0xFFFFFEC0] =	vst.idx.msk $0xffff, v6;
	v6 =	vld [tilespmem:s18+$0x70]  }
0x13c: {  	v10 =	vmul.f32 v41, v17;
	v12 =	vand.u32 $0xFFFF0000, v32;
	[tilespmem:v5+s17+$0xFFFFFE80] =	vst.idx.msk $0xffff, v7;
	v7 =	vld [tilespmem:s18+$0xFFFFFFD0]  }
0x13d: {  	[tilespmem:v3+s19+$0xFFFFFE80] =	vst.idx.msk $0xffff, v33;
	v12 =	vmul.f32 v12, v17;
	v59 =	vshll.u32 v53, $0x10  }
0x13e: {  	v8 =	vld [tilespmem:s18+$0x50];
	[tilespmem:v4+s19+$0xFFFFFF80] =	vst.idx.msk $0xffff, v10;
	v57 =	vshll.u32 v9, $0x10;
	v60 =	vmul.f32 v59, v18  }
0x13f: {  	v55 =	vld [tilespmem:s18+$0x10];
	[tilespmem:v5+s19+$0xFFFFFF80] =	vst.idx.msk $0xffff, v12;
	v62 =	vand.u32 $0xFFFF0000, v53;
	v12 =	vmul.f32 v57, v26  }
0x140: {  	v10 =	vmul.f32 v62, v18;
	[tilespmem:v4+s19+$0xFFFFFE40] =	vst.idx.msk $0xffff, v60;
	v11 =	vshll.u32 v6, $0x10  }
0x141: {  	[tilespmem:v4+s19+$0xFFFFFF00] =	vst.idx.msk $0xffff, v12;
	v11 =	vmul.f32 v11, v31;
	v54 =	vshll.u32 v7, $0x10  }
0x142: {  	v13 =	vld [tilespmem:s18+$0xFFFFFFB0];
	[tilespmem:v5+s19+$0xFFFFFE40] =	vst.idx.msk $0xffff, v10;
	v6 =	vand.u32 $0xFFFF0000, v6;
	v15 =	vmul.f32 v54, v23  }
0x143: {  	v56 =	vshll.u32 v8, $0x10;
	v6 =	vmul.f32 v6, v31;
	[tilespmem:v4+s19+$0x0] =	vst.idx.msk $0xffff, v11  }
0x144: {  	v61 =	vshll.u32 v55, $0x10;
	v11 =	vmul.f32 v56, v22;
	[tilespmem:v4+s19+$0xFFFFFEC0] =	vst.idx.msk $0xffff, v15  }
0x145: {  	v8 =	vand.u32 $0xFFFF0000, v8;
	[tilespmem:v5+s19+$0x0] =	vst.idx.msk $0xffff, v6;
	v6 =	vand.u32 $0xFFFF0000, v7;
	v7 =	vmul.f32 v61, v30  }
0x146: {  	v8 =	vmul.f32 v8, v22;
	[tilespmem:v4+s19+$0xFFFFFFC0] =	vst.idx.msk $0xffff, v11  }
0x147: {  	v58 =	vshll.u32 v13, $0x10;
	v6 =	vmul.f32 v6, v23;
	[tilespmem:v4+s19+$0xFFFFFF40] =	vst.idx.msk $0xffff, v7  }
0x148: {  	v11 =	vmul.f32 v58, v27;
	v7 =	vand.u32 $0xFFFF0000, v55;
	[tilespmem:v5+s19+$0xFFFFFFC0] =	vst.idx.msk $0xffff, v8  }
0x149: {  	[tilespmem:v5+s19+$0xFFFFFEC0] =	vst.idx.msk $0xffff, v6;
	v6 =	vmul.f32 v7, v30;
	v7 =	vand.u32 $0xFFFF0000, v13  }
0x14a: {  	s3 =	sadd.s32 $0x3, s9;
	v63 =	vand.u32 $0xFFFF0000, v9;
	[tilespmem:v4+s19+$0xFFFFFE80] =	vst.idx.msk $0xffff, v11;
	v7 =	vmul.f32 v7, v27  }
0x14b: {  	p0 =	sge.u32 s3, s7;
	[tilespmem:v5+s19+$0xFFFFFF40] =	vst.idx.msk $0xffff, v6;
	v6 =	vmul.f32 v63, v26  }
0x14c: {  	s8 =	sadd.s32 $0x1, s8;
	s3 =	sshll.u32 @!p0 s3, $0x7;
	[tilespmem:v5+s19+$0xFFFFFE80] =	vst.idx.msk $0xffff, v7  }
0x14d: {  	s4 =	simm.s32 @!p0 $0x80;
	s9 =	simm.s32 @!p0 $0xA000;
	s3 =	sand.u32 @!p0 $0x3FFFFF80, s3;
	[tilespmem:v5+s19+$0xFFFFFF00] =	vst.idx.msk $0xffff, v6  }
0x14e: {  	[tilespmem:s9], [sflag:$0x2] =	stream.indirect.gather @!p0 [hbm4b:s5+s4], $0x20, s3, s4, $0xb8;
	[tilespmem:$0x1B000] =	vst v63  }
0x14f: {  	p0 =	sne.s32 s8, s16  }
.Ltmp3:
0x150: {  	_ = 	snop;
	(pc) =	sbr.rel @p0 .LBB2_4-.Ltmp3, $4  }
0x151: {  	s26 =	sshll.u32 s10, $0x9  }
0x152: {  	s3 =	sshra.s32 s26, $0x2  }
0x153: {  	s3 =	sadd.s32 $0x3000, s3  }
0x154: {  	[spmem:s1] =	stream.indirect.scatter.add.f32 [tilespmem:s31], [sflag:$0x4], $0x40, s3, s24, $0xb8;
	[tilespmem:$0x1B000] =	vst v63  }
0x155: {  	s0 =	simm.s32 $0x3  }
0x156: {  	_ =	swait.ge [sflag:s0], $0x2000  }
0x157: {  	[sflag:s0] =	ssyncset.done $0x0  }
0x158: {  	s10 =	simm.s32 $0x4;
	[sflag:s0] =	ssyncadd.s32 $0xFFFFE000  }
0x159: {  	_ =	swait.ge [sflag:s10], $0x2000  }
0x15a: {  	[sflag:s10] =	ssyncset.done $0x0  }
0x15b: {  	[sflag:s10] =	ssyncadd.s32 $0xFFFFE000  }
0x15c: {  	[bflag:$0x0] =	sbarrier.arrive $0xFFFF  }
0x15d: {  	s11 =	rddreg [dreg:$0x4]  }
0x15e: {  	s12 =	rddreg [dreg:$0x8]  }
0x15f: {  	s2 =	rddreg [dreg:$0xd];
	s25 =	sor.u32 $0x1C05, s11;
	s26 =	sshrl.u32 s12, $0x3  }
0x160: {  	[hbm:s2], [sflag:s25] =	dma.local [spmem:s26], $0x1400  }
0x161: {  	_ =	swait.ge [sflag:s20], $0x1400  }
0x162: {  	[sflag:s20] =	ssyncset.done $0x0  }
0x163: {  	[sflag:s20] =	ssyncadd.s32 $0xFFFFEC00  }
0x164: {  	[bflag:$0x0] =	sbarrier.arrive $0xFFFF  }
0x165: {  	[spmem:s12] =	stream.linear.scatter [tilespmem:s23], [sflag:$0x5], $0x2000, $0x38;
	[tilespmem:$0x1B000] =	vst v63  }
0x166: {  	_ =	swait.ge [sflag:s20], $0x2000  }
0x167: {  	[sflag:s20] =	ssyncset.done $0x0  }
0x168: {  	s13 =	rddreg [dreg:$0x9];
	[sflag:s20] =	ssyncadd.s32 $0xFFFFE000  }
0x169: {  	[spmem:s13] =	stream.linear.scatter [tilespmem:s23], [sflag:$0x5], $0x2000, $0x38;
	[tilespmem:$0x1B000] =	vst v63  }
0x16a: {  	_ =	swait.ge [sflag:s20], $0x2000  }
0x16b: {  	[sflag:s20] =	ssyncset.done $0x0  }
0x16c: {  	s14 =	rddreg [dreg:$0xa];
	[sflag:s20] =	ssyncadd.s32 $0xFFFFE000  }
0x16d: {  	[spmem:s14] =	stream.linear.scatter [tilespmem:s23], [sflag:$0x5], $0x2000, $0x38;
	[tilespmem:$0x1B000] =	vst v63  }
0x16e: {  	_ =	swait.ge [sflag:s20], $0x2000  }
0x16f: {  	[sflag:s20] =	ssyncset.done $0x0  }
0x170: {  	s15 =	rddreg [dreg:$0xb];
	[sflag:s20] =	ssyncadd.s32 $0xFFFFE000  }
0x171: {  	[spmem:s15] =	stream.linear.scatter [tilespmem:s23], [sflag:$0x5], $0x2000, $0x38;
	[tilespmem:$0x1B000] =	vst v63  }
0x172: {  	_ =	swait.ge [sflag:s20], $0x2000  }
0x173: {  	[sflag:s20] =	ssyncset.done $0x0  }
0x174: {  	s17 =	rddreg [dreg:$0xc];
	[sflag:s20] =	ssyncadd.s32 $0xFFFFE000  }
0x175: {  	[spmem:s17] =	stream.linear.scatter [tilespmem:s23], [sflag:$0x5], $0x2000, $0x38;
	[tilespmem:$0x1B000] =	vst v63  }
0x176: {  	_ =	swait.ge [sflag:s20], $0x2000  }
0x177: {  	[sflag:s20] =	ssyncset.done $0x0  }
0x178: {  	[sflag:s20] =	ssyncadd.s32 $0xFFFFE000  }
0x179: {  	s8 =	simm.s32 $0x0;
	s18 =	simm.s32 $0x9000;
	[bflag:$0x0] =	sbarrier.arrive $0xFFFF  }
0x17a: {  	[tilespmem:s18], [sflag:$0x1] =	stream.indirect.gather [hbm4b:s6+s24], $0x20, s8, s24, $0xb8;
	[tilespmem:$0x1B000] =	vst v63  }
0x17b: {  	s19 =	simm.s32 $0xA000;
	s9 =	simm.s32 $0x0  }
0x17c: {  	[tilespmem:s19], [sflag:$0x2] =	stream.indirect.gather [hbm4b:s6+s24], $0x20, s24, s24, $0xb8;
	[tilespmem:$0x1B000] =	vst v63  }
.LBB2_10:
0x17d: {  	s10 =	sshll.u32 s9, $0x1;
	s14 =	simm.s32 $0x5;
	v14 =	vmov s8;
	s4 =	simm.s32 $0x1  }
0x17e: {  	s11 =	simm.s32 $0x2;
	s15 =	simm.s32 $0x6;
	s17 =	simm.s32 $0x4;
	v12 =	vmov s14;
	v14 =	vshrl.u32 v14, $0x3;
	v16 =	vmov s4  }
0x17f: {  	s12 =	simm.s32 $0x3;
	s18 =	simm.s32 $0x7;
	s19 =	simm.s32 $0xD;
	v17 =	vmov s11;
	v18 =	vmov s15;
	v19 =	vmov s17  }
0x180: {  	s0 =	simm.s32 $0x9;
	s2 =	simm.s32 $0xA;
	s3 =	sshll.u32 s10, $0x7;
	v20 =	vmov s12;
	v22 =	vmov s18;
	v38 =	vmov s19  }
0x181: {  	_ =	swait.ge [sflag:s28], $0x1000;
	v39 =	vmov s0;
	v40 =	vmov s2;
	v6 =	vmov s3  }
0x182: {  	p0 =	seq.s32 s9, $0x0;
	[sflag:s28] =	ssyncset.done $0x0;
	v13 =	vshrl.u32 v12, $0x3;
	v14 =	vshll.u32 v14, v2;
	v18 =	vshrl.u32 v18, $0x3  }
0x183: {  	[sflag:s28] =	ssyncadd.s32 $0xFFFFF000;
	s3 =	simm.s32 @!p0 $0x3;
	v17 =	vshrl.u32 v17, $0x3;
	v20 =	vshrl.u32 v20, $0x3;
	v22 =	vshrl.u32 v22, $0x3  }
0x184: {  	s14 =	simm.s32 $0xF;
	v19 =	vshrl.u32 v19, $0x3;
	v16 =	vshrl.u32 v16, $0x3;
	v38 =	vshrl.u32 v38, $0x3;
	_ =	swait.ge @!p0 [sflag:s3], $0x2000  }
0x185: {  	v41 =	vmov s14;
	v11 =	vor.u32 $0x5, v6;
	v15 =	vshll.u32 v13, v2;
	[sflag:s3] =	ssyncset.done @!p0 $0x0  }
0x186: {  	v57 =	vshrl.u32 v39, $0x3;
	v12 =	vor.u32 $0x6, v6;
	v15 =	vadd.s32 v15, v11;
	[sflag:s3] =	ssyncadd.s32 @!p0 $0xFFFFE000;
	s3 =	simm.s32 $0x9080  }
0x187: {  	s15 =	simm.s32 $0x8;
	v14 =	vadd.s32 v6, v14;
	v18 =	vshll.u32 v18, v2;
	v15 =	vbroadcast v15, $0x0;
	v21 =	vld [tilespmem:s3+$0x60]  }
0x188: {  	s19 =	simm.s32 $0xE;
	v43 =	vmov s15;
	v14 =	vbroadcast v14, $0x0;
	v18 =	vadd.s32 v18, v12;
	v23 =	vld [tilespmem:s3+$0xFFFFFFA0]  }
0x189: {  	v44 =	vmov s19;
	v7 =	vor.u32 $0x1, v6;
	v18 =	vbroadcast v18, $0x0;
	v24 =	vld [tilespmem:s3+$0x20]  }
0x18a: {  	v8 =	vor.u32 $0x2, v6;
	v9 =	vor.u32 $0x3, v6;
	v10 =	vor.u32 $0x4, v6;
	v26 =	vld [tilespmem:s3+$0x0]  }
0x18b: {  	s18 =	simm.s32 $0x9180;
	v13 =	vor.u32 $0x7, v6;
	v17 =	vshll.u32 v17, v2;
	v22 =	vshll.u32 v22, v2;
	v31 =	vld [tilespmem:s3+$0x40]  }
0x18c: {  	v19 =	vshll.u32 v19, v2;
	v38 =	vshll.u32 v38, v2;
	v17 =	vadd.s32 v17, v8;
	v39 =	vld [tilespmem:s18+$0xFFFFFFA0]  }
0x18d: {  	v27 =	vld.idx.msk [tilespmem:v15+s22+$0x0], $0xffff;
	v15 =	vbroadcast v17, $0x0;
	v17 =	vadd.s32 v22, v13;
	v22 =	vshll.u32 v20, v2  }
0x18e: {  	v20 =	vld.idx.msk [tilespmem:v14+s22+$0x0], $0xffff;
	v14 =	vshll.u32 v16, v2;
	v16 =	vadd.s32 v22, v9;
	v17 =	vbroadcast v17, $0x0  }
0x18f: {  	v58 =	vshll.u32 v57, v2;
	v25 =	vld.idx.msk [tilespmem:v18+s22+$0x0], $0xffff;
	v14 =	vadd.s32 v14, v7;
	v16 =	vbroadcast v16, $0x0  }
0x190: {  	v59 =	vshrl.u32 v43, $0x3;
	v19 =	vadd.s32 v19, v10;
	v18 =	vld [tilespmem:s3+$0xFFFFFFE0];
	v30 =	vbroadcast v14, $0x0  }
0x191: {  	v61 =	vshrl.u32 v41, $0x3;
	v38 =	vadd.s32 v38, v11;
	v19 =	vbroadcast v19, $0x0;
	v22 =	vld [tilespmem:s3+$0xFFFFFF80]  }
0x192: {  	v29 =	vld [tilespmem:s3+$0xFFFFFFC0];
	v33 =	vand.u32 $0xFFFF0000, v21;
	v35 =	vshll.u32 v26, $0x10;
	v55 =	vand.u32 $0xFFFF0000, v31  }
0x193: {  	v31 =	vshll.u32 v31, $0x10;
	v21 =	vshll.u32 v21, $0x10;
	v14 =	vshll.u32 v24, $0x10;
	v28 =	vld.idx.msk [tilespmem:v15+s22+$0x0], $0xffff  }
0x194: {  	v26 =	vand.u32 $0xFFFF0000, v26;
	v32 =	vmul.f32 v14, v27;
	v15 =	vand.u32 $0xFFFF0000, v24;
	v24 =	vld.idx.msk [tilespmem:v17+s22+$0x0], $0xffff  }
0x195: {  	s17 =	simm.s32 $0xB1C0;
	v45 =	vand.u32 $0xFFFF0000, v39;
	v31 =	vmul.f32 v31, v25;
	v36 =	vshll.u32 v18, $0x10;
	v14 =	vld.idx.msk [tilespmem:v16+s22+$0x0], $0xffff  }
0x196: {  	v18 =	vand.u32 $0xFFFF0000, v18;
	v34 =	vmul.f32 v15, v27;
	[tilespmem:v0+s17+$0xFFFFFF80] =	vst.idx.msk $0xffff, v32;
	v16 =	vshll.u32 v22, $0x10;
	v15 =	vld.idx.msk [tilespmem:v30+s22+$0x0], $0xffff  }
0x197: {  	v32 =	vmul.f32 v55, v25;
	[tilespmem:v0+s17+$0xFFFFFFC0] =	vst.idx.msk $0xffff, v31;
	v22 =	vand.u32 $0xFFFF0000, v22;
	v30 =	vmul.f32 v16, v20  }
0x198: {  	[tilespmem:v3+s17+$0xFFFFFF80] =	vst.idx.msk $0xffff, v34;
	v16 =	vld.idx.msk [tilespmem:v19+s22+$0x0], $0xffff;
	v19 =	vmul.f32 v22, v20;
	v22 =	vshll.u32 v29, $0x10;
	v29 =	vand.u32 $0xFFFF0000, v29  }
0x199: {  	v17 =	vand.u32 $0xFFFF0000, v23;
	[tilespmem:v3+s17+$0xFFFFFFC0] =	vst.idx.msk $0xffff, v32;
	v22 =	vmul.f32 v22, v28;
	v29 =	vmul.f32 v29, v28  }
0x19a: {  	s12 =	simm.s32 $0xC;
	v23 =	vshll.u32 v23, $0x10;
	[tilespmem:v0+s17+$0xFFFFFE40] =	vst.idx.msk $0xffff, v30;
	v21 =	vmul.f32 v21, v24;
	v33 =	vmul.f32 v33, v24  }
0x19b: {  	v34 =	vld [tilespmem:s3+$0x30];
	v30 =	vmov s12;
	[tilespmem:v3+s17+$0xFFFFFE40] =	vst.idx.msk $0xffff, v19;
	v36 =	vmul.f32 v36, v14;
	v23 =	vmul.f32 v23, v15  }
0x19c: {  	v19 =	vshrl.u32 v40, $0x3;
	v18 =	vmul.f32 v18, v14;
	v37 =	vmul.f32 v17, v15;
	[tilespmem:v0+s17+$0xFFFFFEC0] =	vst.idx.msk $0xffff, v22  }
0x19d: {  	v60 =	vld [tilespmem:s18+$0x20];
	v22 =	vshrl.u32 v30, $0x3;
	v30 =	vbroadcast v38, $0x0;
	v19 =	vshll.u32 v19, v2;
	[tilespmem:v0+s17+$0x0] =	vst.idx.msk $0xffff, v21  }
0x19e: {  	s13 =	simm.s32 $0xB;
	v39 =	vshll.u32 v39, $0x10;
	v31 =	vld [tilespmem:s3+$0x50];
	v17 =	vmul.f32 v35, v16;
	v26 =	vmul.f32 v26, v16;
	[tilespmem:v3+s17+$0xFFFFFEC0] =	vst.idx.msk $0xffff, v29  }
0x19f: {  	v21 =	vmov s13;
	v22 =	vshll.u32 v22, v2;
	v19 =	vadd.s32 v19, v8;
	[tilespmem:v0+s17+$0xFFFFFF00] =	vst.idx.msk $0xffff, v36  }
0x1a0: {  	v42 =	vld [tilespmem:s18+$0x60];
	v56 =	vshll.u32 v34, $0x10;
	v34 =	vand.u32 $0xFFFF0000, v34;
	v21 =	vshrl.u32 v21, $0x3;
	[tilespmem:v3+s17+$0x0] =	vst.idx.msk $0xffff, v33  }
0x1a1: {  	v50 =	vld [tilespmem:s18+$0x40];
	v36 =	vadd.s32 v58, v7;
	v33 =	vshll.u32 v61, v2;
	v22 =	vadd.s32 v22, v10  }
0x1a2: {  	v55 =	vld [tilespmem:s3+$0xFFFFFF90];
	[tilespmem:v0+s17+$0xFFFFFE80] =	vst.idx.msk $0xffff, v23;
	v23 =	vshll.u32 v60, $0x10;
	v58 =	vand.u32 $0xFFFF0000, v60;
	v35 =	vmul.f32 v56, v27  }
0x1a3: {  	v63 =	vld [tilespmem:s3+$0xFFFFFFD0];
	v40 =	vand.u32 $0xFFFF0000, v31;
	[tilespmem:v0+s17+$0xFFFFFF40] =	vst.idx.msk $0xffff, v17;
	v27 =	vmul.f32 v34, v27;
	v17 =	vshll.u32 v59, v2  }
0x1a4: {  	v34 =	vld [tilespmem:s18+$0x0];
	v56 =	vbroadcast v19, $0x0;
	v21 =	vshll.u32 v21, v2;
	v60 =	vbroadcast v22, $0x0  }
0x1a5: {  	v29 =	vld [tilespmem:s3+$0x70];
	v48 =	vbroadcast v36, $0x0;
	v17 =	vadd.s32 v6, v17;
	[tilespmem:v3+s17+$0xFFFFFF40] =	vst.idx.msk $0xffff, v26;
	v26 =	vshrl.u32 v44, $0x3  }
0x1a6: {  	[tilespmem:v3+s17+$0xFFFFFF00] =	vst.idx.msk $0xffff, v18;
	v19 =	vld [tilespmem:s18+$0xFFFFFFC0];
	v44 =	vand.u32 $0xFFFF0000, v42;
	v21 =	vadd.s32 v21, v9;
	v26 =	vshll.u32 v26, v2  }
0x1a7: {  	v57 =	vld [tilespmem:s3+$0xFFFFFFF0];
	v62 =	vbroadcast v17, $0x0;
	[tilespmem:v4+s17+$0xFFFFFF80] =	vst.idx.msk $0xffff, v35;
	v51 =	vand.u32 $0xFFFF0000, v55;
	v26 =	vadd.s32 v26, v12  }
0x1a8: {  	v35 =	vmul.f32 v40, v25;
	v17 =	vld.idx.msk [tilespmem:v30+s22+$0x0], $0xffff;
	v30 =	vadd.s32 v33, v13;
	v26 =	vbroadcast v26, $0x0  }
0x1a9: {  	[tilespmem:v3+s17+$0xFFFFFE80] =	vst.idx.msk $0xffff, v37;
	v46 =	vld [tilespmem:s3+$0x10];
	v59 =	vshll.u32 v63, $0x10;
	v30 =	vbroadcast v30, $0x0;
	v41 =	vand.u32 $0xFFFF0000, v63  }
0x1aa: {  	[tilespmem:v5+s17+$0xFFFFFF80] =	vst.idx.msk $0xffff, v27;
	v33 =	vld [tilespmem:s3+$0xFFFFFFB0];
	v18 =	vshll.u32 v29, $0x10;
	v49 =	vshll.u32 v34, $0x10;
	v27 =	vmul.f32 v59, v28  }
0x1ab: {  	v54 =	vld [tilespmem:s18+$0xFFFFFFE0];
	v29 =	vand.u32 $0xFFFF0000, v29;
	v59 =	vshll.u32 v19, $0x10;
	v47 =	vmul.f32 v18, v24  }
0x1ac: {  	v61 =	vld [tilespmem:s18+$0xFFFFFF80];
	v28 =	vmul.f32 v41, v28;
	v36 =	vand.u32 $0xFFFF0000, v57;
	v29 =	vmul.f32 v29, v24;
	[tilespmem:v4+s17+$0xFFFFFEC0] =	vst.idx.msk $0xffff, v27  }
0x1ad: {  	v18 =	vld.idx.msk [tilespmem:v62+s22+$0x0], $0xffff;
	v22 =	vmul.f32 v23, v17;
	v23 =	vshll.u32 v55, $0x10;
	[tilespmem:v4+s17+$0x0] =	vst.idx.msk $0xffff, v47;
	v62 =	vbroadcast v21, $0x0  }
0x1ae: {  	v21 =	vshll.u32 v31, $0x10;
	v38 =	vmul.f32 v58, v17;
	v52 =	vmul.f32 v23, v20;
	v23 =	vld.idx.msk [tilespmem:v56+s22+$0x0], $0xffff  }
0x1af: {  	s19 =	simm.s32 $0xB3C0;
	v53 =	vshll.u32 v46, $0x10;
	v58 =	vshll.u32 v33, $0x10;
	[tilespmem:v5+s17+$0xFFFFFEC0] =	vst.idx.msk $0xffff, v28;
	v21 =	vmul.f32 v21, v25;
	v31 =	vld.idx.msk [tilespmem:v30+s22+$0x0], $0xffff  }
0x1b0: {  	v56 =	vand.u32 $0xFFFF0000, v34;
	v34 =	vmul.f32 v58, v15;
	[tilespmem:v0+s19+$0xFFFFFF80] =	vst.idx.msk $0xffff, v22;
	v22 =	vld.idx.msk [tilespmem:v26+s22+$0x0], $0xffff;
	v26 =	vshll.u32 v57, $0x10  }
0x1b1: {  	v27 =	vand.u32 $0xFFFF0000, v61;
	v57 =	vand.u32 $0xFFFF0000, v50;
	v30 =	vld.idx.msk [tilespmem:v60+s22+$0x0], $0xffff;
	v63 =	vmul.f32 v26, v14;
	[tilespmem:v4+s17+$0xFFFFFFC0] =	vst.idx.msk $0xffff, v21  }
0x1b2: {  	v60 =	vshll.u32 v50, $0x10;
	v26 =	vshll.u32 v61, $0x10;
	[tilespmem:v3+s19+$0xFFFFFF80] =	vst.idx.msk $0xffff, v38;
	v21 =	vmul.f32 v27, v18;
	v27 =	vld.idx.msk [tilespmem:v48+s22+$0x0], $0xffff  }
0x1b3: {  	[tilespmem:v5+s17+$0x0] =	vst.idx.msk $0xffff, v29;
	v61 =	vshll.u32 v42, $0x10;
	v32 =	vld [tilespmem:s18+$0x30];
	v55 =	vmul.f32 v26, v18;
	v43 =	vmul.f32 v59, v23  }
0x1b4: {  	[tilespmem:v4+s17+$0xFFFFFE80] =	vst.idx.msk $0xffff, v34;
	v26 =	vld.idx.msk [tilespmem:v62+s22+$0x0], $0xffff;
	v62 =	vmul.f32 v53, v16;
	v37 =	vmul.f32 v61, v31  }
0x1b5: {  	v25 =	vand.u32 $0xFFFF0000, v54;
	[tilespmem:v4+s17+$0xFFFFFF00] =	vst.idx.msk $0xffff, v63;
	v24 =	vmul.f32 v57, v22;
	v29 =	vmul.f32 v60, v22  }
0x1b6: {  	v63 =	vshll.u32 v54, $0x10;
	v38 =	vmul.f32 v44, v31;
	[tilespmem:v0+s19+$0x0] =	vst.idx.msk $0xffff, v37;
	v37 =	vmul.f32 v49, v30  }
0x1b7: {  	[tilespmem:v4+s17+$0xFFFFFE40] =	vst.idx.msk $0xffff, v52;
	v44 =	vand.u32 $0xFFFF0000, v33;
	v42 =	vmul.f32 v39, v27;
	v33 =	vmul.f32 v45, v27  }
0x1b8: {  	[tilespmem:v0+s19+$0xFFFFFE40] =	vst.idx.msk $0xffff, v55;
	v41 =	vshll.u32 v32, $0x10;
	v39 =	vmul.f32 v56, v30;
	v45 =	vmul.f32 v51, v20  }
0x1b9: {  	s4 =	simm.s32 $0x10;
	s12 =	simm.s32 $0x9280;
	s3 =	simm.s32 $0xB5C0;
	[tilespmem:v4+s17+$0xFFFFFF40] =	vst.idx.msk $0xffff, v62;
	v20 =	vand.u32 $0xFFFF0000, v46;
	v40 =	vmul.f32 v63, v26;
	v34 =	vmul.f32 v25, v26  }
.LBB2_11:
0x1ba: {  	s11 =	sadd.s32 $0x1, s4;
	[tilespmem:v0+s19+$0xFFFFFEC0] =	vst.idx.msk $0xffff, v43;
	v43 =	vand.u32 $0xFFFF0000, v32;
	v36 =	vmul.f32 v36, v14;
	v46 =	vmul.f32 v20, v16  }
0x1bb: {  	s13 =	sadd.s32 $0x2, s4;
	s14 =	sadd.s32 $0x3, s4;
	v20 =	vmovc v18;
	v25 =	vmovc v22;
	v28 =	vmov v23;
	v32 =	vmov v31;
	v14 =	vmov v26;
	s15 =	smov.u32 s4  }
0x1bc: {  	s0 =	sadd.s32 $0x6, s4;
	v23 =	vmul.f32 v44, v15;
	v15 =	vmovc v27;
	v16 =	vmovc v30;
	v18 =	vmov s11;
	v22 =	vmov s13;
	s11 =	sadd.s32 $0x4, s4;
	s13 =	sadd.s32 $0x5, s4;
	[tilespmem:v5+s17+$0xFFFFFFC0] =	vst.idx.msk $0xffff, v35  }
0x1bd: {  	p1 =	slt.u32 s4, $0x78;
	v19 =	vand.u32 $0xFFFF0000, v19;
	s4 =	sadd.s32 $0x8, s4;
	v26 =	vmov s11;
	v27 =	vmov s13;
	s11 =	sadd.s32 $0x7, s15;
	[tilespmem:v5+s17+$0xFFFFFF40] =	vst.idx.msk $0xffff, v46  }
0x1be: {  	v30 =	vmov s14;
	v27 =	vshrl.u32 v27, $0x3;
	v31 =	vmov s11;
	[tilespmem:v5+s17+$0xFFFFFE40] =	vst.idx.msk $0xffff, v45  }
0x1bf: {  	v30 =	vshrl.u32 v30, $0x3;
	v26 =	vshrl.u32 v26, $0x3;
	v27 =	vshll.u32 v27, v2;
	v35 =	vld [tilespmem:s12+$0x60];
	[tilespmem:v5+s17+$0xFFFFFE80] =	vst.idx.msk $0xffff, v23  }
0x1c0: {  	v19 =	vmul.f32 v19, v28;
	v18 =	vshrl.u32 v18, $0x3;
	v23 =	vadd.s32 v27, v11;
	[tilespmem:v5+s17+$0xFFFFFF00] =	vst.idx.msk $0xffff, v36;
	s17 =	smov.u32 s19;
	s19 =	smov.u32 s3  }
0x1c1: {  	v41 =	vmul.f32 v41, v17;
	v36 =	vmov s0;
	v27 =	vld [tilespmem:s12+$0xFFFFFFA0];
	v23 =	vbroadcast v23, $0x0;
	[tilespmem:v0+s17+$0xFFFFFE80] =	vst.idx.msk $0xffff, v42  }
0x1c2: {  	v18 =	vshll.u32 v18, v2;
	v42 =	vmov s15;
	[tilespmem:v0+s17+$0xFFFFFF00] =	vst.idx.msk $0xffff, v40;
	v40 =	vmul.f32 v43, v17  }
0x1c3: {  	v31 =	vshrl.u32 v31, $0x3;
	v17 =	vshrl.u32 v42, $0x3;
	v42 =	vld [tilespmem:s12+$0x20];
	[tilespmem:v0+s17+$0xFFFFFF40] =	vst.idx.msk $0xffff, v37  }
0x1c4: {  	v43 =	vadd.s32 v18, v7;
	v17 =	vshll.u32 v17, v2;
	v44 =	vld [tilespmem:s12+$0x0];
	[tilespmem:v3+s17+$0x0] =	vst.idx.msk $0xffff, v38  }
0x1c5: {  	v18 =	vshll.u32 v26, v2;
	v17 =	vadd.s32 v6, v17;
	[tilespmem:v3+s17+$0xFFFFFEC0] =	vst.idx.msk $0xffff, v19;
	v38 =	vld [tilespmem:s18+$0x70]  }
0x1c6: {  	v26 =	vshll.u32 v31, v2;
	v19 =	vbroadcast v17, $0x0;
	v37 =	vand.u32 $0xFFFF0000, v27;
	v31 =	vld [tilespmem:s18+$0xFFFFFFD0];
	[tilespmem:v3+s17+$0xFFFFFF40] =	vst.idx.msk $0xffff, v39  }
0x1c7: {  	v26 =	vadd.s32 v26, v13;
	v17 =	vld.idx.msk [tilespmem:v23+s22+$0x0], $0xffff;
	v23 =	vshrl.u32 v36, $0x3;
	[tilespmem:v3+s17+$0xFFFFFE40] =	vst.idx.msk $0xffff, v21  }
0x1c8: {  	v21 =	vshrl.u32 v22, $0x3;
	v22 =	vadd.s32 v18, v10;
	v18 =	vshll.u32 v23, v2;
	v23 =	vld [tilespmem:s18+$0xFFFFFF90];
	[tilespmem:v0+s17+$0xFFFFFFC0] =	vst.idx.msk $0xffff, v29  }
0x1c9: {  	v39 =	vand.u32 $0xFFFF0000, v35;
	v21 =	vshll.u32 v21, v2;
	v18 =	vadd.s32 v18, v12;
	v46 =	vld [tilespmem:s18+$0x10];
	[tilespmem:v3+s17+$0xFFFFFFC0] =	vst.idx.msk $0xffff, v24  }
0x1ca: {  	v21 =	vadd.s32 v21, v8;
	v24 =	vbroadcast v18, $0x0;
	[tilespmem:v3+s17+$0xFFFFFF00] =	vst.idx.msk $0xffff, v34;
	v29 =	vld [tilespmem:s18+$0x50];
	v18 =	vshll.u32 v38, $0x10  }
0x1cb: {  	v30 =	vshll.u32 v30, v2;
	v21 =	vbroadcast v21, $0x0;
	[tilespmem:v3+s17+$0xFFFFFE80] =	vst.idx.msk $0xffff, v33;
	v33 =	vld [tilespmem:s18+$0xFFFFFFF0];
	v34 =	vmul.f32 v18, v32  }
0x1cc: {  	v36 =	vshll.u32 v42, $0x10;
	v42 =	vand.u32 $0xFFFF0000, v42;
	v45 =	vshll.u32 v31, $0x10;
	v18 =	vld.idx.msk [tilespmem:v19+s22+$0x0], $0xffff;
	[tilespmem:v4+s17+$0xFFFFFF80] =	vst.idx.msk $0xffff, v41  }
0x1cd: {  	v41 =	vbroadcast v22, $0x0;
	v22 =	vmul.f32 v36, v17;
	v19 =	vld [tilespmem:s12+$0xFFFFFFC0];
	v36 =	vshll.u32 v23, $0x10;
	[tilespmem:v4+s17+$0x0] =	vst.idx.msk $0xffff, v34  }
0x1ce: {  	v30 =	vadd.s32 v30, v9;
	v43 =	vbroadcast v43, $0x0;
	v26 =	vbroadcast v26, $0x0;
	v34 =	vld [tilespmem:s12+$0xFFFFFF80];
	[tilespmem:v5+s17+$0xFFFFFF80] =	vst.idx.msk $0xffff, v40  }
0x1cf: {  	v30 =	vbroadcast v30, $0x0;
	v47 =	vshll.u32 v44, $0x10;
	[tilespmem:v0+s3+$0xFFFFFF80] =	vst.idx.msk $0xffff, v22;
	v40 =	vld [tilespmem:s12+$0x40];
	v48 =	vshll.u32 v29, $0x10  }
0x1d0: {  	v42 =	vmul.f32 v42, v17;
	v45 =	vmul.f32 v45, v28;
	v49 =	vand.u32 $0xFFFF0000, v23;
	v50 =	vld [tilespmem:s18+$0xFFFFFFB0];
	s18 =	smov.u32 s12  }
0x1d1: {  	v51 =	vmul.f32 v36, v20;
	v52 =	vshll.u32 v46, $0x10;
	v22 =	vld.idx.msk [tilespmem:v24+s22+$0x0], $0xffff;
	v24 =	vshll.u32 v33, $0x10  }
0x1d2: {  	v53 =	vand.u32 $0xFFFF0000, v31;
	v23 =	vld.idx.msk [tilespmem:v21+s22+$0x0], $0xffff;
	v24 =	vmul.f32 v24, v14;
	v21 =	vmul.f32 v48, v25  }
0x1d3: {  	v36 =	vand.u32 $0xFFFF0000, v33;
	v33 =	vand.u32 $0xFFFF0000, v29;
	v31 =	vshll.u32 v34, $0x10;
	v48 =	vld [tilespmem:s12+$0xFFFFFFE0];
	[tilespmem:v4+s17+$0xFFFFFEC0] =	vst.idx.msk $0xffff, v45  }
0x1d4: {  	v29 =	vand.u32 $0xFFFF0000, v34;
	v45 =	vshll.u32 v27, $0x10;
	v34 =	vmul.f32 v31, v18;
	v31 =	vld.idx.msk [tilespmem:v26+s22+$0x0], $0xffff;
	[tilespmem:v4+s17+$0xFFFFFFC0] =	vst.idx.msk $0xffff, v21  }
0x1d5: {  	v54 =	vand.u32 $0xFFFF0000, v44;
	v21 =	vmul.f32 v29, v18;
	v26 =	vld.idx.msk [tilespmem:v30+s22+$0x0], $0xffff;
	[tilespmem:v4+s17+$0xFFFFFF00] =	vst.idx.msk $0xffff, v24;
	v24 =	vand.u32 $0xFFFF0000, v38  }
0x1d6: {  	v29 =	vand.u32 $0xFFFF0000, v40;
	v38 =	vshll.u32 v50, $0x10;
	v27 =	vld.idx.msk [tilespmem:v43+s22+$0x0], $0xffff;
	[tilespmem:v3+s3+$0xFFFFFF80] =	vst.idx.msk $0xffff, v42;
	v42 =	vmul.f32 v24, v32  }
0x1d7: {  	v32 =	vshll.u32 v19, $0x10;
	v24 =	vmul.f32 v29, v22;
	v38 =	vmul.f32 v38, v15;
	v30 =	vld.idx.msk [tilespmem:v41+s22+$0x0], $0xffff  }
0x1d8: {  	v28 =	vmul.f32 v53, v28;
	v29 =	vshll.u32 v40, $0x10;
	v43 =	vmul.f32 v32, v23;
	v32 =	vld [tilespmem:s12+$0x30];
	[tilespmem:v5+s17+$0x0] =	vst.idx.msk $0xffff, v42  }
0x1d9: {  	v35 =	vshll.u32 v35, $0x10;
	v52 =	vmul.f32 v52, v16;
	v29 =	vmul.f32 v29, v22;
	[tilespmem:v4+s17+$0xFFFFFE80] =	vst.idx.msk $0xffff, v38  }
.Ltmp4:
0x1da: {  	v41 =	vmul.f32 v35, v31;
	v35 =	vmul.f32 v33, v25;
	[tilespmem:v0+s3+$0xFFFFFE40] =	vst.idx.msk $0xffff, v34;
	v34 =	vshll.u32 v48, $0x10;
	(pc) =	sbr.rel @p1 .LBB2_11-.Ltmp4, $4  }
0x1db: {  	v25 =	vand.u32 $0xFFFF0000, v48;
	v38 =	vmul.f32 v39, v31;
	v40 =	vmul.f32 v34, v26;
	[tilespmem:v4+s17+$0xFFFFFE40] =	vst.idx.msk $0xffff, v51  }
0x1dc: {  	v44 =	vand.u32 $0xFFFF0000, v50;
	v42 =	vmul.f32 v45, v27;
	v34 =	vmul.f32 v25, v26;
	[tilespmem:v0+s3+$0x0] =	vst.idx.msk $0xffff, v41  }
0x1dd: {  	v33 =	vmul.f32 v37, v27;
	v37 =	vmul.f32 v47, v30;
	v41 =	vshll.u32 v32, $0x10;
	[tilespmem:v4+s17+$0xFFFFFF40] =	vst.idx.msk $0xffff, v52  }
0x1de: {  	s12 =	sadd.s32 $0x100, s12;
	v45 =	vmul.f32 v49, v20;
	v20 =	vand.u32 $0xFFFF0000, v46;
	v39 =	vmul.f32 v54, v30;
	s3 =	sadd.s32 $0x200, s3;
	[tilespmem:v5+s17+$0xFFFFFEC0] =	vst.idx.msk $0xffff, v28  }
0x1df: {  	_ =	sdelay $0x3  }
0x1e0: {  	[tilespmem:v0+s19+$0xFFFFFEC0] =	vst.idx.msk $0xffff, v43  }
0x1e1: {  	[tilespmem:v5+s17+$0xFFFFFFC0] =	vst.idx.msk $0xffff, v35  }
0x1e2: {  	[tilespmem:v0+s19+$0xFFFFFE80] =	vst.idx.msk $0xffff, v42  }
0x1e3: {  	[tilespmem:v0+s19+$0xFFFFFF00] =	vst.idx.msk $0xffff, v40  }
0x1e4: {  	[tilespmem:v0+s19+$0xFFFFFF40] =	vst.idx.msk $0xffff, v37  }
0x1e5: {  	v6 =	vmul.f32 v20, v16;
	[tilespmem:v3+s19+$0x0] =	vst.idx.msk $0xffff, v38  }
0x1e6: {  	[tilespmem:v0+s19+$0xFFFFFFC0] =	vst.idx.msk $0xffff, v29  }
0x1e7: {  	[tilespmem:v5+s17+$0xFFFFFF40] =	vst.idx.msk $0xffff, v6;
	v6 =	vmul.f32 v36, v14  }
0x1e8: {  	[tilespmem:v3+s19+$0xFFFFFE40] =	vst.idx.msk $0xffff, v21  }
0x1e9: {  	[tilespmem:v5+s17+$0xFFFFFF00] =	vst.idx.msk $0xffff, v6;
	v6 =	vand.u32 $0xFFFF0000, v19  }
0x1ea: {  	[tilespmem:v3+s19+$0xFFFFFF00] =	vst.idx.msk $0xffff, v34;
	v6 =	vmul.f32 v6, v23  }
0x1eb: {  	v7 =	vmul.f32 v44, v15;
	[tilespmem:v5+s17+$0xFFFFFE40] =	vst.idx.msk $0xffff, v45;
	v9 =	vld [tilespmem:s18+$0xFFFFFFF0]  }
0x1ec: {  	[tilespmem:v3+s19+$0xFFFFFEC0] =	vst.idx.msk $0xffff, v6;
	v6 =	vld [tilespmem:s18+$0x70]  }
0x1ed: {  	v10 =	vmul.f32 v41, v17;
	v12 =	vand.u32 $0xFFFF0000, v32;
	[tilespmem:v5+s17+$0xFFFFFE80] =	vst.idx.msk $0xffff, v7;
	v7 =	vld [tilespmem:s18+$0xFFFFFFD0]  }
0x1ee: {  	[tilespmem:v3+s19+$0xFFFFFFC0] =	vst.idx.msk $0xffff, v24;
	v12 =	vmul.f32 v12, v17  }
0x1ef: {  	v8 =	vld [tilespmem:s18+$0x50];
	[tilespmem:v4+s19+$0xFFFFFF80] =	vst.idx.msk $0xffff, v10  }
0x1f0: {  	v14 =	vld [tilespmem:s18+$0xFFFFFF90];
	[tilespmem:v5+s19+$0xFFFFFF80] =	vst.idx.msk $0xffff, v12;
	v12 =	vshll.u32 v9, $0x10  }
0x1f1: {  	[tilespmem:v3+s19+$0xFFFFFF40] =	vst.idx.msk $0xffff, v39;
	v12 =	vmul.f32 v12, v26;
	v11 =	vshll.u32 v6, $0x10  }
0x1f2: {  	[tilespmem:v3+s19+$0xFFFFFE80] =	vst.idx.msk $0xffff, v33;
	v10 =	vld [tilespmem:s18+$0x10];
	v11 =	vmul.f32 v11, v31;
	v15 =	vshll.u32 v7, $0x10  }
0x1f3: {  	[tilespmem:v4+s19+$0xFFFFFF00] =	vst.idx.msk $0xffff, v12;
	v6 =	vand.u32 $0xFFFF0000, v6;
	v15 =	vmul.f32 v15, v23  }
0x1f4: {  	v13 =	vld [tilespmem:s18+$0xFFFFFFB0];
	v6 =	vmul.f32 v6, v31;
	[tilespmem:v4+s19+$0x0] =	vst.idx.msk $0xffff, v11;
	v11 =	vshll.u32 v8, $0x10  }
0x1f5: {  	v11 =	vmul.f32 v11, v22;
	[tilespmem:v4+s19+$0xFFFFFEC0] =	vst.idx.msk $0xffff, v15;
	v15 =	vshll.u32 v14, $0x10  }
0x1f6: {  	[tilespmem:v5+s19+$0x0] =	vst.idx.msk $0xffff, v6;
	v6 =	vand.u32 $0xFFFF0000, v7;
	v12 =	vmul.f32 v15, v18  }
0x1f7: {  	v15 =	vshll.u32 v10, $0x10;
	v6 =	vmul.f32 v6, v23;
	[tilespmem:v4+s19+$0xFFFFFFC0] =	vst.idx.msk $0xffff, v11  }
0x1f8: {  	v8 =	vand.u32 $0xFFFF0000, v8;
	v7 =	vmul.f32 v15, v30;
	[tilespmem:v4+s19+$0xFFFFFE40] =	vst.idx.msk $0xffff, v12  }
0x1f9: {  	v8 =	vmul.f32 v8, v22;
	v11 =	vshll.u32 v13, $0x10;
	[tilespmem:v5+s19+$0xFFFFFEC0] =	vst.idx.msk $0xffff, v6  }
0x1fa: {  	v11 =	vmul.f32 v11, v27;
	[tilespmem:v4+s19+$0xFFFFFF40] =	vst.idx.msk $0xffff, v7;
	v7 =	vand.u32 $0xFFFF0000, v10  }
0x1fb: {  	[tilespmem:v5+s19+$0xFFFFFFC0] =	vst.idx.msk $0xffff, v8;
	v10 =	vand.u32 $0xFFFF0000, v14;
	v6 =	vmul.f32 v7, v30  }
0x1fc: {  	[tilespmem:v4+s19+$0xFFFFFE80] =	vst.idx.msk $0xffff, v11;
	v7 =	vand.u32 $0xFFFF0000, v13;
	v10 =	vmul.f32 v10, v18  }
0x1fd: {  	s0 =	sadd.s32 $0x2, s10;
	s14 =	sshll.u32 s9, $0xA;
	v8 =	vand.u32 $0xFFFF0000, v9;
	v7 =	vmul.f32 v7, v27;
	[tilespmem:v5+s19+$0xFFFFFF40] =	vst.idx.msk $0xffff, v6  }
0x1fe: {  	s2 =	simm.s32 $0x1;
	s12 =	simm.s32 $0x6;
	p1 =	sge.u32 s0, s7;
	v6 =	vmul.f32 v8, v26;
	[tilespmem:v5+s19+$0xFFFFFE40] =	vst.idx.msk $0xffff, v10  }
0x1ff: {  	s11 =	simm.s32 $0x3;
	s13 =	simm.s32 $0x4;
	s0 =	sshll.u32 @!p1 s0, $0x7;
	[tilespmem:v5+s19+$0xFFFFFE80] =	vst.idx.msk $0xffff, v7  }
0x200: {  	s3 =	simm.s32 @!p1 $0x80;
	s4 =	simm.s32 @!p1 $0x9000;
	s0 =	sand.u32 @!p1 $0x3FFFFF80, s0;
	[tilespmem:v5+s19+$0xFFFFFF00] =	vst.idx.msk $0xffff, v6  }
0x201: {  	v20 =	vmov s11;
	[tilespmem:s4], [sflag:$0x1] =	stream.indirect.gather @!p1 [hbm4b:s6+s3], $0x20, s0, s3, $0xb8;
	[tilespmem:$0x1B000] =	vst v63  }
0x202: {  	v16 =	vmov s2;
	s2 =	simm.s32 $0xA;
	v20 =	vshrl.u32 v20, $0x3;
	s17 =	sor.u32 $0x1, s10;
	v19 =	vmov s13;
	s0 =	sshra.s32 s14, $0x2  }
0x203: {  	v16 =	vshrl.u32 v16, $0x3;
	v53 =	vmov s2;
	s13 =	simm.s32 $0xF;
	v19 =	vshrl.u32 v19, $0x3;
	s18 =	simm.s32 $0x5;
	s0 =	sadd.s32 $0x3000, s0  }
0x204: {  	v54 =	vmov s13;
	v19 =	vshll.u32 v19, v2;
	v12 =	vmov s18;
	[spmem:s1] =	stream.indirect.scatter.add.f32 [tilespmem:s29], [sflag:$0x3], $0x40, s0, s24, $0xb8;
	[tilespmem:$0x1B000] =	vst v63  }
0x205: {  	s15 =	sshll.u32 s17, $0x7;
	v61 =	vshrl.u32 v54, $0x3;
	v13 =	vshrl.u32 v12, $0x3;
	v18 =	vmov s12;
	_ =	swait.ge [sflag:s30], $0x1000  }
0x206: {  	v15 =	vshll.u32 v13, v2;
	v18 =	vshrl.u32 v18, $0x3;
	v6 =	vmov s15;
	[sflag:s30] =	ssyncset.done $0x0  }
0x207: {  	v18 =	vshll.u32 v18, v2;
	v7 =	vor.u32 $0x1, v6;
	v11 =	vor.u32 $0x5, v6;
	s0 =	simm.s32 @!p0 $0x4;
	[sflag:s30] =	ssyncadd.s32 $0xFFFFF000  }
0x208: {  	s19 =	simm.s32 $0x0;
	v8 =	vor.u32 $0x2, v6;
	v9 =	vor.u32 $0x3, v6;
	v15 =	vadd.s32 v15, v11;
	_ =	swait.ge @!p0 [sflag:s0], $0x2000  }
0x209: {  	v14 =	vmov s19;
	v12 =	vor.u32 $0x6, v6;
	v15 =	vbroadcast v15, $0x0;
	[sflag:s0] =	ssyncset.done @!p0 $0x0  }
0x20a: {  	v10 =	vor.u32 $0x4, v6;
	s3 =	simm.s32 $0xA080;
	v14 =	vshrl.u32 v14, $0x3;
	v18 =	vadd.s32 v18, v12;
	[sflag:s0] =	ssyncadd.s32 @!p0 $0xFFFFE000  }
0x20b: {  	s15 =	simm.s32 $0xD;
	v13 =	vor.u32 $0x7, v6;
	s4 =	simm.s32 $0x2;
	v14 =	vshll.u32 v14, v2;
	v18 =	vbroadcast v18, $0x0;
	v21 =	vld [tilespmem:s3+$0x60]  }
0x20c: {  	s14 =	simm.s32 $0x7;
	v51 =	vmov s15;
	v17 =	vmov s4;
	v14 =	vadd.s32 v6, v14;
	v23 =	vld [tilespmem:s3+$0xFFFFFFA0]  }
0x20d: {  	s19 =	simm.s32 $0x9;
	s15 =	simm.s32 $0xE;
	v22 =	vmov s14;
	v19 =	vadd.s32 v19, v10;
	v14 =	vbroadcast v14, $0x0;
	v24 =	vld [tilespmem:s3+$0x20]  }
0x20e: {  	v52 =	vmov s19;
	v38 =	vshrl.u32 v51, $0x3;
	v60 =	vmov s15;
	v26 =	vld [tilespmem:s3+$0x0]  }
0x20f: {  	v17 =	vshrl.u32 v17, $0x3;
	v22 =	vshrl.u32 v22, $0x3;
	v19 =	vbroadcast v19, $0x0;
	v27 =	vld.idx.msk [tilespmem:v15+s22+$0x0], $0xffff  }
0x210: {  	s14 =	simm.s32 $0x8;
	v38 =	vshll.u32 v38, v2;
	v55 =	vshrl.u32 v52, $0x3;
	v17 =	vshll.u32 v17, v2;
	v31 =	vld [tilespmem:s3+$0x40]  }
0x211: {  	v56 =	vmov s14;
	v22 =	vshll.u32 v22, v2;
	v17 =	vadd.s32 v17, v8;
	v25 =	vld.idx.msk [tilespmem:v18+s22+$0x0], $0xffff  }
0x212: {  	v15 =	vbroadcast v17, $0x0;
	v17 =	vadd.s32 v22, v13;
	v22 =	vshll.u32 v20, v2;
	v18 =	vld [tilespmem:s3+$0xFFFFFFE0]  }
0x213: {  	v20 =	vld.idx.msk [tilespmem:v14+s22+$0x0], $0xffff;
	v14 =	vshll.u32 v16, v2;
	v16 =	vadd.s32 v22, v9;
	v17 =	vbroadcast v17, $0x0  }
0x214: {  	s19 =	simm.s32 $0xA180;
	v38 =	vadd.s32 v38, v11;
	v29 =	vld [tilespmem:s3+$0xFFFFFFC0];
	v14 =	vadd.s32 v14, v7;
	v16 =	vbroadcast v16, $0x0  }
0x215: {  	v57 =	vshll.u32 v55, v2;
	v58 =	vshrl.u32 v56, $0x3;
	v42 =	vld [tilespmem:s19+$0x60];
	v30 =	vbroadcast v14, $0x0  }
0x216: {  	v22 =	vld [tilespmem:s3+$0xFFFFFF80];
	v14 =	vshll.u32 v24, $0x10;
	v44 =	vand.u32 $0xFFFF0000, v21;
	v46 =	vshll.u32 v26, $0x10  }
0x217: {  	v39 =	vld [tilespmem:s19+$0xFFFFFFA0];
	v47 =	vand.u32 $0xFFFF0000, v31;
	v31 =	vshll.u32 v31, $0x10;
	v21 =	vshll.u32 v21, $0x10  }
0x218: {  	v48 =	vshll.u32 v18, $0x10;
	v18 =	vand.u32 $0xFFFF0000, v18;
	v28 =	vld.idx.msk [tilespmem:v15+s22+$0x0], $0xffff;
	v43 =	vmul.f32 v14, v27  }
0x219: {  	s18 =	simm.s32 $0xD1C0;
	v15 =	vand.u32 $0xFFFF0000, v24;
	v32 =	vmul.f32 v47, v25;
	v31 =	vmul.f32 v31, v25;
	v24 =	vld.idx.msk [tilespmem:v17+s22+$0x0], $0xffff  }
0x21a: {  	v26 =	vand.u32 $0xFFFF0000, v26;
	v17 =	vand.u32 $0xFFFF0000, v23;
	v45 =	vmul.f32 v15, v27;
	v14 =	vld.idx.msk [tilespmem:v16+s22+$0x0], $0xffff;
	[tilespmem:v0+s18+$0xFFFFFF80] =	vst.idx.msk $0xffff, v43  }
0x21b: {  	v23 =	vshll.u32 v23, $0x10;
	v16 =	vshll.u32 v22, $0x10;
	v22 =	vand.u32 $0xFFFF0000, v22;
	[tilespmem:v0+s18+$0xFFFFFFC0] =	vst.idx.msk $0xffff, v31;
	v15 =	vld.idx.msk [tilespmem:v30+s22+$0x0], $0xffff  }
0x21c: {  	v30 =	vmul.f32 v16, v20;
	v16 =	vld.idx.msk [tilespmem:v19+s22+$0x0], $0xffff;
	v19 =	vmul.f32 v22, v20;
	v22 =	vshll.u32 v29, $0x10  }
0x21d: {  	s11 =	simm.s32 $0xC;
	[tilespmem:v3+s18+$0xFFFFFF80] =	vst.idx.msk $0xffff, v45;
	v29 =	vand.u32 $0xFFFF0000, v29;
	v45 =	vand.u32 $0xFFFF0000, v39;
	v39 =	vshll.u32 v39, $0x10  }
0x21e: {  	v22 =	vmul.f32 v22, v28;
	[tilespmem:v0+s18+$0xFFFFFE40] =	vst.idx.msk $0xffff, v30;
	v30 =	vmov s11;
	v29 =	vmul.f32 v29, v28  }
0x21f: {  	v34 =	vld [tilespmem:s3+$0x30];
	v21 =	vmul.f32 v21, v24;
	v33 =	vmul.f32 v44, v24;
	[tilespmem:v3+s18+$0xFFFFFE40] =	vst.idx.msk $0xffff, v19;
	v19 =	vshrl.u32 v53, $0x3  }
0x220: {  	[tilespmem:v3+s18+$0xFFFFFFC0] =	vst.idx.msk $0xffff, v32;
	v44 =	vand.u32 $0xFFFF0000, v42;
	v36 =	vmul.f32 v48, v14;
	v18 =	vmul.f32 v18, v14  }
0x221: {  	[tilespmem:v0+s18+$0xFFFFFEC0] =	vst.idx.msk $0xffff, v22;
	v22 =	vshrl.u32 v30, $0x3;
	v30 =	vbroadcast v38, $0x0;
	v23 =	vmul.f32 v23, v15  }
0x222: {  	s12 =	simm.s32 $0xB;
	v31 =	vld [tilespmem:s3+$0x50];
	v19 =	vshll.u32 v19, v2;
	v49 =	vmul.f32 v17, v15;
	v17 =	vmul.f32 v46, v16  }
0x223: {  	v59 =	vld [tilespmem:s19+$0x20];
	v26 =	vmul.f32 v26, v16;
	[tilespmem:v0+s18+$0x0] =	vst.idx.msk $0xffff, v21;
	v21 =	vmov s12;
	v22 =	vshll.u32 v22, v2  }
0x224: {  	v19 =	vadd.s32 v19, v8;
	v50 =	vshll.u32 v34, $0x10;
	v34 =	vand.u32 $0xFFFF0000, v34;
	[tilespmem:v0+s18+$0xFFFFFF00] =	vst.idx.msk $0xffff, v36  }
0x225: {  	v54 =	vld [tilespmem:s19+$0xFFFFFFE0];
	v21 =	vshrl.u32 v21, $0x3;
	[tilespmem:v3+s18+$0x0] =	vst.idx.msk $0xffff, v33;
	v36 =	vadd.s32 v57, v7;
	v33 =	vshll.u32 v61, v2  }
0x226: {  	v55 =	vld [tilespmem:s3+$0xFFFFFF90];
	[tilespmem:v3+s18+$0xFFFFFEC0] =	vst.idx.msk $0xffff, v29;
	v22 =	vadd.s32 v22, v10;
	v56 =	vbroadcast v19, $0x0;
	v35 =	vmul.f32 v50, v27  }
0x227: {  	v63 =	vld [tilespmem:s3+$0xFFFFFFD0];
	v40 =	vand.u32 $0xFFFF0000, v31;
	[tilespmem:v0+s18+$0xFFFFFF40] =	vst.idx.msk $0xffff, v17;
	v27 =	vmul.f32 v34, v27;
	v17 =	vshll.u32 v58, v2  }
0x228: {  	v34 =	vld [tilespmem:s19+$0x0];
	v21 =	vshll.u32 v21, v2;
	[tilespmem:v0+s18+$0xFFFFFE80] =	vst.idx.msk $0xffff, v23;
	v23 =	vshll.u32 v59, $0x10;
	v58 =	vand.u32 $0xFFFF0000, v59  }
0x229: {  	v29 =	vld [tilespmem:s3+$0x70];
	v48 =	vbroadcast v36, $0x0;
	v17 =	vadd.s32 v6, v17;
	[tilespmem:v3+s18+$0xFFFFFF40] =	vst.idx.msk $0xffff, v26;
	v26 =	vshrl.u32 v60, $0x3  }
0x22a: {  	v19 =	vld [tilespmem:s19+$0xFFFFFFC0];
	[tilespmem:v3+s18+$0xFFFFFF00] =	vst.idx.msk $0xffff, v18;
	v60 =	vbroadcast v22, $0x0;
	v21 =	vadd.s32 v21, v9;
	v26 =	vshll.u32 v26, v2  }
0x22b: {  	v57 =	vld [tilespmem:s3+$0xFFFFFFF0];
	v62 =	vbroadcast v17, $0x0;
	[tilespmem:v4+s18+$0xFFFFFF80] =	vst.idx.msk $0xffff, v35;
	v51 =	vand.u32 $0xFFFF0000, v55;
	v26 =	vadd.s32 v26, v12  }
0x22c: {  	v35 =	vmul.f32 v40, v25;
	v17 =	vld.idx.msk [tilespmem:v30+s22+$0x0], $0xffff;
	v30 =	vadd.s32 v33, v13;
	v26 =	vbroadcast v26, $0x0  }
0x22d: {  	[tilespmem:v3+s18+$0xFFFFFE80] =	vst.idx.msk $0xffff, v49;
	v46 =	vld [tilespmem:s3+$0x10];
	v59 =	vshll.u32 v63, $0x10;
	v30 =	vbroadcast v30, $0x0;
	v41 =	vand.u32 $0xFFFF0000, v63  }
0x22e: {  	[tilespmem:v5+s18+$0xFFFFFF80] =	vst.idx.msk $0xffff, v27;
	v33 =	vld [tilespmem:s3+$0xFFFFFFB0];
	v18 =	vshll.u32 v29, $0x10;
	v49 =	vshll.u32 v34, $0x10;
	v27 =	vmul.f32 v59, v28  }
0x22f: {  	v61 =	vld [tilespmem:s19+$0xFFFFFF80];
	v29 =	vand.u32 $0xFFFF0000, v29;
	v59 =	vshll.u32 v19, $0x10;
	v47 =	vmul.f32 v18, v24  }
0x230: {  	v50 =	vld [tilespmem:s19+$0x40];
	v28 =	vmul.f32 v41, v28;
	v36 =	vand.u32 $0xFFFF0000, v57;
	v29 =	vmul.f32 v29, v24;
	[tilespmem:v4+s18+$0xFFFFFEC0] =	vst.idx.msk $0xffff, v27  }
0x231: {  	v18 =	vld.idx.msk [tilespmem:v62+s22+$0x0], $0xffff;
	v22 =	vmul.f32 v23, v17;
	v23 =	vshll.u32 v55, $0x10;
	[tilespmem:v4+s18+$0x0] =	vst.idx.msk $0xffff, v47;
	v62 =	vbroadcast v21, $0x0  }
0x232: {  	v21 =	vshll.u32 v31, $0x10;
	v38 =	vmul.f32 v58, v17;
	v52 =	vmul.f32 v23, v20;
	v23 =	vld.idx.msk [tilespmem:v56+s22+$0x0], $0xffff  }
0x233: {  	s4 =	simm.s32 $0xD3C0;
	v53 =	vshll.u32 v46, $0x10;
	v58 =	vshll.u32 v33, $0x10;
	[tilespmem:v5+s18+$0xFFFFFEC0] =	vst.idx.msk $0xffff, v28;
	v21 =	vmul.f32 v21, v25;
	v31 =	vld.idx.msk [tilespmem:v30+s22+$0x0], $0xffff  }
0x234: {  	v56 =	vand.u32 $0xFFFF0000, v34;
	v34 =	vmul.f32 v58, v15;
	[tilespmem:v0+s4+$0xFFFFFF80] =	vst.idx.msk $0xffff, v22;
	v22 =	vld.idx.msk [tilespmem:v26+s22+$0x0], $0xffff;
	v26 =	vshll.u32 v57, $0x10  }
0x235: {  	v27 =	vand.u32 $0xFFFF0000, v61;
	v57 =	vand.u32 $0xFFFF0000, v50;
	v30 =	vld.idx.msk [tilespmem:v60+s22+$0x0], $0xffff;
	v63 =	vmul.f32 v26, v14;
	[tilespmem:v4+s18+$0xFFFFFFC0] =	vst.idx.msk $0xffff, v21  }
0x236: {  	v60 =	vshll.u32 v50, $0x10;
	v26 =	vshll.u32 v61, $0x10;
	[tilespmem:v3+s4+$0xFFFFFF80] =	vst.idx.msk $0xffff, v38;
	v21 =	vmul.f32 v27, v18;
	v27 =	vld.idx.msk [tilespmem:v48+s22+$0x0], $0xffff  }
0x237: {  	[tilespmem:v5+s18+$0x0] =	vst.idx.msk $0xffff, v29;
	v61 =	vshll.u32 v42, $0x10;
	v32 =	vld [tilespmem:s19+$0x30];
	v55 =	vmul.f32 v26, v18;
	v43 =	vmul.f32 v59, v23  }
0x238: {  	[tilespmem:v4+s18+$0xFFFFFE80] =	vst.idx.msk $0xffff, v34;
	v26 =	vld.idx.msk [tilespmem:v62+s22+$0x0], $0xffff;
	v62 =	vmul.f32 v53, v16;
	v37 =	vmul.f32 v61, v31  }
0x239: {  	v25 =	vand.u32 $0xFFFF0000, v54;
	[tilespmem:v4+s18+$0xFFFFFF00] =	vst.idx.msk $0xffff, v63;
	v24 =	vmul.f32 v57, v22;
	v29 =	vmul.f32 v60, v22  }
0x23a: {  	v63 =	vshll.u32 v54, $0x10;
	v38 =	vmul.f32 v44, v31;
	[tilespmem:v0+s4+$0x0] =	vst.idx.msk $0xffff, v37;
	v37 =	vmul.f32 v49, v30  }
0x23b: {  	[tilespmem:v4+s18+$0xFFFFFE40] =	vst.idx.msk $0xffff, v52;
	v44 =	vand.u32 $0xFFFF0000, v33;
	v42 =	vmul.f32 v39, v27;
	v33 =	vmul.f32 v45, v27  }
0x23c: {  	[tilespmem:v0+s4+$0xFFFFFE40] =	vst.idx.msk $0xffff, v55;
	v41 =	vshll.u32 v32, $0x10;
	v39 =	vmul.f32 v56, v30;
	v45 =	vmul.f32 v51, v20  }
0x23d: {  	s13 =	simm.s32 $0xA280;
	s12 =	simm.s32 $0xD5C0;
	s3 =	simm.s32 $0x10;
	[tilespmem:v4+s18+$0xFFFFFF40] =	vst.idx.msk $0xffff, v62;
	v20 =	vand.u32 $0xFFFF0000, v46;
	v40 =	vmul.f32 v63, v26;
	v34 =	vmul.f32 v25, v26  }
.LBB2_13:
0x23e: {  	s0 =	sadd.s32 $0x1, s3;
	[tilespmem:v0+s4+$0xFFFFFEC0] =	vst.idx.msk $0xffff, v43;
	v43 =	vand.u32 $0xFFFF0000, v32;
	v36 =	vmul.f32 v36, v14;
	v46 =	vmul.f32 v20, v16  }
0x23f: {  	s11 =	sadd.s32 $0x2, s3;
	s14 =	sadd.s32 $0x3, s3;
	v20 =	vmovc v18;
	v25 =	vmovc v22;
	v28 =	vmov v23;
	v32 =	vmov v31;
	v14 =	vmov v26;
	s15 =	smov.u32 s3  }
0x240: {  	s2 =	sadd.s32 $0x6, s3;
	v23 =	vmul.f32 v44, v15;
	v15 =	vmovc v27;
	v16 =	vmovc v30;
	v18 =	vmov s0;
	v22 =	vmov s11;
	s0 =	sadd.s32 $0x4, s3;
	s11 =	sadd.s32 $0x5, s3;
	[tilespmem:v5+s18+$0xFFFFFFC0] =	vst.idx.msk $0xffff, v35  }
0x241: {  	p0 =	slt.u32 s3, $0x78;
	v19 =	vand.u32 $0xFFFF0000, v19;
	s3 =	sadd.s32 $0x8, s3;
	v26 =	vmov s0;
	v27 =	vmov s11;
	s0 =	sadd.s32 $0x7, s15;
	[tilespmem:v5+s18+$0xFFFFFF40] =	vst.idx.msk $0xffff, v46  }
0x242: {  	v30 =	vmov s14;
	v27 =	vshrl.u32 v27, $0x3;
	v31 =	vmov s0;
	[tilespmem:v5+s18+$0xFFFFFE40] =	vst.idx.msk $0xffff, v45  }
0x243: {  	v30 =	vshrl.u32 v30, $0x3;
	v26 =	vshrl.u32 v26, $0x3;
	v27 =	vshll.u32 v27, v2;
	v35 =	vld [tilespmem:s13+$0x60];
	[tilespmem:v5+s18+$0xFFFFFE80] =	vst.idx.msk $0xffff, v23  }
0x244: {  	v19 =	vmul.f32 v19, v28;
	v18 =	vshrl.u32 v18, $0x3;
	v23 =	vadd.s32 v27, v11;
	[tilespmem:v5+s18+$0xFFFFFF00] =	vst.idx.msk $0xffff, v36;
	s18 =	smov.u32 s4;
	s4 =	smov.u32 s12  }
0x245: {  	v41 =	vmul.f32 v41, v17;
	v36 =	vmov s2;
	v27 =	vld [tilespmem:s13+$0xFFFFFFA0];
	v23 =	vbroadcast v23, $0x0;
	[tilespmem:v0+s18+$0xFFFFFE80] =	vst.idx.msk $0xffff, v42  }
0x246: {  	v18 =	vshll.u32 v18, v2;
	v42 =	vmov s15;
	[tilespmem:v0+s18+$0xFFFFFF00] =	vst.idx.msk $0xffff, v40;
	v40 =	vmul.f32 v43, v17  }
0x247: {  	v31 =	vshrl.u32 v31, $0x3;
	v17 =	vshrl.u32 v42, $0x3;
	v42 =	vld [tilespmem:s13+$0x20];
	[tilespmem:v0+s18+$0xFFFFFF40] =	vst.idx.msk $0xffff, v37  }
0x248: {  	v43 =	vadd.s32 v18, v7;
	v17 =	vshll.u32 v17, v2;
	v44 =	vld [tilespmem:s13+$0x0];
	[tilespmem:v3+s18+$0x0] =	vst.idx.msk $0xffff, v38  }
0x249: {  	v18 =	vshll.u32 v26, v2;
	v17 =	vadd.s32 v6, v17;
	[tilespmem:v3+s18+$0xFFFFFEC0] =	vst.idx.msk $0xffff, v19;
	v38 =	vld [tilespmem:s19+$0x70]  }
0x24a: {  	v26 =	vshll.u32 v31, v2;
	v19 =	vbroadcast v17, $0x0;
	v37 =	vand.u32 $0xFFFF0000, v27;
	v31 =	vld [tilespmem:s19+$0xFFFFFFD0];
	[tilespmem:v3+s18+$0xFFFFFF40] =	vst.idx.msk $0xffff, v39  }
0x24b: {  	v26 =	vadd.s32 v26, v13;
	v17 =	vld.idx.msk [tilespmem:v23+s22+$0x0], $0xffff;
	v23 =	vshrl.u32 v36, $0x3;
	[tilespmem:v3+s18+$0xFFFFFE40] =	vst.idx.msk $0xffff, v21  }
0x24c: {  	v21 =	vshrl.u32 v22, $0x3;
	v22 =	vadd.s32 v18, v10;
	v18 =	vshll.u32 v23, v2;
	v23 =	vld [tilespmem:s19+$0xFFFFFF90];
	[tilespmem:v0+s18+$0xFFFFFFC0] =	vst.idx.msk $0xffff, v29  }
0x24d: {  	v39 =	vand.u32 $0xFFFF0000, v35;
	v21 =	vshll.u32 v21, v2;
	v18 =	vadd.s32 v18, v12;
	v46 =	vld [tilespmem:s19+$0x10];
	[tilespmem:v3+s18+$0xFFFFFFC0] =	vst.idx.msk $0xffff, v24  }
0x24e: {  	v21 =	vadd.s32 v21, v8;
	v24 =	vbroadcast v18, $0x0;
	[tilespmem:v3+s18+$0xFFFFFF00] =	vst.idx.msk $0xffff, v34;
	v29 =	vld [tilespmem:s19+$0x50];
	v18 =	vshll.u32 v38, $0x10  }
0x24f: {  	v30 =	vshll.u32 v30, v2;
	v21 =	vbroadcast v21, $0x0;
	[tilespmem:v3+s18+$0xFFFFFE80] =	vst.idx.msk $0xffff, v33;
	v33 =	vld [tilespmem:s19+$0xFFFFFFF0];
	v34 =	vmul.f32 v18, v32  }
0x250: {  	v36 =	vshll.u32 v42, $0x10;
	v42 =	vand.u32 $0xFFFF0000, v42;
	v45 =	vshll.u32 v31, $0x10;
	v18 =	vld.idx.msk [tilespmem:v19+s22+$0x0], $0xffff;
	[tilespmem:v4+s18+$0xFFFFFF80] =	vst.idx.msk $0xffff, v41  }
0x251: {  	v41 =	vbroadcast v22, $0x0;
	v22 =	vmul.f32 v36, v17;
	v19 =	vld [tilespmem:s13+$0xFFFFFFC0];
	v36 =	vshll.u32 v23, $0x10;
	[tilespmem:v4+s18+$0x0] =	vst.idx.msk $0xffff, v34  }
0x252: {  	v30 =	vadd.s32 v30, v9;
	v43 =	vbroadcast v43, $0x0;
	v26 =	vbroadcast v26, $0x0;
	v34 =	vld [tilespmem:s13+$0xFFFFFF80];
	[tilespmem:v5+s18+$0xFFFFFF80] =	vst.idx.msk $0xffff, v40  }
0x253: {  	v30 =	vbroadcast v30, $0x0;
	v47 =	vshll.u32 v44, $0x10;
	[tilespmem:v0+s12+$0xFFFFFF80] =	vst.idx.msk $0xffff, v22;
	v40 =	vld [tilespmem:s13+$0x40];
	v48 =	vshll.u32 v29, $0x10  }
0x254: {  	v42 =	vmul.f32 v42, v17;
	v45 =	vmul.f32 v45, v28;
	v49 =	vand.u32 $0xFFFF0000, v23;
	v50 =	vld [tilespmem:s19+$0xFFFFFFB0];
	s19 =	smov.u32 s13  }
0x255: {  	v51 =	vmul.f32 v36, v20;
	v52 =	vshll.u32 v46, $0x10;
	v22 =	vld.idx.msk [tilespmem:v24+s22+$0x0], $0xffff;
	v24 =	vshll.u32 v33, $0x10  }
0x256: {  	v53 =	vand.u32 $0xFFFF0000, v31;
	v23 =	vld.idx.msk [tilespmem:v21+s22+$0x0], $0xffff;
	v24 =	vmul.f32 v24, v14;
	v21 =	vmul.f32 v48, v25  }
0x257: {  	v36 =	vand.u32 $0xFFFF0000, v33;
	v33 =	vand.u32 $0xFFFF0000, v29;
	v31 =	vshll.u32 v34, $0x10;
	v48 =	vld [tilespmem:s13+$0xFFFFFFE0];
	[tilespmem:v4+s18+$0xFFFFFEC0] =	vst.idx.msk $0xffff, v45  }
0x258: {  	v29 =	vand.u32 $0xFFFF0000, v34;
	v45 =	vshll.u32 v27, $0x10;
	v34 =	vmul.f32 v31, v18;
	v31 =	vld.idx.msk [tilespmem:v26+s22+$0x0], $0xffff;
	[tilespmem:v4+s18+$0xFFFFFFC0] =	vst.idx.msk $0xffff, v21  }
0x259: {  	v54 =	vand.u32 $0xFFFF0000, v44;
	v21 =	vmul.f32 v29, v18;
	v26 =	vld.idx.msk [tilespmem:v30+s22+$0x0], $0xffff;
	[tilespmem:v4+s18+$0xFFFFFF00] =	vst.idx.msk $0xffff, v24;
	v24 =	vand.u32 $0xFFFF0000, v38  }
0x25a: {  	v29 =	vand.u32 $0xFFFF0000, v40;
	v38 =	vshll.u32 v50, $0x10;
	v27 =	vld.idx.msk [tilespmem:v43+s22+$0x0], $0xffff;
	[tilespmem:v3+s12+$0xFFFFFF80] =	vst.idx.msk $0xffff, v42;
	v42 =	vmul.f32 v24, v32  }
0x25b: {  	v32 =	vshll.u32 v19, $0x10;
	v24 =	vmul.f32 v29, v22;
	v38 =	vmul.f32 v38, v15;
	v30 =	vld.idx.msk [tilespmem:v41+s22+$0x0], $0xffff  }
0x25c: {  	v28 =	vmul.f32 v53, v28;
	v29 =	vshll.u32 v40, $0x10;
	v43 =	vmul.f32 v32, v23;
	v32 =	vld [tilespmem:s13+$0x30];
	[tilespmem:v5+s18+$0x0] =	vst.idx.msk $0xffff, v42  }
0x25d: {  	v35 =	vshll.u32 v35, $0x10;
	v52 =	vmul.f32 v52, v16;
	v29 =	vmul.f32 v29, v22;
	[tilespmem:v4+s18+$0xFFFFFE80] =	vst.idx.msk $0xffff, v38  }
.Ltmp5:
0x25e: {  	v41 =	vmul.f32 v35, v31;
	v35 =	vmul.f32 v33, v25;
	[tilespmem:v0+s12+$0xFFFFFE40] =	vst.idx.msk $0xffff, v34;
	v34 =	vshll.u32 v48, $0x10;
	(pc) =	sbr.rel @p0 .LBB2_13-.Ltmp5, $4  }
0x25f: {  	v25 =	vand.u32 $0xFFFF0000, v48;
	v38 =	vmul.f32 v39, v31;
	v40 =	vmul.f32 v34, v26;
	[tilespmem:v4+s18+$0xFFFFFE40] =	vst.idx.msk $0xffff, v51  }
0x260: {  	v44 =	vand.u32 $0xFFFF0000, v50;
	v42 =	vmul.f32 v45, v27;
	v34 =	vmul.f32 v25, v26;
	[tilespmem:v0+s12+$0x0] =	vst.idx.msk $0xffff, v41  }
0x261: {  	v33 =	vmul.f32 v37, v27;
	v37 =	vmul.f32 v47, v30;
	v41 =	vshll.u32 v32, $0x10;
	[tilespmem:v4+s18+$0xFFFFFF40] =	vst.idx.msk $0xffff, v52  }
0x262: {  	s13 =	sadd.s32 $0x100, s13;
	v45 =	vmul.f32 v49, v20;
	v20 =	vand.u32 $0xFFFF0000, v46;
	v39 =	vmul.f32 v54, v30;
	s12 =	sadd.s32 $0x200, s12;
	[tilespmem:v5+s18+$0xFFFFFEC0] =	vst.idx.msk $0xffff, v28  }
0x263: {  	_ =	sdelay $0x3  }
0x264: {  	[tilespmem:v0+s4+$0xFFFFFEC0] =	vst.idx.msk $0xffff, v43  }
0x265: {  	[tilespmem:v5+s18+$0xFFFFFFC0] =	vst.idx.msk $0xffff, v35  }
0x266: {  	[tilespmem:v0+s4+$0xFFFFFE80] =	vst.idx.msk $0xffff, v42  }
0x267: {  	[tilespmem:v0+s4+$0xFFFFFF00] =	vst.idx.msk $0xffff, v40  }
0x268: {  	[tilespmem:v0+s4+$0xFFFFFF40] =	vst.idx.msk $0xffff, v37  }
0x269: {  	[tilespmem:v3+s4+$0x0] =	vst.idx.msk $0xffff, v38  }
0x26a: {  	[tilespmem:v0+s4+$0xFFFFFFC0] =	vst.idx.msk $0xffff, v29  }
0x26b: {  	v6 =	vmul.f32 v20, v16;
	[tilespmem:v3+s4+$0xFFFFFE40] =	vst.idx.msk $0xffff, v21  }
0x26c: {  	[tilespmem:v5+s18+$0xFFFFFE40] =	vst.idx.msk $0xffff, v45  }
0x26d: {  	[tilespmem:v5+s18+$0xFFFFFF40] =	vst.idx.msk $0xffff, v6;
	v6 =	vmul.f32 v36, v14  }
0x26e: {  	[tilespmem:v3+s4+$0xFFFFFF00] =	vst.idx.msk $0xffff, v34  }
0x26f: {  	v53 =	vld [tilespmem:s19+$0xFFFFFF90];
	[tilespmem:v5+s18+$0xFFFFFF00] =	vst.idx.msk $0xffff, v6;
	v6 =	vand.u32 $0xFFFF0000, v19  }
0x270: {  	[tilespmem:v3+s4+$0xFFFFFFC0] =	vst.idx.msk $0xffff, v24;
	v9 =	vld [tilespmem:s19+$0xFFFFFFF0];
	v6 =	vmul.f32 v6, v23  }
0x271: {  	v7 =	vmul.f32 v44, v15;
	[tilespmem:v3+s4+$0xFFFFFF40] =	vst.idx.msk $0xffff, v39  }
0x272: {  	[tilespmem:v3+s4+$0xFFFFFEC0] =	vst.idx.msk $0xffff, v6;
	v6 =	vld [tilespmem:s19+$0x70]  }
0x273: {  	v10 =	vmul.f32 v41, v17;
	v12 =	vand.u32 $0xFFFF0000, v32;
	[tilespmem:v5+s18+$0xFFFFFE80] =	vst.idx.msk $0xffff, v7;
	v7 =	vld [tilespmem:s19+$0xFFFFFFD0]  }
0x274: {  	[tilespmem:v3+s4+$0xFFFFFE80] =	vst.idx.msk $0xffff, v33;
	v12 =	vmul.f32 v12, v17;
	v59 =	vshll.u32 v53, $0x10  }
0x275: {  	v8 =	vld [tilespmem:s19+$0x50];
	[tilespmem:v4+s4+$0xFFFFFF80] =	vst.idx.msk $0xffff, v10;
	v57 =	vshll.u32 v9, $0x10;
	v60 =	vmul.f32 v59, v18  }
0x276: {  	v55 =	vld [tilespmem:s19+$0x10];
	[tilespmem:v5+s4+$0xFFFFFF80] =	vst.idx.msk $0xffff, v12;
	v62 =	vand.u32 $0xFFFF0000, v53;
	v12 =	vmul.f32 v57, v26  }
0x277: {  	v10 =	vmul.f32 v62, v18;
	[tilespmem:v4+s4+$0xFFFFFE40] =	vst.idx.msk $0xffff, v60;
	v11 =	vshll.u32 v6, $0x10  }
0x278: {  	[tilespmem:v4+s4+$0xFFFFFF00] =	vst.idx.msk $0xffff, v12;
	v11 =	vmul.f32 v11, v31;
	v54 =	vshll.u32 v7, $0x10  }
0x279: {  	v13 =	vld [tilespmem:s19+$0xFFFFFFB0];
	[tilespmem:v5+s4+$0xFFFFFE40] =	vst.idx.msk $0xffff, v10;
	v6 =	vand.u32 $0xFFFF0000, v6;
	v15 =	vmul.f32 v54, v23  }
0x27a: {  	v56 =	vshll.u32 v8, $0x10;
	v6 =	vmul.f32 v6, v31;
	[tilespmem:v4+s4+$0x0] =	vst.idx.msk $0xffff, v11  }
0x27b: {  	v61 =	vshll.u32 v55, $0x10;
	v11 =	vmul.f32 v56, v22;
	[tilespmem:v4+s4+$0xFFFFFEC0] =	vst.idx.msk $0xffff, v15  }
0x27c: {  	v8 =	vand.u32 $0xFFFF0000, v8;
	[tilespmem:v5+s4+$0x0] =	vst.idx.msk $0xffff, v6;
	v6 =	vand.u32 $0xFFFF0000, v7;
	v7 =	vmul.f32 v61, v30  }
0x27d: {  	v8 =	vmul.f32 v8, v22;
	[tilespmem:v4+s4+$0xFFFFFFC0] =	vst.idx.msk $0xffff, v11  }
0x27e: {  	v58 =	vshll.u32 v13, $0x10;
	v6 =	vmul.f32 v6, v23;
	[tilespmem:v4+s4+$0xFFFFFF40] =	vst.idx.msk $0xffff, v7  }
0x27f: {  	v11 =	vmul.f32 v58, v27;
	v7 =	vand.u32 $0xFFFF0000, v55;
	[tilespmem:v5+s4+$0xFFFFFFC0] =	vst.idx.msk $0xffff, v8  }
0x280: {  	[tilespmem:v5+s4+$0xFFFFFEC0] =	vst.idx.msk $0xffff, v6;
	v6 =	vmul.f32 v7, v30;
	v7 =	vand.u32 $0xFFFF0000, v13  }
0x281: {  	s0 =	sadd.s32 $0x3, s10;
	v63 =	vand.u32 $0xFFFF0000, v9;
	[tilespmem:v4+s4+$0xFFFFFE80] =	vst.idx.msk $0xffff, v11;
	v7 =	vmul.f32 v7, v27  }
0x282: {  	p0 =	sge.u32 s0, s7;
	[tilespmem:v5+s4+$0xFFFFFF40] =	vst.idx.msk $0xffff, v6;
	v6 =	vmul.f32 v63, v26  }
0x283: {  	s9 =	sadd.s32 $0x1, s9;
	s0 =	sshll.u32 @!p0 s0, $0x7;
	[tilespmem:v5+s4+$0xFFFFFE80] =	vst.idx.msk $0xffff, v7  }
0x284: {  	s2 =	simm.s32 @!p0 $0x80;
	s3 =	simm.s32 @!p0 $0xA000;
	s0 =	sand.u32 @!p0 $0x3FFFFF80, s0;
	[tilespmem:v5+s4+$0xFFFFFF00] =	vst.idx.msk $0xffff, v6  }
0x285: {  	[tilespmem:s3], [sflag:$0x2] =	stream.indirect.gather @!p0 [hbm4b:s6+s2], $0x20, s0, s2, $0xb8;
	[tilespmem:$0x1B000] =	vst v63  }
0x286: {  	p0 =	sne.s32 s9, s16  }
.Ltmp6:
0x287: {  	_ = 	snop;
	(pc) =	sbr.rel @p0 .LBB2_10-.Ltmp6, $4  }
0x288: {  	s19 =	sshll.u32 s17, $0x9  }
0x289: {  	s0 =	sshra.s32 s19, $0x2  }
0x28a: {  	s0 =	sadd.s32 $0x3000, s0  }
0x28b: {  	[spmem:s1] =	stream.indirect.scatter.add.f32 [tilespmem:s31], [sflag:$0x4], $0x40, s0, s24, $0xb8;
	[tilespmem:$0x1B000] =	vst v63  }
0x28c: {  	s0 =	simm.s32 $0x3  }
0x28d: {  	_ =	swait.ge [sflag:s0], $0x2000  }
0x28e: {  	[sflag:s0] =	ssyncset.done $0x0  }
0x28f: {  	s18 =	simm.s32 $0x4;
	[sflag:s0] =	ssyncadd.s32 $0xFFFFE000  }
0x290: {  	_ =	swait.ge [sflag:s18], $0x2000  }
0x291: {  	[sflag:s18] =	ssyncset.done $0x0  }
0x292: {  	[sflag:s18] =	ssyncadd.s32 $0xFFFFE000  }
0x293: {  	[bflag:$0x0] =	sbarrier.arrive $0xFFFF  }
0x294: {  	s19 =	rddreg [dreg:$0xe]  }
0x295: {  	[hbm:s19], [sflag:s25] =	dma.local [spmem:s26], $0x1400  }
0x296: {  	_ =	swait.ge [sflag:s20], $0x1400  }
0x297: {  	s21 =	sadd.s32 $0x1, s21;
	s26 =	rddreg [dreg:$0xf]  }
0x298: {  	p0 =	sne.s32 s21, s26  }
.Ltmp7:
0x299: {  	_ = 	snop;
	(pc) =	sbr.rel @p0 .LBB2_1-.Ltmp7, $3  }
0x29a: {  	[sflag:s20] =	ssyncset.done $0x0  }
0x29b: {  	[sflag:s20] =	ssyncadd.s32 $0xFFFFEC00  }
0x29c: {  	[bflag:$0x0] =	sbarrier.arrive $0xFFFF;
	_ =	sdelay $0x1  }
0x29d: {  	_ =	sfence.sel $0x180000  }
0x29e: {  	[bflag:$0x0] =	sbarrier.arrive $0xFFFF  }
0x29f: {  	_ =	strace $0x9000004A  }
0x2a0: {  	s0 =	stileid.u32;
	[bflag:$0x2] =	sbarrier.arrive $0xFFFF  }
0x2a1: {  	p0 =	sne.s32 s0, $0x0;
	s0 =	rddreg [dreg:$0x3]  }
0x2a2: {  	s0 =	sadd.s32 @!p0 $0x100000, s0  }
0x2a3: {  	[sflag:s0] =	ssyncadd.tile.s32 @!p0 $0x1;
	_ =	shalt  }
.Lfunc_end2:
_tile_overlayer_lowered:
.L_overlay_start_2:
0x2a4: {  	(tag) =	ssettag $0x2  }
0x2a5: {  	s0 =	rddreg [dreg:$0x0];
	s2 =	stileid.u32  }
0x2a6: {  	s1 =	rddreg [dreg:$0x1];
	p0 =	sne.s32 s2, $0x0  }
0x2a7: {  	s3 =	rddreg [dreg:$0x2];
	[bflag:$0x3] =	sbarrier.arrive $0xFFFF;
	s2 =	simm.s32 @!p0 $0x1C05  }
0x2a8: {  	[timem:s3], [sflag:s2] =	dma.local @!p0 [hbm:s0], s1  }
0x2a9: {  	s0 =	simm.s32 @!p0 $0x5  }
0x2aa: {  	_ =	swait.ge @!p0 [sflag:s0], s1  }
0x2ab: {  	s1 =	ssub.s32 @!p0 $0x0, s1;
	[sflag:s0] =	ssyncset.done @!p0 $0x0  }
0x2ac: {  	[sflag:s0] =	ssyncadd.s32 @!p0 s1  }
0x2ad: {  	[bflag:$0x3] =	sbarrier.arrive $0xFFFF  }
0x2ae: {  	_ =	shalt  }

// kernel: kernel.16.cloned.1.call-start
scs
__scs_entry_jumppad:
0x0: {  	(pc) =	sbr.rel $0x88, $3  }
0x1: {  	(tag) =	ssettag $0x0;
	lr =	simm.s32 $0x1  }
0x2: {  	[smem:$0x3F96] =	sst lr;
	_ =	strace $0xD0000000  }
0x3: {  	_ = 	snop  }
0x4: {  	_ = 	snop  }
0x5: {  	_ = 	snop  }
0x6: {  	_ = 	snop  }
0x7: {  	_ = 	snop  }
__scs_overlays_trampoline_lowered:
0x8: {  	[smem:$0x3FA5] =	sst s0  }
0x9: {  	[smem:$0x3FA6] =	sst s1  }
0xa: {  	[smem:$0x3FA7] =	sst s2  }
0xb: {  	[smem:$0x3FA8] =	sst s3  }
0xc: {  	[smem:$0x3FA9] =	sst s4  }
0xd: {  	[smem:$0x3FAA] =	sst s5  }
0xe: {  	[smem:$0x3FAB] =	sst s6  }
0xf: {  	[smem:$0x3FAC] =	sst s7  }
0x10: {  	[smem:$0x3FAD] =	sst s8  }
0x11: {  	[smem:$0x3FAE] =	sst s9;
	s0 =	simm.s32 @!p0 $0x0  }
0x12: {  	s1 =	sld [smem:$0x3F94];
	s0 =	simm.s32 @p0 $0x1  }
0x13: {  	[smem:$0x3FAF] =	sst s0;
	s0 =	simm.s32 @!p1 $0x0  }
0x14: {  	s2 =	sld [smem:$0x3F93];
	s0 =	simm.s32 @p1 $0x1  }
0x15: {  	[smem:$0x3FB0] =	sst s0;
	s0 =	simm.s32 @!p2 $0x0  }
0x16: {  	s3 =	sld [smem:$0x3FDB];
	s0 =	simm.s32 @p2 $0x1  }
0x17: {  	s4 =	simm.s32 $0x1BF5;
	[smem:$0x3FB2] =	sst s0  }
0x18: {  	s0 =	sld [smem:$0x3F95];
	_ =	swait.ge [sflag:s4], $0x0  }
0x19: {  	s7 =	sld [smem:$0x3F96]  }
0x1a: {  	s8 =	sadd.s32 $0xFFFFE003, lr  }
0x1b: {  	s9 =	sadd.s32 $0xFFFFFEF7, lr;
	s5 =	simm.s32 $0xFFFFFFFF;
	p2 =	slt.u32 s8, $0xFFFFF086  }
0x1c: {  	p1 =	slt.u32 s9, $0xF7A;
	s5 =	simm.s32 @!p2 $0x0  }
0x1d: {  	s5 =	simm.s32 @p1 $0x1;
	p0 =	seq.s32 s7, s2  }
0x1e: {  	s7 =	smul.u32 @!p0 $0xF7A, s2;
	p2 =	seq.s32 @!p0 s5, $0x0  }
0x1f: {  	s9 =	smul.u32 $0xF7A, s1;
	s8 =	simm.s32 @!p0 $0x1BF5;
	p2 =	por !p2, p0  }
0x20: {  	[sflag:s8] =	ssyncset.s32 @!p0 $0xFFFFF086;
	s6 =	sadd.s32 @!p0 s3, s7;
	s7 =	simm.s32 @!p0 $0x108  }
0x21: {  	s3 =	sadd.s32 s3, s9;
	s6 =	sadd.s32 @!p0 $0x88, s6;
	s7 =	simm.s32 @p2 $0x1082  }
0x22: {  	[simem:s7], [sflag:s8] =	dma.local @!p0 [hbm:s6], $0xF7A  }
0x23: {  	s9 =	sor.u32 $0xD0000000, s2;
	s6 =	simm.s32 $0x108;
	_ =	swait.ge @!p0 [sflag:s8], $0x0  }
0x24: {  	s3 =	sadd.s32 $0x88, s3;
	s6 =	simm.s32 @!p1 $0x1082;
	[sflag:s4] =	ssyncset.s32 $0xFFFFF086  }
0x25: {  	[simem:s6], [sflag:s4] =	dma.local [hbm:s3], $0xF7A  }
0x26: {  	[smem:$0x3F96] =	sst s1;
	(tag) =	ssettag s2;
	_ =	strace s9  }
0x27: {  	s1 =	sld [smem:$0x3FA6]  }
0x28: {  	s2 =	sld [smem:$0x3FA7]  }
0x29: {  	s4 =	sld [smem:$0x3FA9]  }
0x2a: {  	p0 =	seq.s32 s5, $0x0;
	s5 =	sld [smem:$0x3FAA]  }
0x2b: {  	s6 =	sld [smem:$0x3FAB]  }
0x2c: {  	s7 =	sld [smem:$0x3FAC]  }
0x2d: {  	s3 =	simm.s32 $0x108;
	s8 =	sld [smem:$0x3FAD]  }
0x2e: {  	s3 =	simm.s32 @!p0 $0x1082;
	s9 =	sld [smem:$0x3FAE]  }
0x2f: {  	lr =	sadd.s32 s0, s3;
	s0 =	sld [smem:$0x3FA5]  }
0x30: {  	s3 =	sld [smem:$0x3FA8]  }
0x31: {  	[smem:$0x3FB1] =	sst s10  }
0x32: {  	s10 =	sld [smem:$0x3FAF];
	_ =	sdelay $0x3  }
0x33: {  	p0 =	seq.s32 s10, $0x1;
	s10 =	sld [smem:$0x3FB1];
	_ =	sdelay $0x3  }
0x34: {  	[smem:$0x3FB1] =	sst s10  }
0x35: {  	s10 =	sld [smem:$0x3FB0];
	_ =	sdelay $0x3  }
0x36: {  	p1 =	seq.s32 s10, $0x1;
	s10 =	sld [smem:$0x3FB1];
	_ =	sdelay $0x3  }
0x37: {  	[smem:$0x3FB1] =	sst s10  }
0x38: {  	s10 =	sld [smem:$0x3FB2]  }
0x39: {  	_ = 	snop;
	(pc) =	sbr.ind lr, $3  }
0x3a: {  	_ = 	snop  }
0x3b: {  	_ = 	snop  }
0x3c: {  	p2 =	seq.s32 s10, $0x1;
	s10 =	sld [smem:$0x3FB1]  }
0x3d: {  	_ =	shalt  }
0x3e: {  	_ =	shalt  }
0x3f: {  	_ =	shalt  }
0x40: {  	_ =	shalt  }
0x41: {  	_ =	shalt  }
0x42: {  	_ =	shalt  }
0x43: {  	_ =	shalt  }
0x44: {  	_ =	shalt  }
0x45: {  	_ =	shalt  }
0x46: {  	_ =	shalt  }
0x47: {  	_ =	shalt  }
0x48: {  	_ =	shalt  }
0x49: {  	_ =	shalt  }
0x4a: {  	_ =	shalt  }
0x4b: {  	_ =	shalt  }
0x4c: {  	_ =	shalt  }
0x4d: {  	_ =	shalt  }
0x4e: {  	_ =	shalt  }
0x4f: {  	_ =	shalt  }
0x50: {  	_ =	shalt  }
0x51: {  	_ =	shalt  }
0x52: {  	_ =	shalt  }
0x53: {  	_ =	shalt  }
0x54: {  	_ =	shalt  }
0x55: {  	_ =	shalt  }
0x56: {  	_ =	shalt  }
0x57: {  	_ =	shalt  }
0x58: {  	_ =	shalt  }
0x59: {  	_ =	shalt  }
0x5a: {  	_ =	shalt  }
0x5b: {  	_ =	shalt  }
0x5c: {  	_ =	shalt  }
0x5d: {  	_ =	shalt  }
0x5e: {  	_ =	shalt  }
0x5f: {  	_ =	shalt  }
0x60: {  	_ =	shalt  }
0x61: {  	_ =	shalt  }
0x62: {  	_ =	shalt  }
0x63: {  	_ =	shalt  }
0x64: {  	_ =	shalt  }
0x65: {  	_ =	shalt  }
0x66: {  	_ =	shalt  }
0x67: {  	_ =	shalt  }
0x68: {  	_ =	shalt  }
0x69: {  	_ =	shalt  }
0x6a: {  	_ =	shalt  }
0x6b: {  	_ =	shalt  }
0x6c: {  	_ =	shalt  }
0x6d: {  	_ =	shalt  }
0x6e: {  	_ =	shalt  }
0x6f: {  	_ =	shalt  }
0x70: {  	_ =	shalt  }
0x71: {  	_ =	shalt  }
0x72: {  	_ =	shalt  }
0x73: {  	_ =	shalt  }
0x74: {  	_ =	shalt  }
0x75: {  	_ =	shalt  }
0x76: {  	_ =	shalt  }
0x77: {  	_ =	shalt  }
0x78: {  	_ =	shalt  }
0x79: {  	_ =	shalt  }
0x7a: {  	_ =	shalt  }
0x7b: {  	_ =	shalt  }
0x7c: {  	_ =	shalt  }
0x7d: {  	_ =	shalt  }
0x7e: {  	_ =	shalt  }
0x7f: {  	_ =	shalt  }
0x80: {  	_ =	shalt  }
0x81: {  	_ =	shalt  }
0x82: {  	_ =	shalt  }
0x83: {  	_ =	shalt  }
0x84: {  	_ =	shalt  }
0x85: {  	_ =	shalt  }
0x86: {  	_ =	shalt  }
0x87: {  	_ =	shalt  }
.Lfunc_end0:
.L_simem_size_0:
called_computation.2_lowered:
.L_overlay_start_0:
0x88: {  	s2 =	sld [smem:$0x3FD9]  }
0x89: {  	s3 =	sld [smem:$0x3FFE];
	_ =	sdelay $0x1  }
0x8a: {  	s1 =	srdreg.scid  }
0x8b: {  	s0 =	sand.u32 $0x1, s1  }
0x8c: {  	s17 =	sshll.u32 s0, $0xA;
	s2 =	sadd.s32 s3, s2  }
0x8d: {  	s2 =	sadd.s32 s2, s17  }
0x8e: {  	[smem:$0x3FBD] =	sst s2  }
0x8f: {  	_ = 	snop  }
0x90: {  	s2 =	sld [smem:$0x3FD0];
	(tm) =	ssettm $0x1  }
0x91: {  	s18 =	sld [smem:$0x3FFB];
	_ =	sdelay $0x3  }
0x92: {  	_ =	strace s18  }
0x93: {  	s3 =	sld [smem:$0x3FFC];
	_ =	sdelay $0x3  }
0x94: {  	_ =	strace s3  }
0x95: {  	s3 =	sld [smem:$0x3FFD];
	_ =	sdelay $0x3  }
0x96: {  	_ =	strace s3  }
0x97: {  	_ =	strace $0x8FFFFFFF  }
0x98: {  	s19 =	sld [smem:$0x3FDB];
	_ =	sdelay $0x1  }
0x99: {  	s4 =	simm.s32 $_scs_section_size  }
0x9a: {  	s5 =	simm.s32 $_size__tile_overlayer_lowered;
	s6 =	simm.s32 $_tile_overlayer_lowered  }
0x9b: {  	s22 =	simm.s32 $0x1BFF;
	s21 =	sshll.u32 s6, $0x1;
	s3 =	sadd.s32 s4, s19  }
0x9c: {  	s7 =	simm.s32 $0x0;
	s20 =	sshll.u32 s5, $0x1;
	s5 =	sadd.s32 s21, s3  }
0x9d: {  	[timem:s7], [sflag:s22] =	dma.local [hbm:s5], s20  }
0x9e: {  	_ =	swait.ge [sflag:s22], s20  }
0x9f: {  	s4 =	ssub.s32 $0x0, s20;
	[sflag:s22] =	ssyncset.done $0x0  }
0xa0: {  	[sflag:s22] =	ssyncadd.s32 s4;
	_ =	sdelay $0x1  }
0xa1: {  	s23 =	simm.s32 $0x1B8B  }
0xa2: {  	_ =	swait.ge [sflag:s23], $0x1  }
0xa3: {  	[sflag:s23] =	ssyncset.done $0x0  }
0xa4: {  	s25 =	simm.s32 $0x1B8E;
	s24 =	sld [smem:$0x3FFE];
	[sflag:s23] =	ssyncadd.s32 $0xFFFFFFFF  }
0xa5: {  	s26 =	simm.s32 $execute0_lowered;
	[smem:$0x3FD2] =	sst s25  }
0xa6: {  	s5 =	sshll.u32 s26, $0x1;
	_ =	strace $0x8000004C;
	[dreg:$0x1] =	wrdreg $0xFFFFFFFF  }
0xa7: {  	s28 =	simm.s32 $_size_execute0_lowered;
	s3 =	sadd.s32 s3, s5;
	[dreg:$0x0] =	wrdreg $0x0  }
0xa8: {  	s5 =	sshll.u32 s28, $0x1;
	[dreg:$0x2] =	wrdreg s3  }
0xa9: {  	[dreg:$0x3] =	wrdreg s5  }
0xaa: {  	[dreg:$0x4] =	wrdreg $0xC0  }
0xab: {  	_ =	task [dreg:s7], $0x5FFFF  }
0xac: {  	[dreg:$0x1] =	wrdreg $0xFFFFFFFF  }
0xad: {  	[dreg:$0x0] =	wrdreg $0x60  }
0xae: {  	[dreg:$0x2] =	wrdreg s24  }
0xaf: {  	[dreg:$0x3] =	wrdreg s2  }
0xb0: {  	[dreg:$0x4] =	wrdreg $0x110000  }
0xb1: {  	[dreg:$0x5] =	wrdreg $0x9  }
0xb2: {  	_ =	task.clear_ibuf [dreg:s7], $0x6FFFF;
	_ =	strace $0x9000004C  }
0xb3: {  	s29 =	simm.s32 $0x9;
	_ =	strace $0x8000004E  }
0xb4: {  	_ =	swait.ge [sflag:s29], $0x1  }
0xb5: {  	[sflag:s29] =	ssyncadd.s32 $0xFFFFFFFF  }
0xb6: {  	_ =	strace $0x9000004E  }
0xb7: {  	_ =	sfence  }
0xb8: {  	s30 =	sld [smem:$0x0];
	_ =	sdelay $0x2  }
0xb9: {  	s31 =	sshll.u32 s1, $0xD;
	s1 =	sshrl.u32 s1, $0x2  }
0xba: {  	s3 =	sand.u32 $0x4000, s31;
	s1 =	sadd.s32 s1, s30  }
0xbb: {  	s0 =	sor.u32 s3, s0;
	s1 =	sshll.u32 s1, $0x11  }
0xbc: {  	s0 =	sor.u32 s1, s0  }
0xbd: {  	s0 =	sadd.s32 $0x8F2B, s0  }
0xbe: {  	[sflag:s0] =	ssyncadd.remote.s32 $0x1  }
0xbf: {  	_ =	sfence.sel $0xFFFF  }
0xc0: {  	[dreg:$0x0] =	wrdreg $0xFFFFFFFF;
	(pc) =	sbr.abs _section_cstart, $3  }
0xc1: {  	[dreg:$0x1] =	wrdreg $0xFFFFFFFF  }
0xc2: {  	_ =	task.clear_ibuf [dreg:s7], $0x2FFFF;
	_ =	strace $0x9FFFFFFF  }
0xc3: {  	(tm) =	ssettm $0x7FFFFFFF  }
tec
execute0_lowered:
.L_overlay_start_1:
0x0: {  	(tag) =	ssettag $0x1  }
0x1: {  	s0 =	rddreg [dreg:$0x0]  }
0x2: {  	s1 =	rddreg [dreg:$0x1]  }
0x3: {  	s2 =	rddreg [dreg:$0x2];
	s3 =	simm.s32 $0x0;
	s17 =	stileid.u32  }
0x4: {  	s4 =	srdreg.scid;
	s28 =	simm.s32 $0x2;
	s29 =	simm.s32 $0xD000  }
0x5: {  	s30 =	simm.s32 $0x3;
	s31 =	simm.s32 $0x4;
	s5 =	smul.u32 $0x60, s17  }
0x6: {  	[smem:$0x7FF] =	sst s3;
	s6 =	sand.u32 $0x1, s4;
	s7 =	smul.u32 $0xA000, s17  }
0x7: {  	s18 =	sshll.u32 s17, $0x6;
	s13 =	smul.u32 $0x28000, s17;
	p0 =	seq.s32 s6, $0x0  }
0x8: {  	[dreg:$0x4] =	wrdreg s18;
	s8 =	sadd.s32 $0x600, s18;
	s9 =	smul.u32 $0xA0000, s6  }
0x9: {  	s11 =	ssub.s32 $0x2, s6;
	s6 =	simm.s32 $0x60;
	s18 =	simm.s32 $0x5  }
0xa: {  	_ =	strace $0x8000004D;
	s8 =	smov.u32 @p0 s5;
	s5 =	sadd.s32 $0xC600, s0  }
0xb: {  	s12 =	sshrl.u32 s11, $0x1;
	s6 =	simm.s32 @!p0 $0x40;
	s21 =	sshrl.u32 s13, $0x2  }
0xc: {  	s8 =	sshll.u32 s8, $0x4;
	s9 =	sadd.s32 s7, s9;
	s19 =	ssub.s32 s11, s12  }
0xd: {  	s15 =	sshrl.u32 s6, $0x1;
	s10 =	sadd.s32 s8, s0;
	s1 =	sadd.s32 s1, s8  }
0xe: {  	s9 =	sshrl.u32 s9, $0x3;
	s26 =	smax.u32 s19, $0x1;
	[dreg:$0x6] =	wrdreg s1  }
0xf: {  	s0 =	sadd.s32 s9, s0;
	s20 =	sadd.s32 $0x16600, s10;
	[dreg:$0xd] =	wrdreg s26  }
0x10: {  	v0 =	vlaneseq.u32;
	s22 =	sadd.s32 $0x2200, s10;
	s1 =	sadd.s32 s21, s2;
	[dreg:$0x5] =	wrdreg s20  }
0x11: {  	v0 =	vmul.u32 $0x2, v0;
	s10 =	sadd.s32 s7, s2;
	[dreg:$0x7] =	wrdreg s22;
	s23 =	sadd.s32 $0x2000, s1  }
0x12: {  	s21 =	simm.s32 $0xF000;
	s24 =	sadd.s32 $0x4000, s1;
	[dreg:$0x8] =	wrdreg s23  }
0x13: {  	s26 =	simm.s32 $0xB000;
	s25 =	sadd.s32 $0x6000, s1;
	[dreg:$0x9] =	wrdreg s24  }
0x14: {  	v5 =	vor.u32 $0x21, v0;
	s1 =	sadd.s32 $0x8000, s1;
	s0 =	sadd.s32 $0x20A00, s0;
	[dreg:$0xa] =	wrdreg s25  }
0x15: {  	v2 =	vimm.s32 $0x0;
	vm0 =	vcmask $0x300;
	v1 =	vimm.f32 $0.0e+00;
	s20 =	simm.s32 $0x6000;
	s22 =	simm.s32 $0x80;
	[dreg:$0xb] =	wrdreg s1  }
0x16: {  	v2 =	vsel vm0, $0x3, v2;
	v3 =	vor.u32 $0x1, v0;
	v4 =	vor.u32 $0x20, v0;
	[dreg:$0xc] =	wrdreg s0;
	s25 =	simm.s32 $0x1;
	s0 =	simm.s32 $0x0  }
.LBB2_1:
0x17: {  	s1 =	simm.s32 $0x0;
	s3 =	rddreg [dreg:$0x5]  }
0x18: {  	[tilespmem:s1], [sflag:$0x5] =	stream.linear.gather [hbm4b:s3+s1], $0x3000, $0x38;
	[tilespmem:$0x1B000] =	vst v63  }
0x19: {  	_ =	swait.ge [sflag:s18], $0x3000  }
0x1a: {  	[sflag:s18] =	ssyncset.done $0x0  }
0x1b: {  	s4 =	simm.s32 $0x3000;
	s23 =	rddreg [dreg:$0x6];
	[sflag:s18] =	ssyncadd.s32 $0xFFFFD000  }
0x1c: {  	[tilespmem:s4], [sflag:$0x5] =	stream.linear.gather [hbm4b:s23+s1], $0x3000, $0x38;
	[tilespmem:$0x1B000] =	vst v63  }
0x1d: {  	_ =	swait.ge [sflag:s18], $0x3000  }
0x1e: {  	[sflag:s18] =	ssyncset.done $0x0  }
0x1f: {  	s24 =	rddreg [dreg:$0x7];
	[sflag:s18] =	ssyncadd.s32 $0xFFFFD000  }
0x20: {  	[tilespmem:s20], [sflag:$0x5] =	stream.linear.gather [hbm4b:s24+s1], $0x3000, $0x38;
	[tilespmem:$0x1B000] =	vst v63  }
0x21: {  	_ =	swait.ge [sflag:s18], $0x3000  }
0x22: {  	[sflag:s18] =	ssyncset.done $0x0  }
0x23: {  	s7 =	simm.s32 $0x100;
	s1 =	simm.s32 $0x0;
	[sflag:s18] =	ssyncadd.s32 $0xFFFFD000  }
.LBB2_2:
0x24: {  	p0 =	sne.s32 s7, $0x7F00;
	[tilespmem:s1+$0xF030] =	vst v1;
	s8 =	smov.u32 s7;
	s7 =	sadd.s32 $0x100, s7  }
.Ltmp0:
0x25: {  	[tilespmem:s1+$0xF020] =	vst v1;
	(pc) =	sbr.rel @p0 .LBB2_2-.Ltmp0, $3  }
0x26: {  	[tilespmem:s1+$0xF000] =	vst v1  }
0x27: {  	[tilespmem:s1+$0xF010] =	vst v1;
	_ =	sdelay $0x1  }
0x28: {  	s1 =	sshra.s32 s8, $0x2  }
0x29: {  	[tilespmem:s1+$0xF030] =	vst v1  }
0x2a: {  	[tilespmem:s1+$0xF020] =	vst v1  }
0x2b: {  	[tilespmem:s1+$0xF000] =	vst v1  }
0x2c: {  	[tilespmem:s1+$0xF010] =	vst v1  }
0x2d: {  	[spmem:s10] =	stream.linear.scatter [tilespmem:s21], [sflag:$0x5], $0x2000, $0x38;
	[tilespmem:$0x1B000] =	vst v63  }
0x2e: {  	_ =	swait.ge [sflag:s18], $0x2000  }
0x2f: {  	[sflag:s18] =	ssyncset.done $0x0  }
0x30: {  	s16 =	rddreg [dreg:$0x8];
	[sflag:s18] =	ssyncadd.s32 $0xFFFFE000  }
0x31: {  	[spmem:s16] =	stream.linear.scatter [tilespmem:s21], [sflag:$0x5], $0x2000, $0x38;
	[tilespmem:$0x1B000] =	vst v63  }
0x32: {  	_ =	swait.ge [sflag:s18], $0x2000  }
0x33: {  	[sflag:s18] =	ssyncset.done $0x0  }
0x34: {  	s17 =	rddreg [dreg:$0x9];
	[sflag:s18] =	ssyncadd.s32 $0xFFFFE000  }
0x35: {  	[spmem:s17] =	stream.linear.scatter [tilespmem:s21], [sflag:$0x5], $0x2000, $0x38;
	[tilespmem:$0x1B000] =	vst v63  }
0x36: {  	_ =	swait.ge [sflag:s18], $0x2000  }
0x37: {  	[sflag:s18] =	ssyncset.done $0x0  }
0x38: {  	s19 =	rddreg [dreg:$0xa];
	[sflag:s18] =	ssyncadd.s32 $0xFFFFE000  }
0x39: {  	[spmem:s19] =	stream.linear.scatter [tilespmem:s21], [sflag:$0x5], $0x2000, $0x38;
	[tilespmem:$0x1B000] =	vst v63  }
0x3a: {  	_ =	swait.ge [sflag:s18], $0x2000  }
0x3b: {  	[sflag:s18] =	ssyncset.done $0x0  }
0x3c: {  	s23 =	rddreg [dreg:$0xb];
	[sflag:s18] =	ssyncadd.s32 $0xFFFFE000  }
0x3d: {  	[spmem:s23] =	stream.linear.scatter [tilespmem:s21], [sflag:$0x5], $0x2000, $0x38;
	[tilespmem:$0x1B000] =	vst v63  }
0x3e: {  	_ =	swait.ge [sflag:s18], $0x2000  }
0x3f: {  	[sflag:s18] =	ssyncset.done $0x0  }
0x40: {  	[sflag:s18] =	ssyncadd.s32 $0xFFFFE000  }
0x41: {  	s1 =	simm.s32 $0x0;
	s3 =	simm.s32 $0x9000;
	[bflag:$0x0] =	sbarrier.arrive $0xFFFF  }
0x42: {  	[tilespmem:s3], [sflag:$0x1] =	stream.indirect.gather [hbm4b:s5+s22], $0x20, s1, s22, $0xb8;
	[tilespmem:$0x1B000] =	vst v63  }
0x43: {  	s24 =	simm.s32 $0xA000;
	s19 =	simm.s32 $0x0  }
0x44: {  	[tilespmem:s24], [sflag:$0x2] =	stream.indirect.gather [hbm4b:s5+s22], $0x20, s22, s22, $0xb8;
	[tilespmem:$0x1B000] =	vst v63  }
.LBB2_4:
0x45: {  	s23 =	sshll.u32 s19, $0x1;
	s11 =	simm.s32 $0x5;
	v14 =	vmov s1;
	s8 =	simm.s32 $0x1  }
0x46: {  	s12 =	simm.s32 $0x2;
	s13 =	simm.s32 $0x6;
	s14 =	simm.s32 $0x4;
	v12 =	vmov s11;
	v14 =	vshrl.u32 v14, $0x3;
	v16 =	vmov s8  }
0x47: {  	s16 =	simm.s32 $0x7;
	s17 =	simm.s32 $0xD;
	s3 =	simm.s32 $0x9;
	v17 =	vmov s12;
	v18 =	vmov s13;
	v19 =	vmov s14  }
0x48: {  	s4 =	simm.s32 $0xA;
	s7 =	sshll.u32 s23, $0x7;
	v22 =	vmov s16;
	v38 =	vmov s17;
	v39 =	vmov s3  }
0x49: {  	_ =	swait.ge [sflag:s25], $0x1000;
	s11 =	simm.s32 $0x3;
	v40 =	vmov s4;
	v6 =	vmov s7;
	v13 =	vshrl.u32 v12, $0x3  }
0x4a: {  	p0 =	seq.s32 s19, $0x0;
	[sflag:s25] =	ssyncset.done $0x0;
	v14 =	vshll.u32 v14, v2;
	v20 =	vmov s11;
	v18 =	vshrl.u32 v18, $0x3  }
0x4b: {  	s14 =	simm.s32 $0xF;
	[sflag:s25] =	ssyncadd.s32 $0xFFFFF000;
	s7 =	simm.s32 @!p0 $0x3;
	v17 =	vshrl.u32 v17, $0x3;
	v22 =	vshrl.u32 v22, $0x3;
	v19 =	vshrl.u32 v19, $0x3  }
0x4c: {  	v16 =	vshrl.u32 v16, $0x3;
	v38 =	vshrl.u32 v38, $0x3;
	v41 =	vmov s14;
	_ =	swait.ge @!p0 [sflag:s7], $0x2000  }
0x4d: {  	s16 =	simm.s32 $0x8;
	v57 =	vshrl.u32 v39, $0x3;
	v11 =	vor.u32 $0x5, v6;
	v15 =	vshll.u32 v13, v2;
	[sflag:s7] =	ssyncset.done @!p0 $0x0  }
0x4e: {  	s9 =	simm.s32 $0x9080;
	v43 =	vmov s16;
	v12 =	vor.u32 $0x6, v6;
	v15 =	vadd.s32 v15, v11;
	[sflag:s7] =	ssyncadd.s32 @!p0 $0xFFFFE000  }
0x4f: {  	s17 =	simm.s32 $0xE;
	v14 =	vadd.s32 v6, v14;
	v18 =	vshll.u32 v18, v2;
	v15 =	vbroadcast v15, $0x0;
	v21 =	vld [tilespmem:s9+$0x60]  }
0x50: {  	v44 =	vmov s17;
	v14 =	vbroadcast v14, $0x0;
	v18 =	vadd.s32 v18, v12;
	v23 =	vld [tilespmem:s9+$0xFFFFFFA0]  }
0x51: {  	v7 =	vor.u32 $0x1, v6;
	v8 =	vor.u32 $0x2, v6;
	v18 =	vbroadcast v18, $0x0;
	v24 =	vld [tilespmem:s9+$0x20]  }
0x52: {  	v9 =	vor.u32 $0x3, v6;
	v10 =	vor.u32 $0x4, v6;
	v13 =	vor.u32 $0x7, v6;
	v26 =	vld [tilespmem:s9+$0x0]  }
0x53: {  	v20 =	vshrl.u32 v20, $0x3;
	v17 =	vshll.u32 v17, v2;
	v22 =	vshll.u32 v22, v2;
	s7 =	simm.s32 $0x9180;
	v31 =	vld [tilespmem:s9+$0x40]  }
0x54: {  	v19 =	vshll.u32 v19, v2;
	v38 =	vshll.u32 v38, v2;
	v17 =	vadd.s32 v17, v8;
	v39 =	vld [tilespmem:s7+$0xFFFFFFA0]  }
0x55: {  	v27 =	vld.idx.msk [tilespmem:v15+s20+$0x0], $0xffff;
	v15 =	vbroadcast v17, $0x0;
	v17 =	vadd.s32 v22, v13;
	v22 =	vshll.u32 v20, v2  }
0x56: {  	v20 =	vld.idx.msk [tilespmem:v14+s20+$0x0], $0xffff;
	v14 =	vshll.u32 v16, v2;
	v16 =	vadd.s32 v22, v9;
	v17 =	vbroadcast v17, $0x0  }
0x57: {  	v58 =	vshll.u32 v57, v2;
	v25 =	vld.idx.msk [tilespmem:v18+s20+$0x0], $0xffff;
	v14 =	vadd.s32 v14, v7;
	v16 =	vbroadcast v16, $0x0  }
0x58: {  	v59 =	vshrl.u32 v43, $0x3;
	v19 =	vadd.s32 v19, v10;
	v18 =	vld [tilespmem:s9+$0xFFFFFFE0];
	v30 =	vbroadcast v14, $0x0  }
0x59: {  	v61 =	vshrl.u32 v41, $0x3;
	v38 =	vadd.s32 v38, v11;
	v19 =	vbroadcast v19, $0x0;
	v22 =	vld [tilespmem:s9+$0xFFFFFF80]  }
0x5a: {  	v29 =	vld [tilespmem:s9+$0xFFFFFFC0];
	v33 =	vand.u32 $0xFFFF0000, v21;
	v35 =	vshll.u32 v26, $0x10;
	v55 =	vand.u32 $0xFFFF0000, v31  }
0x5b: {  	v31 =	vshll.u32 v31, $0x10;
	v21 =	vshll.u32 v21, $0x10;
	v14 =	vshll.u32 v24, $0x10;
	v28 =	vld.idx.msk [tilespmem:v15+s20+$0x0], $0xffff  }
0x5c: {  	v26 =	vand.u32 $0xFFFF0000, v26;
	v32 =	vmul.f32 v14, v27;
	v15 =	vand.u32 $0xFFFF0000, v24;
	v24 =	vld.idx.msk [tilespmem:v17+s20+$0x0], $0xffff  }
0x5d: {  	s24 =	simm.s32 $0xB1C0;
	v45 =	vand.u32 $0xFFFF0000, v39;
	v31 =	vmul.f32 v31, v25;
	v36 =	vshll.u32 v18, $0x10;
	v14 =	vld.idx.msk [tilespmem:v16+s20+$0x0], $0xffff  }
0x5e: {  	v18 =	vand.u32 $0xFFFF0000, v18;
	v34 =	vmul.f32 v15, v27;
	[tilespmem:v0+s24+$0xFFFFFF80] =	vst.idx.msk $0xffff, v32;
	v16 =	vshll.u32 v22, $0x10;
	v15 =	vld.idx.msk [tilespmem:v30+s20+$0x0], $0xffff  }
0x5f: {  	v32 =	vmul.f32 v55, v25;
	[tilespmem:v0+s24+$0xFFFFFFC0] =	vst.idx.msk $0xffff, v31;
	v22 =	vand.u32 $0xFFFF0000, v22;
	v30 =	vmul.f32 v16, v20  }
0x60: {  	[tilespmem:v3+s24+$0xFFFFFF80] =	vst.idx.msk $0xffff, v34;
	v16 =	vld.idx.msk [tilespmem:v19+s20+$0x0], $0xffff;
	v19 =	vmul.f32 v22, v20;
	v22 =	vshll.u32 v29, $0x10;
	v29 =	vand.u32 $0xFFFF0000, v29  }
0x61: {  	v17 =	vand.u32 $0xFFFF0000, v23;
	[tilespmem:v3+s24+$0xFFFFFFC0] =	vst.idx.msk $0xffff, v32;
	v22 =	vmul.f32 v22, v28;
	v29 =	vmul.f32 v29, v28  }
0x62: {  	s12 =	simm.s32 $0xC;
	v23 =	vshll.u32 v23, $0x10;
	[tilespmem:v0+s24+$0xFFFFFE40] =	vst.idx.msk $0xffff, v30;
	v21 =	vmul.f32 v21, v24;
	v33 =	vmul.f32 v33, v24  }
0x63: {  	v34 =	vld [tilespmem:s9+$0x30];
	v30 =	vmov s12;
	[tilespmem:v3+s24+$0xFFFFFE40] =	vst.idx.msk $0xffff, v19;
	v36 =	vmul.f32 v36, v14;
	v23 =	vmul.f32 v23, v15  }
0x64: {  	v19 =	vshrl.u32 v40, $0x3;
	v18 =	vmul.f32 v18, v14;
	v37 =	vmul.f32 v17, v15;
	[tilespmem:v0+s24+$0xFFFFFEC0] =	vst.idx.msk $0xffff, v22  }
0x65: {  	v60 =	vld [tilespmem:s7+$0x20];
	v22 =	vshrl.u32 v30, $0x3;
	v30 =	vbroadcast v38, $0x0;
	v19 =	vshll.u32 v19, v2;
	[tilespmem:v0+s24+$0x0] =	vst.idx.msk $0xffff, v21  }
0x66: {  	s13 =	simm.s32 $0xB;
	v39 =	vshll.u32 v39, $0x10;
	v31 =	vld [tilespmem:s9+$0x50];
	v17 =	vmul.f32 v35, v16;
	v26 =	vmul.f32 v26, v16;
	[tilespmem:v3+s24+$0xFFFFFEC0] =	vst.idx.msk $0xffff, v29  }
0x67: {  	v21 =	vmov s13;
	v22 =	vshll.u32 v22, v2;
	v19 =	vadd.s32 v19, v8;
	[tilespmem:v0+s24+$0xFFFFFF00] =	vst.idx.msk $0xffff, v36  }
0x68: {  	v42 =	vld [tilespmem:s7+$0x60];
	v56 =	vshll.u32 v34, $0x10;
	v34 =	vand.u32 $0xFFFF0000, v34;
	v21 =	vshrl.u32 v21, $0x3;
	[tilespmem:v3+s24+$0x0] =	vst.idx.msk $0xffff, v33  }
0x69: {  	v50 =	vld [tilespmem:s7+$0x40];
	v36 =	vadd.s32 v58, v7;
	v33 =	vshll.u32 v61, v2;
	v22 =	vadd.s32 v22, v10  }
0x6a: {  	v55 =	vld [tilespmem:s9+$0xFFFFFF90];
	[tilespmem:v0+s24+$0xFFFFFE80] =	vst.idx.msk $0xffff, v23;
	v23 =	vshll.u32 v60, $0x10;
	v58 =	vand.u32 $0xFFFF0000, v60;
	v35 =	vmul.f32 v56, v27  }
0x6b: {  	v63 =	vld [tilespmem:s9+$0xFFFFFFD0];
	v40 =	vand.u32 $0xFFFF0000, v31;
	[tilespmem:v0+s24+$0xFFFFFF40] =	vst.idx.msk $0xffff, v17;
	v27 =	vmul.f32 v34, v27;
	v17 =	vshll.u32 v59, v2  }
0x6c: {  	v34 =	vld [tilespmem:s7+$0x0];
	v56 =	vbroadcast v19, $0x0;
	v21 =	vshll.u32 v21, v2;
	v60 =	vbroadcast v22, $0x0  }
0x6d: {  	v29 =	vld [tilespmem:s9+$0x70];
	v48 =	vbroadcast v36, $0x0;
	v17 =	vadd.s32 v6, v17;
	[tilespmem:v3+s24+$0xFFFFFF40] =	vst.idx.msk $0xffff, v26;
	v26 =	vshrl.u32 v44, $0x3  }
0x6e: {  	[tilespmem:v3+s24+$0xFFFFFF00] =	vst.idx.msk $0xffff, v18;
	v19 =	vld [tilespmem:s7+$0xFFFFFFC0];
	v44 =	vand.u32 $0xFFFF0000, v42;
	v21 =	vadd.s32 v21, v9;
	v26 =	vshll.u32 v26, v2  }
0x6f: {  	v57 =	vld [tilespmem:s9+$0xFFFFFFF0];
	v62 =	vbroadcast v17, $0x0;
	[tilespmem:v4+s24+$0xFFFFFF80] =	vst.idx.msk $0xffff, v35;
	v51 =	vand.u32 $0xFFFF0000, v55;
	v26 =	vadd.s32 v26, v12  }
0x70: {  	v35 =	vmul.f32 v40, v25;
	v17 =	vld.idx.msk [tilespmem:v30+s20+$0x0], $0xffff;
	v30 =	vadd.s32 v33, v13;
	v26 =	vbroadcast v26, $0x0  }
0x71: {  	[tilespmem:v3+s24+$0xFFFFFE80] =	vst.idx.msk $0xffff, v37;
	v46 =	vld [tilespmem:s9+$0x10];
	v59 =	vshll.u32 v63, $0x10;
	v30 =	vbroadcast v30, $0x0;
	v41 =	vand.u32 $0xFFFF0000, v63  }
0x72: {  	[tilespmem:v5+s24+$0xFFFFFF80] =	vst.idx.msk $0xffff, v27;
	v33 =	vld [tilespmem:s9+$0xFFFFFFB0];
	v18 =	vshll.u32 v29, $0x10;
	v49 =	vshll.u32 v34, $0x10;
	v27 =	vmul.f32 v59, v28  }
0x73: {  	v54 =	vld [tilespmem:s7+$0xFFFFFFE0];
	v29 =	vand.u32 $0xFFFF0000, v29;
	v59 =	vshll.u32 v19, $0x10;
	v47 =	vmul.f32 v18, v24  }
0x74: {  	v61 =	vld [tilespmem:s7+$0xFFFFFF80];
	v28 =	vmul.f32 v41, v28;
	v36 =	vand.u32 $0xFFFF0000, v57;
	v29 =	vmul.f32 v29, v24;
	[tilespmem:v4+s24+$0xFFFFFEC0] =	vst.idx.msk $0xffff, v27  }
0x75: {  	v18 =	vld.idx.msk [tilespmem:v62+s20+$0x0], $0xffff;
	v22 =	vmul.f32 v23, v17;
	v23 =	vshll.u32 v55, $0x10;
	[tilespmem:v4+s24+$0x0] =	vst.idx.msk $0xffff, v47;
	v62 =	vbroadcast v21, $0x0  }
0x76: {  	v21 =	vshll.u32 v31, $0x10;
	v38 =	vmul.f32 v58, v17;
	v52 =	vmul.f32 v23, v20;
	v23 =	vld.idx.msk [tilespmem:v56+s20+$0x0], $0xffff  }
0x77: {  	s8 =	simm.s32 $0xB3C0;
	v53 =	vshll.u32 v46, $0x10;
	v58 =	vshll.u32 v33, $0x10;
	[tilespmem:v5+s24+$0xFFFFFEC0] =	vst.idx.msk $0xffff, v28;
	v21 =	vmul.f32 v21, v25;
	v31 =	vld.idx.msk [tilespmem:v30+s20+$0x0], $0xffff  }
0x78: {  	v56 =	vand.u32 $0xFFFF0000, v34;
	v34 =	vmul.f32 v58, v15;
	[tilespmem:v0+s8+$0xFFFFFF80] =	vst.idx.msk $0xffff, v22;
	v22 =	vld.idx.msk [tilespmem:v26+s20+$0x0], $0xffff;
	v26 =	vshll.u32 v57, $0x10  }
0x79: {  	v27 =	vand.u32 $0xFFFF0000, v61;
	v57 =	vand.u32 $0xFFFF0000, v50;
	v30 =	vld.idx.msk [tilespmem:v60+s20+$0x0], $0xffff;
	v63 =	vmul.f32 v26, v14;
	[tilespmem:v4+s24+$0xFFFFFFC0] =	vst.idx.msk $0xffff, v21  }
0x7a: {  	v60 =	vshll.u32 v50, $0x10;
	v26 =	vshll.u32 v61, $0x10;
	[tilespmem:v3+s8+$0xFFFFFF80] =	vst.idx.msk $0xffff, v38;
	v21 =	vmul.f32 v27, v18;
	v27 =	vld.idx.msk [tilespmem:v48+s20+$0x0], $0xffff  }
0x7b: {  	[tilespmem:v5+s24+$0x0] =	vst.idx.msk $0xffff, v29;
	v61 =	vshll.u32 v42, $0x10;
	v32 =	vld [tilespmem:s7+$0x30];
	v55 =	vmul.f32 v26, v18;
	v43 =	vmul.f32 v59, v23  }
0x7c: {  	[tilespmem:v4+s24+$0xFFFFFE80] =	vst.idx.msk $0xffff, v34;
	v26 =	vld.idx.msk [tilespmem:v62+s20+$0x0], $0xffff;
	v62 =	vmul.f32 v53, v16;
	v37 =	vmul.f32 v61, v31  }
0x7d: {  	v25 =	vand.u32 $0xFFFF0000, v54;
	[tilespmem:v4+s24+$0xFFFFFF00] =	vst.idx.msk $0xffff, v63;
	v24 =	vmul.f32 v57, v22;
	v29 =	vmul.f32 v60, v22  }
0x7e: {  	v63 =	vshll.u32 v54, $0x10;
	v38 =	vmul.f32 v44, v31;
	[tilespmem:v0+s8+$0x0] =	vst.idx.msk $0xffff, v37;
	v37 =	vmul.f32 v49, v30  }
0x7f: {  	[tilespmem:v4+s24+$0xFFFFFE40] =	vst.idx.msk $0xffff, v52;
	v44 =	vand.u32 $0xFFFF0000, v33;
	v42 =	vmul.f32 v39, v27;
	v33 =	vmul.f32 v45, v27  }
0x80: {  	[tilespmem:v0+s8+$0xFFFFFE40] =	vst.idx.msk $0xffff, v55;
	v41 =	vshll.u32 v32, $0x10;
	v39 =	vmul.f32 v56, v30;
	v45 =	vmul.f32 v51, v20  }
0x81: {  	s11 =	simm.s32 $0xB5C0;
	s12 =	simm.s32 $0x9280;
	s9 =	simm.s32 $0x10;
	[tilespmem:v4+s24+$0xFFFFFF40] =	vst.idx.msk $0xffff, v62;
	v20 =	vand.u32 $0xFFFF0000, v46;
	v40 =	vmul.f32 v63, v26;
	v34 =	vmul.f32 v25, v26  }
.LBB2_5:
0x82: {  	s13 =	sadd.s32 $0x1, s9;
	[tilespmem:v0+s8+$0xFFFFFEC0] =	vst.idx.msk $0xffff, v43;
	v43 =	vand.u32 $0xFFFF0000, v32;
	v36 =	vmul.f32 v36, v14;
	v46 =	vmul.f32 v20, v16  }
0x83: {  	s14 =	sadd.s32 $0x2, s9;
	s16 =	sadd.s32 $0x3, s9;
	v20 =	vmovc v18;
	v25 =	vmovc v22;
	v28 =	vmov v23;
	v32 =	vmov v31;
	v14 =	vmov v26;
	s17 =	smov.u32 s9  }
0x84: {  	s4 =	sadd.s32 $0x6, s9;
	v23 =	vmul.f32 v44, v15;
	v15 =	vmovc v27;
	v16 =	vmovc v30;
	v18 =	vmov s13;
	v22 =	vmov s14;
	s13 =	sadd.s32 $0x4, s9;
	s14 =	sadd.s32 $0x5, s9;
	[tilespmem:v5+s24+$0xFFFFFFC0] =	vst.idx.msk $0xffff, v35  }
0x85: {  	p1 =	slt.u32 s9, $0x78;
	v19 =	vand.u32 $0xFFFF0000, v19;
	s9 =	sadd.s32 $0x8, s9;
	v26 =	vmov s13;
	v27 =	vmov s14;
	s13 =	sadd.s32 $0x7, s17;
	[tilespmem:v5+s24+$0xFFFFFF40] =	vst.idx.msk $0xffff, v46  }
0x86: {  	v30 =	vmov s16;
	v27 =	vshrl.u32 v27, $0x3;
	v31 =	vmov s13;
	[tilespmem:v5+s24+$0xFFFFFE40] =	vst.idx.msk $0xffff, v45  }
0x87: {  	v30 =	vshrl.u32 v30, $0x3;
	v26 =	vshrl.u32 v26, $0x3;
	v27 =	vshll.u32 v27, v2;
	v35 =	vld [tilespmem:s12+$0x60];
	[tilespmem:v5+s24+$0xFFFFFE80] =	vst.idx.msk $0xffff, v23  }
0x88: {  	v19 =	vmul.f32 v19, v28;
	v18 =	vshrl.u32 v18, $0x3;
	v23 =	vadd.s32 v27, v11;
	[tilespmem:v5+s24+$0xFFFFFF00] =	vst.idx.msk $0xffff, v36;
	s24 =	smov.u32 s8;
	s8 =	smov.u32 s11  }
0x89: {  	v41 =	vmul.f32 v41, v17;
	v36 =	vmov s4;
	v27 =	vld [tilespmem:s12+$0xFFFFFFA0];
	v23 =	vbroadcast v23, $0x0;
	[tilespmem:v0+s24+$0xFFFFFE80] =	vst.idx.msk $0xffff, v42  }
0x8a: {  	v18 =	vshll.u32 v18, v2;
	v42 =	vmov s17;
	[tilespmem:v0+s24+$0xFFFFFF00] =	vst.idx.msk $0xffff, v40;
	v40 =	vmul.f32 v43, v17  }
0x8b: {  	v31 =	vshrl.u32 v31, $0x3;
	v17 =	vshrl.u32 v42, $0x3;
	v42 =	vld [tilespmem:s12+$0x20];
	[tilespmem:v0+s24+$0xFFFFFF40] =	vst.idx.msk $0xffff, v37  }
0x8c: {  	v43 =	vadd.s32 v18, v7;
	v17 =	vshll.u32 v17, v2;
	v44 =	vld [tilespmem:s12+$0x0];
	[tilespmem:v3+s24+$0x0] =	vst.idx.msk $0xffff, v38  }
0x8d: {  	v18 =	vshll.u32 v26, v2;
	v17 =	vadd.s32 v6, v17;
	[tilespmem:v3+s24+$0xFFFFFEC0] =	vst.idx.msk $0xffff, v19;
	v38 =	vld [tilespmem:s7+$0x70]  }
0x8e: {  	v26 =	vshll.u32 v31, v2;
	v19 =	vbroadcast v17, $0x0;
	v37 =	vand.u32 $0xFFFF0000, v27;
	v31 =	vld [tilespmem:s7+$0xFFFFFFD0];
	[tilespmem:v3+s24+$0xFFFFFF40] =	vst.idx.msk $0xffff, v39  }
0x8f: {  	v26 =	vadd.s32 v26, v13;
	v17 =	vld.idx.msk [tilespmem:v23+s20+$0x0], $0xffff;
	v23 =	vshrl.u32 v36, $0x3;
	[tilespmem:v3+s24+$0xFFFFFE40] =	vst.idx.msk $0xffff, v21  }
0x90: {  	v21 =	vshrl.u32 v22, $0x3;
	v22 =	vadd.s32 v18, v10;
	v18 =	vshll.u32 v23, v2;
	v23 =	vld [tilespmem:s7+$0xFFFFFF90];
	[tilespmem:v0+s24+$0xFFFFFFC0] =	vst.idx.msk $0xffff, v29  }
0x91: {  	v39 =	vand.u32 $0xFFFF0000, v35;
	v21 =	vshll.u32 v21, v2;
	v18 =	vadd.s32 v18, v12;
	v46 =	vld [tilespmem:s7+$0x10];
	[tilespmem:v3+s24+$0xFFFFFFC0] =	vst.idx.msk $0xffff, v24  }
0x92: {  	v21 =	vadd.s32 v21, v8;
	v24 =	vbroadcast v18, $0x0;
	[tilespmem:v3+s24+$0xFFFFFF00] =	vst.idx.msk $0xffff, v34;
	v29 =	vld [tilespmem:s7+$0x50];
	v18 =	vshll.u32 v38, $0x10  }
0x93: {  	v30 =	vshll.u32 v30, v2;
	v21 =	vbroadcast v21, $0x0;
	[tilespmem:v3+s24+$0xFFFFFE80] =	vst.idx.msk $0xffff, v33;
	v33 =	vld [tilespmem:s7+$0xFFFFFFF0];
	v34 =	vmul.f32 v18, v32  }
0x94: {  	v36 =	vshll.u32 v42, $0x10;
	v42 =	vand.u32 $0xFFFF0000, v42;
	v45 =	vshll.u32 v31, $0x10;
	v18 =	vld.idx.msk [tilespmem:v19+s20+$0x0], $0xffff;
	[tilespmem:v4+s24+$0xFFFFFF80] =	vst.idx.msk $0xffff, v41  }
0x95: {  	v41 =	vbroadcast v22, $0x0;
	v22 =	vmul.f32 v36, v17;
	v19 =	vld [tilespmem:s12+$0xFFFFFFC0];
	v36 =	vshll.u32 v23, $0x10;
	[tilespmem:v4+s24+$0x0] =	vst.idx.msk $0xffff, v34  }
0x96: {  	v30 =	vadd.s32 v30, v9;
	v43 =	vbroadcast v43, $0x0;
	v26 =	vbroadcast v26, $0x0;
	v34 =	vld [tilespmem:s12+$0xFFFFFF80];
	[tilespmem:v5+s24+$0xFFFFFF80] =	vst.idx.msk $0xffff, v40  }
0x97: {  	v30 =	vbroadcast v30, $0x0;
	v47 =	vshll.u32 v44, $0x10;
	[tilespmem:v0+s11+$0xFFFFFF80] =	vst.idx.msk $0xffff, v22;
	v40 =	vld [tilespmem:s12+$0x40];
	v48 =	vshll.u32 v29, $0x10  }
0x98: {  	v42 =	vmul.f32 v42, v17;
	v45 =	vmul.f32 v45, v28;
	v49 =	vand.u32 $0xFFFF0000, v23;
	v50 =	vld [tilespmem:s7+$0xFFFFFFB0];
	s7 =	smov.u32 s12  }
0x99: {  	v51 =	vmul.f32 v36, v20;
	v52 =	vshll.u32 v46, $0x10;
	v22 =	vld.idx.msk [tilespmem:v24+s20+$0x0], $0xffff;
	v24 =	vshll.u32 v33, $0x10  }
0x9a: {  	v53 =	vand.u32 $0xFFFF0000, v31;
	v23 =	vld.idx.msk [tilespmem:v21+s20+$0x0], $0xffff;
	v24 =	vmul.f32 v24, v14;
	v21 =	vmul.f32 v48, v25  }
0x9b: {  	v36 =	vand.u32 $0xFFFF0000, v33;
	v33 =	vand.u32 $0xFFFF0000, v29;
	v31 =	vshll.u32 v34, $0x10;
	v48 =	vld [tilespmem:s12+$0xFFFFFFE0];
	[tilespmem:v4+s24+$0xFFFFFEC0] =	vst.idx.msk $0xffff, v45  }
0x9c: {  	v29 =	vand.u32 $0xFFFF0000, v34;
	v45 =	vshll.u32 v27, $0x10;
	v34 =	vmul.f32 v31, v18;
	v31 =	vld.idx.msk [tilespmem:v26+s20+$0x0], $0xffff;
	[tilespmem:v4+s24+$0xFFFFFFC0] =	vst.idx.msk $0xffff, v21  }
0x9d: {  	v54 =	vand.u32 $0xFFFF0000, v44;
	v21 =	vmul.f32 v29, v18;
	v26 =	vld.idx.msk [tilespmem:v30+s20+$0x0], $0xffff;
	[tilespmem:v4+s24+$0xFFFFFF00] =	vst.idx.msk $0xffff, v24;
	v24 =	vand.u32 $0xFFFF0000, v38  }
0x9e: {  	v29 =	vand.u32 $0xFFFF0000, v40;
	v38 =	vshll.u32 v50, $0x10;
	v27 =	vld.idx.msk [tilespmem:v43+s20+$0x0], $0xffff;
	[tilespmem:v3+s11+$0xFFFFFF80] =	vst.idx.msk $0xffff, v42;
	v42 =	vmul.f32 v24, v32  }
0x9f: {  	v32 =	vshll.u32 v19, $0x10;
	v24 =	vmul.f32 v29, v22;
	v38 =	vmul.f32 v38, v15;
	v30 =	vld.idx.msk [tilespmem:v41+s20+$0x0], $0xffff  }
0xa0: {  	v28 =	vmul.f32 v53, v28;
	v29 =	vshll.u32 v40, $0x10;
	v43 =	vmul.f32 v32, v23;
	v32 =	vld [tilespmem:s12+$0x30];
	[tilespmem:v5+s24+$0x0] =	vst.idx.msk $0xffff, v42  }
0xa1: {  	v35 =	vshll.u32 v35, $0x10;
	v52 =	vmul.f32 v52, v16;
	v29 =	vmul.f32 v29, v22;
	[tilespmem:v4+s24+$0xFFFFFE80] =	vst.idx.msk $0xffff, v38  }
.Ltmp1:
0xa2: {  	v41 =	vmul.f32 v35, v31;
	v35 =	vmul.f32 v33, v25;
	[tilespmem:v0+s11+$0xFFFFFE40] =	vst.idx.msk $0xffff, v34;
	v34 =	vshll.u32 v48, $0x10;
	(pc) =	sbr.rel @p1 .LBB2_5-.Ltmp1, $4  }
0xa3: {  	v25 =	vand.u32 $0xFFFF0000, v48;
	v38 =	vmul.f32 v39, v31;
	v40 =	vmul.f32 v34, v26;
	[tilespmem:v4+s24+$0xFFFFFE40] =	vst.idx.msk $0xffff, v51  }
0xa4: {  	v44 =	vand.u32 $0xFFFF0000, v50;
	v42 =	vmul.f32 v45, v27;
	v34 =	vmul.f32 v25, v26;
	[tilespmem:v0+s11+$0x0] =	vst.idx.msk $0xffff, v41  }
0xa5: {  	v33 =	vmul.f32 v37, v27;
	v37 =	vmul.f32 v47, v30;
	v41 =	vshll.u32 v32, $0x10;
	[tilespmem:v4+s24+$0xFFFFFF40] =	vst.idx.msk $0xffff, v52  }
0xa6: {  	s12 =	sadd.s32 $0x100, s12;
	v45 =	vmul.f32 v49, v20;
	v20 =	vand.u32 $0xFFFF0000, v46;
	v39 =	vmul.f32 v54, v30;
	s11 =	sadd.s32 $0x200, s11;
	[tilespmem:v5+s24+$0xFFFFFEC0] =	vst.idx.msk $0xffff, v28  }
0xa7: {  	_ =	sdelay $0x3  }
0xa8: {  	[tilespmem:v0+s8+$0xFFFFFEC0] =	vst.idx.msk $0xffff, v43  }
0xa9: {  	[tilespmem:v5+s24+$0xFFFFFFC0] =	vst.idx.msk $0xffff, v35  }
0xaa: {  	[tilespmem:v0+s8+$0xFFFFFE80] =	vst.idx.msk $0xffff, v42  }
0xab: {  	[tilespmem:v0+s8+$0xFFFFFF00] =	vst.idx.msk $0xffff, v40  }
0xac: {  	[tilespmem:v0+s8+$0xFFFFFF40] =	vst.idx.msk $0xffff, v37  }
0xad: {  	v6 =	vmul.f32 v20, v16;
	[tilespmem:v3+s8+$0x0] =	vst.idx.msk $0xffff, v38  }
0xae: {  	[tilespmem:v0+s8+$0xFFFFFFC0] =	vst.idx.msk $0xffff, v29  }
0xaf: {  	[tilespmem:v5+s24+$0xFFFFFF40] =	vst.idx.msk $0xffff, v6;
	v6 =	vmul.f32 v36, v14  }
0xb0: {  	[tilespmem:v3+s8+$0xFFFFFE40] =	vst.idx.msk $0xffff, v21  }
0xb1: {  	[tilespmem:v5+s24+$0xFFFFFF00] =	vst.idx.msk $0xffff, v6;
	v6 =	vand.u32 $0xFFFF0000, v19  }
0xb2: {  	[tilespmem:v3+s8+$0xFFFFFF00] =	vst.idx.msk $0xffff, v34;
	v6 =	vmul.f32 v6, v23  }
0xb3: {  	v7 =	vmul.f32 v44, v15;
	[tilespmem:v5+s24+$0xFFFFFE40] =	vst.idx.msk $0xffff, v45;
	v9 =	vld [tilespmem:s7+$0xFFFFFFF0]  }
0xb4: {  	[tilespmem:v3+s8+$0xFFFFFEC0] =	vst.idx.msk $0xffff, v6;
	v6 =	vld [tilespmem:s7+$0x70]  }
0xb5: {  	v10 =	vmul.f32 v41, v17;
	v12 =	vand.u32 $0xFFFF0000, v32;
	[tilespmem:v5+s24+$0xFFFFFE80] =	vst.idx.msk $0xffff, v7;
	v7 =	vld [tilespmem:s7+$0xFFFFFFD0]  }
0xb6: {  	[tilespmem:v3+s8+$0xFFFFFFC0] =	vst.idx.msk $0xffff, v24;
	v12 =	vmul.f32 v12, v17  }
0xb7: {  	v8 =	vld [tilespmem:s7+$0x50];
	[tilespmem:v4+s8+$0xFFFFFF80] =	vst.idx.msk $0xffff, v10  }
0xb8: {  	v14 =	vld [tilespmem:s7+$0xFFFFFF90];
	[tilespmem:v5+s8+$0xFFFFFF80] =	vst.idx.msk $0xffff, v12;
	v12 =	vshll.u32 v9, $0x10  }
0xb9: {  	[tilespmem:v3+s8+$0xFFFFFF40] =	vst.idx.msk $0xffff, v39;
	v12 =	vmul.f32 v12, v26;
	v11 =	vshll.u32 v6, $0x10  }
0xba: {  	[tilespmem:v3+s8+$0xFFFFFE80] =	vst.idx.msk $0xffff, v33;
	v10 =	vld [tilespmem:s7+$0x10];
	v11 =	vmul.f32 v11, v31;
	v15 =	vshll.u32 v7, $0x10  }
0xbb: {  	[tilespmem:v4+s8+$0xFFFFFF00] =	vst.idx.msk $0xffff, v12;
	v6 =	vand.u32 $0xFFFF0000, v6;
	v15 =	vmul.f32 v15, v23  }
0xbc: {  	v13 =	vld [tilespmem:s7+$0xFFFFFFB0];
	v6 =	vmul.f32 v6, v31;
	[tilespmem:v4+s8+$0x0] =	vst.idx.msk $0xffff, v11;
	v11 =	vshll.u32 v8, $0x10  }
0xbd: {  	v11 =	vmul.f32 v11, v22;
	[tilespmem:v4+s8+$0xFFFFFEC0] =	vst.idx.msk $0xffff, v15;
	v15 =	vshll.u32 v14, $0x10  }
0xbe: {  	[tilespmem:v5+s8+$0x0] =	vst.idx.msk $0xffff, v6;
	v6 =	vand.u32 $0xFFFF0000, v7;
	v12 =	vmul.f32 v15, v18  }
0xbf: {  	v15 =	vshll.u32 v10, $0x10;
	v6 =	vmul.f32 v6, v23;
	[tilespmem:v4+s8+$0xFFFFFFC0] =	vst.idx.msk $0xffff, v11  }
0xc0: {  	v8 =	vand.u32 $0xFFFF0000, v8;
	v7 =	vmul.f32 v15, v30;
	[tilespmem:v4+s8+$0xFFFFFE40] =	vst.idx.msk $0xffff, v12  }
0xc1: {  	v8 =	vmul.f32 v8, v22;
	v11 =	vshll.u32 v13, $0x10;
	[tilespmem:v5+s8+$0xFFFFFEC0] =	vst.idx.msk $0xffff, v6  }
0xc2: {  	v11 =	vmul.f32 v11, v27;
	[tilespmem:v4+s8+$0xFFFFFF40] =	vst.idx.msk $0xffff, v7;
	v7 =	vand.u32 $0xFFFF0000, v10  }
0xc3: {  	[tilespmem:v5+s8+$0xFFFFFFC0] =	vst.idx.msk $0xffff, v8;
	v10 =	vand.u32 $0xFFFF0000, v14;
	v6 =	vmul.f32 v7, v30  }
0xc4: {  	[tilespmem:v4+s8+$0xFFFFFE80] =	vst.idx.msk $0xffff, v11;
	v7 =	vand.u32 $0xFFFF0000, v13;
	v10 =	vmul.f32 v10, v18  }
0xc5: {  	s4 =	sadd.s32 $0x2, s23;
	s14 =	sshll.u32 s19, $0xA;
	s17 =	simm.s32 $0x5;
	v8 =	vand.u32 $0xFFFF0000, v9;
	v7 =	vmul.f32 v7, v27;
	[tilespmem:v5+s8+$0xFFFFFF40] =	vst.idx.msk $0xffff, v6  }
0xc6: {  	s3 =	simm.s32 $0x0;
	s9 =	simm.s32 $0x2;
	p1 =	sge.u32 s4, s6;
	v6 =	vmul.f32 v8, v26;
	[tilespmem:v5+s8+$0xFFFFFE40] =	vst.idx.msk $0xffff, v10  }
0xc7: {  	s12 =	simm.s32 $0x6;
	s13 =	simm.s32 $0x3;
	s4 =	sshll.u32 @!p1 s4, $0x7;
	[tilespmem:v5+s8+$0xFFFFFE80] =	vst.idx.msk $0xffff, v7  }
0xc8: {  	s4 =	sand.u32 @!p1 $0x3FFFFF80, s4;
	s7 =	simm.s32 @!p1 $0x80;
	[tilespmem:v5+s8+$0xFFFFFF00] =	vst.idx.msk $0xffff, v6;
	s8 =	simm.s32 @!p1 $0x9000  }
0xc9: {  	v17 =	vmov s9;
	v20 =	vmov s13;
	[tilespmem:s8], [sflag:$0x1] =	stream.indirect.gather @!p1 [hbm4b:s5+s7], $0x20, s4, s7, $0xb8;
	[tilespmem:$0x1B000] =	vst v63  }
0xca: {  	s9 =	simm.s32 $0xA;
	v17 =	vshrl.u32 v17, $0x3;
	v20 =	vshrl.u32 v20, $0x3;
	s24 =	sor.u32 $0x1, s23;
	s4 =	sshra.s32 s14, $0x2  }
0xcb: {  	v53 =	vmov s9;
	v12 =	vmov s17;
	s17 =	simm.s32 $0xD;
	v14 =	vmov s3;
	s3 =	simm.s32 $0x9;
	s4 =	sadd.s32 $0x3000, s4  }
0xcc: {  	v17 =	vshll.u32 v17, v2;
	v51 =	vmov s17;
	v13 =	vshrl.u32 v12, $0x3;
	[spmem:s2] =	stream.indirect.scatter.add.f32 [tilespmem:s26], [sflag:$0x3], $0x40, s4, s22, $0xb8;
	[tilespmem:$0x1B000] =	vst v63  }
0xcd: {  	s16 =	sshll.u32 s24, $0x7;
	s17 =	simm.s32 $0xE;
	v14 =	vshrl.u32 v14, $0x3;
	v18 =	vmov s12;
	v52 =	vmov s3;
	_ =	swait.ge [sflag:s28], $0x1000  }
0xce: {  	v38 =	vshrl.u32 v51, $0x3;
	v60 =	vmov s17;
	v6 =	vmov s16;
	[sflag:s28] =	ssyncset.done $0x0  }
0xcf: {  	v15 =	vshll.u32 v13, v2;
	v14 =	vshll.u32 v14, v2;
	v11 =	vor.u32 $0x5, v6;
	s4 =	simm.s32 @!p0 $0x4;
	[sflag:s28] =	ssyncadd.s32 $0xFFFFF000  }
0xd0: {  	v18 =	vshrl.u32 v18, $0x3;
	v38 =	vshll.u32 v38, v2;
	v15 =	vadd.s32 v15, v11;
	_ =	swait.ge @!p0 [sflag:s4], $0x2000  }
0xd1: {  	v55 =	vshrl.u32 v52, $0x3;
	v14 =	vadd.s32 v6, v14;
	v15 =	vbroadcast v15, $0x0;
	[sflag:s4] =	ssyncset.done @!p0 $0x0  }
0xd2: {  	s11 =	simm.s32 $0xA080;
	v18 =	vshll.u32 v18, v2;
	v12 =	vor.u32 $0x6, v6;
	v14 =	vbroadcast v14, $0x0;
	[sflag:s4] =	ssyncadd.s32 @!p0 $0xFFFFE000  }
0xd3: {  	v57 =	vshll.u32 v55, v2;
	v7 =	vor.u32 $0x1, v6;
	v18 =	vadd.s32 v18, v12;
	v21 =	vld [tilespmem:s11+$0x60]  }
0xd4: {  	s16 =	simm.s32 $0x7;
	v8 =	vor.u32 $0x2, v6;
	v9 =	vor.u32 $0x3, v6;
	v18 =	vbroadcast v18, $0x0;
	v23 =	vld [tilespmem:s11+$0xFFFFFFA0]  }
0xd5: {  	v10 =	vor.u32 $0x4, v6;
	v13 =	vor.u32 $0x7, v6;
	s8 =	simm.s32 $0x1;
	s14 =	simm.s32 $0x4;
	v22 =	vmov s16;
	v24 =	vld [tilespmem:s11+$0x20]  }
0xd6: {  	v16 =	vmov s8;
	v19 =	vmov s14;
	v22 =	vshrl.u32 v22, $0x3;
	v26 =	vld [tilespmem:s11+$0x0]  }
0xd7: {  	v17 =	vadd.s32 v17, v8;
	v38 =	vadd.s32 v38, v11;
	v22 =	vshll.u32 v22, v2;
	v27 =	vld.idx.msk [tilespmem:v15+s20+$0x0], $0xffff  }
0xd8: {  	s16 =	simm.s32 $0x8;
	v15 =	vbroadcast v17, $0x0;
	v17 =	vadd.s32 v22, v13;
	v22 =	vshll.u32 v20, v2;
	v20 =	vld.idx.msk [tilespmem:v14+s20+$0x0], $0xffff  }
0xd9: {  	s14 =	simm.s32 $0xF;
	v56 =	vmov s16;
	v19 =	vshrl.u32 v19, $0x3;
	v16 =	vshrl.u32 v16, $0x3;
	v31 =	vld [tilespmem:s11+$0x40]  }
0xda: {  	v54 =	vmov s14;
	v58 =	vshrl.u32 v56, $0x3;
	v19 =	vshll.u32 v19, v2;
	v25 =	vld.idx.msk [tilespmem:v18+s20+$0x0], $0xffff  }
0xdb: {  	v14 =	vshll.u32 v16, v2;
	v18 =	vld [tilespmem:s11+$0xFFFFFFE0];
	v16 =	vadd.s32 v22, v9;
	v17 =	vbroadcast v17, $0x0  }
0xdc: {  	s8 =	simm.s32 $0xA180;
	v19 =	vadd.s32 v19, v10;
	v29 =	vld [tilespmem:s11+$0xFFFFFFC0];
	v14 =	vadd.s32 v14, v7;
	v16 =	vbroadcast v16, $0x0  }
0xdd: {  	v61 =	vshrl.u32 v54, $0x3;
	v19 =	vbroadcast v19, $0x0;
	v42 =	vld [tilespmem:s8+$0x60];
	v30 =	vbroadcast v14, $0x0  }
0xde: {  	v22 =	vld [tilespmem:s11+$0xFFFFFF80];
	v14 =	vshll.u32 v24, $0x10;
	v44 =	vand.u32 $0xFFFF0000, v21;
	v46 =	vshll.u32 v26, $0x10  }
0xdf: {  	v39 =	vld [tilespmem:s8+$0xFFFFFFA0];
	v47 =	vand.u32 $0xFFFF0000, v31;
	v31 =	vshll.u32 v31, $0x10;
	v21 =	vshll.u32 v21, $0x10  }
0xe0: {  	v48 =	vshll.u32 v18, $0x10;
	v18 =	vand.u32 $0xFFFF0000, v18;
	v28 =	vld.idx.msk [tilespmem:v15+s20+$0x0], $0xffff;
	v43 =	vmul.f32 v14, v27  }
0xe1: {  	s7 =	simm.s32 $0xD1C0;
	v15 =	vand.u32 $0xFFFF0000, v24;
	v32 =	vmul.f32 v47, v25;
	v31 =	vmul.f32 v31, v25;
	v24 =	vld.idx.msk [tilespmem:v17+s20+$0x0], $0xffff  }
0xe2: {  	v26 =	vand.u32 $0xFFFF0000, v26;
	v17 =	vand.u32 $0xFFFF0000, v23;
	v45 =	vmul.f32 v15, v27;
	v14 =	vld.idx.msk [tilespmem:v16+s20+$0x0], $0xffff;
	[tilespmem:v0+s7+$0xFFFFFF80] =	vst.idx.msk $0xffff, v43  }
0xe3: {  	v23 =	vshll.u32 v23, $0x10;
	v16 =	vshll.u32 v22, $0x10;
	v22 =	vand.u32 $0xFFFF0000, v22;
	v15 =	vld.idx.msk [tilespmem:v30+s20+$0x0], $0xffff;
	[tilespmem:v0+s7+$0xFFFFFFC0] =	vst.idx.msk $0xffff, v31  }
0xe4: {  	v30 =	vmul.f32 v16, v20;
	v16 =	vld.idx.msk [tilespmem:v19+s20+$0x0], $0xffff;
	v19 =	vmul.f32 v22, v20;
	v22 =	vshll.u32 v29, $0x10  }
0xe5: {  	s12 =	simm.s32 $0xC;
	[tilespmem:v3+s7+$0xFFFFFF80] =	vst.idx.msk $0xffff, v45;
	v29 =	vand.u32 $0xFFFF0000, v29;
	v45 =	vand.u32 $0xFFFF0000, v39;
	v39 =	vshll.u32 v39, $0x10  }
0xe6: {  	v22 =	vmul.f32 v22, v28;
	[tilespmem:v0+s7+$0xFFFFFE40] =	vst.idx.msk $0xffff, v30;
	v30 =	vmov s12;
	v29 =	vmul.f32 v29, v28  }
0xe7: {  	v34 =	vld [tilespmem:s11+$0x30];
	v21 =	vmul.f32 v21, v24;
	v33 =	vmul.f32 v44, v24;
	[tilespmem:v3+s7+$0xFFFFFE40] =	vst.idx.msk $0xffff, v19;
	v19 =	vshrl.u32 v53, $0x3  }
0xe8: {  	[tilespmem:v3+s7+$0xFFFFFFC0] =	vst.idx.msk $0xffff, v32;
	v44 =	vand.u32 $0xFFFF0000, v42;
	v36 =	vmul.f32 v48, v14;
	v23 =	vmul.f32 v23, v15  }
0xe9: {  	v59 =	vld [tilespmem:s8+$0x20];
	v18 =	vmul.f32 v18, v14;
	v49 =	vmul.f32 v17, v15;
	[tilespmem:v0+s7+$0xFFFFFEC0] =	vst.idx.msk $0xffff, v22;
	v22 =	vshrl.u32 v30, $0x3  }
0xea: {  	s13 =	simm.s32 $0xB;
	v31 =	vld [tilespmem:s11+$0x50];
	v30 =	vbroadcast v38, $0x0;
	v19 =	vshll.u32 v19, v2;
	v17 =	vmul.f32 v46, v16;
	[tilespmem:v0+s7+$0x0] =	vst.idx.msk $0xffff, v21  }
0xeb: {  	v26 =	vmul.f32 v26, v16;
	v21 =	vmov s13;
	[tilespmem:v3+s7+$0xFFFFFEC0] =	vst.idx.msk $0xffff, v29;
	v22 =	vshll.u32 v22, v2  }
0xec: {  	v19 =	vadd.s32 v19, v8;
	v50 =	vshll.u32 v34, $0x10;
	v34 =	vand.u32 $0xFFFF0000, v34;
	[tilespmem:v0+s7+$0xFFFFFF00] =	vst.idx.msk $0xffff, v36  }
0xed: {  	v54 =	vld [tilespmem:s8+$0xFFFFFFE0];
	v21 =	vshrl.u32 v21, $0x3;
	[tilespmem:v3+s7+$0x0] =	vst.idx.msk $0xffff, v33;
	v36 =	vadd.s32 v57, v7;
	v33 =	vshll.u32 v61, v2  }
0xee: {  	v55 =	vld [tilespmem:s11+$0xFFFFFF90];
	v22 =	vadd.s32 v22, v10;
	v56 =	vbroadcast v19, $0x0;
	[tilespmem:v0+s7+$0xFFFFFE80] =	vst.idx.msk $0xffff, v23;
	v23 =	vshll.u32 v59, $0x10  }
0xef: {  	v63 =	vld [tilespmem:s11+$0xFFFFFFD0];
	v40 =	vand.u32 $0xFFFF0000, v31;
	v35 =	vmul.f32 v50, v27;
	v27 =	vmul.f32 v34, v27  }
0xf0: {  	[tilespmem:v0+s7+$0xFFFFFF40] =	vst.idx.msk $0xffff, v17;
	v17 =	vshll.u32 v58, v2;
	v34 =	vld [tilespmem:s8+$0x0];
	v21 =	vshll.u32 v21, v2;
	v58 =	vand.u32 $0xFFFF0000, v59  }
0xf1: {  	v29 =	vld [tilespmem:s11+$0x70];
	v48 =	vbroadcast v36, $0x0;
	v17 =	vadd.s32 v6, v17;
	[tilespmem:v3+s7+$0xFFFFFF40] =	vst.idx.msk $0xffff, v26;
	v26 =	vshrl.u32 v60, $0x3  }
0xf2: {  	v19 =	vld [tilespmem:s8+$0xFFFFFFC0];
	[tilespmem:v3+s7+$0xFFFFFF00] =	vst.idx.msk $0xffff, v18;
	v60 =	vbroadcast v22, $0x0;
	v21 =	vadd.s32 v21, v9;
	v26 =	vshll.u32 v26, v2  }
0xf3: {  	v57 =	vld [tilespmem:s11+$0xFFFFFFF0];
	v62 =	vbroadcast v17, $0x0;
	[tilespmem:v4+s7+$0xFFFFFF80] =	vst.idx.msk $0xffff, v35;
	v51 =	vand.u32 $0xFFFF0000, v55;
	v26 =	vadd.s32 v26, v12  }
0xf4: {  	v35 =	vmul.f32 v40, v25;
	v17 =	vld.idx.msk [tilespmem:v30+s20+$0x0], $0xffff;
	v30 =	vadd.s32 v33, v13;
	v26 =	vbroadcast v26, $0x0  }
0xf5: {  	[tilespmem:v3+s7+$0xFFFFFE80] =	vst.idx.msk $0xffff, v49;
	v46 =	vld [tilespmem:s11+$0x10];
	v59 =	vshll.u32 v63, $0x10;
	v30 =	vbroadcast v30, $0x0;
	v41 =	vand.u32 $0xFFFF0000, v63  }
0xf6: {  	[tilespmem:v5+s7+$0xFFFFFF80] =	vst.idx.msk $0xffff, v27;
	v33 =	vld [tilespmem:s11+$0xFFFFFFB0];
	v18 =	vshll.u32 v29, $0x10;
	v49 =	vshll.u32 v34, $0x10;
	v27 =	vmul.f32 v59, v28  }
0xf7: {  	v61 =	vld [tilespmem:s8+$0xFFFFFF80];
	v29 =	vand.u32 $0xFFFF0000, v29;
	v59 =	vshll.u32 v19, $0x10;
	v47 =	vmul.f32 v18, v24  }
0xf8: {  	v50 =	vld [tilespmem:s8+$0x40];
	v28 =	vmul.f32 v41, v28;
	v36 =	vand.u32 $0xFFFF0000, v57;
	v29 =	vmul.f32 v29, v24;
	[tilespmem:v4+s7+$0xFFFFFEC0] =	vst.idx.msk $0xffff, v27  }
0xf9: {  	v18 =	vld.idx.msk [tilespmem:v62+s20+$0x0], $0xffff;
	v22 =	vmul.f32 v23, v17;
	v23 =	vshll.u32 v55, $0x10;
	[tilespmem:v4+s7+$0x0] =	vst.idx.msk $0xffff, v47;
	v62 =	vbroadcast v21, $0x0  }
0xfa: {  	v21 =	vshll.u32 v31, $0x10;
	v38 =	vmul.f32 v58, v17;
	v52 =	vmul.f32 v23, v20;
	v23 =	vld.idx.msk [tilespmem:v56+s20+$0x0], $0xffff  }
0xfb: {  	s9 =	simm.s32 $0xD3C0;
	v53 =	vshll.u32 v46, $0x10;
	v58 =	vshll.u32 v33, $0x10;
	[tilespmem:v5+s7+$0xFFFFFEC0] =	vst.idx.msk $0xffff, v28;
	v21 =	vmul.f32 v21, v25;
	v31 =	vld.idx.msk [tilespmem:v30+s20+$0x0], $0xffff  }
0xfc: {  	v56 =	vand.u32 $0xFFFF0000, v34;
	v34 =	vmul.f32 v58, v15;
	[tilespmem:v0+s9+$0xFFFFFF80] =	vst.idx.msk $0xffff, v22;
	v22 =	vld.idx.msk [tilespmem:v26+s20+$0x0], $0xffff;
	v26 =	vshll.u32 v57, $0x10  }
0xfd: {  	v27 =	vand.u32 $0xFFFF0000, v61;
	v57 =	vand.u32 $0xFFFF0000, v50;
	v30 =	vld.idx.msk [tilespmem:v60+s20+$0x0], $0xffff;
	v63 =	vmul.f32 v26, v14;
	[tilespmem:v4+s7+$0xFFFFFFC0] =	vst.idx.msk $0xffff, v21  }
0xfe: {  	v60 =	vshll.u32 v50, $0x10;
	v26 =	vshll.u32 v61, $0x10;
	[tilespmem:v3+s9+$0xFFFFFF80] =	vst.idx.msk $0xffff, v38;
	v21 =	vmul.f32 v27, v18;
	v27 =	vld.idx.msk [tilespmem:v48+s20+$0x0], $0xffff  }
0xff: {  	[tilespmem:v5+s7+$0x0] =	vst.idx.msk $0xffff, v29;
	v61 =	vshll.u32 v42, $0x10;
	v32 =	vld [tilespmem:s8+$0x30];
	v55 =	vmul.f32 v26, v18;
	v43 =	vmul.f32 v59, v23  }
0x100: {  	[tilespmem:v4+s7+$0xFFFFFE80] =	vst.idx.msk $0xffff, v34;
	v26 =	vld.idx.msk [tilespmem:v62+s20+$0x0], $0xffff;
	v62 =	vmul.f32 v53, v16;
	v37 =	vmul.f32 v61, v31  }
0x101: {  	v25 =	vand.u32 $0xFFFF0000, v54;
	[tilespmem:v4+s7+$0xFFFFFF00] =	vst.idx.msk $0xffff, v63;
	v24 =	vmul.f32 v57, v22;
	v29 =	vmul.f32 v60, v22  }
0x102: {  	v63 =	vshll.u32 v54, $0x10;
	v38 =	vmul.f32 v44, v31;
	[tilespmem:v0+s9+$0x0] =	vst.idx.msk $0xffff, v37;
	v37 =	vmul.f32 v49, v30  }
0x103: {  	[tilespmem:v4+s7+$0xFFFFFE40] =	vst.idx.msk $0xffff, v52;
	v44 =	vand.u32 $0xFFFF0000, v33;
	v42 =	vmul.f32 v39, v27;
	v33 =	vmul.f32 v45, v27  }
0x104: {  	[tilespmem:v0+s9+$0xFFFFFE40] =	vst.idx.msk $0xffff, v55;
	v41 =	vshll.u32 v32, $0x10;
	v39 =	vmul.f32 v56, v30;
	v45 =	vmul.f32 v51, v20  }
0x105: {  	s12 =	simm.s32 $0xD5C0;
	s13 =	simm.s32 $0xA280;
	s11 =	simm.s32 $0x10;
	[tilespmem:v4+s7+$0xFFFFFF40] =	vst.idx.msk $0xffff, v62;
	v20 =	vand.u32 $0xFFFF0000, v46;
	v40 =	vmul.f32 v63, v26;
	v34 =	vmul.f32 v25, v26  }
.LBB2_7:
0x106: {  	s4 =	sadd.s32 $0x1, s11;
	[tilespmem:v0+s9+$0xFFFFFEC0] =	vst.idx.msk $0xffff, v43;
	v43 =	vand.u32 $0xFFFF0000, v32;
	v36 =	vmul.f32 v36, v14;
	v46 =	vmul.f32 v20, v16  }
0x107: {  	s14 =	sadd.s32 $0x2, s11;
	s16 =	sadd.s32 $0x3, s11;
	v20 =	vmovc v18;
	v25 =	vmovc v22;
	v28 =	vmov v23;
	v32 =	vmov v31;
	v14 =	vmov v26;
	s17 =	smov.u32 s11  }
0x108: {  	s3 =	sadd.s32 $0x6, s11;
	v23 =	vmul.f32 v44, v15;
	v15 =	vmovc v27;
	v16 =	vmovc v30;
	v18 =	vmov s4;
	v22 =	vmov s14;
	s4 =	sadd.s32 $0x4, s11;
	s14 =	sadd.s32 $0x5, s11;
	[tilespmem:v5+s7+$0xFFFFFFC0] =	vst.idx.msk $0xffff, v35  }
0x109: {  	p0 =	slt.u32 s11, $0x78;
	v19 =	vand.u32 $0xFFFF0000, v19;
	s11 =	sadd.s32 $0x8, s11;
	v26 =	vmov s4;
	v27 =	vmov s14;
	s4 =	sadd.s32 $0x7, s17;
	[tilespmem:v5+s7+$0xFFFFFF40] =	vst.idx.msk $0xffff, v46  }
0x10a: {  	v30 =	vmov s16;
	v27 =	vshrl.u32 v27, $0x3;
	v31 =	vmov s4;
	[tilespmem:v5+s7+$0xFFFFFE40] =	vst.idx.msk $0xffff, v45  }
0x10b: {  	v30 =	vshrl.u32 v30, $0x3;
	v26 =	vshrl.u32 v26, $0x3;
	v27 =	vshll.u32 v27, v2;
	v35 =	vld [tilespmem:s13+$0x60];
	[tilespmem:v5+s7+$0xFFFFFE80] =	vst.idx.msk $0xffff, v23  }
0x10c: {  	v19 =	vmul.f32 v19, v28;
	v18 =	vshrl.u32 v18, $0x3;
	v23 =	vadd.s32 v27, v11;
	[tilespmem:v5+s7+$0xFFFFFF00] =	vst.idx.msk $0xffff, v36;
	s7 =	smov.u32 s9;
	s9 =	smov.u32 s12  }
0x10d: {  	v41 =	vmul.f32 v41, v17;
	v36 =	vmov s3;
	v27 =	vld [tilespmem:s13+$0xFFFFFFA0];
	v23 =	vbroadcast v23, $0x0;
	[tilespmem:v0+s7+$0xFFFFFE80] =	vst.idx.msk $0xffff, v42  }
0x10e: {  	v18 =	vshll.u32 v18, v2;
	v42 =	vmov s17;
	[tilespmem:v0+s7+$0xFFFFFF00] =	vst.idx.msk $0xffff, v40;
	v40 =	vmul.f32 v43, v17  }
0x10f: {  	v31 =	vshrl.u32 v31, $0x3;
	v17 =	vshrl.u32 v42, $0x3;
	v42 =	vld [tilespmem:s13+$0x20];
	[tilespmem:v0+s7+$0xFFFFFF40] =	vst.idx.msk $0xffff, v37  }
0x110: {  	v43 =	vadd.s32 v18, v7;
	v17 =	vshll.u32 v17, v2;
	v44 =	vld [tilespmem:s13+$0x0];
	[tilespmem:v3+s7+$0x0] =	vst.idx.msk $0xffff, v38  }
0x111: {  	v18 =	vshll.u32 v26, v2;
	v17 =	vadd.s32 v6, v17;
	[tilespmem:v3+s7+$0xFFFFFEC0] =	vst.idx.msk $0xffff, v19;
	v38 =	vld [tilespmem:s8+$0x70]  }
0x112: {  	v26 =	vshll.u32 v31, v2;
	v19 =	vbroadcast v17, $0x0;
	v37 =	vand.u32 $0xFFFF0000, v27;
	v31 =	vld [tilespmem:s8+$0xFFFFFFD0];
	[tilespmem:v3+s7+$0xFFFFFF40] =	vst.idx.msk $0xffff, v39  }
0x113: {  	v26 =	vadd.s32 v26, v13;
	v17 =	vld.idx.msk [tilespmem:v23+s20+$0x0], $0xffff;
	v23 =	vshrl.u32 v36, $0x3;
	[tilespmem:v3+s7+$0xFFFFFE40] =	vst.idx.msk $0xffff, v21  }
0x114: {  	v21 =	vshrl.u32 v22, $0x3;
	v22 =	vadd.s32 v18, v10;
	v18 =	vshll.u32 v23, v2;
	v23 =	vld [tilespmem:s8+$0xFFFFFF90];
	[tilespmem:v0+s7+$0xFFFFFFC0] =	vst.idx.msk $0xffff, v29  }
0x115: {  	v39 =	vand.u32 $0xFFFF0000, v35;
	v21 =	vshll.u32 v21, v2;
	v18 =	vadd.s32 v18, v12;
	v46 =	vld [tilespmem:s8+$0x10];
	[tilespmem:v3+s7+$0xFFFFFFC0] =	vst.idx.msk $0xffff, v24  }
0x116: {  	v21 =	vadd.s32 v21, v8;
	v24 =	vbroadcast v18, $0x0;
	[tilespmem:v3+s7+$0xFFFFFF00] =	vst.idx.msk $0xffff, v34;
	v29 =	vld [tilespmem:s8+$0x50];
	v18 =	vshll.u32 v38, $0x10  }
0x117: {  	v30 =	vshll.u32 v30, v2;
	v21 =	vbroadcast v21, $0x0;
	[tilespmem:v3+s7+$0xFFFFFE80] =	vst.idx.msk $0xffff, v33;
	v33 =	vld [tilespmem:s8+$0xFFFFFFF0];
	v34 =	vmul.f32 v18, v32  }
0x118: {  	v36 =	vshll.u32 v42, $0x10;
	v42 =	vand.u32 $0xFFFF0000, v42;
	v45 =	vshll.u32 v31, $0x10;
	v18 =	vld.idx.msk [tilespmem:v19+s20+$0x0], $0xffff;
	[tilespmem:v4+s7+$0xFFFFFF80] =	vst.idx.msk $0xffff, v41  }
0x119: {  	v41 =	vbroadcast v22, $0x0;
	v22 =	vmul.f32 v36, v17;
	v19 =	vld [tilespmem:s13+$0xFFFFFFC0];
	v36 =	vshll.u32 v23, $0x10;
	[tilespmem:v4+s7+$0x0] =	vst.idx.msk $0xffff, v34  }
0x11a: {  	v30 =	vadd.s32 v30, v9;
	v43 =	vbroadcast v43, $0x0;
	v26 =	vbroadcast v26, $0x0;
	v34 =	vld [tilespmem:s13+$0xFFFFFF80];
	[tilespmem:v5+s7+$0xFFFFFF80] =	vst.idx.msk $0xffff, v40  }
0x11b: {  	v30 =	vbroadcast v30, $0x0;
	v47 =	vshll.u32 v44, $0x10;
	[tilespmem:v0+s12+$0xFFFFFF80] =	vst.idx.msk $0xffff, v22;
	v40 =	vld [tilespmem:s13+$0x40];
	v48 =	vshll.u32 v29, $0x10  }
0x11c: {  	v42 =	vmul.f32 v42, v17;
	v45 =	vmul.f32 v45, v28;
	v49 =	vand.u32 $0xFFFF0000, v23;
	v50 =	vld [tilespmem:s8+$0xFFFFFFB0];
	s8 =	smov.u32 s13  }
0x11d: {  	v51 =	vmul.f32 v36, v20;
	v52 =	vshll.u32 v46, $0x10;
	v22 =	vld.idx.msk [tilespmem:v24+s20+$0x0], $0xffff;
	v24 =	vshll.u32 v33, $0x10  }
0x11e: {  	v53 =	vand.u32 $0xFFFF0000, v31;
	v23 =	vld.idx.msk [tilespmem:v21+s20+$0x0], $0xffff;
	v24 =	vmul.f32 v24, v14;
	v21 =	vmul.f32 v48, v25  }
0x11f: {  	v36 =	vand.u32 $0xFFFF0000, v33;
	v33 =	vand.u32 $0xFFFF0000, v29;
	v31 =	vshll.u32 v34, $0x10;
	v48 =	vld [tilespmem:s13+$0xFFFFFFE0];
	[tilespmem:v4+s7+$0xFFFFFEC0] =	vst.idx.msk $0xffff, v45  }
0x120: {  	v29 =	vand.u32 $0xFFFF0000, v34;
	v45 =	vshll.u32 v27, $0x10;
	v34 =	vmul.f32 v31, v18;
	v31 =	vld.idx.msk [tilespmem:v26+s20+$0x0], $0xffff;
	[tilespmem:v4+s7+$0xFFFFFFC0] =	vst.idx.msk $0xffff, v21  }
0x121: {  	v54 =	vand.u32 $0xFFFF0000, v44;
	v21 =	vmul.f32 v29, v18;
	v26 =	vld.idx.msk [tilespmem:v30+s20+$0x0], $0xffff;
	[tilespmem:v4+s7+$0xFFFFFF00] =	vst.idx.msk $0xffff, v24;
	v24 =	vand.u32 $0xFFFF0000, v38  }
0x122: {  	v29 =	vand.u32 $0xFFFF0000, v40;
	v38 =	vshll.u32 v50, $0x10;
	v27 =	vld.idx.msk [tilespmem:v43+s20+$0x0], $0xffff;
	[tilespmem:v3+s12+$0xFFFFFF80] =	vst.idx.msk $0xffff, v42;
	v42 =	vmul.f32 v24, v32  }
0x123: {  	v32 =	vshll.u32 v19, $0x10;
	v24 =	vmul.f32 v29, v22;
	v38 =	vmul.f32 v38, v15;
	v30 =	vld.idx.msk [tilespmem:v41+s20+$0x0], $0xffff  }
0x124: {  	v28 =	vmul.f32 v53, v28;
	v29 =	vshll.u32 v40, $0x10;
	v43 =	vmul.f32 v32, v23;
	v32 =	vld [tilespmem:s13+$0x30];
	[tilespmem:v5+s7+$0x0] =	vst.idx.msk $0xffff, v42  }
0x125: {  	v35 =	vshll.u32 v35, $0x10;
	v52 =	vmul.f32 v52, v16;
	v29 =	vmul.f32 v29, v22;
	[tilespmem:v4+s7+$0xFFFFFE80] =	vst.idx.msk $0xffff, v38  }
.Ltmp2:
0x126: {  	v41 =	vmul.f32 v35, v31;
	v35 =	vmul.f32 v33, v25;
	[tilespmem:v0+s12+$0xFFFFFE40] =	vst.idx.msk $0xffff, v34;
	v34 =	vshll.u32 v48, $0x10;
	(pc) =	sbr.rel @p0 .LBB2_7-.Ltmp2, $4  }
0x127: {  	v25 =	vand.u32 $0xFFFF0000, v48;
	v38 =	vmul.f32 v39, v31;
	v40 =	vmul.f32 v34, v26;
	[tilespmem:v4+s7+$0xFFFFFE40] =	vst.idx.msk $0xffff, v51  }
0x128: {  	v44 =	vand.u32 $0xFFFF0000, v50;
	v42 =	vmul.f32 v45, v27;
	v34 =	vmul.f32 v25, v26;
	[tilespmem:v0+s12+$0x0] =	vst.idx.msk $0xffff, v41  }
0x129: {  	v33 =	vmul.f32 v37, v27;
	v37 =	vmul.f32 v47, v30;
	v41 =	vshll.u32 v32, $0x10;
	[tilespmem:v4+s7+$0xFFFFFF40] =	vst.idx.msk $0xffff, v52  }
0x12a: {  	s13 =	sadd.s32 $0x100, s13;
	v45 =	vmul.f32 v49, v20;
	v20 =	vand.u32 $0xFFFF0000, v46;
	v39 =	vmul.f32 v54, v30;
	s12 =	sadd.s32 $0x200, s12;
	[tilespmem:v5+s7+$0xFFFFFEC0] =	vst.idx.msk $0xffff, v28  }
0x12b: {  	_ =	sdelay $0x3  }
0x12c: {  	[tilespmem:v0+s9+$0xFFFFFEC0] =	vst.idx.msk $0xffff, v43  }
0x12d: {  	[tilespmem:v5+s7+$0xFFFFFFC0] =	vst.idx.msk $0xffff, v35  }
0x12e: {  	[tilespmem:v0+s9+$0xFFFFFE80] =	vst.idx.msk $0xffff, v42  }
0x12f: {  	[tilespmem:v0+s9+$0xFFFFFF00] =	vst.idx.msk $0xffff, v40  }
0x130: {  	[tilespmem:v0+s9+$0xFFFFFF40] =	vst.idx.msk $0xffff, v37  }
0x131: {  	[tilespmem:v3+s9+$0x0] =	vst.idx.msk $0xffff, v38  }
0x132: {  	[tilespmem:v0+s9+$0xFFFFFFC0] =	vst.idx.msk $0xffff, v29  }
0x133: {  	v6 =	vmul.f32 v20, v16;
	[tilespmem:v3+s9+$0xFFFFFE40] =	vst.idx.msk $0xffff, v21  }
0x134: {  	[tilespmem:v5+s7+$0xFFFFFE40] =	vst.idx.msk $0xffff, v45  }
0x135: {  	[tilespmem:v5+s7+$0xFFFFFF40] =	vst.idx.msk $0xffff, v6;
	v6 =	vmul.f32 v36, v14  }
0x136: {  	[tilespmem:v3+s9+$0xFFFFFF00] =	vst.idx.msk $0xffff, v34  }
0x137: {  	v53 =	vld [tilespmem:s8+$0xFFFFFF90];
	[tilespmem:v5+s7+$0xFFFFFF00] =	vst.idx.msk $0xffff, v6;
	v6 =	vand.u32 $0xFFFF0000, v19  }
0x138: {  	[tilespmem:v3+s9+$0xFFFFFFC0] =	vst.idx.msk $0xffff, v24;
	v9 =	vld [tilespmem:s8+$0xFFFFFFF0];
	v6 =	vmul.f32 v6, v23  }
0x139: {  	v7 =	vmul.f32 v44, v15;
	[tilespmem:v3+s9+$0xFFFFFF40] =	vst.idx.msk $0xffff, v39  }
0x13a: {  	[tilespmem:v3+s9+$0xFFFFFEC0] =	vst.idx.msk $0xffff, v6;
	v6 =	vld [tilespmem:s8+$0x70]  }
0x13b: {  	v10 =	vmul.f32 v41, v17;
	v12 =	vand.u32 $0xFFFF0000, v32;
	[tilespmem:v5+s7+$0xFFFFFE80] =	vst.idx.msk $0xffff, v7;
	v7 =	vld [tilespmem:s8+$0xFFFFFFD0]  }
0x13c: {  	[tilespmem:v3+s9+$0xFFFFFE80] =	vst.idx.msk $0xffff, v33;
	v12 =	vmul.f32 v12, v17;
	v59 =	vshll.u32 v53, $0x10  }
0x13d: {  	v8 =	vld [tilespmem:s8+$0x50];
	[tilespmem:v4+s9+$0xFFFFFF80] =	vst.idx.msk $0xffff, v10;
	v57 =	vshll.u32 v9, $0x10;
	v60 =	vmul.f32 v59, v18  }
0x13e: {  	v55 =	vld [tilespmem:s8+$0x10];
	[tilespmem:v5+s9+$0xFFFFFF80] =	vst.idx.msk $0xffff, v12;
	v62 =	vand.u32 $0xFFFF0000, v53;
	v12 =	vmul.f32 v57, v26  }
0x13f: {  	v10 =	vmul.f32 v62, v18;
	[tilespmem:v4+s9+$0xFFFFFE40] =	vst.idx.msk $0xffff, v60;
	v11 =	vshll.u32 v6, $0x10  }
0x140: {  	[tilespmem:v4+s9+$0xFFFFFF00] =	vst.idx.msk $0xffff, v12;
	v11 =	vmul.f32 v11, v31;
	v54 =	vshll.u32 v7, $0x10  }
0x141: {  	v13 =	vld [tilespmem:s8+$0xFFFFFFB0];
	[tilespmem:v5+s9+$0xFFFFFE40] =	vst.idx.msk $0xffff, v10;
	v6 =	vand.u32 $0xFFFF0000, v6;
	v15 =	vmul.f32 v54, v23  }
0x142: {  	v56 =	vshll.u32 v8, $0x10;
	v6 =	vmul.f32 v6, v31;
	[tilespmem:v4+s9+$0x0] =	vst.idx.msk $0xffff, v11  }
0x143: {  	v61 =	vshll.u32 v55, $0x10;
	v11 =	vmul.f32 v56, v22;
	[tilespmem:v4+s9+$0xFFFFFEC0] =	vst.idx.msk $0xffff, v15  }
0x144: {  	v8 =	vand.u32 $0xFFFF0000, v8;
	[tilespmem:v5+s9+$0x0] =	vst.idx.msk $0xffff, v6;
	v6 =	vand.u32 $0xFFFF0000, v7;
	v7 =	vmul.f32 v61, v30  }
0x145: {  	v8 =	vmul.f32 v8, v22;
	[tilespmem:v4+s9+$0xFFFFFFC0] =	vst.idx.msk $0xffff, v11  }
0x146: {  	v58 =	vshll.u32 v13, $0x10;
	v6 =	vmul.f32 v6, v23;
	[tilespmem:v4+s9+$0xFFFFFF40] =	vst.idx.msk $0xffff, v7  }
0x147: {  	v11 =	vmul.f32 v58, v27;
	v7 =	vand.u32 $0xFFFF0000, v55;
	[tilespmem:v5+s9+$0xFFFFFFC0] =	vst.idx.msk $0xffff, v8  }
0x148: {  	[tilespmem:v5+s9+$0xFFFFFEC0] =	vst.idx.msk $0xffff, v6;
	v6 =	vmul.f32 v7, v30;
	v7 =	vand.u32 $0xFFFF0000, v13  }
0x149: {  	s3 =	sadd.s32 $0x3, s23;
	v63 =	vand.u32 $0xFFFF0000, v9;
	[tilespmem:v4+s9+$0xFFFFFE80] =	vst.idx.msk $0xffff, v11;
	v7 =	vmul.f32 v7, v27  }
0x14a: {  	p0 =	sge.u32 s3, s6;
	[tilespmem:v5+s9+$0xFFFFFF40] =	vst.idx.msk $0xffff, v6;
	v6 =	vmul.f32 v63, v26  }
0x14b: {  	s19 =	sadd.s32 $0x1, s19;
	s3 =	sshll.u32 @!p0 s3, $0x7;
	[tilespmem:v5+s9+$0xFFFFFE80] =	vst.idx.msk $0xffff, v7  }
0x14c: {  	s4 =	simm.s32 @!p0 $0x80;
	s3 =	sand.u32 @!p0 $0x3FFFFF80, s3;
	s7 =	simm.s32 @!p0 $0xA000;
	[tilespmem:v5+s9+$0xFFFFFF00] =	vst.idx.msk $0xffff, v6  }
0x14d: {  	[tilespmem:s7], [sflag:$0x2] =	stream.indirect.gather @!p0 [hbm4b:s5+s4], $0x20, s3, s4, $0xb8;
	[tilespmem:$0x1B000] =	vst v63  }
0x14e: {  	p0 =	sne.s32 s19, s15  }
.Ltmp3:
0x14f: {  	_ = 	snop;
	(pc) =	sbr.rel @p0 .LBB2_4-.Ltmp3, $4  }
0x150: {  	s24 =	sshll.u32 s24, $0x9  }
0x151: {  	s3 =	sshra.s32 s24, $0x2  }
0x152: {  	s3 =	sadd.s32 $0x3000, s3  }
0x153: {  	[spmem:s2] =	stream.indirect.scatter.add.f32 [tilespmem:s29], [sflag:$0x4], $0x40, s3, s22, $0xb8;
	[tilespmem:$0x1B000] =	vst v63  }
0x154: {  	_ =	swait.ge [sflag:s30], $0x2000  }
0x155: {  	[sflag:s30] =	ssyncset.done $0x0  }
0x156: {  	[sflag:s30] =	ssyncadd.s32 $0xFFFFE000  }
0x157: {  	_ =	swait.ge [sflag:s31], $0x2000  }
0x158: {  	[sflag:s31] =	ssyncset.done $0x0  }
0x159: {  	[sflag:s31] =	ssyncadd.s32 $0xFFFFE000  }
0x15a: {  	[bflag:$0x0] =	sbarrier.arrive $0xFFFF  }
0x15b: {  	s1 =	rddreg [dreg:$0x4]  }
0x15c: {  	s3 =	sshrl.u32 s10, $0x3;
	s4 =	rddreg [dreg:$0xc];
	s1 =	sor.u32 $0x1C05, s1  }
0x15d: {  	[hbm:s4], [sflag:s1] =	dma.local [spmem:s3], $0x1400  }
0x15e: {  	_ =	swait.ge [sflag:s18], $0x1400  }
0x15f: {  	s0 =	sadd.s32 $0x1, s0;
	s24 =	rddreg [dreg:$0xd]  }
0x160: {  	p0 =	sne.s32 s0, s24  }
.Ltmp4:
0x161: {  	_ = 	snop;
	(pc) =	sbr.rel @p0 .LBB2_1-.Ltmp4, $3  }
0x162: {  	[sflag:s18] =	ssyncset.done $0x0  }
0x163: {  	[sflag:s18] =	ssyncadd.s32 $0xFFFFEC00  }
0x164: {  	[bflag:$0x0] =	sbarrier.arrive $0xFFFF;
	_ =	sdelay $0x1  }
0x165: {  	_ =	sfence.sel $0x180000  }
0x166: {  	[bflag:$0x0] =	sbarrier.arrive $0xFFFF  }
0x167: {  	_ =	strace $0x9000004D  }
0x168: {  	s0 =	stileid.u32;
	[bflag:$0x2] =	sbarrier.arrive $0xFFFF  }
0x169: {  	p0 =	sne.s32 s0, $0x0;
	s0 =	rddreg [dreg:$0x3]  }
0x16a: {  	s0 =	sadd.s32 @!p0 $0x100000, s0  }
0x16b: {  	[sflag:s0] =	ssyncadd.tile.s32 @!p0 $0x1;
	_ =	shalt  }
.Lfunc_end2:
_tile_overlayer_lowered:
.L_overlay_start_2:
0x16c: {  	(tag) =	ssettag $0x2  }
0x16d: {  	s0 =	rddreg [dreg:$0x0];
	s2 =	stileid.u32  }
0x16e: {  	s1 =	rddreg [dreg:$0x1];
	p0 =	sne.s32 s2, $0x0  }
0x16f: {  	s3 =	rddreg [dreg:$0x2];
	[bflag:$0x3] =	sbarrier.arrive $0xFFFF;
	s2 =	simm.s32 @!p0 $0x1C05  }
0x170: {  	[timem:s3], [sflag:s2] =	dma.local @!p0 [hbm:s0], s1  }
0x171: {  	s0 =	simm.s32 @!p0 $0x5  }
0x172: {  	_ =	swait.ge @!p0 [sflag:s0], s1  }
0x173: {  	s1 =	ssub.s32 @!p0 $0x0, s1;
	[sflag:s0] =	ssyncset.done @!p0 $0x0  }
0x174: {  	[sflag:s0] =	ssyncadd.s32 @!p0 s1  }
0x175: {  	[bflag:$0x3] =	sbarrier.arrive $0xFFFF  }
0x176: {  	_ =	shalt  }

</sc_bundles>
